<compile_context>
chip_gen: v7x
topology: tpu7x:2x2x1
jax: 0.10.2.dev20260603
libtpu: 0.0.44.dev20260713+nightly
codegen_flags: <defaults>
</compile_context>

<pallas_src>
import functools

import jax
import jax.numpy as jnp
from jax import lax
from jax.experimental import pallas as pl
from jax.experimental.pallas import tpu as pltpu
from jax.experimental.pallas import tpu_sc as plsc

NC = 2
NS = 16
NW = NC * NS
CH = 128

_MESH = dict(core_axis_name="c", subcore_axis_name="s")


def _tc_xpose_fn(V, D, blk):
    nb = V // (2 * blk)

    def body(a_ref, b_ref, out_ref):
        ta = jnp.transpose(a_ref[...])
        tb = jnp.transpose(b_ref[...])
        out_ref[...] = jnp.concatenate([ta, tb], axis=1)

    return pl.pallas_call(
        body,
        grid=(nb,),
        in_specs=[pl.BlockSpec((D, blk), lambda i: (0, i)),
                  pl.BlockSpec((D, blk), lambda i: (0, i + nb))],
        out_specs=pl.BlockSpec((blk, 2 * D), lambda i: (i, 0)),
        out_shape=jax.ShapeDtypeStruct((V // 2, 2 * D), jnp.float32),
    )


def _sc_v_fn(V, D, B, NNEG):
    BPW = B // NW
    NCH = BPW // CH
    NEG_CH = NNEG * NCH
    IDXR = (1 + NNEG) * NCH + 2
    CSL = D // 16
    DP = 2 * D

    mesh = plsc.VectorSubcoreMesh(num_cores=NC, num_subcores=NS, **_MESH)

    @functools.partial(
        pl.kernel,
        out_type=(
            jax.ShapeDtypeStruct((B, DP), jnp.float32),
            jax.ShapeDtypeStruct((B, D), jnp.float32),
        ),
        mesh=mesh,
        compiler_params=pltpu.CompilerParams(use_tc_tiling_on_sc=False,
                                             needs_layout_passes=False),
        scratch_types=[
            pltpu.VMEM((IDXR, CH), jnp.int32),
            pltpu.VMEM((IDXR, CH), jnp.int32),
            pltpu.VMEM((2, CH, DP), jnp.float32),
            pltpu.VMEM((BPW, D), jnp.float32),
            pltpu.SemaphoreType.DMA,
            pltpu.SemaphoreType.DMA,
            pltpu.SemaphoreType.DMA,
            pltpu.SemaphoreType.DMA,
        ],
    )
    def sc_kernel(v2_hbm, idxp_hbm, idxo_hbm, ev_out, ns_out,
                  idxp_v, idxo_v, pp_v, acc_v, g0, g1, w0, w1):
        gsem = [g0, g1]
        wsem = [w0, w1]
        wid = lax.axis_index("s") * NC + lax.axis_index("c")
        base = wid * BPW

        pltpu.sync_copy(idxp_hbm.at[wid], idxp_v)
        pltpu.sync_copy(idxo_hbm.at[wid], idxo_v)

        g = [None, None]
        w = [None, None]
        for k in range(NCH):
            s = k % 2
            if w[s] is not None:
                w[s].wait()
            g[s] = pltpu.async_copy(
                v2_hbm.at[idxp_v.at[k]], pp_v.at[s], gsem[s])
            g[s].wait()
            w[s] = pltpu.async_copy(
                pp_v.at[s], ev_out.at[pl.ds(base + k * CH, CH)], wsem[s])
        for s in range(2):
            if w[s] is not None:
                w[s].wait()

        first = NCH

        def fire(c, s):
            return pltpu.async_copy(v2_hbm.at[idxp_v.at[first + c]],
                                    pp_v.at[s], gsem[s])

        fire(0, 0)
        fire(1, 1)
        lanes = lax.iota(jnp.int32, 16)

        def half_iter(c, s, add):
            pltpu.make_async_copy(v2_hbm.at[idxp_v.at[0]], pp_v.at[s],
                                  gsem[s]).wait()
            rbase = (c & (NCH - 1)) * CH
            pp_s = pp_v.at[s]
            crow = jnp.full((16,), first + c, jnp.int32)

            @plsc.parallel_loop(0, CH, unroll=8)
            def _(r):
                rsplat = jnp.full((16,), r, jnp.int32)
                off = plsc.load_gather(idxo_v, [crow, rsplat])
                for cs in range(CSL):
                    val = plsc.load_gather(pp_s, [rsplat,
                                                  off + (lanes + cs * 16)])
                    if add:
                        plsc.addupdate(acc_v.at[rbase + r,
                                                pl.ds(cs * 16, 16)], val)
                    else:
                        acc_v[rbase + r, pl.ds(cs * 16, 16)] = val
            fire(c + 2, s)

        for c in range(NCH):
            half_iter(c, c % 2, add=False)

        def body(i, _):
            c = NCH + 2 * i
            half_iter(c, 0, add=True)
            half_iter(c + 1, 1, add=True)
            return 0

        lax.fori_loop(0, (NEG_CH - NCH) // 2, body, 0)

        for s in range(2):
            pltpu.make_async_copy(v2_hbm.at[idxp_v.at[0]], pp_v.at[s],
                                  gsem[s]).wait()

        pltpu.sync_copy(acc_v, ns_out.at[pl.ds(base, BPW)])

    return sc_kernel


def _sc_u_fn(V, D, B):
    BPW = B // NW
    NCH = BPW // CH
    DP = 2 * D

    mesh = plsc.VectorSubcoreMesh(num_cores=NC, num_subcores=NS, **_MESH)

    @functools.partial(
        pl.kernel,
        out_type=jax.ShapeDtypeStruct((B, DP), jnp.float32),
        mesh=mesh,
        compiler_params=pltpu.CompilerParams(use_tc_tiling_on_sc=False),
        scratch_types=[
            pltpu.VMEM((NCH, CH), jnp.int32),
            pltpu.VMEM((2, CH, DP), jnp.float32),
            pltpu.SemaphoreType.DMA,
            pltpu.SemaphoreType.DMA,
            pltpu.SemaphoreType.DMA,
        ],
    )
    def sc_kernel(u2_hbm, idx_hbm, eu_out, idx_v, st_v, gs, w0, w1):
        wsem = [w0, w1]
        wid = lax.axis_index("s") * NC + lax.axis_index("c")
        base = wid * BPW
        pltpu.sync_copy(idx_hbm.at[wid], idx_v)
        w = [None, None]
        for k in range(NCH):
            s = k % 2
            if w[s] is not None:
                w[s].wait()
            cp = pltpu.async_copy(u2_hbm.at[idx_v.at[k]], st_v.at[s], gs)
            cp.wait()
            w[s] = pltpu.async_copy(
                st_v.at[s], eu_out.at[pl.ds(base + k * CH, CH)], wsem[s])
        for s in range(2):
            if w[s] is not None:
                w[s].wait()

    return sc_kernel


def _log_sigmoid(x):
    return jnp.minimum(x, 0.0) - jnp.log1p(jnp.exp(-jnp.abs(x)))


def _tc_loss_fn(B, D, blk):
    grid = B // blk

    def body(eup_ref, evp_ref, ns_ref, hu_ref, hv_ref, out_ref):
        @pl.when(pl.program_id(0) == 0)
        def _():
            out_ref[...] = jnp.zeros((1, 1), jnp.float32)
        eu = jnp.where(hu_ref[...] > 0, eup_ref[:, D:], eup_ref[:, :D])
        ev = jnp.where(hv_ref[...] > 0, evp_ref[:, D:], evp_ref[:, :D])
        score = jnp.sum(eu * ev, axis=1)
        nscore = jnp.sum(eu * ns_ref[...], axis=1)
        tot = jnp.sum(_log_sigmoid(score) + _log_sigmoid(-nscore))
        out_ref[...] += tot.reshape(1, 1)

    return pl.pallas_call(
        body,
        grid=(grid,),
        in_specs=[
            pl.BlockSpec((blk, 2 * D), lambda i: (i, 0)),
            pl.BlockSpec((blk, 2 * D), lambda i: (i, 0)),
            pl.BlockSpec((blk, D), lambda i: (i, 0)),
            pl.BlockSpec((blk, 1), lambda i: (i, 0)),
            pl.BlockSpec((blk, 1), lambda i: (i, 0)),
        ],
        out_specs=pl.BlockSpec((1, 1), lambda i: (0, 0)),
        out_shape=jax.ShapeDtypeStruct((1, 1), jnp.float32),
    )


def kernel(focus, pos_context, neg_context, batch_size, u_weight, v_weight):
    B, = focus.shape
    V, D = u_weight.shape
    NNEG = neg_context.shape[1]
    BPW = B // NW
    NCH = BPW // CH
    V2 = V // 2

    focus = focus.astype(jnp.int32)
    pos = pos_context.astype(jnp.int32)
    neg = neg_context.astype(jnp.int32)

    v2 = _tc_xpose_fn(V, D, 2048)(v_weight.T, v_weight.T)
    u2 = _tc_xpose_fn(V, D, 2048)(u_weight.T, u_weight.T)

    def pair(i):
        return jnp.where(i < V2, i, i - V2)

    p_w = pos.reshape(NW, 1, BPW)
    n_w = neg.T.reshape(NNEG, NW, BPW).transpose(1, 0, 2)
    vidx = jnp.concatenate([p_w, n_w], axis=1).reshape(NW, -1, CH)
    vidx = jnp.concatenate([vidx, jnp.zeros((NW, 2, CH), jnp.int32)], axis=1)
    vidxp = pair(vidx)
    vidxo = (vidx >= V2).astype(jnp.int32) * D

    uidxp = pair(focus).reshape(NW, NCH, CH)

    ev, ns = _sc_v_fn(V, D, B, NNEG)(v2, vidxp, vidxo)
    eu = _sc_u_fn(V, D, B)(u2, uidxp)

    hu = (focus >= V2).reshape(B, 1).astype(jnp.float32)
    hv = (pos >= V2).reshape(B, 1).astype(jnp.float32)
    loss_sum = _tc_loss_fn(B, D, 1024)(eu, ev, ns, hu, hv)
    return -loss_sum[0, 0] / B

# --- scband reference (transcript-rebuilt; emitter-appended) ---
"""Pipeline reference for scband-skip-gram-72206990180729 (READ-ONLY COPY).

The authoritative reference and input builder live on the scoring server;
editing this copy changes nothing except your own understanding.
"""

import jax, jax.numpy as jnp
import numpy as np

VOCAB = 1000000
DIM = 64
B = 16384
NNEG = 20


def setup_inputs(seed: int = 0) -> dict:
    key = jax.random.key(seed)
    k1, k2, k3, k4 = jax.random.split(key, 4)
    focus = jax.random.randint(k1, (B,), 0, VOCAB, dtype=jnp.int64) if jax.config.jax_enable_x64 else jax.random.randint(k1, (B,), 0, VOCAB).astype(jnp.int32)
    pos_context = jax.random.randint(k2, (B,), 0, VOCAB).astype(focus.dtype)
    neg_context = jax.random.randint(k3, (B, NNEG), 0, VOCAB).astype(focus.dtype)
    initrange = 1.0 / DIM
    u_weight = jax.random.uniform(k4, (VOCAB, DIM), dtype=jnp.float32, minval=-initrange, maxval=initrange)
    v_weight = jnp.zeros((VOCAB, DIM), dtype=jnp.float32)
    return {
        "focus": focus,
        "pos_context": pos_context,
        "neg_context": neg_context,
        "batch_size": B,
        "u_weight": u_weight,
        "v_weight": v_weight,
    }


def reference(focus, pos_context, neg_context, batch_size, u_weight, v_weight):
    # embedding lookups (gathers)
    embed_u = jnp.take(u_weight, focus, axis=0)          # [B, D]
    embed_v = jnp.take(v_weight, pos_context, axis=0)    # [B, D]
    score = jnp.sum(embed_u * embed_v, axis=1)           # [B]
    log_target = jax.nn.log_sigmoid(score)               # [B]
    neg_embed_v = jnp.take(v_weight, neg_context, axis=0)  # [B, NNEG, D]
    # bmm(neg_embed_v, embed_u.unsqueeze(2)).squeeze() -> [B, NNEG]
    neg_score = jnp.einsum('bnd,bd->bn', neg_embed_v, embed_u)
    neg_score = jnp.sum(neg_score, axis=1)               # [B]
    sum_log_sampled = jax.nn.log_sigmoid(-1.0 * neg_score)
    loss = log_target + sum_log_sampled
    return -1.0 * jnp.sum(loss) / batch_size

if __name__ == "__main__":
    import jax
    _d = setup_inputs()
    print(jax.jit(kernel)(*tuple(_d.values())))

</pallas_src>

<mosaic_0001>
#map = affine_map<(d0, d1) -> (0, 0)>
#map1 = affine_map<(d0, d1) -> (0, 0, 0)>
module attributes {stable_mosaic.version = 14 : i64} {
  func.func @sc_kernel(%arg0: i32, %arg1: i32, %arg2: memref<500000x128xf32, #tpu.memory_space<hbm>>, %arg3: memref<32x86x128xi32, #tpu.memory_space<hbm>>, %arg4: memref<32x86x128xi32, #tpu.memory_space<hbm>>, %arg5: memref<16384x128xf32, #tpu.memory_space<hbm>>, %arg6: memref<16384x64xf32, #tpu.memory_space<hbm>>, %arg7: memref<86x128xi32, #tpu.memory_space<vmem>>, %arg8: memref<86x128xi32, #tpu.memory_space<vmem>>, %arg9: memref<2x128x128xf32, #tpu.memory_space<vmem>>, %arg10: memref<512x64xf32, #tpu.memory_space<vmem>>, %arg11: memref<!tpu.dma_semaphore, #tpu.memory_space<semaphore_mem>>, %arg12: memref<!tpu.dma_semaphore, #tpu.memory_space<semaphore_mem>>, %arg13: memref<!tpu.dma_semaphore, #tpu.memory_space<semaphore_mem>>, %arg14: memref<!tpu.dma_semaphore, #tpu.memory_space<semaphore_mem>>) attributes {dimension_semantics = [#tpu.dimension_semantics<core_parallel>, #tpu.dimension_semantics<subcore_parallel>], iteration_bounds = array<i64: 2, 16>, scalar_prefetch = 0 : i64, scratch_operands = 8 : i64, tpu.core_type = #tpu.core_type<sc_vector_subcore>, window_params = [{transform_indices = #map}, {transform_indices = #map1}, {transform_indices = #map1}, {transform_indices = #map}, {transform_indices = #map}]} {
    %mul3A = arith.constant 2 : i32
    %mul3A_0 = arith.muli %arg1, %mul3A : i32
    %add3A = arith.addi %mul3A_0, %arg0 : i32
    %mul3A_1 = arith.constant 512 : i32
    %mul3A_2 = arith.muli %add3A, %mul3A_1 : i32
    "tpu.region"() ({
      %run_scoped3A = tpu.sem_alloc : memref<!tpu.dma_semaphore, #tpu.memory_space<semaphore_mem>>
      %dma_start3A_381 = arith.constant 0 : i32
      %dma_start3A_382 = arith.constant 0 : i32
      %dma_start3A_383 = tpu.memref_slice %arg3[%add3A, %dma_start3A_381, %dma_start3A_382] : memref<32x86x128xi32, #tpu.memory_space<hbm>> -> memref<1x86x128xi32, #tpu.memory_space<hbm>>
      %dma_start3A_384 = tpu.memref_squeeze %dma_start3A_383 : memref<1x86x128xi32, #tpu.memory_space<hbm>> -> memref<86x128xi32, #tpu.memory_space<hbm>>
      %dma_start3A_385 = arith.constant 0 : i32
      %dma_start3A_386 = arith.constant 0 : i32
      %dma_start3A_387 = tpu.memref_slice %arg3[%add3A, %dma_start3A_385, %dma_start3A_386] : memref<32x86x128xi32, #tpu.memory_space<hbm>> -> memref<1x86x128xi32, #tpu.memory_space<hbm>>
      %dma_start3A_388 = tpu.memref_squeeze %dma_start3A_387 : memref<1x86x128xi32, #tpu.memory_space<hbm>> -> memref<86x128xi32, #tpu.memory_space<hbm>>
      tpu.enqueue_dma source(%dma_start3A_388 : memref<86x128xi32, #tpu.memory_space<hbm>>) target(%arg7 : memref<86x128xi32, #tpu.memory_space<vmem>>) target_semaphore(%run_scoped3A : memref<!tpu.dma_semaphore, #tpu.memory_space<semaphore_mem>>)
      %dma_wait3A_389 = arith.constant 0 : i32
      %dma_wait3A_390 = arith.constant 0 : i32
      %dma_wait3A_391 = tpu.memref_slice %arg3[%add3A, %dma_wait3A_389, %dma_wait3A_390] : memref<32x86x128xi32, #tpu.memory_space<hbm>> -> memref<1x86x128xi32, #tpu.memory_space<hbm>>
      %dma_wait3A_392 = tpu.memref_squeeze %dma_wait3A_391 : memref<1x86x128xi32, #tpu.memory_space<hbm>> -> memref<86x128xi32, #tpu.memory_space<hbm>>
      %dma_wait3A_393 = arith.constant 0 : i32
      %dma_wait3A_394 = arith.constant 0 : i32
      %dma_wait3A_395 = tpu.memref_slice %arg3[%add3A, %dma_wait3A_393, %dma_wait3A_394] : memref<32x86x128xi32, #tpu.memory_space<hbm>> -> memref<1x86x128xi32, #tpu.memory_space<hbm>>
      %dma_wait3A_396 = tpu.memref_squeeze %dma_wait3A_395 : memref<1x86x128xi32, #tpu.memory_space<hbm>> -> memref<86x128xi32, #tpu.memory_space<hbm>>
      tpu.wait_dma2 semaphore(%run_scoped3A : memref<!tpu.dma_semaphore, #tpu.memory_space<semaphore_mem>>) src(%dma_wait3A_396 : memref<86x128xi32, #tpu.memory_space<hbm>>) dst(%arg7 : memref<86x128xi32, #tpu.memory_space<vmem>>)
      tpu.yield
    }) : () -> ()
    "tpu.region"() ({
      %run_scoped3A = tpu.sem_alloc : memref<!tpu.dma_semaphore, #tpu.memory_space<semaphore_mem>>
      %dma_start3A_381 = arith.constant 0 : i32
      %dma_start3A_382 = arith.constant 0 : i32
      %dma_start3A_383 = tpu.memref_slice %arg4[%add3A, %dma_start3A_381, %dma_start3A_382] : memref<32x86x128xi32, #tpu.memory_space<hbm>> -> memref<1x86x128xi32, #tpu.memory_space<hbm>>
      %dma_start3A_384 = tpu.memref_squeeze %dma_start3A_383 : memref<1x86x128xi32, #tpu.memory_space<hbm>> -> memref<86x128xi32, #tpu.memory_space<hbm>>
      %dma_start3A_385 = arith.constant 0 : i32
      %dma_start3A_386 = arith.constant 0 : i32
      %dma_start3A_387 = tpu.memref_slice %arg4[%add3A, %dma_start3A_385, %dma_start3A_386] : memref<32x86x128xi32, #tpu.memory_space<hbm>> -> memref<1x86x128xi32, #tpu.memory_space<hbm>>
      %dma_start3A_388 = tpu.memref_squeeze %dma_start3A_387 : memref<1x86x128xi32, #tpu.memory_space<hbm>> -> memref<86x128xi32, #tpu.memory_space<hbm>>
      tpu.enqueue_dma source(%dma_start3A_388 : memref<86x128xi32, #tpu.memory_space<hbm>>) target(%arg8 : memref<86x128xi32, #tpu.memory_space<vmem>>) target_semaphore(%run_scoped3A : memref<!tpu.dma_semaphore, #tpu.memory_space<semaphore_mem>>)
      %dma_wait3A_389 = arith.constant 0 : i32
      %dma_wait3A_390 = arith.constant 0 : i32
      %dma_wait3A_391 = tpu.memref_slice %arg4[%add3A, %dma_wait3A_389, %dma_wait3A_390] : memref<32x86x128xi32, #tpu.memory_space<hbm>> -> memref<1x86x128xi32, #tpu.memory_space<hbm>>
      %dma_wait3A_392 = tpu.memref_squeeze %dma_wait3A_391 : memref<1x86x128xi32, #tpu.memory_space<hbm>> -> memref<86x128xi32, #tpu.memory_space<hbm>>
      %dma_wait3A_393 = arith.constant 0 : i32
      %dma_wait3A_394 = arith.constant 0 : i32
      %dma_wait3A_395 = tpu.memref_slice %arg4[%add3A, %dma_wait3A_393, %dma_wait3A_394] : memref<32x86x128xi32, #tpu.memory_space<hbm>> -> memref<1x86x128xi32, #tpu.memory_space<hbm>>
      %dma_wait3A_396 = tpu.memref_squeeze %dma_wait3A_395 : memref<1x86x128xi32, #tpu.memory_space<hbm>> -> memref<86x128xi32, #tpu.memory_space<hbm>>
      tpu.wait_dma2 semaphore(%run_scoped3A : memref<!tpu.dma_semaphore, #tpu.memory_space<semaphore_mem>>) src(%dma_wait3A_396 : memref<86x128xi32, #tpu.memory_space<hbm>>) dst(%arg8 : memref<86x128xi32, #tpu.memory_space<vmem>>)
      tpu.yield
    }) : () -> ()
    %dma_start3A = arith.constant 0 : i32
    %dma_start3A_3 = arith.constant 0 : i32
    %dma_start3A_4 = arith.constant 0 : i32
    %dma_start3A_5 = arith.constant 0 : i32
    %dma_start3A_6 = tpu.memref_slice %arg9[%dma_start3A_3, %dma_start3A_4, %dma_start3A_5] : memref<2x128x128xf32, #tpu.memory_space<vmem>> -> memref<1x128x128xf32, #tpu.memory_space<vmem>>
    %dma_start3A_7 = tpu.memref_squeeze %dma_start3A_6 : memref<1x128x128xf32, #tpu.memory_space<vmem>> -> memref<128x128xf32, #tpu.memory_space<vmem>>
    %dma_start3A_8 = arith.constant 0 : i32
    %dma_start3A_9 = tpu.memref_slice %arg7[%dma_start3A, %dma_start3A_8] : memref<86x128xi32, #tpu.memory_space<vmem>> -> memref<1x128xi32, #tpu.memory_space<vmem>>
    %dma_start3A_10 = tpu.memref_squeeze %dma_start3A_9 : memref<1x128xi32, #tpu.memory_space<vmem>> -> memref<128xi32, #tpu.memory_space<vmem>>
    %dma_start3A_11 = arith.constant 0 : i32
    %dma_start3A_12 = arith.constant 0 : i32
    %dma_start3A_13 = tpu.memref_slice %arg2[%dma_start3A_11, %dma_start3A_12] : memref<500000x128xf32, #tpu.memory_space<hbm>> -> memref<500000x128xf32, #tpu.memory_space<hbm>>
    tpu.enqueue_indirect_dma source(%dma_start3A_13 : memref<500000x128xf32, #tpu.memory_space<hbm>>) target(%dma_start3A_7 : memref<128x128xf32, #tpu.memory_space<vmem>>) offsets(%dma_start3A_10 : memref<128xi32, #tpu.memory_space<vmem>>) semaphore(%arg11 : memref<!tpu.dma_semaphore, #tpu.memory_space<semaphore_mem>>)
    %dma_wait3A = arith.constant 0 : i32
    %dma_wait3A_14 = arith.constant 0 : i32
    %dma_wait3A_15 = arith.constant 0 : i32
    %dma_wait3A_16 = arith.constant 0 : i32
    %dma_wait3A_17 = tpu.memref_slice %arg9[%dma_wait3A_14, %dma_wait3A_15, %dma_wait3A_16] : memref<2x128x128xf32, #tpu.memory_space<vmem>> -> memref<1x128x128xf32, #tpu.memory_space<vmem>>
    %dma_wait3A_18 = tpu.memref_squeeze %dma_wait3A_17 : memref<1x128x128xf32, #tpu.memory_space<vmem>> -> memref<128x128xf32, #tpu.memory_space<vmem>>
    %dma_wait3A_19 = arith.constant 0 : i32
    %dma_wait3A_20 = tpu.memref_slice %arg7[%dma_wait3A, %dma_wait3A_19] : memref<86x128xi32, #tpu.memory_space<vmem>> -> memref<1x128xi32, #tpu.memory_space<vmem>>
    %dma_wait3A_21 = tpu.memref_squeeze %dma_wait3A_20 : memref<1x128xi32, #tpu.memory_space<vmem>> -> memref<128xi32, #tpu.memory_space<vmem>>
    %dma_wait3A_22 = arith.constant 0 : i32
    %dma_wait3A_23 = arith.constant 0 : i32
    %dma_wait3A_24 = tpu.memref_slice %arg2[%dma_wait3A_22, %dma_wait3A_23] : memref<500000x128xf32, #tpu.memory_space<hbm>> -> memref<500000x128xf32, #tpu.memory_space<hbm>>
    tpu.wait_indirect_dma semaphore(%arg11 : memref<!tpu.dma_semaphore, #tpu.memory_space<semaphore_mem>>) src(%dma_wait3A_24 : memref<500000x128xf32, #tpu.memory_space<hbm>>) dst(%dma_wait3A_18 : memref<128x128xf32, #tpu.memory_space<vmem>>)
    %add3A_25 = arith.constant 0 : i32
    %add3A_26 = arith.addi %mul3A_2, %add3A_25 : i32
    %dma_start3A_27 = arith.constant 0 : i32
    %dma_start3A_28 = arith.constant 0 : i32
    %dma_start3A_29 = arith.constant 0 : i32
    %dma_start3A_30 = tpu.memref_slice %arg9[%dma_start3A_27, %dma_start3A_28, %dma_start3A_29] : memref<2x128x128xf32, #tpu.memory_space<vmem>> -> memref<1x128x128xf32, #tpu.memory_space<vmem>>
    %dma_start3A_31 = tpu.memref_squeeze %dma_start3A_30 : memref<1x128x128xf32, #tpu.memory_space<vmem>> -> memref<128x128xf32, #tpu.memory_space<vmem>>
    %dma_start3A_32 = arith.constant 0 : i32
    %dma_start3A_33 = tpu.memref_slice %arg5[%add3A_26, %dma_start3A_32] : memref<16384x128xf32, #tpu.memory_space<hbm>> -> memref<128x128xf32, #tpu.memory_space<hbm>>
    %dma_start3A_34 = arith.constant 0 : i32
    %dma_start3A_35 = tpu.memref_slice %arg5[%add3A_26, %dma_start3A_34] : memref<16384x128xf32, #tpu.memory_space<hbm>> -> memref<128x128xf32, #tpu.memory_space<hbm>>
    %dma_start3A_36 = arith.constant 0 : i32
    %dma_start3A_37 = arith.constant 0 : i32
    %dma_start3A_38 = tpu.memref_slice %arg9[%dma_start3A_27, %dma_start3A_36, %dma_start3A_37] : memref<2x128x128xf32, #tpu.memory_space<vmem>> -> memref<1x128x128xf32, #tpu.memory_space<vmem>>
    %dma_start3A_39 = tpu.memref_squeeze %dma_start3A_38 : memref<1x128x128xf32, #tpu.memory_space<vmem>> -> memref<128x128xf32, #tpu.memory_space<vmem>>
    tpu.enqueue_dma source(%dma_start3A_39 : memref<128x128xf32, #tpu.memory_space<vmem>>) target(%dma_start3A_35 : memref<128x128xf32, #tpu.memory_space<hbm>>) target_semaphore(%arg13 : memref<!tpu.dma_semaphore, #tpu.memory_space<semaphore_mem>>)
    %dma_start3A_40 = arith.constant 1 : i32
    %dma_start3A_41 = arith.constant 1 : i32
    %dma_start3A_42 = arith.constant 0 : i32
    %dma_start3A_43 = arith.constant 0 : i32
    %dma_start3A_44 = tpu.memref_slice %arg9[%dma_start3A_41, %dma_start3A_42, %dma_start3A_43] : memref<2x128x128xf32, #tpu.memory_space<vmem>> -> memref<1x128x128xf32, #tpu.memory_space<vmem>>
    %dma_start3A_45 = tpu.memref_squeeze %dma_start3A_44 : memref<1x128x128xf32, #tpu.memory_space<vmem>> -> memref<128x128xf32, #tpu.memory_space<vmem>>
    %dma_start3A_46 = arith.constant 0 : i32
    %dma_start3A_47 = tpu.memref_slice %arg7[%dma_start3A_40, %dma_start3A_46] : memref<86x128xi32, #tpu.memory_space<vmem>> -> memref<1x128xi32, #tpu.memory_space<vmem>>
    %dma_start3A_48 = tpu.memref_squeeze %dma_start3A_47 : memref<1x128xi32, #tpu.memory_space<vmem>> -> memref<128xi32, #tpu.memory_space<vmem>>
    %dma_start3A_49 = arith.constant 0 : i32
    %dma_start3A_50 = arith.constant 0 : i32
    %dma_start3A_51 = tpu.memref_slice %arg2[%dma_start3A_49, %dma_start3A_50] : memref<500000x128xf32, #tpu.memory_space<hbm>> -> memref<500000x128xf32, #tpu.memory_space<hbm>>
    tpu.enqueue_indirect_dma source(%dma_start3A_51 : memref<500000x128xf32, #tpu.memory_space<hbm>>) target(%dma_start3A_45 : memref<128x128xf32, #tpu.memory_space<vmem>>) offsets(%dma_start3A_48 : memref<128xi32, #tpu.memory_space<vmem>>) semaphore(%arg12 : memref<!tpu.dma_semaphore, #tpu.memory_space<semaphore_mem>>)
    %dma_wait3A_52 = arith.constant 1 : i32
    %dma_wait3A_53 = arith.constant 1 : i32
    %dma_wait3A_54 = arith.constant 0 : i32
    %dma_wait3A_55 = arith.constant 0 : i32
    %dma_wait3A_56 = tpu.memref_slice %arg9[%dma_wait3A_53, %dma_wait3A_54, %dma_wait3A_55] : memref<2x128x128xf32, #tpu.memory_space<vmem>> -> memref<1x128x128xf32, #tpu.memory_space<vmem>>
    %dma_wait3A_57 = tpu.memref_squeeze %dma_wait3A_56 : memref<1x128x128xf32, #tpu.memory_space<vmem>> -> memref<128x128xf32, #tpu.memory_space<vmem>>
    %dma_wait3A_58 = arith.constant 0 : i32
    %dma_wait3A_59 = tpu.memref_slice %arg7[%dma_wait3A_52, %dma_wait3A_58] : memref<86x128xi32, #tpu.memory_space<vmem>> -> memref<1x128xi32, #tpu.memory_space<vmem>>
    %dma_wait3A_60 = tpu.memref_squeeze %dma_wait3A_59 : memref<1x128xi32, #tpu.memory_space<vmem>> -> memref<128xi32, #tpu.memory_space<vmem>>
    %dma_wait3A_61 = arith.constant 0 : i32
    %dma_wait3A_62 = arith.constant 0 : i32
    %dma_wait3A_63 = tpu.memref_slice %arg2[%dma_wait3A_61, %dma_wait3A_62] : memref<500000x128xf32, #tpu.memory_space<hbm>> -> memref<500000x128xf32, #tpu.memory_space<hbm>>
    tpu.wait_indirect_dma semaphore(%arg12 : memref<!tpu.dma_semaphore, #tpu.memory_space<semaphore_mem>>) src(%dma_wait3A_63 : memref<500000x128xf32, #tpu.memory_space<hbm>>) dst(%dma_wait3A_57 : memref<128x128xf32, #tpu.memory_space<vmem>>)
    %add3A_64 = arith.constant 128 : i32
    %add3A_65 = arith.addi %mul3A_2, %add3A_64 : i32
    %dma_start3A_66 = arith.constant 1 : i32
    %dma_start3A_67 = arith.constant 0 : i32
    %dma_start3A_68 = arith.constant 0 : i32
    %dma_start3A_69 = tpu.memref_slice %arg9[%dma_start3A_66, %dma_start3A_67, %dma_start3A_68] : memref<2x128x128xf32, #tpu.memory_space<vmem>> -> memref<1x128x128xf32, #tpu.memory_space<vmem>>
    %dma_start3A_70 = tpu.memref_squeeze %dma_start3A_69 : memref<1x128x128xf32, #tpu.memory_space<vmem>> -> memref<128x128xf32, #tpu.memory_space<vmem>>
    %dma_start3A_71 = arith.constant 0 : i32
    %dma_start3A_72 = tpu.memref_slice %arg5[%add3A_65, %dma_start3A_71] : memref<16384x128xf32, #tpu.memory_space<hbm>> -> memref<128x128xf32, #tpu.memory_space<hbm>>
    %dma_start3A_73 = arith.constant 0 : i32
    %dma_start3A_74 = tpu.memref_slice %arg5[%add3A_65, %dma_start3A_73] : memref<16384x128xf32, #tpu.memory_space<hbm>> -> memref<128x128xf32, #tpu.memory_space<hbm>>
    %dma_start3A_75 = arith.constant 0 : i32
    %dma_start3A_76 = arith.constant 0 : i32
    %dma_start3A_77 = tpu.memref_slice %arg9[%dma_start3A_66, %dma_start3A_75, %dma_start3A_76] : memref<2x128x128xf32, #tpu.memory_space<vmem>> -> memref<1x128x128xf32, #tpu.memory_space<vmem>>
    %dma_start3A_78 = tpu.memref_squeeze %dma_start3A_77 : memref<1x128x128xf32, #tpu.memory_space<vmem>> -> memref<128x128xf32, #tpu.memory_space<vmem>>
    tpu.enqueue_dma source(%dma_start3A_78 : memref<128x128xf32, #tpu.memory_space<vmem>>) target(%dma_start3A_74 : memref<128x128xf32, #tpu.memory_space<hbm>>) target_semaphore(%arg14 : memref<!tpu.dma_semaphore, #tpu.memory_space<semaphore_mem>>)
    %dma_wait3A_79 = arith.constant 0 : i32
    %dma_wait3A_80 = arith.constant 0 : i32
    %dma_wait3A_81 = arith.constant 0 : i32
    %dma_wait3A_82 = tpu.memref_slice %arg9[%dma_wait3A_79, %dma_wait3A_80, %dma_wait3A_81] : memref<2x128x128xf32, #tpu.memory_space<vmem>> -> memref<1x128x128xf32, #tpu.memory_space<vmem>>
    %dma_wait3A_83 = tpu.memref_squeeze %dma_wait3A_82 : memref<1x128x128xf32, #tpu.memory_space<vmem>> -> memref<128x128xf32, #tpu.memory_space<vmem>>
    %dma_wait3A_84 = arith.constant 0 : i32
    %dma_wait3A_85 = tpu.memref_slice %arg5[%add3A_26, %dma_wait3A_84] : memref<16384x128xf32, #tpu.memory_space<hbm>> -> memref<128x128xf32, #tpu.memory_space<hbm>>
    %dma_wait3A_86 = arith.constant 0 : i32
    %dma_wait3A_87 = tpu.memref_slice %arg5[%add3A_26, %dma_wait3A_86] : memref<16384x128xf32, #tpu.memory_space<hbm>> -> memref<128x128xf32, #tpu.memory_space<hbm>>
    %dma_wait3A_88 = arith.constant 0 : i32
    %dma_wait3A_89 = arith.constant 0 : i32
    %dma_wait3A_90 = tpu.memref_slice %arg9[%dma_wait3A_79, %dma_wait3A_88, %dma_wait3A_89] : memref<2x128x128xf32, #tpu.memory_space<vmem>> -> memref<1x128x128xf32, #tpu.memory_space<vmem>>
    %dma_wait3A_91 = tpu.memref_squeeze %dma_wait3A_90 : memref<1x128x128xf32, #tpu.memory_space<vmem>> -> memref<128x128xf32, #tpu.memory_space<vmem>>
    tpu.wait_dma2 semaphore(%arg13 : memref<!tpu.dma_semaphore, #tpu.memory_space<semaphore_mem>>) src(%dma_wait3A_91 : memref<128x128xf32, #tpu.memory_space<vmem>>) dst(%dma_wait3A_87 : memref<128x128xf32, #tpu.memory_space<hbm>>)
    %dma_start3A_92 = arith.constant 2 : i32
    %dma_start3A_93 = arith.constant 0 : i32
    %dma_start3A_94 = arith.constant 0 : i32
    %dma_start3A_95 = arith.constant 0 : i32
    %dma_start3A_96 = tpu.memref_slice %arg9[%dma_start3A_93, %dma_start3A_94, %dma_start3A_95] : memref<2x128x128xf32, #tpu.memory_space<vmem>> -> memref<1x128x128xf32, #tpu.memory_space<vmem>>
    %dma_start3A_97 = tpu.memref_squeeze %dma_start3A_96 : memref<1x128x128xf32, #tpu.memory_space<vmem>> -> memref<128x128xf32, #tpu.memory_space<vmem>>
    %dma_start3A_98 = arith.constant 0 : i32
    %dma_start3A_99 = tpu.memref_slice %arg7[%dma_start3A_92, %dma_start3A_98] : memref<86x128xi32, #tpu.memory_space<vmem>> -> memref<1x128xi32, #tpu.memory_space<vmem>>
    %dma_start3A_100 = tpu.memref_squeeze %dma_start3A_99 : memref<1x128xi32, #tpu.memory_space<vmem>> -> memref<128xi32, #tpu.memory_space<vmem>>
    %dma_start3A_101 = arith.constant 0 : i32
    %dma_start3A_102 = arith.constant 0 : i32
    %dma_start3A_103 = tpu.memref_slice %arg2[%dma_start3A_101, %dma_start3A_102] : memref<500000x128xf32, #tpu.memory_space<hbm>> -> memref<500000x128xf32, #tpu.memory_space<hbm>>
    tpu.enqueue_indirect_dma source(%dma_start3A_103 : memref<500000x128xf32, #tpu.memory_space<hbm>>) target(%dma_start3A_97 : memref<128x128xf32, #tpu.memory_space<vmem>>) offsets(%dma_start3A_100 : memref<128xi32, #tpu.memory_space<vmem>>) semaphore(%arg11 : memref<!tpu.dma_semaphore, #tpu.memory_space<semaphore_mem>>)
    %dma_wait3A_104 = arith.constant 2 : i32
    %dma_wait3A_105 = arith.constant 0 : i32
    %dma_wait3A_106 = arith.constant 0 : i32
    %dma_wait3A_107 = arith.constant 0 : i32
    %dma_wait3A_108 = tpu.memref_slice %arg9[%dma_wait3A_105, %dma_wait3A_106, %dma_wait3A_107] : memref<2x128x128xf32, #tpu.memory_space<vmem>> -> memref<1x128x128xf32, #tpu.memory_space<vmem>>
    %dma_wait3A_109 = tpu.memref_squeeze %dma_wait3A_108 : memref<1x128x128xf32, #tpu.memory_space<vmem>> -> memref<128x128xf32, #tpu.memory_space<vmem>>
    %dma_wait3A_110 = arith.constant 0 : i32
    %dma_wait3A_111 = tpu.memref_slice %arg7[%dma_wait3A_104, %dma_wait3A_110] : memref<86x128xi32, #tpu.memory_space<vmem>> -> memref<1x128xi32, #tpu.memory_space<vmem>>
    %dma_wait3A_112 = tpu.memref_squeeze %dma_wait3A_111 : memref<1x128xi32, #tpu.memory_space<vmem>> -> memref<128xi32, #tpu.memory_space<vmem>>
    %dma_wait3A_113 = arith.constant 0 : i32
    %dma_wait3A_114 = arith.constant 0 : i32
    %dma_wait3A_115 = tpu.memref_slice %arg2[%dma_wait3A_113, %dma_wait3A_114] : memref<500000x128xf32, #tpu.memory_space<hbm>> -> memref<500000x128xf32, #tpu.memory_space<hbm>>
    tpu.wait_indirect_dma semaphore(%arg11 : memref<!tpu.dma_semaphore, #tpu.memory_space<semaphore_mem>>) src(%dma_wait3A_115 : memref<500000x128xf32, #tpu.memory_space<hbm>>) dst(%dma_wait3A_109 : memref<128x128xf32, #tpu.memory_space<vmem>>)
    %add3A_116 = arith.constant 256 : i32
    %add3A_117 = arith.addi %mul3A_2, %add3A_116 : i32
    %dma_start3A_118 = arith.constant 0 : i32
    %dma_start3A_119 = arith.constant 0 : i32
    %dma_start3A_120 = arith.constant 0 : i32
    %dma_start3A_121 = tpu.memref_slice %arg9[%dma_start3A_118, %dma_start3A_119, %dma_start3A_120] : memref<2x128x128xf32, #tpu.memory_space<vmem>> -> memref<1x128x128xf32, #tpu.memory_space<vmem>>
    %dma_start3A_122 = tpu.memref_squeeze %dma_start3A_121 : memref<1x128x128xf32, #tpu.memory_space<vmem>> -> memref<128x128xf32, #tpu.memory_space<vmem>>
    %dma_start3A_123 = arith.constant 0 : i32
    %dma_start3A_124 = tpu.memref_slice %arg5[%add3A_117, %dma_start3A_123] : memref<16384x128xf32, #tpu.memory_space<hbm>> -> memref<128x128xf32, #tpu.memory_space<hbm>>
    %dma_start3A_125 = arith.constant 0 : i32
    %dma_start3A_126 = tpu.memref_slice %arg5[%add3A_117, %dma_start3A_125] : memref<16384x128xf32, #tpu.memory_space<hbm>> -> memref<128x128xf32, #tpu.memory_space<hbm>>
    %dma_start3A_127 = arith.constant 0 : i32
    %dma_start3A_128 = arith.constant 0 : i32
    %dma_start3A_129 = tpu.memref_slice %arg9[%dma_start3A_118, %dma_start3A_127, %dma_start3A_128] : memref<2x128x128xf32, #tpu.memory_space<vmem>> -> memref<1x128x128xf32, #tpu.memory_space<vmem>>
    %dma_start3A_130 = tpu.memref_squeeze %dma_start3A_129 : memref<1x128x128xf32, #tpu.memory_space<vmem>> -> memref<128x128xf32, #tpu.memory_space<vmem>>
    tpu.enqueue_dma source(%dma_start3A_130 : memref<128x128xf32, #tpu.memory_space<vmem>>) target(%dma_start3A_126 : memref<128x128xf32, #tpu.memory_space<hbm>>) target_semaphore(%arg13 : memref<!tpu.dma_semaphore, #tpu.memory_space<semaphore_mem>>)
    %dma_wait3A_131 = arith.constant 1 : i32
    %dma_wait3A_132 = arith.constant 0 : i32
    %dma_wait3A_133 = arith.constant 0 : i32
    %dma_wait3A_134 = tpu.memref_slice %arg9[%dma_wait3A_131, %dma_wait3A_132, %dma_wait3A_133] : memref<2x128x128xf32, #tpu.memory_space<vmem>> -> memref<1x128x128xf32, #tpu.memory_space<vmem>>
    %dma_wait3A_135 = tpu.memref_squeeze %dma_wait3A_134 : memref<1x128x128xf32, #tpu.memory_space<vmem>> -> memref<128x128xf32, #tpu.memory_space<vmem>>
    %dma_wait3A_136 = arith.constant 0 : i32
    %dma_wait3A_137 = tpu.memref_slice %arg5[%add3A_65, %dma_wait3A_136] : memref<16384x128xf32, #tpu.memory_space<hbm>> -> memref<128x128xf32, #tpu.memory_space<hbm>>
    %dma_wait3A_138 = arith.constant 0 : i32
    %dma_wait3A_139 = tpu.memref_slice %arg5[%add3A_65, %dma_wait3A_138] : memref<16384x128xf32, #tpu.memory_space<hbm>> -> memref<128x128xf32, #tpu.memory_space<hbm>>
    %dma_wait3A_140 = arith.constant 0 : i32
    %dma_wait3A_141 = arith.constant 0 : i32
    %dma_wait3A_142 = tpu.memref_slice %arg9[%dma_wait3A_131, %dma_wait3A_140, %dma_wait3A_141] : memref<2x128x128xf32, #tpu.memory_space<vmem>> -> memref<1x128x128xf32, #tpu.memory_space<vmem>>
    %dma_wait3A_143 = tpu.memref_squeeze %dma_wait3A_142 : memref<1x128x128xf32, #tpu.memory_space<vmem>> -> memref<128x128xf32, #tpu.memory_space<vmem>>
    tpu.wait_dma2 semaphore(%arg14 : memref<!tpu.dma_semaphore, #tpu.memory_space<semaphore_mem>>) src(%dma_wait3A_143 : memref<128x128xf32, #tpu.memory_space<vmem>>) dst(%dma_wait3A_139 : memref<128x128xf32, #tpu.memory_space<hbm>>)
    %dma_start3A_144 = arith.constant 3 : i32
    %dma_start3A_145 = arith.constant 1 : i32
    %dma_start3A_146 = arith.constant 0 : i32
    %dma_start3A_147 = arith.constant 0 : i32
    %dma_start3A_148 = tpu.memref_slice %arg9[%dma_start3A_145, %dma_start3A_146, %dma_start3A_147] : memref<2x128x128xf32, #tpu.memory_space<vmem>> -> memref<1x128x128xf32, #tpu.memory_space<vmem>>
    %dma_start3A_149 = tpu.memref_squeeze %dma_start3A_148 : memref<1x128x128xf32, #tpu.memory_space<vmem>> -> memref<128x128xf32, #tpu.memory_space<vmem>>
    %dma_start3A_150 = arith.constant 0 : i32
    %dma_start3A_151 = tpu.memref_slice %arg7[%dma_start3A_144, %dma_start3A_150] : memref<86x128xi32, #tpu.memory_space<vmem>> -> memref<1x128xi32, #tpu.memory_space<vmem>>
    %dma_start3A_152 = tpu.memref_squeeze %dma_start3A_151 : memref<1x128xi32, #tpu.memory_space<vmem>> -> memref<128xi32, #tpu.memory_space<vmem>>
    %dma_start3A_153 = arith.constant 0 : i32
    %dma_start3A_154 = arith.constant 0 : i32
    %dma_start3A_155 = tpu.memref_slice %arg2[%dma_start3A_153, %dma_start3A_154] : memref<500000x128xf32, #tpu.memory_space<hbm>> -> memref<500000x128xf32, #tpu.memory_space<hbm>>
    tpu.enqueue_indirect_dma source(%dma_start3A_155 : memref<500000x128xf32, #tpu.memory_space<hbm>>) target(%dma_start3A_149 : memref<128x128xf32, #tpu.memory_space<vmem>>) offsets(%dma_start3A_152 : memref<128xi32, #tpu.memory_space<vmem>>) semaphore(%arg12 : memref<!tpu.dma_semaphore, #tpu.memory_space<semaphore_mem>>)
    %dma_wait3A_156 = arith.constant 3 : i32
    %dma_wait3A_157 = arith.constant 1 : i32
    %dma_wait3A_158 = arith.constant 0 : i32
    %dma_wait3A_159 = arith.constant 0 : i32
    %dma_wait3A_160 = tpu.memref_slice %arg9[%dma_wait3A_157, %dma_wait3A_158, %dma_wait3A_159] : memref<2x128x128xf32, #tpu.memory_space<vmem>> -> memref<1x128x128xf32, #tpu.memory_space<vmem>>
    %dma_wait3A_161 = tpu.memref_squeeze %dma_wait3A_160 : memref<1x128x128xf32, #tpu.memory_space<vmem>> -> memref<128x128xf32, #tpu.memory_space<vmem>>
    %dma_wait3A_162 = arith.constant 0 : i32
    %dma_wait3A_163 = tpu.memref_slice %arg7[%dma_wait3A_156, %dma_wait3A_162] : memref<86x128xi32, #tpu.memory_space<vmem>> -> memref<1x128xi32, #tpu.memory_space<vmem>>
    %dma_wait3A_164 = tpu.memref_squeeze %dma_wait3A_163 : memref<1x128xi32, #tpu.memory_space<vmem>> -> memref<128xi32, #tpu.memory_space<vmem>>
    %dma_wait3A_165 = arith.constant 0 : i32
    %dma_wait3A_166 = arith.constant 0 : i32
    %dma_wait3A_167 = tpu.memref_slice %arg2[%dma_wait3A_165, %dma_wait3A_166] : memref<500000x128xf32, #tpu.memory_space<hbm>> -> memref<500000x128xf32, #tpu.memory_space<hbm>>
    tpu.wait_indirect_dma semaphore(%arg12 : memref<!tpu.dma_semaphore, #tpu.memory_space<semaphore_mem>>) src(%dma_wait3A_167 : memref<500000x128xf32, #tpu.memory_space<hbm>>) dst(%dma_wait3A_161 : memref<128x128xf32, #tpu.memory_space<vmem>>)
    %add3A_168 = arith.constant 384 : i32
    %add3A_169 = arith.addi %mul3A_2, %add3A_168 : i32
    %dma_start3A_170 = arith.constant 1 : i32
    %dma_start3A_171 = arith.constant 0 : i32
    %dma_start3A_172 = arith.constant 0 : i32
    %dma_start3A_173 = tpu.memref_slice %arg9[%dma_start3A_170, %dma_start3A_171, %dma_start3A_172] : memref<2x128x128xf32, #tpu.memory_space<vmem>> -> memref<1x128x128xf32, #tpu.memory_space<vmem>>
    %dma_start3A_174 = tpu.memref_squeeze %dma_start3A_173 : memref<1x128x128xf32, #tpu.memory_space<vmem>> -> memref<128x128xf32, #tpu.memory_space<vmem>>
    %dma_start3A_175 = arith.constant 0 : i32
    %dma_start3A_176 = tpu.memref_slice %arg5[%add3A_169, %dma_start3A_175] : memref<16384x128xf32, #tpu.memory_space<hbm>> -> memref<128x128xf32, #tpu.memory_space<hbm>>
    %dma_start3A_177 = arith.constant 0 : i32
    %dma_start3A_178 = tpu.memref_slice %arg5[%add3A_169, %dma_start3A_177] : memref<16384x128xf32, #tpu.memory_space<hbm>> -> memref<128x128xf32, #tpu.memory_space<hbm>>
    %dma_start3A_179 = arith.constant 0 : i32
    %dma_start3A_180 = arith.constant 0 : i32
    %dma_start3A_181 = tpu.memref_slice %arg9[%dma_start3A_170, %dma_start3A_179, %dma_start3A_180] : memref<2x128x128xf32, #tpu.memory_space<vmem>> -> memref<1x128x128xf32, #tpu.memory_space<vmem>>
    %dma_start3A_182 = tpu.memref_squeeze %dma_start3A_181 : memref<1x128x128xf32, #tpu.memory_space<vmem>> -> memref<128x128xf32, #tpu.memory_space<vmem>>
    tpu.enqueue_dma source(%dma_start3A_182 : memref<128x128xf32, #tpu.memory_space<vmem>>) target(%dma_start3A_178 : memref<128x128xf32, #tpu.memory_space<hbm>>) target_semaphore(%arg14 : memref<!tpu.dma_semaphore, #tpu.memory_space<semaphore_mem>>)
    %dma_wait3A_183 = arith.constant 0 : i32
    %dma_wait3A_184 = arith.constant 0 : i32
    %dma_wait3A_185 = arith.constant 0 : i32
    %dma_wait3A_186 = tpu.memref_slice %arg9[%dma_wait3A_183, %dma_wait3A_184, %dma_wait3A_185] : memref<2x128x128xf32, #tpu.memory_space<vmem>> -> memref<1x128x128xf32, #tpu.memory_space<vmem>>
    %dma_wait3A_187 = tpu.memref_squeeze %dma_wait3A_186 : memref<1x128x128xf32, #tpu.memory_space<vmem>> -> memref<128x128xf32, #tpu.memory_space<vmem>>
    %dma_wait3A_188 = arith.constant 0 : i32
    %dma_wait3A_189 = tpu.memref_slice %arg5[%add3A_117, %dma_wait3A_188] : memref<16384x128xf32, #tpu.memory_space<hbm>> -> memref<128x128xf32, #tpu.memory_space<hbm>>
    %dma_wait3A_190 = arith.constant 0 : i32
    %dma_wait3A_191 = tpu.memref_slice %arg5[%add3A_117, %dma_wait3A_190] : memref<16384x128xf32, #tpu.memory_space<hbm>> -> memref<128x128xf32, #tpu.memory_space<hbm>>
    %dma_wait3A_192 = arith.constant 0 : i32
    %dma_wait3A_193 = arith.constant 0 : i32
    %dma_wait3A_194 = tpu.memref_slice %arg9[%dma_wait3A_183, %dma_wait3A_192, %dma_wait3A_193] : memref<2x128x128xf32, #tpu.memory_space<vmem>> -> memref<1x128x128xf32, #tpu.memory_space<vmem>>
    %dma_wait3A_195 = tpu.memref_squeeze %dma_wait3A_194 : memref<1x128x128xf32, #tpu.memory_space<vmem>> -> memref<128x128xf32, #tpu.memory_space<vmem>>
    tpu.wait_dma2 semaphore(%arg13 : memref<!tpu.dma_semaphore, #tpu.memory_space<semaphore_mem>>) src(%dma_wait3A_195 : memref<128x128xf32, #tpu.memory_space<vmem>>) dst(%dma_wait3A_191 : memref<128x128xf32, #tpu.memory_space<hbm>>)
    %dma_wait3A_196 = arith.constant 1 : i32
    %dma_wait3A_197 = arith.constant 0 : i32
    %dma_wait3A_198 = arith.constant 0 : i32
    %dma_wait3A_199 = tpu.memref_slice %arg9[%dma_wait3A_196, %dma_wait3A_197, %dma_wait3A_198] : memref<2x128x128xf32, #tpu.memory_space<vmem>> -> memref<1x128x128xf32, #tpu.memory_space<vmem>>
    %dma_wait3A_200 = tpu.memref_squeeze %dma_wait3A_199 : memref<1x128x128xf32, #tpu.memory_space<vmem>> -> memref<128x128xf32, #tpu.memory_space<vmem>>
    %dma_wait3A_201 = arith.constant 0 : i32
    %dma_wait3A_202 = tpu.memref_slice %arg5[%add3A_169, %dma_wait3A_201] : memref<16384x128xf32, #tpu.memory_space<hbm>> -> memref<128x128xf32, #tpu.memory_space<hbm>>
    %dma_wait3A_203 = arith.constant 0 : i32
    %dma_wait3A_204 = tpu.memref_slice %arg5[%add3A_169, %dma_wait3A_203] : memref<16384x128xf32, #tpu.memory_space<hbm>> -> memref<128x128xf32, #tpu.memory_space<hbm>>
    %dma_wait3A_205 = arith.constant 0 : i32
    %dma_wait3A_206 = arith.constant 0 : i32
    %dma_wait3A_207 = tpu.memref_slice %arg9[%dma_wait3A_196, %dma_wait3A_205, %dma_wait3A_206] : memref<2x128x128xf32, #tpu.memory_space<vmem>> -> memref<1x128x128xf32, #tpu.memory_space<vmem>>
    %dma_wait3A_208 = tpu.memref_squeeze %dma_wait3A_207 : memref<1x128x128xf32, #tpu.memory_space<vmem>> -> memref<128x128xf32, #tpu.memory_space<vmem>>
    tpu.wait_dma2 semaphore(%arg14 : memref<!tpu.dma_semaphore, #tpu.memory_space<semaphore_mem>>) src(%dma_wait3A_208 : memref<128x128xf32, #tpu.memory_space<vmem>>) dst(%dma_wait3A_204 : memref<128x128xf32, #tpu.memory_space<hbm>>)
    %dma_start3A_209 = arith.constant 4 : i32
    %dma_start3A_210 = arith.constant 0 : i32
    %dma_start3A_211 = arith.constant 0 : i32
    %dma_start3A_212 = arith.constant 0 : i32
    %dma_start3A_213 = tpu.memref_slice %arg9[%dma_start3A_210, %dma_start3A_211, %dma_start3A_212] : memref<2x128x128xf32, #tpu.memory_space<vmem>> -> memref<1x128x128xf32, #tpu.memory_space<vmem>>
    %dma_start3A_214 = tpu.memref_squeeze %dma_start3A_213 : memref<1x128x128xf32, #tpu.memory_space<vmem>> -> memref<128x128xf32, #tpu.memory_space<vmem>>
    %dma_start3A_215 = arith.constant 0 : i32
    %dma_start3A_216 = tpu.memref_slice %arg7[%dma_start3A_209, %dma_start3A_215] : memref<86x128xi32, #tpu.memory_space<vmem>> -> memref<1x128xi32, #tpu.memory_space<vmem>>
    %dma_start3A_217 = tpu.memref_squeeze %dma_start3A_216 : memref<1x128xi32, #tpu.memory_space<vmem>> -> memref<128xi32, #tpu.memory_space<vmem>>
    %dma_start3A_218 = arith.constant 0 : i32
    %dma_start3A_219 = arith.constant 0 : i32
    %dma_start3A_220 = tpu.memref_slice %arg2[%dma_start3A_218, %dma_start3A_219] : memref<500000x128xf32, #tpu.memory_space<hbm>> -> memref<500000x128xf32, #tpu.memory_space<hbm>>
    tpu.enqueue_indirect_dma source(%dma_start3A_220 : memref<500000x128xf32, #tpu.memory_space<hbm>>) target(%dma_start3A_214 : memref<128x128xf32, #tpu.memory_space<vmem>>) offsets(%dma_start3A_217 : memref<128xi32, #tpu.memory_space<vmem>>) semaphore(%arg11 : memref<!tpu.dma_semaphore, #tpu.memory_space<semaphore_mem>>)
    %dma_start3A_221 = arith.constant 5 : i32
    %dma_start3A_222 = arith.constant 1 : i32
    %dma_start3A_223 = arith.constant 0 : i32
    %dma_start3A_224 = arith.constant 0 : i32
    %dma_start3A_225 = tpu.memref_slice %arg9[%dma_start3A_222, %dma_start3A_223, %dma_start3A_224] : memref<2x128x128xf32, #tpu.memory_space<vmem>> -> memref<1x128x128xf32, #tpu.memory_space<vmem>>
    %dma_start3A_226 = tpu.memref_squeeze %dma_start3A_225 : memref<1x128x128xf32, #tpu.memory_space<vmem>> -> memref<128x128xf32, #tpu.memory_space<vmem>>
    %dma_start3A_227 = arith.constant 0 : i32
    %dma_start3A_228 = tpu.memref_slice %arg7[%dma_start3A_221, %dma_start3A_227] : memref<86x128xi32, #tpu.memory_space<vmem>> -> memref<1x128xi32, #tpu.memory_space<vmem>>
    %dma_start3A_229 = tpu.memref_squeeze %dma_start3A_228 : memref<1x128xi32, #tpu.memory_space<vmem>> -> memref<128xi32, #tpu.memory_space<vmem>>
    %dma_start3A_230 = arith.constant 0 : i32
    %dma_start3A_231 = arith.constant 0 : i32
    %dma_start3A_232 = tpu.memref_slice %arg2[%dma_start3A_230, %dma_start3A_231] : memref<500000x128xf32, #tpu.memory_space<hbm>> -> memref<500000x128xf32, #tpu.memory_space<hbm>>
    tpu.enqueue_indirect_dma source(%dma_start3A_232 : memref<500000x128xf32, #tpu.memory_space<hbm>>) target(%dma_start3A_226 : memref<128x128xf32, #tpu.memory_space<vmem>>) offsets(%dma_start3A_229 : memref<128xi32, #tpu.memory_space<vmem>>) semaphore(%arg12 : memref<!tpu.dma_semaphore, #tpu.memory_space<semaphore_mem>>)
    %iota3A = tpu.iota {dimensions = array<i32: 0>} : vector<16xi32>
    %dma_wait3A_233 = arith.constant 0 : i32
    %dma_wait3A_234 = arith.constant 0 : i32
    %dma_wait3A_235 = arith.constant 0 : i32
    %dma_wait3A_236 = arith.constant 0 : i32
    %dma_wait3A_237 = tpu.memref_slice %arg9[%dma_wait3A_234, %dma_wait3A_235, %dma_wait3A_236] : memref<2x128x128xf32, #tpu.memory_space<vmem>> -> memref<1x128x128xf32, #tpu.memory_space<vmem>>
    %dma_wait3A_238 = tpu.memref_squeeze %dma_wait3A_237 : memref<1x128x128xf32, #tpu.memory_space<vmem>> -> memref<128x128xf32, #tpu.memory_space<vmem>>
    %dma_wait3A_239 = arith.constant 0 : i32
    %dma_wait3A_240 = tpu.memref_slice %arg7[%dma_wait3A_233, %dma_wait3A_239] : memref<86x128xi32, #tpu.memory_space<vmem>> -> memref<1x128xi32, #tpu.memory_space<vmem>>
    %dma_wait3A_241 = tpu.memref_squeeze %dma_wait3A_240 : memref<1x128xi32, #tpu.memory_space<vmem>> -> memref<128xi32, #tpu.memory_space<vmem>>
    %dma_wait3A_242 = arith.constant 0 : i32
    %dma_wait3A_243 = arith.constant 0 : i32
    %dma_wait3A_244 = tpu.memref_slice %arg2[%dma_wait3A_242, %dma_wait3A_243] : memref<500000x128xf32, #tpu.memory_space<hbm>> -> memref<500000x128xf32, #tpu.memory_space<hbm>>
    tpu.wait_indirect_dma semaphore(%arg11 : memref<!tpu.dma_semaphore, #tpu.memory_space<semaphore_mem>>) src(%dma_wait3A_244 : memref<500000x128xf32, #tpu.memory_space<hbm>>) dst(%dma_wait3A_238 : memref<128x128xf32, #tpu.memory_space<vmem>>)
    %broadcast_in_dim3A = arith.constant 4 : i32
    %broadcast_in_dim3A_245 = vector.broadcast %broadcast_in_dim3A : i32 to vector<16xi32>
    %parallel_loop3A = arith.constant 0 : i32
    %parallel_loop3A_246 = arith.constant 128 : i32
    %parallel_loop3A_247 = arith.constant 1 : i32
    %parallel_loop3A_248 = arith.constant 0 : i32
    scf.for %parallel_loop3A_381 = %parallel_loop3A to %parallel_loop3A_246 step %parallel_loop3A_247  : i32 {
      %parallel_loop3A_382 = vector.broadcast %parallel_loop3A_381 : i32 to vector<16xi32>
      %parallel_loop3A_383 = tpu.vector_load_idx %arg8[%broadcast_in_dim3A_245, %parallel_loop3A_382] : memref<86x128xi32, #tpu.memory_space<vmem>>[vector<16xi32>, vector<16xi32>], vector<16xi32>,
      %parallel_loop3A_384 = arith.constant 0 : i32
      %parallel_loop3A_385 = vector.broadcast %parallel_loop3A_384 : i32 to vector<16xi32>
      %parallel_loop3A_386 = arith.addi %iota3A, %parallel_loop3A_385 : vector<16xi32>
      %parallel_loop3A_387 = arith.addi %parallel_loop3A_383, %parallel_loop3A_386 : vector<16xi32>
      %parallel_loop3A_388 = arith.constant 0 : i32
      %parallel_loop3A_389 = arith.constant 0 : i32
      %parallel_loop3A_390 = tpu.memref_slice %arg9[%parallel_loop3A_248, %parallel_loop3A_388, %parallel_loop3A_389] : memref<2x128x128xf32, #tpu.memory_space<vmem>> -> memref<1x128x128xf32, #tpu.memory_space<vmem>>
      %parallel_loop3A_391 = tpu.memref_squeeze %parallel_loop3A_390 : memref<1x128x128xf32, #tpu.memory_space<vmem>> -> memref<128x128xf32, #tpu.memory_space<vmem>>
      %parallel_loop3A_392 = tpu.vector_load_idx %parallel_loop3A_391[%parallel_loop3A_382, %parallel_loop3A_387] : memref<128x128xf32, #tpu.memory_space<vmem>>[vector<16xi32>, vector<16xi32>], vector<16xf32>,
      %parallel_loop3A_393 = arith.constant 0 : i32
      %parallel_loop3A_394 = arith.addi %parallel_loop3A_393, %parallel_loop3A_381 : i32
      %parallel_loop3A_395 = arith.index_cast %parallel_loop3A_394 : i32 to index
      %parallel_loop3A_396 = arith.constant 0 : index
      %parallel_loop3A_397 = tpu.vector_load %arg10[%parallel_loop3A_395, %parallel_loop3A_396] {strides = array<i32>} : memref<512x64xf32, #tpu.memory_space<vmem>>, vector<16xf32>,
      tpu.vector_store %arg10[%parallel_loop3A_395, %parallel_loop3A_396], %parallel_loop3A_392 {strides = array<i32>} : memref<512x64xf32, #tpu.memory_space<vmem>>, vector<16xf32>,
      %parallel_loop3A_398 = arith.constant 16 : i32
      %parallel_loop3A_399 = vector.broadcast %parallel_loop3A_398 : i32 to vector<16xi32>
      %parallel_loop3A_400 = arith.addi %iota3A, %parallel_loop3A_399 : vector<16xi32>
      %parallel_loop3A_401 = arith.addi %parallel_loop3A_383, %parallel_loop3A_400 : vector<16xi32>
      %parallel_loop3A_402 = arith.constant 0 : i32
      %parallel_loop3A_403 = arith.constant 0 : i32
      %parallel_loop3A_404 = tpu.memref_slice %arg9[%parallel_loop3A_248, %parallel_loop3A_402, %parallel_loop3A_403] : memref<2x128x128xf32, #tpu.memory_space<vmem>> -> memref<1x128x128xf32, #tpu.memory_space<vmem>>
      %parallel_loop3A_405 = tpu.memref_squeeze %parallel_loop3A_404 : memref<1x128x128xf32, #tpu.memory_space<vmem>> -> memref<128x128xf32, #tpu.memory_space<vmem>>
      %parallel_loop3A_406 = tpu.vector_load_idx %parallel_loop3A_405[%parallel_loop3A_382, %parallel_loop3A_401] : memref<128x128xf32, #tpu.memory_space<vmem>>[vector<16xi32>, vector<16xi32>], vector<16xf32>,
      %parallel_loop3A_407 = arith.constant 0 : i32
      %parallel_loop3A_408 = arith.addi %parallel_loop3A_407, %parallel_loop3A_381 : i32
      %parallel_loop3A_409 = arith.index_cast %parallel_loop3A_408 : i32 to index
      %parallel_loop3A_410 = arith.constant 16 : index
      %parallel_loop3A_411 = tpu.vector_load %arg10[%parallel_loop3A_409, %parallel_loop3A_410] {strides = array<i32>} : memref<512x64xf32, #tpu.memory_space<vmem>>, vector<16xf32>,
      tpu.vector_store %arg10[%parallel_loop3A_409, %parallel_loop3A_410], %parallel_loop3A_406 {strides = array<i32>} : memref<512x64xf32, #tpu.memory_space<vmem>>, vector<16xf32>,
      %parallel_loop3A_412 = arith.constant 32 : i32
      %parallel_loop3A_413 = vector.broadcast %parallel_loop3A_412 : i32 to vector<16xi32>
      %parallel_loop3A_414 = arith.addi %iota3A, %parallel_loop3A_413 : vector<16xi32>
      %parallel_loop3A_415 = arith.addi %parallel_loop3A_383, %parallel_loop3A_414 : vector<16xi32>
      %parallel_loop3A_416 = arith.constant 0 : i32
      %parallel_loop3A_417 = arith.constant 0 : i32
      %parallel_loop3A_418 = tpu.memref_slice %arg9[%parallel_loop3A_248, %parallel_loop3A_416, %parallel_loop3A_417] : memref<2x128x128xf32, #tpu.memory_space<vmem>> -> memref<1x128x128xf32, #tpu.memory_space<vmem>>
      %parallel_loop3A_419 = tpu.memref_squeeze %parallel_loop3A_418 : memref<1x128x128xf32, #tpu.memory_space<vmem>> -> memref<128x128xf32, #tpu.memory_space<vmem>>
      %parallel_loop3A_420 = tpu.vector_load_idx %parallel_loop3A_419[%parallel_loop3A_382, %parallel_loop3A_415] : memref<128x128xf32, #tpu.memory_space<vmem>>[vector<16xi32>, vector<16xi32>], vector<16xf32>,
      %parallel_loop3A_421 = arith.constant 0 : i32
      %parallel_loop3A_422 = arith.addi %parallel_loop3A_421, %parallel_loop3A_381 : i32
      %parallel_loop3A_423 = arith.index_cast %parallel_loop3A_422 : i32 to index
      %parallel_loop3A_424 = arith.constant 32 : index
      %parallel_loop3A_425 = tpu.vector_load %arg10[%parallel_loop3A_423, %parallel_loop3A_424] {strides = array<i32>} : memref<512x64xf32, #tpu.memory_space<vmem>>, vector<16xf32>,
      tpu.vector_store %arg10[%parallel_loop3A_423, %parallel_loop3A_424], %parallel_loop3A_420 {strides = array<i32>} : memref<512x64xf32, #tpu.memory_space<vmem>>, vector<16xf32>,
      %parallel_loop3A_426 = arith.constant 48 : i32
      %parallel_loop3A_427 = vector.broadcast %parallel_loop3A_426 : i32 to vector<16xi32>
      %parallel_loop3A_428 = arith.addi %iota3A, %parallel_loop3A_427 : vector<16xi32>
      %parallel_loop3A_429 = arith.addi %parallel_loop3A_383, %parallel_loop3A_428 : vector<16xi32>
      %parallel_loop3A_430 = arith.constant 0 : i32
      %parallel_loop3A_431 = arith.constant 0 : i32
      %parallel_loop3A_432 = tpu.memref_slice %arg9[%parallel_loop3A_248, %parallel_loop3A_430, %parallel_loop3A_431] : memref<2x128x128xf32, #tpu.memory_space<vmem>> -> memref<1x128x128xf32, #tpu.memory_space<vmem>>
      %parallel_loop3A_433 = tpu.memref_squeeze %parallel_loop3A_432 : memref<1x128x128xf32, #tpu.memory_space<vmem>> -> memref<128x128xf32, #tpu.memory_space<vmem>>
      %parallel_loop3A_434 = tpu.vector_load_idx %parallel_loop3A_433[%parallel_loop3A_382, %parallel_loop3A_429] : memref<128x128xf32, #tpu.memory_space<vmem>>[vector<16xi32>, vector<16xi32>], vector<16xf32>,
      %parallel_loop3A_435 = arith.constant 0 : i32
      %parallel_loop3A_436 = arith.addi %parallel_loop3A_435, %parallel_loop3A_381 : i32
      %parallel_loop3A_437 = arith.index_cast %parallel_loop3A_436 : i32 to index
      %parallel_loop3A_438 = arith.constant 48 : index
      %parallel_loop3A_439 = tpu.vector_load %arg10[%parallel_loop3A_437, %parallel_loop3A_438] {strides = array<i32>} : memref<512x64xf32, #tpu.memory_space<vmem>>, vector<16xf32>,
      tpu.vector_store %arg10[%parallel_loop3A_437, %parallel_loop3A_438], %parallel_loop3A_434 {strides = array<i32>} : memref<512x64xf32, #tpu.memory_space<vmem>>, vector<16xf32>,
    } {sc.loop_unroll_factor = 8 : i64, sc.parallel_access}
    %dma_start3A_249 = arith.constant 6 : i32
    %dma_start3A_250 = arith.constant 0 : i32
    %dma_start3A_251 = arith.constant 0 : i32
    %dma_start3A_252 = arith.constant 0 : i32
    %dma_start3A_253 = tpu.memref_slice %arg9[%dma_start3A_250, %dma_start3A_251, %dma_start3A_252] : memref<2x128x128xf32, #tpu.memory_space<vmem>> -> memref<1x128x128xf32, #tpu.memory_space<vmem>>
    %dma_start3A_254 = tpu.memref_squeeze %dma_start3A_253 : memref<1x128x128xf32, #tpu.memory_space<vmem>> -> memref<128x128xf32, #tpu.memory_space<vmem>>
    %dma_start3A_255 = arith.constant 0 : i32
    %dma_start3A_256 = tpu.memref_slice %arg7[%dma_start3A_249, %dma_start3A_255] : memref<86x128xi32, #tpu.memory_space<vmem>> -> memref<1x128xi32, #tpu.memory_space<vmem>>
    %dma_start3A_257 = tpu.memref_squeeze %dma_start3A_256 : memref<1x128xi32, #tpu.memory_space<vmem>> -> memref<128xi32, #tpu.memory_space<vmem>>
    %dma_start3A_258 = arith.constant 0 : i32
    %dma_start3A_259 = arith.constant 0 : i32
    %dma_start3A_260 = tpu.memref_slice %arg2[%dma_start3A_258, %dma_start3A_259] : memref<500000x128xf32, #tpu.memory_space<hbm>> -> memref<500000x128xf32, #tpu.memory_space<hbm>>
    tpu.enqueue_indirect_dma source(%dma_start3A_260 : memref<500000x128xf32, #tpu.memory_space<hbm>>) target(%dma_start3A_254 : memref<128x128xf32, #tpu.memory_space<vmem>>) offsets(%dma_start3A_257 : memref<128xi32, #tpu.memory_space<vmem>>) semaphore(%arg11 : memref<!tpu.dma_semaphore, #tpu.memory_space<semaphore_mem>>)
    %dma_wait3A_261 = arith.constant 0 : i32
    %dma_wait3A_262 = arith.constant 1 : i32
    %dma_wait3A_263 = arith.constant 0 : i32
    %dma_wait3A_264 = arith.constant 0 : i32
    %dma_wait3A_265 = tpu.memref_slice %arg9[%dma_wait3A_262, %dma_wait3A_263, %dma_wait3A_264] : memref<2x128x128xf32, #tpu.memory_space<vmem>> -> memref<1x128x128xf32, #tpu.memory_space<vmem>>
    %dma_wait3A_266 = tpu.memref_squeeze %dma_wait3A_265 : memref<1x128x128xf32, #tpu.memory_space<vmem>> -> memref<128x128xf32, #tpu.memory_space<vmem>>
    %dma_wait3A_267 = arith.constant 0 : i32
    %dma_wait3A_268 = tpu.memref_slice %arg7[%dma_wait3A_261, %dma_wait3A_267] : memref<86x128xi32, #tpu.memory_space<vmem>> -> memref<1x128xi32, #tpu.memory_space<vmem>>
    %dma_wait3A_269 = tpu.memref_squeeze %dma_wait3A_268 : memref<1x128xi32, #tpu.memory_space<vmem>> -> memref<128xi32, #tpu.memory_space<vmem>>
    %dma_wait3A_270 = arith.constant 0 : i32
    %dma_wait3A_271 = arith.constant 0 : i32
    %dma_wait3A_272 = tpu.memref_slice %arg2[%dma_wait3A_270, %dma_wait3A_271] : memref<500000x128xf32, #tpu.memory_space<hbm>> -> memref<500000x128xf32, #tpu.memory_space<hbm>>
    tpu.wait_indirect_dma semaphore(%arg12 : memref<!tpu.dma_semaphore, #tpu.memory_space<semaphore_mem>>) src(%dma_wait3A_272 : memref<500000x128xf32, #tpu.memory_space<hbm>>) dst(%dma_wait3A_266 : memref<128x128xf32, #tpu.memory_space<vmem>>)
    %broadcast_in_dim3A_273 = arith.constant 5 : i32
    %broadcast_in_dim3A_274 = vector.broadcast %broadcast_in_dim3A_273 : i32 to vector<16xi32>
    %parallel_loop3A_275 = arith.constant 0 : i32
    %parallel_loop3A_276 = arith.constant 128 : i32
    %parallel_loop3A_277 = arith.constant 1 : i32
    %parallel_loop3A_278 = arith.constant 1 : i32
    scf.for %parallel_loop3A_381 = %parallel_loop3A_275 to %parallel_loop3A_276 step %parallel_loop3A_277  : i32 {
      %parallel_loop3A_382 = vector.broadcast %parallel_loop3A_381 : i32 to vector<16xi32>
      %parallel_loop3A_383 = tpu.vector_load_idx %arg8[%broadcast_in_dim3A_274, %parallel_loop3A_382] : memref<86x128xi32, #tpu.memory_space<vmem>>[vector<16xi32>, vector<16xi32>], vector<16xi32>,
      %parallel_loop3A_384 = arith.constant 0 : i32
      %parallel_loop3A_385 = vector.broadcast %parallel_loop3A_384 : i32 to vector<16xi32>
      %parallel_loop3A_386 = arith.addi %iota3A, %parallel_loop3A_385 : vector<16xi32>
      %parallel_loop3A_387 = arith.addi %parallel_loop3A_383, %parallel_loop3A_386 : vector<16xi32>
      %parallel_loop3A_388 = arith.constant 0 : i32
      %parallel_loop3A_389 = arith.constant 0 : i32
      %parallel_loop3A_390 = tpu.memref_slice %arg9[%parallel_loop3A_278, %parallel_loop3A_388, %parallel_loop3A_389] : memref<2x128x128xf32, #tpu.memory_space<vmem>> -> memref<1x128x128xf32, #tpu.memory_space<vmem>>
      %parallel_loop3A_391 = tpu.memref_squeeze %parallel_loop3A_390 : memref<1x128x128xf32, #tpu.memory_space<vmem>> -> memref<128x128xf32, #tpu.memory_space<vmem>>
      %parallel_loop3A_392 = tpu.vector_load_idx %parallel_loop3A_391[%parallel_loop3A_382, %parallel_loop3A_387] : memref<128x128xf32, #tpu.memory_space<vmem>>[vector<16xi32>, vector<16xi32>], vector<16xf32>,
      %parallel_loop3A_393 = arith.constant 128 : i32
      %parallel_loop3A_394 = arith.addi %parallel_loop3A_393, %parallel_loop3A_381 : i32
      %parallel_loop3A_395 = arith.index_cast %parallel_loop3A_394 : i32 to index
      %parallel_loop3A_396 = arith.constant 0 : index
      %parallel_loop3A_397 = tpu.vector_load %arg10[%parallel_loop3A_395, %parallel_loop3A_396] {strides = array<i32>} : memref<512x64xf32, #tpu.memory_space<vmem>>, vector<16xf32>,
      tpu.vector_store %arg10[%parallel_loop3A_395, %parallel_loop3A_396], %parallel_loop3A_392 {strides = array<i32>} : memref<512x64xf32, #tpu.memory_space<vmem>>, vector<16xf32>,
      %parallel_loop3A_398 = arith.constant 16 : i32
      %parallel_loop3A_399 = vector.broadcast %parallel_loop3A_398 : i32 to vector<16xi32>
      %parallel_loop3A_400 = arith.addi %iota3A, %parallel_loop3A_399 : vector<16xi32>
      %parallel_loop3A_401 = arith.addi %parallel_loop3A_383, %parallel_loop3A_400 : vector<16xi32>
      %parallel_loop3A_402 = arith.constant 0 : i32
      %parallel_loop3A_403 = arith.constant 0 : i32
      %parallel_loop3A_404 = tpu.memref_slice %arg9[%parallel_loop3A_278, %parallel_loop3A_402, %parallel_loop3A_403] : memref<2x128x128xf32, #tpu.memory_space<vmem>> -> memref<1x128x128xf32, #tpu.memory_space<vmem>>
      %parallel_loop3A_405 = tpu.memref_squeeze %parallel_loop3A_404 : memref<1x128x128xf32, #tpu.memory_space<vmem>> -> memref<128x128xf32, #tpu.memory_space<vmem>>
      %parallel_loop3A_406 = tpu.vector_load_idx %parallel_loop3A_405[%parallel_loop3A_382, %parallel_loop3A_401] : memref<128x128xf32, #tpu.memory_space<vmem>>[vector<16xi32>, vector<16xi32>], vector<16xf32>,
      %parallel_loop3A_407 = arith.constant 128 : i32
      %parallel_loop3A_408 = arith.addi %parallel_loop3A_407, %parallel_loop3A_381 : i32
      %parallel_loop3A_409 = arith.index_cast %parallel_loop3A_408 : i32 to index
      %parallel_loop3A_410 = arith.constant 16 : index
      %parallel_loop3A_411 = tpu.vector_load %arg10[%parallel_loop3A_409, %parallel_loop3A_410] {strides = array<i32>} : memref<512x64xf32, #tpu.memory_space<vmem>>, vector<16xf32>,
      tpu.vector_store %arg10[%parallel_loop3A_409, %parallel_loop3A_410], %parallel_loop3A_406 {strides = array<i32>} : memref<512x64xf32, #tpu.memory_space<vmem>>, vector<16xf32>,
      %parallel_loop3A_412 = arith.constant 32 : i32
      %parallel_loop3A_413 = vector.broadcast %parallel_loop3A_412 : i32 to vector<16xi32>
      %parallel_loop3A_414 = arith.addi %iota3A, %parallel_loop3A_413 : vector<16xi32>
      %parallel_loop3A_415 = arith.addi %parallel_loop3A_383, %parallel_loop3A_414 : vector<16xi32>
      %parallel_loop3A_416 = arith.constant 0 : i32
      %parallel_loop3A_417 = arith.constant 0 : i32
      %parallel_loop3A_418 = tpu.memref_slice %arg9[%parallel_loop3A_278, %parallel_loop3A_416, %parallel_loop3A_417] : memref<2x128x128xf32, #tpu.memory_space<vmem>> -> memref<1x128x128xf32, #tpu.memory_space<vmem>>
      %parallel_loop3A_419 = tpu.memref_squeeze %parallel_loop3A_418 : memref<1x128x128xf32, #tpu.memory_space<vmem>> -> memref<128x128xf32, #tpu.memory_space<vmem>>
      %parallel_loop3A_420 = tpu.vector_load_idx %parallel_loop3A_419[%parallel_loop3A_382, %parallel_loop3A_415] : memref<128x128xf32, #tpu.memory_space<vmem>>[vector<16xi32>, vector<16xi32>], vector<16xf32>,
      %parallel_loop3A_421 = arith.constant 128 : i32
      %parallel_loop3A_422 = arith.addi %parallel_loop3A_421, %parallel_loop3A_381 : i32
      %parallel_loop3A_423 = arith.index_cast %parallel_loop3A_422 : i32 to index
      %parallel_loop3A_424 = arith.constant 32 : index
      %parallel_loop3A_425 = tpu.vector_load %arg10[%parallel_loop3A_423, %parallel_loop3A_424] {strides = array<i32>} : memref<512x64xf32, #tpu.memory_space<vmem>>, vector<16xf32>,
      tpu.vector_store %arg10[%parallel_loop3A_423, %parallel_loop3A_424], %parallel_loop3A_420 {strides = array<i32>} : memref<512x64xf32, #tpu.memory_space<vmem>>, vector<16xf32>,
      %parallel_loop3A_426 = arith.constant 48 : i32
      %parallel_loop3A_427 = vector.broadcast %parallel_loop3A_426 : i32 to vector<16xi32>
      %parallel_loop3A_428 = arith.addi %iota3A, %parallel_loop3A_427 : vector<16xi32>
      %parallel_loop3A_429 = arith.addi %parallel_loop3A_383, %parallel_loop3A_428 : vector<16xi32>
      %parallel_loop3A_430 = arith.constant 0 : i32
      %parallel_loop3A_431 = arith.constant 0 : i32
      %parallel_loop3A_432 = tpu.memref_slice %arg9[%parallel_loop3A_278, %parallel_loop3A_430, %parallel_loop3A_431] : memref<2x128x128xf32, #tpu.memory_space<vmem>> -> memref<1x128x128xf32, #tpu.memory_space<vmem>>
      %parallel_loop3A_433 = tpu.memref_squeeze %parallel_loop3A_432 : memref<1x128x128xf32, #tpu.memory_space<vmem>> -> memref<128x128xf32, #tpu.memory_space<vmem>>
      %parallel_loop3A_434 = tpu.vector_load_idx %parallel_loop3A_433[%parallel_loop3A_382, %parallel_loop3A_429] : memref<128x128xf32, #tpu.memory_space<vmem>>[vector<16xi32>, vector<16xi32>], vector<16xf32>,
      %parallel_loop3A_435 = arith.constant 128 : i32
      %parallel_loop3A_436 = arith.addi %parallel_loop3A_435, %parallel_loop3A_381 : i32
      %parallel_loop3A_437 = arith.index_cast %parallel_loop3A_436 : i32 to index
      %parallel_loop3A_438 = arith.constant 48 : index
      %parallel_loop3A_439 = tpu.vector_load %arg10[%parallel_loop3A_437, %parallel_loop3A_438] {strides = array<i32>} : memref<512x64xf32, #tpu.memory_space<vmem>>, vector<16xf32>,
      tpu.vector_store %arg10[%parallel_loop3A_437, %parallel_loop3A_438], %parallel_loop3A_434 {strides = array<i32>} : memref<512x64xf32, #tpu.memory_space<vmem>>, vector<16xf32>,
    } {sc.loop_unroll_factor = 8 : i64, sc.parallel_access}
    %dma_start3A_279 = arith.constant 7 : i32
    %dma_start3A_280 = arith.constant 1 : i32
    %dma_start3A_281 = arith.constant 0 : i32
    %dma_start3A_282 = arith.constant 0 : i32
    %dma_start3A_283 = tpu.memref_slice %arg9[%dma_start3A_280, %dma_start3A_281, %dma_start3A_282] : memref<2x128x128xf32, #tpu.memory_space<vmem>> -> memref<1x128x128xf32, #tpu.memory_space<vmem>>
    %dma_start3A_284 = tpu.memref_squeeze %dma_start3A_283 : memref<1x128x128xf32, #tpu.memory_space<vmem>> -> memref<128x128xf32, #tpu.memory_space<vmem>>
    %dma_start3A_285 = arith.constant 0 : i32
    %dma_start3A_286 = tpu.memref_slice %arg7[%dma_start3A_279, %dma_start3A_285] : memref<86x128xi32, #tpu.memory_space<vmem>> -> memref<1x128xi32, #tpu.memory_space<vmem>>
    %dma_start3A_287 = tpu.memref_squeeze %dma_start3A_286 : memref<1x128xi32, #tpu.memory_space<vmem>> -> memref<128xi32, #tpu.memory_space<vmem>>
    %dma_start3A_288 = arith.constant 0 : i32
    %dma_start3A_289 = arith.constant 0 : i32
    %dma_start3A_290 = tpu.memref_slice %arg2[%dma_start3A_288, %dma_start3A_289] : memref<500000x128xf32, #tpu.memory_space<hbm>> -> memref<500000x128xf32, #tpu.memory_space<hbm>>
    tpu.enqueue_indirect_dma source(%dma_start3A_290 : memref<500000x128xf32, #tpu.memory_space<hbm>>) target(%dma_start3A_284 : memref<128x128xf32, #tpu.memory_space<vmem>>) offsets(%dma_start3A_287 : memref<128xi32, #tpu.memory_space<vmem>>) semaphore(%arg12 : memref<!tpu.dma_semaphore, #tpu.memory_space<semaphore_mem>>)
    %dma_wait3A_291 = arith.constant 0 : i32
    %dma_wait3A_292 = arith.constant 0 : i32
    %dma_wait3A_293 = arith.constant 0 : i32
    %dma_wait3A_294 = arith.constant 0 : i32
    %dma_wait3A_295 = tpu.memref_slice %arg9[%dma_wait3A_292, %dma_wait3A_293, %dma_wait3A_294] : memref<2x128x128xf32, #tpu.memory_space<vmem>> -> memref<1x128x128xf32, #tpu.memory_space<vmem>>
    %dma_wait3A_296 = tpu.memref_squeeze %dma_wait3A_295 : memref<1x128x128xf32, #tpu.memory_space<vmem>> -> memref<128x128xf32, #tpu.memory_space<vmem>>
    %dma_wait3A_297 = arith.constant 0 : i32
    %dma_wait3A_298 = tpu.memref_slice %arg7[%dma_wait3A_291, %dma_wait3A_297] : memref<86x128xi32, #tpu.memory_space<vmem>> -> memref<1x128xi32, #tpu.memory_space<vmem>>
    %dma_wait3A_299 = tpu.memref_squeeze %dma_wait3A_298 : memref<1x128xi32, #tpu.memory_space<vmem>> -> memref<128xi32, #tpu.memory_space<vmem>>
    %dma_wait3A_300 = arith.constant 0 : i32
    %dma_wait3A_301 = arith.constant 0 : i32
    %dma_wait3A_302 = tpu.memref_slice %arg2[%dma_wait3A_300, %dma_wait3A_301] : memref<500000x128xf32, #tpu.memory_space<hbm>> -> memref<500000x128xf32, #tpu.memory_space<hbm>>
    tpu.wait_indirect_dma semaphore(%arg11 : memref<!tpu.dma_semaphore, #tpu.memory_space<semaphore_mem>>) src(%dma_wait3A_302 : memref<500000x128xf32, #tpu.memory_space<hbm>>) dst(%dma_wait3A_296 : memref<128x128xf32, #tpu.memory_space<vmem>>)
    %broadcast_in_dim3A_303 = arith.constant 6 : i32
    %broadcast_in_dim3A_304 = vector.broadcast %broadcast_in_dim3A_303 : i32 to vector<16xi32>
    %parallel_loop3A_305 = arith.constant 0 : i32
    %parallel_loop3A_306 = arith.constant 128 : i32
    %parallel_loop3A_307 = arith.constant 1 : i32
    %parallel_loop3A_308 = arith.constant 0 : i32
    scf.for %parallel_loop3A_381 = %parallel_loop3A_305 to %parallel_loop3A_306 step %parallel_loop3A_307  : i32 {
      %parallel_loop3A_382 = vector.broadcast %parallel_loop3A_381 : i32 to vector<16xi32>
      %parallel_loop3A_383 = tpu.vector_load_idx %arg8[%broadcast_in_dim3A_304, %parallel_loop3A_382] : memref<86x128xi32, #tpu.memory_space<vmem>>[vector<16xi32>, vector<16xi32>], vector<16xi32>,
      %parallel_loop3A_384 = arith.constant 0 : i32
      %parallel_loop3A_385 = vector.broadcast %parallel_loop3A_384 : i32 to vector<16xi32>
      %parallel_loop3A_386 = arith.addi %iota3A, %parallel_loop3A_385 : vector<16xi32>
      %parallel_loop3A_387 = arith.addi %parallel_loop3A_383, %parallel_loop3A_386 : vector<16xi32>
      %parallel_loop3A_388 = arith.constant 0 : i32
      %parallel_loop3A_389 = arith.constant 0 : i32
      %parallel_loop3A_390 = tpu.memref_slice %arg9[%parallel_loop3A_308, %parallel_loop3A_388, %parallel_loop3A_389] : memref<2x128x128xf32, #tpu.memory_space<vmem>> -> memref<1x128x128xf32, #tpu.memory_space<vmem>>
      %parallel_loop3A_391 = tpu.memref_squeeze %parallel_loop3A_390 : memref<1x128x128xf32, #tpu.memory_space<vmem>> -> memref<128x128xf32, #tpu.memory_space<vmem>>
      %parallel_loop3A_392 = tpu.vector_load_idx %parallel_loop3A_391[%parallel_loop3A_382, %parallel_loop3A_387] : memref<128x128xf32, #tpu.memory_space<vmem>>[vector<16xi32>, vector<16xi32>], vector<16xf32>,
      %parallel_loop3A_393 = arith.constant 256 : i32
      %parallel_loop3A_394 = arith.addi %parallel_loop3A_393, %parallel_loop3A_381 : i32
      %parallel_loop3A_395 = arith.index_cast %parallel_loop3A_394 : i32 to index
      %parallel_loop3A_396 = arith.constant 0 : index
      %parallel_loop3A_397 = tpu.vector_load %arg10[%parallel_loop3A_395, %parallel_loop3A_396] {strides = array<i32>} : memref<512x64xf32, #tpu.memory_space<vmem>>, vector<16xf32>,
      tpu.vector_store %arg10[%parallel_loop3A_395, %parallel_loop3A_396], %parallel_loop3A_392 {strides = array<i32>} : memref<512x64xf32, #tpu.memory_space<vmem>>, vector<16xf32>,
      %parallel_loop3A_398 = arith.constant 16 : i32
      %parallel_loop3A_399 = vector.broadcast %parallel_loop3A_398 : i32 to vector<16xi32>
      %parallel_loop3A_400 = arith.addi %iota3A, %parallel_loop3A_399 : vector<16xi32>
      %parallel_loop3A_401 = arith.addi %parallel_loop3A_383, %parallel_loop3A_400 : vector<16xi32>
      %parallel_loop3A_402 = arith.constant 0 : i32
      %parallel_loop3A_403 = arith.constant 0 : i32
      %parallel_loop3A_404 = tpu.memref_slice %arg9[%parallel_loop3A_308, %parallel_loop3A_402, %parallel_loop3A_403] : memref<2x128x128xf32, #tpu.memory_space<vmem>> -> memref<1x128x128xf32, #tpu.memory_space<vmem>>
      %parallel_loop3A_405 = tpu.memref_squeeze %parallel_loop3A_404 : memref<1x128x128xf32, #tpu.memory_space<vmem>> -> memref<128x128xf32, #tpu.memory_space<vmem>>
      %parallel_loop3A_406 = tpu.vector_load_idx %parallel_loop3A_405[%parallel_loop3A_382, %parallel_loop3A_401] : memref<128x128xf32, #tpu.memory_space<vmem>>[vector<16xi32>, vector<16xi32>], vector<16xf32>,
      %parallel_loop3A_407 = arith.constant 256 : i32
      %parallel_loop3A_408 = arith.addi %parallel_loop3A_407, %parallel_loop3A_381 : i32
      %parallel_loop3A_409 = arith.index_cast %parallel_loop3A_408 : i32 to index
      %parallel_loop3A_410 = arith.constant 16 : index
      %parallel_loop3A_411 = tpu.vector_load %arg10[%parallel_loop3A_409, %parallel_loop3A_410] {strides = array<i32>} : memref<512x64xf32, #tpu.memory_space<vmem>>, vector<16xf32>,
      tpu.vector_store %arg10[%parallel_loop3A_409, %parallel_loop3A_410], %parallel_loop3A_406 {strides = array<i32>} : memref<512x64xf32, #tpu.memory_space<vmem>>, vector<16xf32>,
      %parallel_loop3A_412 = arith.constant 32 : i32
      %parallel_loop3A_413 = vector.broadcast %parallel_loop3A_412 : i32 to vector<16xi32>
      %parallel_loop3A_414 = arith.addi %iota3A, %parallel_loop3A_413 : vector<16xi32>
      %parallel_loop3A_415 = arith.addi %parallel_loop3A_383, %parallel_loop3A_414 : vector<16xi32>
      %parallel_loop3A_416 = arith.constant 0 : i32
      %parallel_loop3A_417 = arith.constant 0 : i32
      %parallel_loop3A_418 = tpu.memref_slice %arg9[%parallel_loop3A_308, %parallel_loop3A_416, %parallel_loop3A_417] : memref<2x128x128xf32, #tpu.memory_space<vmem>> -> memref<1x128x128xf32, #tpu.memory_space<vmem>>
      %parallel_loop3A_419 = tpu.memref_squeeze %parallel_loop3A_418 : memref<1x128x128xf32, #tpu.memory_space<vmem>> -> memref<128x128xf32, #tpu.memory_space<vmem>>
      %parallel_loop3A_420 = tpu.vector_load_idx %parallel_loop3A_419[%parallel_loop3A_382, %parallel_loop3A_415] : memref<128x128xf32, #tpu.memory_space<vmem>>[vector<16xi32>, vector<16xi32>], vector<16xf32>,
      %parallel_loop3A_421 = arith.constant 256 : i32
      %parallel_loop3A_422 = arith.addi %parallel_loop3A_421, %parallel_loop3A_381 : i32
      %parallel_loop3A_423 = arith.index_cast %parallel_loop3A_422 : i32 to index
      %parallel_loop3A_424 = arith.constant 32 : index
      %parallel_loop3A_425 = tpu.vector_load %arg10[%parallel_loop3A_423, %parallel_loop3A_424] {strides = array<i32>} : memref<512x64xf32, #tpu.memory_space<vmem>>, vector<16xf32>,
      tpu.vector_store %arg10[%parallel_loop3A_423, %parallel_loop3A_424], %parallel_loop3A_420 {strides = array<i32>} : memref<512x64xf32, #tpu.memory_space<vmem>>, vector<16xf32>,
      %parallel_loop3A_426 = arith.constant 48 : i32
      %parallel_loop3A_427 = vector.broadcast %parallel_loop3A_426 : i32 to vector<16xi32>
      %parallel_loop3A_428 = arith.addi %iota3A, %parallel_loop3A_427 : vector<16xi32>
      %parallel_loop3A_429 = arith.addi %parallel_loop3A_383, %parallel_loop3A_428 : vector<16xi32>
      %parallel_loop3A_430 = arith.constant 0 : i32
      %parallel_loop3A_431 = arith.constant 0 : i32
      %parallel_loop3A_432 = tpu.memref_slice %arg9[%parallel_loop3A_308, %parallel_loop3A_430, %parallel_loop3A_431] : memref<2x128x128xf32, #tpu.memory_space<vmem>> -> memref<1x128x128xf32, #tpu.memory_space<vmem>>
      %parallel_loop3A_433 = tpu.memref_squeeze %parallel_loop3A_432 : memref<1x128x128xf32, #tpu.memory_space<vmem>> -> memref<128x128xf32, #tpu.memory_space<vmem>>
      %parallel_loop3A_434 = tpu.vector_load_idx %parallel_loop3A_433[%parallel_loop3A_382, %parallel_loop3A_429] : memref<128x128xf32, #tpu.memory_space<vmem>>[vector<16xi32>, vector<16xi32>], vector<16xf32>,
      %parallel_loop3A_435 = arith.constant 256 : i32
      %parallel_loop3A_436 = arith.addi %parallel_loop3A_435, %parallel_loop3A_381 : i32
      %parallel_loop3A_437 = arith.index_cast %parallel_loop3A_436 : i32 to index
      %parallel_loop3A_438 = arith.constant 48 : index
      %parallel_loop3A_439 = tpu.vector_load %arg10[%parallel_loop3A_437, %parallel_loop3A_438] {strides = array<i32>} : memref<512x64xf32, #tpu.memory_space<vmem>>, vector<16xf32>,
      tpu.vector_store %arg10[%parallel_loop3A_437, %parallel_loop3A_438], %parallel_loop3A_434 {strides = array<i32>} : memref<512x64xf32, #tpu.memory_space<vmem>>, vector<16xf32>,
    } {sc.loop_unroll_factor = 8 : i64, sc.parallel_access}
    %dma_start3A_309 = arith.constant 8 : i32
    %dma_start3A_310 = arith.constant 0 : i32
    %dma_start3A_311 = arith.constant 0 : i32
    %dma_start3A_312 = arith.constant 0 : i32
    %dma_start3A_313 = tpu.memref_slice %arg9[%dma_start3A_310, %dma_start3A_311, %dma_start3A_312] : memref<2x128x128xf32, #tpu.memory_space<vmem>> -> memref<1x128x128xf32, #tpu.memory_space<vmem>>
    %dma_start3A_314 = tpu.memref_squeeze %dma_start3A_313 : memref<1x128x128xf32, #tpu.memory_space<vmem>> -> memref<128x128xf32, #tpu.memory_space<vmem>>
    %dma_start3A_315 = arith.constant 0 : i32
    %dma_start3A_316 = tpu.memref_slice %arg7[%dma_start3A_309, %dma_start3A_315] : memref<86x128xi32, #tpu.memory_space<vmem>> -> memref<1x128xi32, #tpu.memory_space<vmem>>
    %dma_start3A_317 = tpu.memref_squeeze %dma_start3A_316 : memref<1x128xi32, #tpu.memory_space<vmem>> -> memref<128xi32, #tpu.memory_space<vmem>>
    %dma_start3A_318 = arith.constant 0 : i32
    %dma_start3A_319 = arith.constant 0 : i32
    %dma_start3A_320 = tpu.memref_slice %arg2[%dma_start3A_318, %dma_start3A_319] : memref<500000x128xf32, #tpu.memory_space<hbm>> -> memref<500000x128xf32, #tpu.memory_space<hbm>>
    tpu.enqueue_indirect_dma source(%dma_start3A_320 : memref<500000x128xf32, #tpu.memory_space<hbm>>) target(%dma_start3A_314 : memref<128x128xf32, #tpu.memory_space<vmem>>) offsets(%dma_start3A_317 : memref<128xi32, #tpu.memory_space<vmem>>) semaphore(%arg11 : memref<!tpu.dma_semaphore, #tpu.memory_space<semaphore_mem>>)
    %dma_wait3A_321 = arith.constant 0 : i32
    %dma_wait3A_322 = arith.constant 1 : i32
    %dma_wait3A_323 = arith.constant 0 : i32
    %dma_wait3A_324 = arith.constant 0 : i32
    %dma_wait3A_325 = tpu.memref_slice %arg9[%dma_wait3A_322, %dma_wait3A_323, %dma_wait3A_324] : memref<2x128x128xf32, #tpu.memory_space<vmem>> -> memref<1x128x128xf32, #tpu.memory_space<vmem>>
    %dma_wait3A_326 = tpu.memref_squeeze %dma_wait3A_325 : memref<1x128x128xf32, #tpu.memory_space<vmem>> -> memref<128x128xf32, #tpu.memory_space<vmem>>
    %dma_wait3A_327 = arith.constant 0 : i32
    %dma_wait3A_328 = tpu.memref_slice %arg7[%dma_wait3A_321, %dma_wait3A_327] : memref<86x128xi32, #tpu.memory_space<vmem>> -> memref<1x128xi32, #tpu.memory_space<vmem>>
    %dma_wait3A_329 = tpu.memref_squeeze %dma_wait3A_328 : memref<1x128xi32, #tpu.memory_space<vmem>> -> memref<128xi32, #tpu.memory_space<vmem>>
    %dma_wait3A_330 = arith.constant 0 : i32
    %dma_wait3A_331 = arith.constant 0 : i32
    %dma_wait3A_332 = tpu.memref_slice %arg2[%dma_wait3A_330, %dma_wait3A_331] : memref<500000x128xf32, #tpu.memory_space<hbm>> -> memref<500000x128xf32, #tpu.memory_space<hbm>>
    tpu.wait_indirect_dma semaphore(%arg12 : memref<!tpu.dma_semaphore, #tpu.memory_space<semaphore_mem>>) src(%dma_wait3A_332 : memref<500000x128xf32, #tpu.memory_space<hbm>>) dst(%dma_wait3A_326 : memref<128x128xf32, #tpu.memory_space<vmem>>)
    %broadcast_in_dim3A_333 = arith.constant 7 : i32
    %broadcast_in_dim3A_334 = vector.broadcast %broadcast_in_dim3A_333 : i32 to vector<16xi32>
    %parallel_loop3A_335 = arith.constant 0 : i32
    %parallel_loop3A_336 = arith.constant 128 : i32
    %parallel_loop3A_337 = arith.constant 1 : i32
    %parallel_loop3A_338 = arith.constant 1 : i32
    scf.for %parallel_loop3A_381 = %parallel_loop3A_335 to %parallel_loop3A_336 step %parallel_loop3A_337  : i32 {
      %parallel_loop3A_382 = vector.broadcast %parallel_loop3A_381 : i32 to vector<16xi32>
      %parallel_loop3A_383 = tpu.vector_load_idx %arg8[%broadcast_in_dim3A_334, %parallel_loop3A_382] : memref<86x128xi32, #tpu.memory_space<vmem>>[vector<16xi32>, vector<16xi32>], vector<16xi32>,
      %parallel_loop3A_384 = arith.constant 0 : i32
      %parallel_loop3A_385 = vector.broadcast %parallel_loop3A_384 : i32 to vector<16xi32>
      %parallel_loop3A_386 = arith.addi %iota3A, %parallel_loop3A_385 : vector<16xi32>
      %parallel_loop3A_387 = arith.addi %parallel_loop3A_383, %parallel_loop3A_386 : vector<16xi32>
      %parallel_loop3A_388 = arith.constant 0 : i32
      %parallel_loop3A_389 = arith.constant 0 : i32
      %parallel_loop3A_390 = tpu.memref_slice %arg9[%parallel_loop3A_338, %parallel_loop3A_388, %parallel_loop3A_389] : memref<2x128x128xf32, #tpu.memory_space<vmem>> -> memref<1x128x128xf32, #tpu.memory_space<vmem>>
      %parallel_loop3A_391 = tpu.memref_squeeze %parallel_loop3A_390 : memref<1x128x128xf32, #tpu.memory_space<vmem>> -> memref<128x128xf32, #tpu.memory_space<vmem>>
      %parallel_loop3A_392 = tpu.vector_load_idx %parallel_loop3A_391[%parallel_loop3A_382, %parallel_loop3A_387] : memref<128x128xf32, #tpu.memory_space<vmem>>[vector<16xi32>, vector<16xi32>], vector<16xf32>,
      %parallel_loop3A_393 = arith.constant 384 : i32
      %parallel_loop3A_394 = arith.addi %parallel_loop3A_393, %parallel_loop3A_381 : i32
      %parallel_loop3A_395 = arith.index_cast %parallel_loop3A_394 : i32 to index
      %parallel_loop3A_396 = arith.constant 0 : index
      %parallel_loop3A_397 = tpu.vector_load %arg10[%parallel_loop3A_395, %parallel_loop3A_396] {strides = array<i32>} : memref<512x64xf32, #tpu.memory_space<vmem>>, vector<16xf32>,
      tpu.vector_store %arg10[%parallel_loop3A_395, %parallel_loop3A_396], %parallel_loop3A_392 {strides = array<i32>} : memref<512x64xf32, #tpu.memory_space<vmem>>, vector<16xf32>,
      %parallel_loop3A_398 = arith.constant 16 : i32
      %parallel_loop3A_399 = vector.broadcast %parallel_loop3A_398 : i32 to vector<16xi32>
      %parallel_loop3A_400 = arith.addi %iota3A, %parallel_loop3A_399 : vector<16xi32>
      %parallel_loop3A_401 = arith.addi %parallel_loop3A_383, %parallel_loop3A_400 : vector<16xi32>
      %parallel_loop3A_402 = arith.constant 0 : i32
      %parallel_loop3A_403 = arith.constant 0 : i32
      %parallel_loop3A_404 = tpu.memref_slice %arg9[%parallel_loop3A_338, %parallel_loop3A_402, %parallel_loop3A_403] : memref<2x128x128xf32, #tpu.memory_space<vmem>> -> memref<1x128x128xf32, #tpu.memory_space<vmem>>
      %parallel_loop3A_405 = tpu.memref_squeeze %parallel_loop3A_404 : memref<1x128x128xf32, #tpu.memory_space<vmem>> -> memref<128x128xf32, #tpu.memory_space<vmem>>
      %parallel_loop3A_406 = tpu.vector_load_idx %parallel_loop3A_405[%parallel_loop3A_382, %parallel_loop3A_401] : memref<128x128xf32, #tpu.memory_space<vmem>>[vector<16xi32>, vector<16xi32>], vector<16xf32>,
      %parallel_loop3A_407 = arith.constant 384 : i32
      %parallel_loop3A_408 = arith.addi %parallel_loop3A_407, %parallel_loop3A_381 : i32
      %parallel_loop3A_409 = arith.index_cast %parallel_loop3A_408 : i32 to index
      %parallel_loop3A_410 = arith.constant 16 : index
      %parallel_loop3A_411 = tpu.vector_load %arg10[%parallel_loop3A_409, %parallel_loop3A_410] {strides = array<i32>} : memref<512x64xf32, #tpu.memory_space<vmem>>, vector<16xf32>,
      tpu.vector_store %arg10[%parallel_loop3A_409, %parallel_loop3A_410], %parallel_loop3A_406 {strides = array<i32>} : memref<512x64xf32, #tpu.memory_space<vmem>>, vector<16xf32>,
      %parallel_loop3A_412 = arith.constant 32 : i32
      %parallel_loop3A_413 = vector.broadcast %parallel_loop3A_412 : i32 to vector<16xi32>
      %parallel_loop3A_414 = arith.addi %iota3A, %parallel_loop3A_413 : vector<16xi32>
      %parallel_loop3A_415 = arith.addi %parallel_loop3A_383, %parallel_loop3A_414 : vector<16xi32>
      %parallel_loop3A_416 = arith.constant 0 : i32
      %parallel_loop3A_417 = arith.constant 0 : i32
      %parallel_loop3A_418 = tpu.memref_slice %arg9[%parallel_loop3A_338, %parallel_loop3A_416, %parallel_loop3A_417] : memref<2x128x128xf32, #tpu.memory_space<vmem>> -> memref<1x128x128xf32, #tpu.memory_space<vmem>>
      %parallel_loop3A_419 = tpu.memref_squeeze %parallel_loop3A_418 : memref<1x128x128xf32, #tpu.memory_space<vmem>> -> memref<128x128xf32, #tpu.memory_space<vmem>>
      %parallel_loop3A_420 = tpu.vector_load_idx %parallel_loop3A_419[%parallel_loop3A_382, %parallel_loop3A_415] : memref<128x128xf32, #tpu.memory_space<vmem>>[vector<16xi32>, vector<16xi32>], vector<16xf32>,
      %parallel_loop3A_421 = arith.constant 384 : i32
      %parallel_loop3A_422 = arith.addi %parallel_loop3A_421, %parallel_loop3A_381 : i32
      %parallel_loop3A_423 = arith.index_cast %parallel_loop3A_422 : i32 to index
      %parallel_loop3A_424 = arith.constant 32 : index
      %parallel_loop3A_425 = tpu.vector_load %arg10[%parallel_loop3A_423, %parallel_loop3A_424] {strides = array<i32>} : memref<512x64xf32, #tpu.memory_space<vmem>>, vector<16xf32>,
      tpu.vector_store %arg10[%parallel_loop3A_423, %parallel_loop3A_424], %parallel_loop3A_420 {strides = array<i32>} : memref<512x64xf32, #tpu.memory_space<vmem>>, vector<16xf32>,
      %parallel_loop3A_426 = arith.constant 48 : i32
      %parallel_loop3A_427 = vector.broadcast %parallel_loop3A_426 : i32 to vector<16xi32>
      %parallel_loop3A_428 = arith.addi %iota3A, %parallel_loop3A_427 : vector<16xi32>
      %parallel_loop3A_429 = arith.addi %parallel_loop3A_383, %parallel_loop3A_428 : vector<16xi32>
      %parallel_loop3A_430 = arith.constant 0 : i32
      %parallel_loop3A_431 = arith.constant 0 : i32
      %parallel_loop3A_432 = tpu.memref_slice %arg9[%parallel_loop3A_338, %parallel_loop3A_430, %parallel_loop3A_431] : memref<2x128x128xf32, #tpu.memory_space<vmem>> -> memref<1x128x128xf32, #tpu.memory_space<vmem>>
      %parallel_loop3A_433 = tpu.memref_squeeze %parallel_loop3A_432 : memref<1x128x128xf32, #tpu.memory_space<vmem>> -> memref<128x128xf32, #tpu.memory_space<vmem>>
      %parallel_loop3A_434 = tpu.vector_load_idx %parallel_loop3A_433[%parallel_loop3A_382, %parallel_loop3A_429] : memref<128x128xf32, #tpu.memory_space<vmem>>[vector<16xi32>, vector<16xi32>], vector<16xf32>,
      %parallel_loop3A_435 = arith.constant 384 : i32
      %parallel_loop3A_436 = arith.addi %parallel_loop3A_435, %parallel_loop3A_381 : i32
      %parallel_loop3A_437 = arith.index_cast %parallel_loop3A_436 : i32 to index
      %parallel_loop3A_438 = arith.constant 48 : index
      %parallel_loop3A_439 = tpu.vector_load %arg10[%parallel_loop3A_437, %parallel_loop3A_438] {strides = array<i32>} : memref<512x64xf32, #tpu.memory_space<vmem>>, vector<16xf32>,
      tpu.vector_store %arg10[%parallel_loop3A_437, %parallel_loop3A_438], %parallel_loop3A_434 {strides = array<i32>} : memref<512x64xf32, #tpu.memory_space<vmem>>, vector<16xf32>,
    } {sc.loop_unroll_factor = 8 : i64, sc.parallel_access}
    %dma_start3A_339 = arith.constant 9 : i32
    %dma_start3A_340 = arith.constant 1 : i32
    %dma_start3A_341 = arith.constant 0 : i32
    %dma_start3A_342 = arith.constant 0 : i32
    %dma_start3A_343 = tpu.memref_slice %arg9[%dma_start3A_340, %dma_start3A_341, %dma_start3A_342] : memref<2x128x128xf32, #tpu.memory_space<vmem>> -> memref<1x128x128xf32, #tpu.memory_space<vmem>>
    %dma_start3A_344 = tpu.memref_squeeze %dma_start3A_343 : memref<1x128x128xf32, #tpu.memory_space<vmem>> -> memref<128x128xf32, #tpu.memory_space<vmem>>
    %dma_start3A_345 = arith.constant 0 : i32
    %dma_start3A_346 = tpu.memref_slice %arg7[%dma_start3A_339, %dma_start3A_345] : memref<86x128xi32, #tpu.memory_space<vmem>> -> memref<1x128xi32, #tpu.memory_space<vmem>>
    %dma_start3A_347 = tpu.memref_squeeze %dma_start3A_346 : memref<1x128xi32, #tpu.memory_space<vmem>> -> memref<128xi32, #tpu.memory_space<vmem>>
    %dma_start3A_348 = arith.constant 0 : i32
    %dma_start3A_349 = arith.constant 0 : i32
    %dma_start3A_350 = tpu.memref_slice %arg2[%dma_start3A_348, %dma_start3A_349] : memref<500000x128xf32, #tpu.memory_space<hbm>> -> memref<500000x128xf32, #tpu.memory_space<hbm>>
    tpu.enqueue_indirect_dma source(%dma_start3A_350 : memref<500000x128xf32, #tpu.memory_space<hbm>>) target(%dma_start3A_344 : memref<128x128xf32, #tpu.memory_space<vmem>>) offsets(%dma_start3A_347 : memref<128xi32, #tpu.memory_space<vmem>>) semaphore(%arg12 : memref<!tpu.dma_semaphore, #tpu.memory_space<semaphore_mem>>)
    %scan3A = arith.constant 0 : i32
    %scan3A_351 = arith.constant 0 : i32
    %scan3A_352 = arith.constant 38 : i32
    %scan3A_353 = arith.addi %scan3A_351, %scan3A_352 : i32
    %scan3A_354 = arith.constant 1 : i32
    %scan3A_355 = scf.for %scan3A_381 = %scan3A_351 to %scan3A_353 step %scan3A_354 iter_args(%scan3A_382 = %scan3A) -> (i32)  : i32 {
      %mul3A_383 = arith.constant 2 : i32
      %mul3A_384 = arith.muli %mul3A_383, %scan3A_381 : i32
      %add3A_385 = arith.constant 4 : i32
      %add3A_386 = arith.addi %add3A_385, %mul3A_384 : i32
      %dma_wait3A_387 = arith.constant 0 : i32
      %dma_wait3A_388 = arith.constant 0 : i32
      %dma_wait3A_389 = arith.constant 0 : i32
      %dma_wait3A_390 = arith.constant 0 : i32
      %dma_wait3A_391 = tpu.memref_slice %arg9[%dma_wait3A_388, %dma_wait3A_389, %dma_wait3A_390] : memref<2x128x128xf32, #tpu.memory_space<vmem>> -> memref<1x128x128xf32, #tpu.memory_space<vmem>>
      %dma_wait3A_392 = tpu.memref_squeeze %dma_wait3A_391 : memref<1x128x128xf32, #tpu.memory_space<vmem>> -> memref<128x128xf32, #tpu.memory_space<vmem>>
      %dma_wait3A_393 = arith.constant 0 : i32
      %dma_wait3A_394 = tpu.memref_slice %arg7[%dma_wait3A_387, %dma_wait3A_393] : memref<86x128xi32, #tpu.memory_space<vmem>> -> memref<1x128xi32, #tpu.memory_space<vmem>>
      %dma_wait3A_395 = tpu.memref_squeeze %dma_wait3A_394 : memref<1x128xi32, #tpu.memory_space<vmem>> -> memref<128xi32, #tpu.memory_space<vmem>>
      %dma_wait3A_396 = arith.constant 0 : i32
      %dma_wait3A_397 = arith.constant 0 : i32
      %dma_wait3A_398 = tpu.memref_slice %arg2[%dma_wait3A_396, %dma_wait3A_397] : memref<500000x128xf32, #tpu.memory_space<hbm>> -> memref<500000x128xf32, #tpu.memory_space<hbm>>
      tpu.wait_indirect_dma semaphore(%arg11 : memref<!tpu.dma_semaphore, #tpu.memory_space<semaphore_mem>>) src(%dma_wait3A_398 : memref<500000x128xf32, #tpu.memory_space<hbm>>) dst(%dma_wait3A_392 : memref<128x128xf32, #tpu.memory_space<vmem>>)
      %and3A = arith.constant 3 : i32
      %and3A_399 = arith.andi %add3A_386, %and3A : i32
      %mul3A_400 = arith.constant 128 : i32
      %mul3A_401 = arith.muli %and3A_399, %mul3A_400 : i32
      %add3A_402 = arith.constant 4 : i32
      %add3A_403 = arith.addi %add3A_402, %add3A_386 : i32
      %broadcast_in_dim3A_404 = vector.broadcast %add3A_403 : i32 to vector<16xi32>
      %parallel_loop3A_405 = arith.constant 0 : i32
      %parallel_loop3A_406 = arith.constant 128 : i32
      %parallel_loop3A_407 = arith.constant 1 : i32
      %parallel_loop3A_408 = arith.constant 0 : i32
      scf.for %parallel_loop3A_465 = %parallel_loop3A_405 to %parallel_loop3A_406 step %parallel_loop3A_407  : i32 {
        %parallel_loop3A_466 = vector.broadcast %parallel_loop3A_465 : i32 to vector<16xi32>
        %parallel_loop3A_467 = tpu.vector_load_idx %arg8[%broadcast_in_dim3A_404, %parallel_loop3A_466] : memref<86x128xi32, #tpu.memory_space<vmem>>[vector<16xi32>, vector<16xi32>], vector<16xi32>,
        %parallel_loop3A_468 = arith.constant 0 : i32
        %parallel_loop3A_469 = vector.broadcast %parallel_loop3A_468 : i32 to vector<16xi32>
        %parallel_loop3A_470 = arith.addi %iota3A, %parallel_loop3A_469 : vector<16xi32>
        %parallel_loop3A_471 = arith.addi %parallel_loop3A_467, %parallel_loop3A_470 : vector<16xi32>
        %parallel_loop3A_472 = arith.constant 0 : i32
        %parallel_loop3A_473 = arith.constant 0 : i32
        %parallel_loop3A_474 = tpu.memref_slice %arg9[%parallel_loop3A_408, %parallel_loop3A_472, %parallel_loop3A_473] : memref<2x128x128xf32, #tpu.memory_space<vmem>> -> memref<1x128x128xf32, #tpu.memory_space<vmem>>
        %parallel_loop3A_475 = tpu.memref_squeeze %parallel_loop3A_474 : memref<1x128x128xf32, #tpu.memory_space<vmem>> -> memref<128x128xf32, #tpu.memory_space<vmem>>
        %parallel_loop3A_476 = tpu.vector_load_idx %parallel_loop3A_475[%parallel_loop3A_466, %parallel_loop3A_471] : memref<128x128xf32, #tpu.memory_space<vmem>>[vector<16xi32>, vector<16xi32>], vector<16xf32>,
        %parallel_loop3A_477 = arith.addi %mul3A_401, %parallel_loop3A_465 : i32
        %parallel_loop3A_478 = arith.index_cast %parallel_loop3A_477 : i32 to index
        %parallel_loop3A_479 = arith.constant 0 : index
        %parallel_loop3A_480 = tpu.vector_load %arg10[%parallel_loop3A_478, %parallel_loop3A_479] {strides = array<i32>} : memref<512x64xf32, #tpu.memory_space<vmem>>, vector<16xf32>,
        tpu.vector_store %arg10[%parallel_loop3A_478, %parallel_loop3A_479], %parallel_loop3A_476 {add = true, strides = array<i32>} : memref<512x64xf32, #tpu.memory_space<vmem>>, vector<16xf32>,
        %parallel_loop3A_481 = arith.constant 16 : i32
        %parallel_loop3A_482 = vector.broadcast %parallel_loop3A_481 : i32 to vector<16xi32>
        %parallel_loop3A_483 = arith.addi %iota3A, %parallel_loop3A_482 : vector<16xi32>
        %parallel_loop3A_484 = arith.addi %parallel_loop3A_467, %parallel_loop3A_483 : vector<16xi32>
        %parallel_loop3A_485 = arith.constant 0 : i32
        %parallel_loop3A_486 = arith.constant 0 : i32
        %parallel_loop3A_487 = tpu.memref_slice %arg9[%parallel_loop3A_408, %parallel_loop3A_485, %parallel_loop3A_486] : memref<2x128x128xf32, #tpu.memory_space<vmem>> -> memref<1x128x128xf32, #tpu.memory_space<vmem>>
        %parallel_loop3A_488 = tpu.memref_squeeze %parallel_loop3A_487 : memref<1x128x128xf32, #tpu.memory_space<vmem>> -> memref<128x128xf32, #tpu.memory_space<vmem>>
        %parallel_loop3A_489 = tpu.vector_load_idx %parallel_loop3A_488[%parallel_loop3A_466, %parallel_loop3A_484] : memref<128x128xf32, #tpu.memory_space<vmem>>[vector<16xi32>, vector<16xi32>], vector<16xf32>,
        %parallel_loop3A_490 = arith.addi %mul3A_401, %parallel_loop3A_465 : i32
        %parallel_loop3A_491 = arith.index_cast %parallel_loop3A_490 : i32 to index
        %parallel_loop3A_492 = arith.constant 16 : index
        %parallel_loop3A_493 = tpu.vector_load %arg10[%parallel_loop3A_491, %parallel_loop3A_492] {strides = array<i32>} : memref<512x64xf32, #tpu.memory_space<vmem>>, vector<16xf32>,
        tpu.vector_store %arg10[%parallel_loop3A_491, %parallel_loop3A_492], %parallel_loop3A_489 {add = true, strides = array<i32>} : memref<512x64xf32, #tpu.memory_space<vmem>>, vector<16xf32>,
        %parallel_loop3A_494 = arith.constant 32 : i32
        %parallel_loop3A_495 = vector.broadcast %parallel_loop3A_494 : i32 to vector<16xi32>
        %parallel_loop3A_496 = arith.addi %iota3A, %parallel_loop3A_495 : vector<16xi32>
        %parallel_loop3A_497 = arith.addi %parallel_loop3A_467, %parallel_loop3A_496 : vector<16xi32>
        %parallel_loop3A_498 = arith.constant 0 : i32
        %parallel_loop3A_499 = arith.constant 0 : i32
        %parallel_loop3A_500 = tpu.memref_slice %arg9[%parallel_loop3A_408, %parallel_loop3A_498, %parallel_loop3A_499] : memref<2x128x128xf32, #tpu.memory_space<vmem>> -> memref<1x128x128xf32, #tpu.memory_space<vmem>>
        %parallel_loop3A_501 = tpu.memref_squeeze %parallel_loop3A_500 : memref<1x128x128xf32, #tpu.memory_space<vmem>> -> memref<128x128xf32, #tpu.memory_space<vmem>>
        %parallel_loop3A_502 = tpu.vector_load_idx %parallel_loop3A_501[%parallel_loop3A_466, %parallel_loop3A_497] : memref<128x128xf32, #tpu.memory_space<vmem>>[vector<16xi32>, vector<16xi32>], vector<16xf32>,
        %parallel_loop3A_503 = arith.addi %mul3A_401, %parallel_loop3A_465 : i32
        %parallel_loop3A_504 = arith.index_cast %parallel_loop3A_503 : i32 to index
        %parallel_loop3A_505 = arith.constant 32 : index
        %parallel_loop3A_506 = tpu.vector_load %arg10[%parallel_loop3A_504, %parallel_loop3A_505] {strides = array<i32>} : memref<512x64xf32, #tpu.memory_space<vmem>>, vector<16xf32>,
        tpu.vector_store %arg10[%parallel_loop3A_504, %parallel_loop3A_505], %parallel_loop3A_502 {add = true, strides = array<i32>} : memref<512x64xf32, #tpu.memory_space<vmem>>, vector<16xf32>,
        %parallel_loop3A_507 = arith.constant 48 : i32
        %parallel_loop3A_508 = vector.broadcast %parallel_loop3A_507 : i32 to vector<16xi32>
        %parallel_loop3A_509 = arith.addi %iota3A, %parallel_loop3A_508 : vector<16xi32>
        %parallel_loop3A_510 = arith.addi %parallel_loop3A_467, %parallel_loop3A_509 : vector<16xi32>
        %parallel_loop3A_511 = arith.constant 0 : i32
        %parallel_loop3A_512 = arith.constant 0 : i32
        %parallel_loop3A_513 = tpu.memref_slice %arg9[%parallel_loop3A_408, %parallel_loop3A_511, %parallel_loop3A_512] : memref<2x128x128xf32, #tpu.memory_space<vmem>> -> memref<1x128x128xf32, #tpu.memory_space<vmem>>
        %parallel_loop3A_514 = tpu.memref_squeeze %parallel_loop3A_513 : memref<1x128x128xf32, #tpu.memory_space<vmem>> -> memref<128x128xf32, #tpu.memory_space<vmem>>
        %parallel_loop3A_515 = tpu.vector_load_idx %parallel_loop3A_514[%parallel_loop3A_466, %parallel_loop3A_510] : memref<128x128xf32, #tpu.memory_space<vmem>>[vector<16xi32>, vector<16xi32>], vector<16xf32>,
        %parallel_loop3A_516 = arith.addi %mul3A_401, %parallel_loop3A_465 : i32
        %parallel_loop3A_517 = arith.index_cast %parallel_loop3A_516 : i32 to index
        %parallel_loop3A_518 = arith.constant 48 : index
        %parallel_loop3A_519 = tpu.vector_load %arg10[%parallel_loop3A_517, %parallel_loop3A_518] {strides = array<i32>} : memref<512x64xf32, #tpu.memory_space<vmem>>, vector<16xf32>,
        tpu.vector_store %arg10[%parallel_loop3A_517, %parallel_loop3A_518], %parallel_loop3A_515 {add = true, strides = array<i32>} : memref<512x64xf32, #tpu.memory_space<vmem>>, vector<16xf32>,
      } {sc.loop_unroll_factor = 8 : i64, sc.parallel_access}
      %add3A_409 = arith.constant 2 : i32
      %add3A_410 = arith.addi %add3A_386, %add3A_409 : i32
      %add3A_411 = arith.constant 4 : i32
      %add3A_412 = arith.addi %add3A_411, %add3A_410 : i32
      %dma_start3A_413 = arith.constant 0 : i32
      %dma_start3A_414 = arith.constant 0 : i32
      %dma_start3A_415 = arith.constant 0 : i32
      %dma_start3A_416 = tpu.memref_slice %arg9[%dma_start3A_413, %dma_start3A_414, %dma_start3A_415] : memref<2x128x128xf32, #tpu.memory_space<vmem>> -> memref<1x128x128xf32, #tpu.memory_space<vmem>>
      %dma_start3A_417 = tpu.memref_squeeze %dma_start3A_416 : memref<1x128x128xf32, #tpu.memory_space<vmem>> -> memref<128x128xf32, #tpu.memory_space<vmem>>
      %dma_start3A_418 = arith.constant 0 : i32
      %dma_start3A_419 = tpu.memref_slice %arg7[%add3A_412, %dma_start3A_418] : memref<86x128xi32, #tpu.memory_space<vmem>> -> memref<1x128xi32, #tpu.memory_space<vmem>>
      %dma_start3A_420 = tpu.memref_squeeze %dma_start3A_419 : memref<1x128xi32, #tpu.memory_space<vmem>> -> memref<128xi32, #tpu.memory_space<vmem>>
      %dma_start3A_421 = arith.constant 0 : i32
      %dma_start3A_422 = arith.constant 0 : i32
      %dma_start3A_423 = tpu.memref_slice %arg2[%dma_start3A_421, %dma_start3A_422] : memref<500000x128xf32, #tpu.memory_space<hbm>> -> memref<500000x128xf32, #tpu.memory_space<hbm>>
      tpu.enqueue_indirect_dma source(%dma_start3A_423 : memref<500000x128xf32, #tpu.memory_space<hbm>>) target(%dma_start3A_417 : memref<128x128xf32, #tpu.memory_space<vmem>>) offsets(%dma_start3A_420 : memref<128xi32, #tpu.memory_space<vmem>>) semaphore(%arg11 : memref<!tpu.dma_semaphore, #tpu.memory_space<semaphore_mem>>)
      %add3A_424 = arith.constant 1 : i32
      %add3A_425 = arith.addi %add3A_386, %add3A_424 : i32
      %dma_wait3A_426 = arith.constant 0 : i32
      %dma_wait3A_427 = arith.constant 1 : i32
      %dma_wait3A_428 = arith.constant 0 : i32
      %dma_wait3A_429 = arith.constant 0 : i32
      %dma_wait3A_430 = tpu.memref_slice %arg9[%dma_wait3A_427, %dma_wait3A_428, %dma_wait3A_429] : memref<2x128x128xf32, #tpu.memory_space<vmem>> -> memref<1x128x128xf32, #tpu.memory_space<vmem>>
      %dma_wait3A_431 = tpu.memref_squeeze %dma_wait3A_430 : memref<1x128x128xf32, #tpu.memory_space<vmem>> -> memref<128x128xf32, #tpu.memory_space<vmem>>
      %dma_wait3A_432 = arith.constant 0 : i32
      %dma_wait3A_433 = tpu.memref_slice %arg7[%dma_wait3A_426, %dma_wait3A_432] : memref<86x128xi32, #tpu.memory_space<vmem>> -> memref<1x128xi32, #tpu.memory_space<vmem>>
      %dma_wait3A_434 = tpu.memref_squeeze %dma_wait3A_433 : memref<1x128xi32, #tpu.memory_space<vmem>> -> memref<128xi32, #tpu.memory_space<vmem>>
      %dma_wait3A_435 = arith.constant 0 : i32
      %dma_wait3A_436 = arith.constant 0 : i32
      %dma_wait3A_437 = tpu.memref_slice %arg2[%dma_wait3A_435, %dma_wait3A_436] : memref<500000x128xf32, #tpu.memory_space<hbm>> -> memref<500000x128xf32, #tpu.memory_space<hbm>>
      tpu.wait_indirect_dma semaphore(%arg12 : memref<!tpu.dma_semaphore, #tpu.memory_space<semaphore_mem>>) src(%dma_wait3A_437 : memref<500000x128xf32, #tpu.memory_space<hbm>>) dst(%dma_wait3A_431 : memref<128x128xf32, #tpu.memory_space<vmem>>)
      %and3A_438 = arith.constant 3 : i32
      %and3A_439 = arith.andi %add3A_425, %and3A_438 : i32
      %mul3A_440 = arith.constant 128 : i32
      %mul3A_441 = arith.muli %and3A_439, %mul3A_440 : i32
      %add3A_442 = arith.constant 4 : i32
      %add3A_443 = arith.addi %add3A_442, %add3A_425 : i32
      %broadcast_in_dim3A_444 = vector.broadcast %add3A_443 : i32 to vector<16xi32>
      %parallel_loop3A_445 = arith.constant 0 : i32
      %parallel_loop3A_446 = arith.constant 128 : i32
      %parallel_loop3A_447 = arith.constant 1 : i32
      %parallel_loop3A_448 = arith.constant 1 : i32
      scf.for %parallel_loop3A_465 = %parallel_loop3A_445 to %parallel_loop3A_446 step %parallel_loop3A_447  : i32 {
        %parallel_loop3A_466 = vector.broadcast %parallel_loop3A_465 : i32 to vector<16xi32>
        %parallel_loop3A_467 = tpu.vector_load_idx %arg8[%broadcast_in_dim3A_444, %parallel_loop3A_466] : memref<86x128xi32, #tpu.memory_space<vmem>>[vector<16xi32>, vector<16xi32>], vector<16xi32>,
        %parallel_loop3A_468 = arith.constant 0 : i32
        %parallel_loop3A_469 = vector.broadcast %parallel_loop3A_468 : i32 to vector<16xi32>
        %parallel_loop3A_470 = arith.addi %iota3A, %parallel_loop3A_469 : vector<16xi32>
        %parallel_loop3A_471 = arith.addi %parallel_loop3A_467, %parallel_loop3A_470 : vector<16xi32>
        %parallel_loop3A_472 = arith.constant 0 : i32
        %parallel_loop3A_473 = arith.constant 0 : i32
        %parallel_loop3A_474 = tpu.memref_slice %arg9[%parallel_loop3A_448, %parallel_loop3A_472, %parallel_loop3A_473] : memref<2x128x128xf32, #tpu.memory_space<vmem>> -> memref<1x128x128xf32, #tpu.memory_space<vmem>>
        %parallel_loop3A_475 = tpu.memref_squeeze %parallel_loop3A_474 : memref<1x128x128xf32, #tpu.memory_space<vmem>> -> memref<128x128xf32, #tpu.memory_space<vmem>>
        %parallel_loop3A_476 = tpu.vector_load_idx %parallel_loop3A_475[%parallel_loop3A_466, %parallel_loop3A_471] : memref<128x128xf32, #tpu.memory_space<vmem>>[vector<16xi32>, vector<16xi32>], vector<16xf32>,
        %parallel_loop3A_477 = arith.addi %mul3A_441, %parallel_loop3A_465 : i32
        %parallel_loop3A_478 = arith.index_cast %parallel_loop3A_477 : i32 to index
        %parallel_loop3A_479 = arith.constant 0 : index
        %parallel_loop3A_480 = tpu.vector_load %arg10[%parallel_loop3A_478, %parallel_loop3A_479] {strides = array<i32>} : memref<512x64xf32, #tpu.memory_space<vmem>>, vector<16xf32>,
        tpu.vector_store %arg10[%parallel_loop3A_478, %parallel_loop3A_479], %parallel_loop3A_476 {add = true, strides = array<i32>} : memref<512x64xf32, #tpu.memory_space<vmem>>, vector<16xf32>,
        %parallel_loop3A_481 = arith.constant 16 : i32
        %parallel_loop3A_482 = vector.broadcast %parallel_loop3A_481 : i32 to vector<16xi32>
        %parallel_loop3A_483 = arith.addi %iota3A, %parallel_loop3A_482 : vector<16xi32>
        %parallel_loop3A_484 = arith.addi %parallel_loop3A_467, %parallel_loop3A_483 : vector<16xi32>
        %parallel_loop3A_485 = arith.constant 0 : i32
        %parallel_loop3A_486 = arith.constant 0 : i32
        %parallel_loop3A_487 = tpu.memref_slice %arg9[%parallel_loop3A_448, %parallel_loop3A_485, %parallel_loop3A_486] : memref<2x128x128xf32, #tpu.memory_space<vmem>> -> memref<1x128x128xf32, #tpu.memory_space<vmem>>
        %parallel_loop3A_488 = tpu.memref_squeeze %parallel_loop3A_487 : memref<1x128x128xf32, #tpu.memory_space<vmem>> -> memref<128x128xf32, #tpu.memory_space<vmem>>
        %parallel_loop3A_489 = tpu.vector_load_idx %parallel_loop3A_488[%parallel_loop3A_466, %parallel_loop3A_484] : memref<128x128xf32, #tpu.memory_space<vmem>>[vector<16xi32>, vector<16xi32>], vector<16xf32>,
        %parallel_loop3A_490 = arith.addi %mul3A_441, %parallel_loop3A_465 : i32
        %parallel_loop3A_491 = arith.index_cast %parallel_loop3A_490 : i32 to index
        %parallel_loop3A_492 = arith.constant 16 : index
        %parallel_loop3A_493 = tpu.vector_load %arg10[%parallel_loop3A_491, %parallel_loop3A_492] {strides = array<i32>} : memref<512x64xf32, #tpu.memory_space<vmem>>, vector<16xf32>,
        tpu.vector_store %arg10[%parallel_loop3A_491, %parallel_loop3A_492], %parallel_loop3A_489 {add = true, strides = array<i32>} : memref<512x64xf32, #tpu.memory_space<vmem>>, vector<16xf32>,
        %parallel_loop3A_494 = arith.constant 32 : i32
        %parallel_loop3A_495 = vector.broadcast %parallel_loop3A_494 : i32 to vector<16xi32>
        %parallel_loop3A_496 = arith.addi %iota3A, %parallel_loop3A_495 : vector<16xi32>
        %parallel_loop3A_497 = arith.addi %parallel_loop3A_467, %parallel_loop3A_496 : vector<16xi32>
        %parallel_loop3A_498 = arith.constant 0 : i32
        %parallel_loop3A_499 = arith.constant 0 : i32
        %parallel_loop3A_500 = tpu.memref_slice %arg9[%parallel_loop3A_448, %parallel_loop3A_498, %parallel_loop3A_499] : memref<2x128x128xf32, #tpu.memory_space<vmem>> -> memref<1x128x128xf32, #tpu.memory_space<vmem>>
        %parallel_loop3A_501 = tpu.memref_squeeze %parallel_loop3A_500 : memref<1x128x128xf32, #tpu.memory_space<vmem>> -> memref<128x128xf32, #tpu.memory_space<vmem>>
        %parallel_loop3A_502 = tpu.vector_load_idx %parallel_loop3A_501[%parallel_loop3A_466, %parallel_loop3A_497] : memref<128x128xf32, #tpu.memory_space<vmem>>[vector<16xi32>, vector<16xi32>], vector<16xf32>,
        %parallel_loop3A_503 = arith.addi %mul3A_441, %parallel_loop3A_465 : i32
        %parallel_loop3A_504 = arith.index_cast %parallel_loop3A_503 : i32 to index
        %parallel_loop3A_505 = arith.constant 32 : index
        %parallel_loop3A_506 = tpu.vector_load %arg10[%parallel_loop3A_504, %parallel_loop3A_505] {strides = array<i32>} : memref<512x64xf32, #tpu.memory_space<vmem>>, vector<16xf32>,
        tpu.vector_store %arg10[%parallel_loop3A_504, %parallel_loop3A_505], %parallel_loop3A_502 {add = true, strides = array<i32>} : memref<512x64xf32, #tpu.memory_space<vmem>>, vector<16xf32>,
        %parallel_loop3A_507 = arith.constant 48 : i32
        %parallel_loop3A_508 = vector.broadcast %parallel_loop3A_507 : i32 to vector<16xi32>
        %parallel_loop3A_509 = arith.addi %iota3A, %parallel_loop3A_508 : vector<16xi32>
        %parallel_loop3A_510 = arith.addi %parallel_loop3A_467, %parallel_loop3A_509 : vector<16xi32>
        %parallel_loop3A_511 = arith.constant 0 : i32
        %parallel_loop3A_512 = arith.constant 0 : i32
        %parallel_loop3A_513 = tpu.memref_slice %arg9[%parallel_loop3A_448, %parallel_loop3A_511, %parallel_loop3A_512] : memref<2x128x128xf32, #tpu.memory_space<vmem>> -> memref<1x128x128xf32, #tpu.memory_space<vmem>>
        %parallel_loop3A_514 = tpu.memref_squeeze %parallel_loop3A_513 : memref<1x128x128xf32, #tpu.memory_space<vmem>> -> memref<128x128xf32, #tpu.memory_space<vmem>>
        %parallel_loop3A_515 = tpu.vector_load_idx %parallel_loop3A_514[%parallel_loop3A_466, %parallel_loop3A_510] : memref<128x128xf32, #tpu.memory_space<vmem>>[vector<16xi32>, vector<16xi32>], vector<16xf32>,
        %parallel_loop3A_516 = arith.addi %mul3A_441, %parallel_loop3A_465 : i32
        %parallel_loop3A_517 = arith.index_cast %parallel_loop3A_516 : i32 to index
        %parallel_loop3A_518 = arith.constant 48 : index
        %parallel_loop3A_519 = tpu.vector_load %arg10[%parallel_loop3A_517, %parallel_loop3A_518] {strides = array<i32>} : memref<512x64xf32, #tpu.memory_space<vmem>>, vector<16xf32>,
        tpu.vector_store %arg10[%parallel_loop3A_517, %parallel_loop3A_518], %parallel_loop3A_515 {add = true, strides = array<i32>} : memref<512x64xf32, #tpu.memory_space<vmem>>, vector<16xf32>,
      } {sc.loop_unroll_factor = 8 : i64, sc.parallel_access}
      %add3A_449 = arith.constant 2 : i32
      %add3A_450 = arith.addi %add3A_425, %add3A_449 : i32
      %add3A_451 = arith.constant 4 : i32
      %add3A_452 = arith.addi %add3A_451, %add3A_450 : i32
      %dma_start3A_453 = arith.constant 1 : i32
      %dma_start3A_454 = arith.constant 0 : i32
      %dma_start3A_455 = arith.constant 0 : i32
      %dma_start3A_456 = tpu.memref_slice %arg9[%dma_start3A_453, %dma_start3A_454, %dma_start3A_455] : memref<2x128x128xf32, #tpu.memory_space<vmem>> -> memref<1x128x128xf32, #tpu.memory_space<vmem>>
      %dma_start3A_457 = tpu.memref_squeeze %dma_start3A_456 : memref<1x128x128xf32, #tpu.memory_space<vmem>> -> memref<128x128xf32, #tpu.memory_space<vmem>>
      %dma_start3A_458 = arith.constant 0 : i32
      %dma_start3A_459 = tpu.memref_slice %arg7[%add3A_452, %dma_start3A_458] : memref<86x128xi32, #tpu.memory_space<vmem>> -> memref<1x128xi32, #tpu.memory_space<vmem>>
      %dma_start3A_460 = tpu.memref_squeeze %dma_start3A_459 : memref<1x128xi32, #tpu.memory_space<vmem>> -> memref<128xi32, #tpu.memory_space<vmem>>
      %dma_start3A_461 = arith.constant 0 : i32
      %dma_start3A_462 = arith.constant 0 : i32
      %dma_start3A_463 = tpu.memref_slice %arg2[%dma_start3A_461, %dma_start3A_462] : memref<500000x128xf32, #tpu.memory_space<hbm>> -> memref<500000x128xf32, #tpu.memory_space<hbm>>
      tpu.enqueue_indirect_dma source(%dma_start3A_463 : memref<500000x128xf32, #tpu.memory_space<hbm>>) target(%dma_start3A_457 : memref<128x128xf32, #tpu.memory_space<vmem>>) offsets(%dma_start3A_460 : memref<128xi32, #tpu.memory_space<vmem>>) semaphore(%arg12 : memref<!tpu.dma_semaphore, #tpu.memory_space<semaphore_mem>>)
      %scan3A_464 = arith.constant 0 : i32
      scf.yield %scan3A_464 : i32
    }
    %scan3A_356 = arith.constant 38 : i32
    %dma_wait3A_357 = arith.constant 0 : i32
    %dma_wait3A_358 = arith.constant 0 : i32
    %dma_wait3A_359 = arith.constant 0 : i32
    %dma_wait3A_360 = arith.constant 0 : i32
    %dma_wait3A_361 = tpu.memref_slice %arg9[%dma_wait3A_358, %dma_wait3A_359, %dma_wait3A_360] : memref<2x128x128xf32, #tpu.memory_space<vmem>> -> memref<1x128x128xf32, #tpu.memory_space<vmem>>
    %dma_wait3A_362 = tpu.memref_squeeze %dma_wait3A_361 : memref<1x128x128xf32, #tpu.memory_space<vmem>> -> memref<128x128xf32, #tpu.memory_space<vmem>>
    %dma_wait3A_363 = arith.constant 0 : i32
    %dma_wait3A_364 = tpu.memref_slice %arg7[%dma_wait3A_357, %dma_wait3A_363] : memref<86x128xi32, #tpu.memory_space<vmem>> -> memref<1x128xi32, #tpu.memory_space<vmem>>
    %dma_wait3A_365 = tpu.memref_squeeze %dma_wait3A_364 : memref<1x128xi32, #tpu.memory_space<vmem>> -> memref<128xi32, #tpu.memory_space<vmem>>
    %dma_wait3A_366 = arith.constant 0 : i32
    %dma_wait3A_367 = arith.constant 0 : i32
    %dma_wait3A_368 = tpu.memref_slice %arg2[%dma_wait3A_366, %dma_wait3A_367] : memref<500000x128xf32, #tpu.memory_space<hbm>> -> memref<500000x128xf32, #tpu.memory_space<hbm>>
    tpu.wait_indirect_dma semaphore(%arg11 : memref<!tpu.dma_semaphore, #tpu.memory_space<semaphore_mem>>) src(%dma_wait3A_368 : memref<500000x128xf32, #tpu.memory_space<hbm>>) dst(%dma_wait3A_362 : memref<128x128xf32, #tpu.memory_space<vmem>>)
    %dma_wait3A_369 = arith.constant 0 : i32
    %dma_wait3A_370 = arith.constant 1 : i32
    %dma_wait3A_371 = arith.constant 0 : i32
    %dma_wait3A_372 = arith.constant 0 : i32
    %dma_wait3A_373 = tpu.memref_slice %arg9[%dma_wait3A_370, %dma_wait3A_371, %dma_wait3A_372] : memref<2x128x128xf32, #tpu.memory_space<vmem>> -> memref<1x128x128xf32, #tpu.memory_space<vmem>>
    %dma_wait3A_374 = tpu.memref_squeeze %dma_wait3A_373 : memref<1x128x128xf32, #tpu.memory_space<vmem>> -> memref<128x128xf32, #tpu.memory_space<vmem>>
    %dma_wait3A_375 = arith.constant 0 : i32
    %dma_wait3A_376 = tpu.memref_slice %arg7[%dma_wait3A_369, %dma_wait3A_375] : memref<86x128xi32, #tpu.memory_space<vmem>> -> memref<1x128xi32, #tpu.memory_space<vmem>>
    %dma_wait3A_377 = tpu.memref_squeeze %dma_wait3A_376 : memref<1x128xi32, #tpu.memory_space<vmem>> -> memref<128xi32, #tpu.memory_space<vmem>>
    %dma_wait3A_378 = arith.constant 0 : i32
    %dma_wait3A_379 = arith.constant 0 : i32
    %dma_wait3A_380 = tpu.memref_slice %arg2[%dma_wait3A_378, %dma_wait3A_379] : memref<500000x128xf32, #tpu.memory_space<hbm>> -> memref<500000x128xf32, #tpu.memory_space<hbm>>
    tpu.wait_indirect_dma semaphore(%arg12 : memref<!tpu.dma_semaphore, #tpu.memory_space<semaphore_mem>>) src(%dma_wait3A_380 : memref<500000x128xf32, #tpu.memory_space<hbm>>) dst(%dma_wait3A_374 : memref<128x128xf32, #tpu.memory_space<vmem>>)
    "tpu.region"() ({
      %run_scoped3A = tpu.sem_alloc : memref<!tpu.dma_semaphore, #tpu.memory_space<semaphore_mem>>
      %dma_start3A_381 = arith.constant 0 : i32
      %dma_start3A_382 = tpu.memref_slice %arg6[%mul3A_2, %dma_start3A_381] : memref<16384x64xf32, #tpu.memory_space<hbm>> -> memref<512x64xf32, #tpu.memory_space<hbm>>
      %dma_start3A_383 = arith.constant 0 : i32
      %dma_start3A_384 = tpu.memref_slice %arg6[%mul3A_2, %dma_start3A_383] : memref<16384x64xf32, #tpu.memory_space<hbm>> -> memref<512x64xf32, #tpu.memory_space<hbm>>
      tpu.enqueue_dma source(%arg10 : memref<512x64xf32, #tpu.memory_space<vmem>>) target(%dma_start3A_384 : memref<512x64xf32, #tpu.memory_space<hbm>>) target_semaphore(%run_scoped3A : memref<!tpu.dma_semaphore, #tpu.memory_space<semaphore_mem>>)
      %dma_wait3A_385 = arith.constant 0 : i32
      %dma_wait3A_386 = tpu.memref_slice %arg6[%mul3A_2, %dma_wait3A_385] : memref<16384x64xf32, #tpu.memory_space<hbm>> -> memref<512x64xf32, #tpu.memory_space<hbm>>
      %dma_wait3A_387 = arith.constant 0 : i32
      %dma_wait3A_388 = tpu.memref_slice %arg6[%mul3A_2, %dma_wait3A_387] : memref<16384x64xf32, #tpu.memory_space<hbm>> -> memref<512x64xf32, #tpu.memory_space<hbm>>
      tpu.wait_dma2 semaphore(%run_scoped3A : memref<!tpu.dma_semaphore, #tpu.memory_space<semaphore_mem>>) src(%arg10 : memref<512x64xf32, #tpu.memory_space<vmem>>) dst(%dma_wait3A_388 : memref<512x64xf32, #tpu.memory_space<hbm>>)
      tpu.yield
    }) : () -> ()
    return
  }
}

#map = affine_map<(d0, d1) -> (0, 0)>
#map1 = affine_map<(d0, d1) -> (0, 0, 0)>
module attributes {stable_mosaic.version = 14 : i64} {
  func.func @sc_kernel(%arg0: i32, %arg1: i32, %arg2: memref<500000x128xf32, #tpu.memory_space<hbm>>, %arg3: memref<32x4x128xi32, #tpu.memory_space<hbm>>, %arg4: memref<16384x128xf32, #tpu.memory_space<hbm>>, %arg5: memref<4x128xi32, #tpu.memory_space<vmem>>, %arg6: memref<2x128x128xf32, #tpu.memory_space<vmem>>, %arg7: memref<!tpu.dma_semaphore, #tpu.memory_space<semaphore_mem>>, %arg8: memref<!tpu.dma_semaphore, #tpu.memory_space<semaphore_mem>>, %arg9: memref<!tpu.dma_semaphore, #tpu.memory_space<semaphore_mem>>) attributes {dimension_semantics = [#tpu.dimension_semantics<core_parallel>, #tpu.dimension_semantics<subcore_parallel>], iteration_bounds = array<i64: 2, 16>, scalar_prefetch = 0 : i64, scratch_operands = 5 : i64, tpu.core_type = #tpu.core_type<sc_vector_subcore>, window_params = [{transform_indices = #map}, {transform_indices = #map1}, {transform_indices = #map}]} {
    %mul3A = arith.constant 2 : i32
    %mul3A_0 = arith.muli %arg1, %mul3A : i32
    %add3A = arith.addi %mul3A_0, %arg0 : i32
    %mul3A_1 = arith.constant 512 : i32
    %mul3A_2 = arith.muli %add3A, %mul3A_1 : i32
    "tpu.region"() ({
      %run_scoped3A = tpu.sem_alloc : memref<!tpu.dma_semaphore, #tpu.memory_space<semaphore_mem>>
      %dma_start3A_209 = arith.constant 0 : i32
      %dma_start3A_210 = arith.constant 0 : i32
      %dma_start3A_211 = tpu.memref_slice %arg3[%add3A, %dma_start3A_209, %dma_start3A_210] : memref<32x4x128xi32, #tpu.memory_space<hbm>> -> memref<1x4x128xi32, #tpu.memory_space<hbm>>
      %dma_start3A_212 = tpu.memref_squeeze %dma_start3A_211 : memref<1x4x128xi32, #tpu.memory_space<hbm>> -> memref<4x128xi32, #tpu.memory_space<hbm>>
      %dma_start3A_213 = arith.constant 0 : i32
      %dma_start3A_214 = arith.constant 0 : i32
      %dma_start3A_215 = tpu.memref_slice %arg3[%add3A, %dma_start3A_213, %dma_start3A_214] : memref<32x4x128xi32, #tpu.memory_space<hbm>> -> memref<1x4x128xi32, #tpu.memory_space<hbm>>
      %dma_start3A_216 = tpu.memref_squeeze %dma_start3A_215 : memref<1x4x128xi32, #tpu.memory_space<hbm>> -> memref<4x128xi32, #tpu.memory_space<hbm>>
      tpu.enqueue_dma source(%dma_start3A_216 : memref<4x128xi32, #tpu.memory_space<hbm>>) target(%arg5 : memref<4x128xi32, #tpu.memory_space<vmem>>) target_semaphore(%run_scoped3A : memref<!tpu.dma_semaphore, #tpu.memory_space<semaphore_mem>>)
      %dma_wait3A_217 = arith.constant 0 : i32
      %dma_wait3A_218 = arith.constant 0 : i32
      %dma_wait3A_219 = tpu.memref_slice %arg3[%add3A, %dma_wait3A_217, %dma_wait3A_218] : memref<32x4x128xi32, #tpu.memory_space<hbm>> -> memref<1x4x128xi32, #tpu.memory_space<hbm>>
      %dma_wait3A_220 = tpu.memref_squeeze %dma_wait3A_219 : memref<1x4x128xi32, #tpu.memory_space<hbm>> -> memref<4x128xi32, #tpu.memory_space<hbm>>
      %dma_wait3A_221 = arith.constant 0 : i32
      %dma_wait3A_222 = arith.constant 0 : i32
      %dma_wait3A_223 = tpu.memref_slice %arg3[%add3A, %dma_wait3A_221, %dma_wait3A_222] : memref<32x4x128xi32, #tpu.memory_space<hbm>> -> memref<1x4x128xi32, #tpu.memory_space<hbm>>
      %dma_wait3A_224 = tpu.memref_squeeze %dma_wait3A_223 : memref<1x4x128xi32, #tpu.memory_space<hbm>> -> memref<4x128xi32, #tpu.memory_space<hbm>>
      tpu.wait_dma2 semaphore(%run_scoped3A : memref<!tpu.dma_semaphore, #tpu.memory_space<semaphore_mem>>) src(%dma_wait3A_224 : memref<4x128xi32, #tpu.memory_space<hbm>>) dst(%arg5 : memref<4x128xi32, #tpu.memory_space<vmem>>)
      tpu.yield
    }) : () -> ()
    %dma_start3A = arith.constant 0 : i32
    %dma_start3A_3 = arith.constant 0 : i32
    %dma_start3A_4 = arith.constant 0 : i32
    %dma_start3A_5 = arith.constant 0 : i32
    %dma_start3A_6 = tpu.memref_slice %arg6[%dma_start3A_3, %dma_start3A_4, %dma_start3A_5] : memref<2x128x128xf32, #tpu.memory_space<vmem>> -> memref<1x128x128xf32, #tpu.memory_space<vmem>>
    %dma_start3A_7 = tpu.memref_squeeze %dma_start3A_6 : memref<1x128x128xf32, #tpu.memory_space<vmem>> -> memref<128x128xf32, #tpu.memory_space<vmem>>
    %dma_start3A_8 = arith.constant 0 : i32
    %dma_start3A_9 = tpu.memref_slice %arg5[%dma_start3A, %dma_start3A_8] : memref<4x128xi32, #tpu.memory_space<vmem>> -> memref<1x128xi32, #tpu.memory_space<vmem>>
    %dma_start3A_10 = tpu.memref_squeeze %dma_start3A_9 : memref<1x128xi32, #tpu.memory_space<vmem>> -> memref<128xi32, #tpu.memory_space<vmem>>
    %dma_start3A_11 = arith.constant 0 : i32
    %dma_start3A_12 = arith.constant 0 : i32
    %dma_start3A_13 = tpu.memref_slice %arg2[%dma_start3A_11, %dma_start3A_12] : memref<500000x128xf32, #tpu.memory_space<hbm>> -> memref<500000x128xf32, #tpu.memory_space<hbm>>
    tpu.enqueue_indirect_dma source(%dma_start3A_13 : memref<500000x128xf32, #tpu.memory_space<hbm>>) target(%dma_start3A_7 : memref<128x128xf32, #tpu.memory_space<vmem>>) offsets(%dma_start3A_10 : memref<128xi32, #tpu.memory_space<vmem>>) semaphore(%arg7 : memref<!tpu.dma_semaphore, #tpu.memory_space<semaphore_mem>>)
    %dma_wait3A = arith.constant 0 : i32
    %dma_wait3A_14 = arith.constant 0 : i32
    %dma_wait3A_15 = arith.constant 0 : i32
    %dma_wait3A_16 = arith.constant 0 : i32
    %dma_wait3A_17 = tpu.memref_slice %arg6[%dma_wait3A_14, %dma_wait3A_15, %dma_wait3A_16] : memref<2x128x128xf32, #tpu.memory_space<vmem>> -> memref<1x128x128xf32, #tpu.memory_space<vmem>>
    %dma_wait3A_18 = tpu.memref_squeeze %dma_wait3A_17 : memref<1x128x128xf32, #tpu.memory_space<vmem>> -> memref<128x128xf32, #tpu.memory_space<vmem>>
    %dma_wait3A_19 = arith.constant 0 : i32
    %dma_wait3A_20 = tpu.memref_slice %arg5[%dma_wait3A, %dma_wait3A_19] : memref<4x128xi32, #tpu.memory_space<vmem>> -> memref<1x128xi32, #tpu.memory_space<vmem>>
    %dma_wait3A_21 = tpu.memref_squeeze %dma_wait3A_20 : memref<1x128xi32, #tpu.memory_space<vmem>> -> memref<128xi32, #tpu.memory_space<vmem>>
    %dma_wait3A_22 = arith.constant 0 : i32
    %dma_wait3A_23 = arith.constant 0 : i32
    %dma_wait3A_24 = tpu.memref_slice %arg2[%dma_wait3A_22, %dma_wait3A_23] : memref<500000x128xf32, #tpu.memory_space<hbm>> -> memref<500000x128xf32, #tpu.memory_space<hbm>>
    tpu.wait_indirect_dma semaphore(%arg7 : memref<!tpu.dma_semaphore, #tpu.memory_space<semaphore_mem>>) src(%dma_wait3A_24 : memref<500000x128xf32, #tpu.memory_space<hbm>>) dst(%dma_wait3A_18 : memref<128x128xf32, #tpu.memory_space<vmem>>)
    %add3A_25 = arith.constant 0 : i32
    %add3A_26 = arith.addi %mul3A_2, %add3A_25 : i32
    %dma_start3A_27 = arith.constant 0 : i32
    %dma_start3A_28 = arith.constant 0 : i32
    %dma_start3A_29 = arith.constant 0 : i32
    %dma_start3A_30 = tpu.memref_slice %arg6[%dma_start3A_27, %dma_start3A_28, %dma_start3A_29] : memref<2x128x128xf32, #tpu.memory_space<vmem>> -> memref<1x128x128xf32, #tpu.memory_space<vmem>>
    %dma_start3A_31 = tpu.memref_squeeze %dma_start3A_30 : memref<1x128x128xf32, #tpu.memory_space<vmem>> -> memref<128x128xf32, #tpu.memory_space<vmem>>
    %dma_start3A_32 = arith.constant 0 : i32
    %dma_start3A_33 = tpu.memref_slice %arg4[%add3A_26, %dma_start3A_32] : memref<16384x128xf32, #tpu.memory_space<hbm>> -> memref<128x128xf32, #tpu.memory_space<hbm>>
    %dma_start3A_34 = arith.constant 0 : i32
    %dma_start3A_35 = tpu.memref_slice %arg4[%add3A_26, %dma_start3A_34] : memref<16384x128xf32, #tpu.memory_space<hbm>> -> memref<128x128xf32, #tpu.memory_space<hbm>>
    %dma_start3A_36 = arith.constant 0 : i32
    %dma_start3A_37 = arith.constant 0 : i32
    %dma_start3A_38 = tpu.memref_slice %arg6[%dma_start3A_27, %dma_start3A_36, %dma_start3A_37] : memref<2x128x128xf32, #tpu.memory_space<vmem>> -> memref<1x128x128xf32, #tpu.memory_space<vmem>>
    %dma_start3A_39 = tpu.memref_squeeze %dma_start3A_38 : memref<1x128x128xf32, #tpu.memory_space<vmem>> -> memref<128x128xf32, #tpu.memory_space<vmem>>
    tpu.enqueue_dma source(%dma_start3A_39 : memref<128x128xf32, #tpu.memory_space<vmem>>) target(%dma_start3A_35 : memref<128x128xf32, #tpu.memory_space<hbm>>) target_semaphore(%arg8 : memref<!tpu.dma_semaphore, #tpu.memory_space<semaphore_mem>>)
    %dma_start3A_40 = arith.constant 1 : i32
    %dma_start3A_41 = arith.constant 1 : i32
    %dma_start3A_42 = arith.constant 0 : i32
    %dma_start3A_43 = arith.constant 0 : i32
    %dma_start3A_44 = tpu.memref_slice %arg6[%dma_start3A_41, %dma_start3A_42, %dma_start3A_43] : memref<2x128x128xf32, #tpu.memory_space<vmem>> -> memref<1x128x128xf32, #tpu.memory_space<vmem>>
    %dma_start3A_45 = tpu.memref_squeeze %dma_start3A_44 : memref<1x128x128xf32, #tpu.memory_space<vmem>> -> memref<128x128xf32, #tpu.memory_space<vmem>>
    %dma_start3A_46 = arith.constant 0 : i32
    %dma_start3A_47 = tpu.memref_slice %arg5[%dma_start3A_40, %dma_start3A_46] : memref<4x128xi32, #tpu.memory_space<vmem>> -> memref<1x128xi32, #tpu.memory_space<vmem>>
    %dma_start3A_48 = tpu.memref_squeeze %dma_start3A_47 : memref<1x128xi32, #tpu.memory_space<vmem>> -> memref<128xi32, #tpu.memory_space<vmem>>
    %dma_start3A_49 = arith.constant 0 : i32
    %dma_start3A_50 = arith.constant 0 : i32
    %dma_start3A_51 = tpu.memref_slice %arg2[%dma_start3A_49, %dma_start3A_50] : memref<500000x128xf32, #tpu.memory_space<hbm>> -> memref<500000x128xf32, #tpu.memory_space<hbm>>
    tpu.enqueue_indirect_dma source(%dma_start3A_51 : memref<500000x128xf32, #tpu.memory_space<hbm>>) target(%dma_start3A_45 : memref<128x128xf32, #tpu.memory_space<vmem>>) offsets(%dma_start3A_48 : memref<128xi32, #tpu.memory_space<vmem>>) semaphore(%arg7 : memref<!tpu.dma_semaphore, #tpu.memory_space<semaphore_mem>>)
    %dma_wait3A_52 = arith.constant 1 : i32
    %dma_wait3A_53 = arith.constant 1 : i32
    %dma_wait3A_54 = arith.constant 0 : i32
    %dma_wait3A_55 = arith.constant 0 : i32
    %dma_wait3A_56 = tpu.memref_slice %arg6[%dma_wait3A_53, %dma_wait3A_54, %dma_wait3A_55] : memref<2x128x128xf32, #tpu.memory_space<vmem>> -> memref<1x128x128xf32, #tpu.memory_space<vmem>>
    %dma_wait3A_57 = tpu.memref_squeeze %dma_wait3A_56 : memref<1x128x128xf32, #tpu.memory_space<vmem>> -> memref<128x128xf32, #tpu.memory_space<vmem>>
    %dma_wait3A_58 = arith.constant 0 : i32
    %dma_wait3A_59 = tpu.memref_slice %arg5[%dma_wait3A_52, %dma_wait3A_58] : memref<4x128xi32, #tpu.memory_space<vmem>> -> memref<1x128xi32, #tpu.memory_space<vmem>>
    %dma_wait3A_60 = tpu.memref_squeeze %dma_wait3A_59 : memref<1x128xi32, #tpu.memory_space<vmem>> -> memref<128xi32, #tpu.memory_space<vmem>>
    %dma_wait3A_61 = arith.constant 0 : i32
    %dma_wait3A_62 = arith.constant 0 : i32
    %dma_wait3A_63 = tpu.memref_slice %arg2[%dma_wait3A_61, %dma_wait3A_62] : memref<500000x128xf32, #tpu.memory_space<hbm>> -> memref<500000x128xf32, #tpu.memory_space<hbm>>
    tpu.wait_indirect_dma semaphore(%arg7 : memref<!tpu.dma_semaphore, #tpu.memory_space<semaphore_mem>>) src(%dma_wait3A_63 : memref<500000x128xf32, #tpu.memory_space<hbm>>) dst(%dma_wait3A_57 : memref<128x128xf32, #tpu.memory_space<vmem>>)
    %add3A_64 = arith.constant 128 : i32
    %add3A_65 = arith.addi %mul3A_2, %add3A_64 : i32
    %dma_start3A_66 = arith.constant 1 : i32
    %dma_start3A_67 = arith.constant 0 : i32
    %dma_start3A_68 = arith.constant 0 : i32
    %dma_start3A_69 = tpu.memref_slice %arg6[%dma_start3A_66, %dma_start3A_67, %dma_start3A_68] : memref<2x128x128xf32, #tpu.memory_space<vmem>> -> memref<1x128x128xf32, #tpu.memory_space<vmem>>
    %dma_start3A_70 = tpu.memref_squeeze %dma_start3A_69 : memref<1x128x128xf32, #tpu.memory_space<vmem>> -> memref<128x128xf32, #tpu.memory_space<vmem>>
    %dma_start3A_71 = arith.constant 0 : i32
    %dma_start3A_72 = tpu.memref_slice %arg4[%add3A_65, %dma_start3A_71] : memref<16384x128xf32, #tpu.memory_space<hbm>> -> memref<128x128xf32, #tpu.memory_space<hbm>>
    %dma_start3A_73 = arith.constant 0 : i32
    %dma_start3A_74 = tpu.memref_slice %arg4[%add3A_65, %dma_start3A_73] : memref<16384x128xf32, #tpu.memory_space<hbm>> -> memref<128x128xf32, #tpu.memory_space<hbm>>
    %dma_start3A_75 = arith.constant 0 : i32
    %dma_start3A_76 = arith.constant 0 : i32
    %dma_start3A_77 = tpu.memref_slice %arg6[%dma_start3A_66, %dma_start3A_75, %dma_start3A_76] : memref<2x128x128xf32, #tpu.memory_space<vmem>> -> memref<1x128x128xf32, #tpu.memory_space<vmem>>
    %dma_start3A_78 = tpu.memref_squeeze %dma_start3A_77 : memref<1x128x128xf32, #tpu.memory_space<vmem>> -> memref<128x128xf32, #tpu.memory_space<vmem>>
    tpu.enqueue_dma source(%dma_start3A_78 : memref<128x128xf32, #tpu.memory_space<vmem>>) target(%dma_start3A_74 : memref<128x128xf32, #tpu.memory_space<hbm>>) target_semaphore(%arg9 : memref<!tpu.dma_semaphore, #tpu.memory_space<semaphore_mem>>)
    %dma_wait3A_79 = arith.constant 0 : i32
    %dma_wait3A_80 = arith.constant 0 : i32
    %dma_wait3A_81 = arith.constant 0 : i32
    %dma_wait3A_82 = tpu.memref_slice %arg6[%dma_wait3A_79, %dma_wait3A_80, %dma_wait3A_81] : memref<2x128x128xf32, #tpu.memory_space<vmem>> -> memref<1x128x128xf32, #tpu.memory_space<vmem>>
    %dma_wait3A_83 = tpu.memref_squeeze %dma_wait3A_82 : memref<1x128x128xf32, #tpu.memory_space<vmem>> -> memref<128x128xf32, #tpu.memory_space<vmem>>
    %dma_wait3A_84 = arith.constant 0 : i32
    %dma_wait3A_85 = tpu.memref_slice %arg4[%add3A_26, %dma_wait3A_84] : memref<16384x128xf32, #tpu.memory_space<hbm>> -> memref<128x128xf32, #tpu.memory_space<hbm>>
    %dma_wait3A_86 = arith.constant 0 : i32
    %dma_wait3A_87 = tpu.memref_slice %arg4[%add3A_26, %dma_wait3A_86] : memref<16384x128xf32, #tpu.memory_space<hbm>> -> memref<128x128xf32, #tpu.memory_space<hbm>>
    %dma_wait3A_88 = arith.constant 0 : i32
    %dma_wait3A_89 = arith.constant 0 : i32
    %dma_wait3A_90 = tpu.memref_slice %arg6[%dma_wait3A_79, %dma_wait3A_88, %dma_wait3A_89] : memref<2x128x128xf32, #tpu.memory_space<vmem>> -> memref<1x128x128xf32, #tpu.memory_space<vmem>>
    %dma_wait3A_91 = tpu.memref_squeeze %dma_wait3A_90 : memref<1x128x128xf32, #tpu.memory_space<vmem>> -> memref<128x128xf32, #tpu.memory_space<vmem>>
    tpu.wait_dma2 semaphore(%arg8 : memref<!tpu.dma_semaphore, #tpu.memory_space<semaphore_mem>>) src(%dma_wait3A_91 : memref<128x128xf32, #tpu.memory_space<vmem>>) dst(%dma_wait3A_87 : memref<128x128xf32, #tpu.memory_space<hbm>>)
    %dma_start3A_92 = arith.constant 2 : i32
    %dma_start3A_93 = arith.constant 0 : i32
    %dma_start3A_94 = arith.constant 0 : i32
    %dma_start3A_95 = arith.constant 0 : i32
    %dma_start3A_96 = tpu.memref_slice %arg6[%dma_start3A_93, %dma_start3A_94, %dma_start3A_95] : memref<2x128x128xf32, #tpu.memory_space<vmem>> -> memref<1x128x128xf32, #tpu.memory_space<vmem>>
    %dma_start3A_97 = tpu.memref_squeeze %dma_start3A_96 : memref<1x128x128xf32, #tpu.memory_space<vmem>> -> memref<128x128xf32, #tpu.memory_space<vmem>>
    %dma_start3A_98 = arith.constant 0 : i32
    %dma_start3A_99 = tpu.memref_slice %arg5[%dma_start3A_92, %dma_start3A_98] : memref<4x128xi32, #tpu.memory_space<vmem>> -> memref<1x128xi32, #tpu.memory_space<vmem>>
    %dma_start3A_100 = tpu.memref_squeeze %dma_start3A_99 : memref<1x128xi32, #tpu.memory_space<vmem>> -> memref<128xi32, #tpu.memory_space<vmem>>
    %dma_start3A_101 = arith.constant 0 : i32
    %dma_start3A_102 = arith.constant 0 : i32
    %dma_start3A_103 = tpu.memref_slice %arg2[%dma_start3A_101, %dma_start3A_102] : memref<500000x128xf32, #tpu.memory_space<hbm>> -> memref<500000x128xf32, #tpu.memory_space<hbm>>
    tpu.enqueue_indirect_dma source(%dma_start3A_103 : memref<500000x128xf32, #tpu.memory_space<hbm>>) target(%dma_start3A_97 : memref<128x128xf32, #tpu.memory_space<vmem>>) offsets(%dma_start3A_100 : memref<128xi32, #tpu.memory_space<vmem>>) semaphore(%arg7 : memref<!tpu.dma_semaphore, #tpu.memory_space<semaphore_mem>>)
    %dma_wait3A_104 = arith.constant 2 : i32
    %dma_wait3A_105 = arith.constant 0 : i32
    %dma_wait3A_106 = arith.constant 0 : i32
    %dma_wait3A_107 = arith.constant 0 : i32
    %dma_wait3A_108 = tpu.memref_slice %arg6[%dma_wait3A_105, %dma_wait3A_106, %dma_wait3A_107] : memref<2x128x128xf32, #tpu.memory_space<vmem>> -> memref<1x128x128xf32, #tpu.memory_space<vmem>>
    %dma_wait3A_109 = tpu.memref_squeeze %dma_wait3A_108 : memref<1x128x128xf32, #tpu.memory_space<vmem>> -> memref<128x128xf32, #tpu.memory_space<vmem>>
    %dma_wait3A_110 = arith.constant 0 : i32
    %dma_wait3A_111 = tpu.memref_slice %arg5[%dma_wait3A_104, %dma_wait3A_110] : memref<4x128xi32, #tpu.memory_space<vmem>> -> memref<1x128xi32, #tpu.memory_space<vmem>>
    %dma_wait3A_112 = tpu.memref_squeeze %dma_wait3A_111 : memref<1x128xi32, #tpu.memory_space<vmem>> -> memref<128xi32, #tpu.memory_space<vmem>>
    %dma_wait3A_113 = arith.constant 0 : i32
    %dma_wait3A_114 = arith.constant 0 : i32
    %dma_wait3A_115 = tpu.memref_slice %arg2[%dma_wait3A_113, %dma_wait3A_114] : memref<500000x128xf32, #tpu.memory_space<hbm>> -> memref<500000x128xf32, #tpu.memory_space<hbm>>
    tpu.wait_indirect_dma semaphore(%arg7 : memref<!tpu.dma_semaphore, #tpu.memory_space<semaphore_mem>>) src(%dma_wait3A_115 : memref<500000x128xf32, #tpu.memory_space<hbm>>) dst(%dma_wait3A_109 : memref<128x128xf32, #tpu.memory_space<vmem>>)
    %add3A_116 = arith.constant 256 : i32
    %add3A_117 = arith.addi %mul3A_2, %add3A_116 : i32
    %dma_start3A_118 = arith.constant 0 : i32
    %dma_start3A_119 = arith.constant 0 : i32
    %dma_start3A_120 = arith.constant 0 : i32
    %dma_start3A_121 = tpu.memref_slice %arg6[%dma_start3A_118, %dma_start3A_119, %dma_start3A_120] : memref<2x128x128xf32, #tpu.memory_space<vmem>> -> memref<1x128x128xf32, #tpu.memory_space<vmem>>
    %dma_start3A_122 = tpu.memref_squeeze %dma_start3A_121 : memref<1x128x128xf32, #tpu.memory_space<vmem>> -> memref<128x128xf32, #tpu.memory_space<vmem>>
    %dma_start3A_123 = arith.constant 0 : i32
    %dma_start3A_124 = tpu.memref_slice %arg4[%add3A_117, %dma_start3A_123] : memref<16384x128xf32, #tpu.memory_space<hbm>> -> memref<128x128xf32, #tpu.memory_space<hbm>>
    %dma_start3A_125 = arith.constant 0 : i32
    %dma_start3A_126 = tpu.memref_slice %arg4[%add3A_117, %dma_start3A_125] : memref<16384x128xf32, #tpu.memory_space<hbm>> -> memref<128x128xf32, #tpu.memory_space<hbm>>
    %dma_start3A_127 = arith.constant 0 : i32
    %dma_start3A_128 = arith.constant 0 : i32
    %dma_start3A_129 = tpu.memref_slice %arg6[%dma_start3A_118, %dma_start3A_127, %dma_start3A_128] : memref<2x128x128xf32, #tpu.memory_space<vmem>> -> memref<1x128x128xf32, #tpu.memory_space<vmem>>
    %dma_start3A_130 = tpu.memref_squeeze %dma_start3A_129 : memref<1x128x128xf32, #tpu.memory_space<vmem>> -> memref<128x128xf32, #tpu.memory_space<vmem>>
    tpu.enqueue_dma source(%dma_start3A_130 : memref<128x128xf32, #tpu.memory_space<vmem>>) target(%dma_start3A_126 : memref<128x128xf32, #tpu.memory_space<hbm>>) target_semaphore(%arg8 : memref<!tpu.dma_semaphore, #tpu.memory_space<semaphore_mem>>)
    %dma_wait3A_131 = arith.constant 1 : i32
    %dma_wait3A_132 = arith.constant 0 : i32
    %dma_wait3A_133 = arith.constant 0 : i32
    %dma_wait3A_134 = tpu.memref_slice %arg6[%dma_wait3A_131, %dma_wait3A_132, %dma_wait3A_133] : memref<2x128x128xf32, #tpu.memory_space<vmem>> -> memref<1x128x128xf32, #tpu.memory_space<vmem>>
    %dma_wait3A_135 = tpu.memref_squeeze %dma_wait3A_134 : memref<1x128x128xf32, #tpu.memory_space<vmem>> -> memref<128x128xf32, #tpu.memory_space<vmem>>
    %dma_wait3A_136 = arith.constant 0 : i32
    %dma_wait3A_137 = tpu.memref_slice %arg4[%add3A_65, %dma_wait3A_136] : memref<16384x128xf32, #tpu.memory_space<hbm>> -> memref<128x128xf32, #tpu.memory_space<hbm>>
    %dma_wait3A_138 = arith.constant 0 : i32
    %dma_wait3A_139 = tpu.memref_slice %arg4[%add3A_65, %dma_wait3A_138] : memref<16384x128xf32, #tpu.memory_space<hbm>> -> memref<128x128xf32, #tpu.memory_space<hbm>>
    %dma_wait3A_140 = arith.constant 0 : i32
    %dma_wait3A_141 = arith.constant 0 : i32
    %dma_wait3A_142 = tpu.memref_slice %arg6[%dma_wait3A_131, %dma_wait3A_140, %dma_wait3A_141] : memref<2x128x128xf32, #tpu.memory_space<vmem>> -> memref<1x128x128xf32, #tpu.memory_space<vmem>>
    %dma_wait3A_143 = tpu.memref_squeeze %dma_wait3A_142 : memref<1x128x128xf32, #tpu.memory_space<vmem>> -> memref<128x128xf32, #tpu.memory_space<vmem>>
    tpu.wait_dma2 semaphore(%arg9 : memref<!tpu.dma_semaphore, #tpu.memory_space<semaphore_mem>>) src(%dma_wait3A_143 : memref<128x128xf32, #tpu.memory_space<vmem>>) dst(%dma_wait3A_139 : memref<128x128xf32, #tpu.memory_space<hbm>>)
    %dma_start3A_144 = arith.constant 3 : i32
    %dma_start3A_145 = arith.constant 1 : i32
    %dma_start3A_146 = arith.constant 0 : i32
    %dma_start3A_147 = arith.constant 0 : i32
    %dma_start3A_148 = tpu.memref_slice %arg6[%dma_start3A_145, %dma_start3A_146, %dma_start3A_147] : memref<2x128x128xf32, #tpu.memory_space<vmem>> -> memref<1x128x128xf32, #tpu.memory_space<vmem>>
    %dma_start3A_149 = tpu.memref_squeeze %dma_start3A_148 : memref<1x128x128xf32, #tpu.memory_space<vmem>> -> memref<128x128xf32, #tpu.memory_space<vmem>>
    %dma_start3A_150 = arith.constant 0 : i32
    %dma_start3A_151 = tpu.memref_slice %arg5[%dma_start3A_144, %dma_start3A_150] : memref<4x128xi32, #tpu.memory_space<vmem>> -> memref<1x128xi32, #tpu.memory_space<vmem>>
    %dma_start3A_152 = tpu.memref_squeeze %dma_start3A_151 : memref<1x128xi32, #tpu.memory_space<vmem>> -> memref<128xi32, #tpu.memory_space<vmem>>
    %dma_start3A_153 = arith.constant 0 : i32
    %dma_start3A_154 = arith.constant 0 : i32
    %dma_start3A_155 = tpu.memref_slice %arg2[%dma_start3A_153, %dma_start3A_154] : memref<500000x128xf32, #tpu.memory_space<hbm>> -> memref<500000x128xf32, #tpu.memory_space<hbm>>
    tpu.enqueue_indirect_dma source(%dma_start3A_155 : memref<500000x128xf32, #tpu.memory_space<hbm>>) target(%dma_start3A_149 : memref<128x128xf32, #tpu.memory_space<vmem>>) offsets(%dma_start3A_152 : memref<128xi32, #tpu.memory_space<vmem>>) semaphore(%arg7 : memref<!tpu.dma_semaphore, #tpu.memory_space<semaphore_mem>>)
    %dma_wait3A_156 = arith.constant 3 : i32
    %dma_wait3A_157 = arith.constant 1 : i32
    %dma_wait3A_158 = arith.constant 0 : i32
    %dma_wait3A_159 = arith.constant 0 : i32
    %dma_wait3A_160 = tpu.memref_slice %arg6[%dma_wait3A_157, %dma_wait3A_158, %dma_wait3A_159] : memref<2x128x128xf32, #tpu.memory_space<vmem>> -> memref<1x128x128xf32, #tpu.memory_space<vmem>>
    %dma_wait3A_161 = tpu.memref_squeeze %dma_wait3A_160 : memref<1x128x128xf32, #tpu.memory_space<vmem>> -> memref<128x128xf32, #tpu.memory_space<vmem>>
    %dma_wait3A_162 = arith.constant 0 : i32
    %dma_wait3A_163 = tpu.memref_slice %arg5[%dma_wait3A_156, %dma_wait3A_162] : memref<4x128xi32, #tpu.memory_space<vmem>> -> memref<1x128xi32, #tpu.memory_space<vmem>>
    %dma_wait3A_164 = tpu.memref_squeeze %dma_wait3A_163 : memref<1x128xi32, #tpu.memory_space<vmem>> -> memref<128xi32, #tpu.memory_space<vmem>>
    %dma_wait3A_165 = arith.constant 0 : i32
    %dma_wait3A_166 = arith.constant 0 : i32
    %dma_wait3A_167 = tpu.memref_slice %arg2[%dma_wait3A_165, %dma_wait3A_166] : memref<500000x128xf32, #tpu.memory_space<hbm>> -> memref<500000x128xf32, #tpu.memory_space<hbm>>
    tpu.wait_indirect_dma semaphore(%arg7 : memref<!tpu.dma_semaphore, #tpu.memory_space<semaphore_mem>>) src(%dma_wait3A_167 : memref<500000x128xf32, #tpu.memory_space<hbm>>) dst(%dma_wait3A_161 : memref<128x128xf32, #tpu.memory_space<vmem>>)
    %add3A_168 = arith.constant 384 : i32
    %add3A_169 = arith.addi %mul3A_2, %add3A_168 : i32
    %dma_start3A_170 = arith.constant 1 : i32
    %dma_start3A_171 = arith.constant 0 : i32
    %dma_start3A_172 = arith.constant 0 : i32
    %dma_start3A_173 = tpu.memref_slice %arg6[%dma_start3A_170, %dma_start3A_171, %dma_start3A_172] : memref<2x128x128xf32, #tpu.memory_space<vmem>> -> memref<1x128x128xf32, #tpu.memory_space<vmem>>
    %dma_start3A_174 = tpu.memref_squeeze %dma_start3A_173 : memref<1x128x128xf32, #tpu.memory_space<vmem>> -> memref<128x128xf32, #tpu.memory_space<vmem>>
    %dma_start3A_175 = arith.constant 0 : i32
    %dma_start3A_176 = tpu.memref_slice %arg4[%add3A_169, %dma_start3A_175] : memref<16384x128xf32, #tpu.memory_space<hbm>> -> memref<128x128xf32, #tpu.memory_space<hbm>>
    %dma_start3A_177 = arith.constant 0 : i32
    %dma_start3A_178 = tpu.memref_slice %arg4[%add3A_169, %dma_start3A_177] : memref<16384x128xf32, #tpu.memory_space<hbm>> -> memref<128x128xf32, #tpu.memory_space<hbm>>
    %dma_start3A_179 = arith.constant 0 : i32
    %dma_start3A_180 = arith.constant 0 : i32
    %dma_start3A_181 = tpu.memref_slice %arg6[%dma_start3A_170, %dma_start3A_179, %dma_start3A_180] : memref<2x128x128xf32, #tpu.memory_space<vmem>> -> memref<1x128x128xf32, #tpu.memory_space<vmem>>
    %dma_start3A_182 = tpu.memref_squeeze %dma_start3A_181 : memref<1x128x128xf32, #tpu.memory_space<vmem>> -> memref<128x128xf32, #tpu.memory_space<vmem>>
    tpu.enqueue_dma source(%dma_start3A_182 : memref<128x128xf32, #tpu.memory_space<vmem>>) target(%dma_start3A_178 : memref<128x128xf32, #tpu.memory_space<hbm>>) target_semaphore(%arg9 : memref<!tpu.dma_semaphore, #tpu.memory_space<semaphore_mem>>)
    %dma_wait3A_183 = arith.constant 0 : i32
    %dma_wait3A_184 = arith.constant 0 : i32
    %dma_wait3A_185 = arith.constant 0 : i32
    %dma_wait3A_186 = tpu.memref_slice %arg6[%dma_wait3A_183, %dma_wait3A_184, %dma_wait3A_185] : memref<2x128x128xf32, #tpu.memory_space<vmem>> -> memref<1x128x128xf32, #tpu.memory_space<vmem>>
    %dma_wait3A_187 = tpu.memref_squeeze %dma_wait3A_186 : memref<1x128x128xf32, #tpu.memory_space<vmem>> -> memref<128x128xf32, #tpu.memory_space<vmem>>
    %dma_wait3A_188 = arith.constant 0 : i32
    %dma_wait3A_189 = tpu.memref_slice %arg4[%add3A_117, %dma_wait3A_188] : memref<16384x128xf32, #tpu.memory_space<hbm>> -> memref<128x128xf32, #tpu.memory_space<hbm>>
    %dma_wait3A_190 = arith.constant 0 : i32
    %dma_wait3A_191 = tpu.memref_slice %arg4[%add3A_117, %dma_wait3A_190] : memref<16384x128xf32, #tpu.memory_space<hbm>> -> memref<128x128xf32, #tpu.memory_space<hbm>>
    %dma_wait3A_192 = arith.constant 0 : i32
    %dma_wait3A_193 = arith.constant 0 : i32
    %dma_wait3A_194 = tpu.memref_slice %arg6[%dma_wait3A_183, %dma_wait3A_192, %dma_wait3A_193] : memref<2x128x128xf32, #tpu.memory_space<vmem>> -> memref<1x128x128xf32, #tpu.memory_space<vmem>>
    %dma_wait3A_195 = tpu.memref_squeeze %dma_wait3A_194 : memref<1x128x128xf32, #tpu.memory_space<vmem>> -> memref<128x128xf32, #tpu.memory_space<vmem>>
    tpu.wait_dma2 semaphore(%arg8 : memref<!tpu.dma_semaphore, #tpu.memory_space<semaphore_mem>>) src(%dma_wait3A_195 : memref<128x128xf32, #tpu.memory_space<vmem>>) dst(%dma_wait3A_191 : memref<128x128xf32, #tpu.memory_space<hbm>>)
    %dma_wait3A_196 = arith.constant 1 : i32
    %dma_wait3A_197 = arith.constant 0 : i32
    %dma_wait3A_198 = arith.constant 0 : i32
    %dma_wait3A_199 = tpu.memref_slice %arg6[%dma_wait3A_196, %dma_wait3A_197, %dma_wait3A_198] : memref<2x128x128xf32, #tpu.memory_space<vmem>> -> memref<1x128x128xf32, #tpu.memory_space<vmem>>
    %dma_wait3A_200 = tpu.memref_squeeze %dma_wait3A_199 : memref<1x128x128xf32, #tpu.memory_space<vmem>> -> memref<128x128xf32, #tpu.memory_space<vmem>>
    %dma_wait3A_201 = arith.constant 0 : i32
    %dma_wait3A_202 = tpu.memref_slice %arg4[%add3A_169, %dma_wait3A_201] : memref<16384x128xf32, #tpu.memory_space<hbm>> -> memref<128x128xf32, #tpu.memory_space<hbm>>
    %dma_wait3A_203 = arith.constant 0 : i32
    %dma_wait3A_204 = tpu.memref_slice %arg4[%add3A_169, %dma_wait3A_203] : memref<16384x128xf32, #tpu.memory_space<hbm>> -> memref<128x128xf32, #tpu.memory_space<hbm>>
    %dma_wait3A_205 = arith.constant 0 : i32
    %dma_wait3A_206 = arith.constant 0 : i32
    %dma_wait3A_207 = tpu.memref_slice %arg6[%dma_wait3A_196, %dma_wait3A_205, %dma_wait3A_206] : memref<2x128x128xf32, #tpu.memory_space<vmem>> -> memref<1x128x128xf32, #tpu.memory_space<vmem>>
    %dma_wait3A_208 = tpu.memref_squeeze %dma_wait3A_207 : memref<1x128x128xf32, #tpu.memory_space<vmem>> -> memref<128x128xf32, #tpu.memory_space<vmem>>
    tpu.wait_dma2 semaphore(%arg9 : memref<!tpu.dma_semaphore, #tpu.memory_space<semaphore_mem>>) src(%dma_wait3A_208 : memref<128x128xf32, #tpu.memory_space<vmem>>) dst(%dma_wait3A_204 : memref<128x128xf32, #tpu.memory_space<hbm>>)
    return
  }
}

module attributes {stable_mosaic.version = 14 : i64} {
  func.func @body(%arg0: i32, %arg1: memref<64x2048xf32, #tpu.memory_space<vmem>>, %arg2: memref<64x2048xf32, #tpu.memory_space<vmem>>, %arg3: memref<2048x128xf32, #tpu.memory_space<vmem>>) attributes {dimension_semantics = [#tpu.dimension_semantics<arbitrary>], iteration_bounds = array<i64: 244>, scalar_prefetch = 0 : i64, scratch_operands = 0 : i64, tpu.core_type = #tpu.core_type<tc>, window_params = [{transform_indices = @transform_0, window_bounds = array<i64: 64, 2048>}, {transform_indices = @transform_1, window_bounds = array<i64: 64, 2048>}, {transform_indices = @transform_2, window_bounds = array<i64: 2048, 128>}]} {
    %get3A = arith.constant 0 : index
    %get3A_0 = arith.constant 0 : index
    %get3A_1 = vector.load %arg1[%get3A, %get3A_0] : memref<64x2048xf32, #tpu.memory_space<vmem>>, vector<64x2048xf32>
    %transpose3A = tpu.transpose %get3A_1, [1, 0] : vector<64x2048xf32> -> vector<2048x64xf32>
    %get3A_2 = arith.constant 0 : index
    %get3A_3 = arith.constant 0 : index
    %get3A_4 = vector.load %arg2[%get3A_2, %get3A_3] : memref<64x2048xf32, #tpu.memory_space<vmem>>, vector<64x2048xf32>
    %transpose3A_5 = tpu.transpose %get3A_4, [1, 0] : vector<64x2048xf32> -> vector<2048x64xf32>
    %concatenate3A = tpu.concatenate %transpose3A, %transpose3A_5 in 1 : vector<2048x64xf32>, vector<2048x64xf32> -> vector<2048x128xf32>
    %swap3A = arith.constant 0 : index
    %swap3A_6 = arith.constant 0 : index
    %swap3A_7 = vector.load %arg3[%swap3A, %swap3A_6] : memref<2048x128xf32, #tpu.memory_space<vmem>>, vector<2048x128xf32>
    tpu.vector_store %arg3[%swap3A, %swap3A_6], %concatenate3A {strides = array<i32>} : memref<2048x128xf32, #tpu.memory_space<vmem>>, vector<2048x128xf32>,
    return
  }
  func.func @transform_0(%arg0: i32) -> (i32, i32) {
    %c0_i32 = arith.constant 0 : i32
    %c0_i32_0 = arith.constant 0 : i32
    return %c0_i32, %arg0 : i32, i32
  }
  func.func @transform_1(%arg0: i32) -> (i32, i32) {
    %add3A = arith.constant 244 : i32
    %add3A_0 = arith.addi %arg0, %add3A : i32
    %c0_i32 = arith.constant 0 : i32
    %c0_i32_1 = arith.constant 0 : i32
    return %c0_i32, %add3A_0 : i32, i32
  }
  func.func @transform_2(%arg0: i32) -> (i32, i32) {
    %c0_i32 = arith.constant 0 : i32
    %c0_i32_0 = arith.constant 0 : i32
    return %arg0, %c0_i32 : i32, i32
  }
}

module attributes {stable_mosaic.version = 14 : i64} {
  func.func @body(%arg0: i32, %arg1: memref<1024x128xf32, #tpu.memory_space<vmem>>, %arg2: memref<1024x128xf32, #tpu.memory_space<vmem>>, %arg3: memref<1024x64xf32, #tpu.memory_space<vmem>>, %arg4: memref<1024x1xf32, #tpu.memory_space<vmem>>, %arg5: memref<1024x1xf32, #tpu.memory_space<vmem>>, %arg6: memref<1x1xf32, #tpu.memory_space<vmem>>) attributes {dimension_semantics = [#tpu.dimension_semantics<arbitrary>], iteration_bounds = array<i64: 16>, scalar_prefetch = 0 : i64, scratch_operands = 0 : i64, tpu.core_type = #tpu.core_type<tc>, window_params = [{transform_indices = @transform_0, window_bounds = array<i64: 1024, 128>}, {transform_indices = @transform_1, window_bounds = array<i64: 1024, 128>}, {transform_indices = @transform_2, window_bounds = array<i64: 1024, 64>}, {transform_indices = @transform_3, window_bounds = array<i64: 1024, 1>}, {transform_indices = @transform_4, window_bounds = array<i64: 1024, 1>}, {pipeline_mode = #tpu.pipeline_mode<synchronous>, transform_indices = @transform_5, window_bounds = array<i64: 1, 1>}]} {
    %eq3A = arith.constant 0 : i32
    %eq3A_0 = arith.cmpi eq, %arg0, %eq3A : i32
    %convert_element_type3A = arith.extui %eq3A_0 : i1 to i32
    %cond3A = arith.constant 0 : i32
    %cond3A_1 = arith.cmpi ne, %convert_element_type3A, %cond3A : i32
    scf.if %cond3A_1 {
      %broadcast_in_dim3A_63 = arith.constant 0.000000e+00 : f32
      %broadcast_in_dim3A_64 = vector.broadcast %broadcast_in_dim3A_63 : f32 to vector<1x1xf32>
      %swap3A_65 = arith.constant 0 : index
      %swap3A_66 = arith.constant 0 : index
      %swap3A_67 = vector.load %arg6[%swap3A_65, %swap3A_66] : memref<1x1xf32, #tpu.memory_space<vmem>>, vector<1x1xf32>
      tpu.vector_store %arg6[%swap3A_65, %swap3A_66], %broadcast_in_dim3A_64 {strides = array<i32>} : memref<1x1xf32, #tpu.memory_space<vmem>>, vector<1x1xf32>,
    } else {
    }
    %get3A = arith.constant 0 : index
    %get3A_2 = arith.constant 0 : index
    %get3A_3 = vector.load %arg4[%get3A, %get3A_2] : memref<1024x1xf32, #tpu.memory_space<vmem>>, vector<1024x1xf32>
    %gt3A = arith.constant 0.000000e+00 : f32
    %gt3A_4 = vector.broadcast %gt3A : f32 to vector<1024x1xf32>
    %gt3A_5 = arith.cmpf ogt, %get3A_3, %gt3A_4 : vector<1024x1xf32>
    %get3A_6 = arith.constant 0 : index
    %get3A_7 = arith.constant 64 : index
    %get3A_8 = vector.load %arg1[%get3A_6, %get3A_7] : memref<1024x128xf32, #tpu.memory_space<vmem>>, vector<1024x64xf32>
    %get3A_9 = arith.constant 0 : index
    %get3A_10 = arith.constant 0 : index
    %get3A_11 = vector.load %arg1[%get3A_9, %get3A_10] : memref<1024x128xf32, #tpu.memory_space<vmem>>, vector<1024x64xf32>
    %broadcast_in_dim3A = vector.shape_cast %gt3A_5 : vector<1024x1xi1> to vector<1024x1xi1>
    %broadcast_in_dim3A_12 = vector.broadcast %broadcast_in_dim3A : vector<1024x1xi1> to vector<1024x64xi1>
    %select_n3A = arith.select %broadcast_in_dim3A_12, %get3A_8, %get3A_11 : vector<1024x64xi1>, vector<1024x64xf32>
    %get3A_13 = arith.constant 0 : index
    %get3A_14 = arith.constant 0 : index
    %get3A_15 = vector.load %arg5[%get3A_13, %get3A_14] : memref<1024x1xf32, #tpu.memory_space<vmem>>, vector<1024x1xf32>
    %gt3A_16 = arith.constant 0.000000e+00 : f32
    %gt3A_17 = vector.broadcast %gt3A_16 : f32 to vector<1024x1xf32>
    %gt3A_18 = arith.cmpf ogt, %get3A_15, %gt3A_17 : vector<1024x1xf32>
    %get3A_19 = arith.constant 0 : index
    %get3A_20 = arith.constant 64 : index
    %get3A_21 = vector.load %arg2[%get3A_19, %get3A_20] : memref<1024x128xf32, #tpu.memory_space<vmem>>, vector<1024x64xf32>
    %get3A_22 = arith.constant 0 : index
    %get3A_23 = arith.constant 0 : index
    %get3A_24 = vector.load %arg2[%get3A_22, %get3A_23] : memref<1024x128xf32, #tpu.memory_space<vmem>>, vector<1024x64xf32>
    %broadcast_in_dim3A_25 = vector.shape_cast %gt3A_18 : vector<1024x1xi1> to vector<1024x1xi1>
    %broadcast_in_dim3A_26 = vector.broadcast %broadcast_in_dim3A_25 : vector<1024x1xi1> to vector<1024x64xi1>
    %select_n3A_27 = arith.select %broadcast_in_dim3A_26, %get3A_21, %get3A_24 : vector<1024x64xi1>, vector<1024x64xf32>
    %mul3A = arith.mulf %select_n3A, %select_n3A_27 : vector<1024x64xf32>
    %reduce_sum3A = arith.constant dense<0.000000e+00> : vector<1024xf32>
    %reduce_sum3A_28 = vector.multi_reduction <add>, %mul3A, %reduce_sum3A [1] : vector<1024x64xf32> to vector<1024xf32>
    %get3A_29 = arith.constant 0 : index
    %get3A_30 = arith.constant 0 : index
    %get3A_31 = vector.load %arg3[%get3A_29, %get3A_30] : memref<1024x64xf32, #tpu.memory_space<vmem>>, vector<1024x64xf32>
    %mul3A_32 = arith.mulf %select_n3A, %get3A_31 : vector<1024x64xf32>
    %reduce_sum3A_33 = arith.constant dense<0.000000e+00> : vector<1024xf32>
    %reduce_sum3A_34 = vector.multi_reduction <add>, %mul3A_32, %reduce_sum3A_33 [1] : vector<1024x64xf32> to vector<1024xf32>
    %min3A = arith.constant 0.000000e+00 : f32
    %min3A_35 = vector.broadcast %min3A : f32 to vector<1024xf32>
    %min3A_36 = arith.minimumf %reduce_sum3A_28, %min3A_35 : vector<1024xf32>
    %abs3A = math.absf %reduce_sum3A_28 : vector<1024xf32>
    %neg3A = arith.constant 0.000000e+00 : f32
    %neg3A_37 = vector.broadcast %neg3A : f32 to vector<1024xf32>
    %neg3A_38 = arith.subf %neg3A_37, %abs3A : vector<1024xf32>
    %exp3A = math.exp %neg3A_38 : vector<1024xf32>
    %log1p3A = math.log1p %exp3A : vector<1024xf32>
    %sub3A = arith.subf %min3A_36, %log1p3A : vector<1024xf32>
    %neg3A_39 = arith.constant 0.000000e+00 : f32
    %neg3A_40 = vector.broadcast %neg3A_39 : f32 to vector<1024xf32>
    %neg3A_41 = arith.subf %neg3A_40, %reduce_sum3A_34 : vector<1024xf32>
    %min3A_42 = arith.constant 0.000000e+00 : f32
    %min3A_43 = vector.broadcast %min3A_42 : f32 to vector<1024xf32>
    %min3A_44 = arith.minimumf %neg3A_41, %min3A_43 : vector<1024xf32>
    %abs3A_45 = math.absf %neg3A_41 : vector<1024xf32>
    %neg3A_46 = arith.constant 0.000000e+00 : f32
    %neg3A_47 = vector.broadcast %neg3A_46 : f32 to vector<1024xf32>
    %neg3A_48 = arith.subf %neg3A_47, %abs3A_45 : vector<1024xf32>
    %exp3A_49 = math.exp %neg3A_48 : vector<1024xf32>
    %log1p3A_50 = math.log1p %exp3A_49 : vector<1024xf32>
    %sub3A_51 = arith.subf %min3A_44, %log1p3A_50 : vector<1024xf32>
    %add3A = arith.addf %sub3A, %sub3A_51 : vector<1024xf32>
    %reduce_sum3A_52 = vector.shape_cast %add3A : vector<1024xf32> to vector<1x1024xf32>
    %reduce_sum3A_53 = arith.constant dense<0.000000e+00> : vector<1xf32>
    %reduce_sum3A_54 = vector.multi_reduction <add>, %reduce_sum3A_52, %reduce_sum3A_53 [1] : vector<1x1024xf32> to vector<1xf32>
    %reduce_sum3A_55 = vector.shape_cast %reduce_sum3A_54 : vector<1xf32> to vector<1x1xf32>
    %reduce_sum3A_56 = vector.extract %reduce_sum3A_55[0, 0] : f32 from vector<1x1xf32>
    %get3A_57 = arith.constant 0 : index
    %get3A_58 = arith.constant 0 : index
    %get3A_59 = vector.load %arg6[%get3A_57, %get3A_58] : memref<1x1xf32, #tpu.memory_space<vmem>>, vector<1x1xf32>
    %reshape3A = vector.broadcast %reduce_sum3A_56 : f32 to vector<1x1xf32>
    %add3A_60 = arith.addf %get3A_59, %reshape3A : vector<1x1xf32>
    %swap3A = arith.constant 0 : index
    %swap3A_61 = arith.constant 0 : index
    %swap3A_62 = vector.load %arg6[%swap3A, %swap3A_61] : memref<1x1xf32, #tpu.memory_space<vmem>>, vector<1x1xf32>
    tpu.vector_store %arg6[%swap3A, %swap3A_61], %add3A_60 {strides = array<i32>} : memref<1x1xf32, #tpu.memory_space<vmem>>, vector<1x1xf32>,
    return
  }
  func.func @transform_0(%arg0: i32) -> (i32, i32) {
    %c0_i32 = arith.constant 0 : i32
    %c0_i32_0 = arith.constant 0 : i32
    return %arg0, %c0_i32 : i32, i32
  }
  func.func @transform_1(%arg0: i32) -> (i32, i32) {
    %c0_i32 = arith.constant 0 : i32
    %c0_i32_0 = arith.constant 0 : i32
    return %arg0, %c0_i32 : i32, i32
  }
  func.func @transform_2(%arg0: i32) -> (i32, i32) {
    %c0_i32 = arith.constant 0 : i32
    %c0_i32_0 = arith.constant 0 : i32
    return %arg0, %c0_i32 : i32, i32
  }
  func.func @transform_3(%arg0: i32) -> (i32, i32) {
    %c0_i32 = arith.constant 0 : i32
    %c0_i32_0 = arith.constant 0 : i32
    return %arg0, %c0_i32 : i32, i32
  }
  func.func @transform_4(%arg0: i32) -> (i32, i32) {
    %c0_i32 = arith.constant 0 : i32
    %c0_i32_0 = arith.constant 0 : i32
    return %arg0, %c0_i32 : i32, i32
  }
  func.func @transform_5(%arg0: i32) -> (i32, i32) {
    %c0_i32 = arith.constant 0 : i32
    %c0_i32_0 = arith.constant 0 : i32
    %c0_i32_1 = arith.constant 0 : i32
    return %c0_i32, %c0_i32_0 : i32, i32
  }
}

</mosaic_0001>

<sc_bundles>
// kernel: kernel.10.cloned.1.call-start
scs
__scs_entry_jumppad:
0x0: {  	(pc) =	sbr.rel $0x88, $3  }
0x1: {  	(tag) =	ssettag $0x0;
	lr =	simm.s32 $0x1  }
0x2: {  	[smem:$0x3F9C] =	sst lr;
	_ =	strace $0xD0000000  }
0x3: {  	_ = 	snop  }
0x4: {  	_ = 	snop  }
0x5: {  	_ = 	snop  }
0x6: {  	_ = 	snop  }
0x7: {  	_ = 	snop  }
__scs_overlays_trampoline_lowered:
0x8: {  	[smem:$0x3FAB] =	sst s0  }
0x9: {  	[smem:$0x3FAC] =	sst s1  }
0xa: {  	[smem:$0x3FAD] =	sst s2  }
0xb: {  	[smem:$0x3FAE] =	sst s3  }
0xc: {  	[smem:$0x3FAF] =	sst s4  }
0xd: {  	[smem:$0x3FB0] =	sst s5  }
0xe: {  	[smem:$0x3FB1] =	sst s6  }
0xf: {  	[smem:$0x3FB2] =	sst s7  }
0x10: {  	[smem:$0x3FB3] =	sst s8  }
0x11: {  	[smem:$0x3FB4] =	sst s9;
	s0 =	simm.s32 @!p0 $0x0  }
0x12: {  	s1 =	sld [smem:$0x3F9A];
	s0 =	simm.s32 @p0 $0x1  }
0x13: {  	[smem:$0x3FB5] =	sst s0;
	s0 =	simm.s32 @!p1 $0x0  }
0x14: {  	s2 =	sld [smem:$0x3F99];
	s0 =	simm.s32 @p1 $0x1  }
0x15: {  	[smem:$0x3FB6] =	sst s0;
	s0 =	simm.s32 @!p2 $0x0  }
0x16: {  	s3 =	sld [smem:$0x3FDB];
	s0 =	simm.s32 @p2 $0x1  }
0x17: {  	s4 =	simm.s32 $0x1BF5;
	[smem:$0x3FB8] =	sst s0  }
0x18: {  	s0 =	sld [smem:$0x3F9B];
	_ =	swait.ge [sflag:s4], $0x0  }
0x19: {  	s7 =	sld [smem:$0x3F9C]  }
0x1a: {  	s8 =	sadd.s32 $0xFFFFE003, lr  }
0x1b: {  	s9 =	sadd.s32 $0xFFFFFEF7, lr;
	s5 =	simm.s32 $0xFFFFFFFF;
	p2 =	slt.u32 s8, $0xFFFFF086  }
0x1c: {  	p1 =	slt.u32 s9, $0xF7A;
	s5 =	simm.s32 @!p2 $0x0  }
0x1d: {  	s5 =	simm.s32 @p1 $0x1;
	p0 =	seq.s32 s7, s2  }
0x1e: {  	s7 =	smul.u32 @!p0 $0xF7A, s2;
	p2 =	seq.s32 @!p0 s5, $0x0  }
0x1f: {  	s9 =	smul.u32 $0xF7A, s1;
	s8 =	simm.s32 @!p0 $0x1BF5;
	p2 =	por !p2, p0  }
0x20: {  	[sflag:s8] =	ssyncset.s32 @!p0 $0xFFFFF086;
	s6 =	sadd.s32 @!p0 s3, s7;
	s7 =	simm.s32 @!p0 $0x108  }
0x21: {  	s3 =	sadd.s32 s3, s9;
	s6 =	sadd.s32 @!p0 $0x88, s6;
	s7 =	simm.s32 @p2 $0x1082  }
0x22: {  	[simem:s7], [sflag:s8] =	dma.local @!p0 [hbm:s6], $0xF7A  }
0x23: {  	s9 =	sor.u32 $0xD0000000, s2;
	s6 =	simm.s32 $0x108;
	_ =	swait.ge @!p0 [sflag:s8], $0x0  }
0x24: {  	s3 =	sadd.s32 $0x88, s3;
	s6 =	simm.s32 @!p1 $0x1082;
	[sflag:s4] =	ssyncset.s32 $0xFFFFF086  }
0x25: {  	[simem:s6], [sflag:s4] =	dma.local [hbm:s3], $0xF7A  }
0x26: {  	[smem:$0x3F9C] =	sst s1;
	(tag) =	ssettag s2;
	_ =	strace s9  }
0x27: {  	s1 =	sld [smem:$0x3FAC]  }
0x28: {  	s2 =	sld [smem:$0x3FAD]  }
0x29: {  	s4 =	sld [smem:$0x3FAF]  }
0x2a: {  	p0 =	seq.s32 s5, $0x0;
	s5 =	sld [smem:$0x3FB0]  }
0x2b: {  	s6 =	sld [smem:$0x3FB1]  }
0x2c: {  	s7 =	sld [smem:$0x3FB2]  }
0x2d: {  	s3 =	simm.s32 $0x108;
	s8 =	sld [smem:$0x3FB3]  }
0x2e: {  	s3 =	simm.s32 @!p0 $0x1082;
	s9 =	sld [smem:$0x3FB4]  }
0x2f: {  	lr =	sadd.s32 s0, s3;
	s0 =	sld [smem:$0x3FAB]  }
0x30: {  	s3 =	sld [smem:$0x3FAE]  }
0x31: {  	[smem:$0x3FB7] =	sst s10  }
0x32: {  	s10 =	sld [smem:$0x3FB5];
	_ =	sdelay $0x3  }
0x33: {  	p0 =	seq.s32 s10, $0x1;
	s10 =	sld [smem:$0x3FB7];
	_ =	sdelay $0x3  }
0x34: {  	[smem:$0x3FB7] =	sst s10  }
0x35: {  	s10 =	sld [smem:$0x3FB6];
	_ =	sdelay $0x3  }
0x36: {  	p1 =	seq.s32 s10, $0x1;
	s10 =	sld [smem:$0x3FB7];
	_ =	sdelay $0x3  }
0x37: {  	[smem:$0x3FB7] =	sst s10  }
0x38: {  	s10 =	sld [smem:$0x3FB8]  }
0x39: {  	_ = 	snop;
	(pc) =	sbr.ind lr, $3  }
0x3a: {  	_ = 	snop  }
0x3b: {  	_ = 	snop  }
0x3c: {  	p2 =	seq.s32 s10, $0x1;
	s10 =	sld [smem:$0x3FB7]  }
0x3d: {  	_ =	shalt  }
0x3e: {  	_ =	shalt  }
0x3f: {  	_ =	shalt  }
0x40: {  	_ =	shalt  }
0x41: {  	_ =	shalt  }
0x42: {  	_ =	shalt  }
0x43: {  	_ =	shalt  }
0x44: {  	_ =	shalt  }
0x45: {  	_ =	shalt  }
0x46: {  	_ =	shalt  }
0x47: {  	_ =	shalt  }
0x48: {  	_ =	shalt  }
0x49: {  	_ =	shalt  }
0x4a: {  	_ =	shalt  }
0x4b: {  	_ =	shalt  }
0x4c: {  	_ =	shalt  }
0x4d: {  	_ =	shalt  }
0x4e: {  	_ =	shalt  }
0x4f: {  	_ =	shalt  }
0x50: {  	_ =	shalt  }
0x51: {  	_ =	shalt  }
0x52: {  	_ =	shalt  }
0x53: {  	_ =	shalt  }
0x54: {  	_ =	shalt  }
0x55: {  	_ =	shalt  }
0x56: {  	_ =	shalt  }
0x57: {  	_ =	shalt  }
0x58: {  	_ =	shalt  }
0x59: {  	_ =	shalt  }
0x5a: {  	_ =	shalt  }
0x5b: {  	_ =	shalt  }
0x5c: {  	_ =	shalt  }
0x5d: {  	_ =	shalt  }
0x5e: {  	_ =	shalt  }
0x5f: {  	_ =	shalt  }
0x60: {  	_ =	shalt  }
0x61: {  	_ =	shalt  }
0x62: {  	_ =	shalt  }
0x63: {  	_ =	shalt  }
0x64: {  	_ =	shalt  }
0x65: {  	_ =	shalt  }
0x66: {  	_ =	shalt  }
0x67: {  	_ =	shalt  }
0x68: {  	_ =	shalt  }
0x69: {  	_ =	shalt  }
0x6a: {  	_ =	shalt  }
0x6b: {  	_ =	shalt  }
0x6c: {  	_ =	shalt  }
0x6d: {  	_ =	shalt  }
0x6e: {  	_ =	shalt  }
0x6f: {  	_ =	shalt  }
0x70: {  	_ =	shalt  }
0x71: {  	_ =	shalt  }
0x72: {  	_ =	shalt  }
0x73: {  	_ =	shalt  }
0x74: {  	_ =	shalt  }
0x75: {  	_ =	shalt  }
0x76: {  	_ =	shalt  }
0x77: {  	_ =	shalt  }
0x78: {  	_ =	shalt  }
0x79: {  	_ =	shalt  }
0x7a: {  	_ =	shalt  }
0x7b: {  	_ =	shalt  }
0x7c: {  	_ =	shalt  }
0x7d: {  	_ =	shalt  }
0x7e: {  	_ =	shalt  }
0x7f: {  	_ =	shalt  }
0x80: {  	_ =	shalt  }
0x81: {  	_ =	shalt  }
0x82: {  	_ =	shalt  }
0x83: {  	_ =	shalt  }
0x84: {  	_ =	shalt  }
0x85: {  	_ =	shalt  }
0x86: {  	_ =	shalt  }
0x87: {  	_ =	shalt  }
.Lfunc_end0:
.L_simem_size_0:
called_computation.1_lowered:
.L_overlay_start_0:
0x88: {  	s2 =	sld [smem:$0x3FD9]  }
0x89: {  	s3 =	sld [smem:$0x3FFE];
	_ =	sdelay $0x1  }
0x8a: {  	s1 =	srdreg.scid  }
0x8b: {  	s0 =	sand.u32 $0x1, s1  }
0x8c: {  	s17 =	sshll.u32 s0, $0xA;
	s2 =	sadd.s32 s3, s2  }
0x8d: {  	s2 =	sadd.s32 s2, s17  }
0x8e: {  	[smem:$0x3FC3] =	sst s2  }
0x8f: {  	_ = 	snop  }
0x90: {  	(tm) =	ssettm $0x1  }
0x91: {  	s18 =	sld [smem:$0x3FFB];
	_ =	sdelay $0x3  }
0x92: {  	_ =	strace s18  }
0x93: {  	s2 =	sld [smem:$0x3FFC];
	_ =	sdelay $0x3  }
0x94: {  	_ =	strace s2  }
0x95: {  	s2 =	sld [smem:$0x3FFD];
	_ =	sdelay $0x3  }
0x96: {  	_ =	strace s2  }
0x97: {  	_ =	strace $0x8FFFFFFF  }
0x98: {  	s19 =	sld [smem:$0x3FDB];
	_ =	sdelay $0x1  }
0x99: {  	s20 =	simm.s32 $_scs_section_size  }
0x9a: {  	s4 =	simm.s32 $_size__tile_overlayer_lowered;
	s5 =	simm.s32 $_tile_overlayer_lowered  }
0x9b: {  	s6 =	simm.s32 $0x1BFF;
	s21 =	sshll.u32 s5, $0x1;
	s3 =	sadd.s32 s20, s19  }
0x9c: {  	s22 =	simm.s32 $0x0;
	s4 =	sshll.u32 s4, $0x1;
	s5 =	sadd.s32 s21, s3  }
0x9d: {  	[timem:s22], [sflag:s6] =	dma.local [hbm:s5], s4  }
0x9e: {  	_ =	swait.ge [sflag:s6], s4  }
0x9f: {  	s4 =	ssub.s32 $0x0, s4;
	[sflag:s6] =	ssyncset.done $0x0  }
0xa0: {  	[sflag:s6] =	ssyncadd.s32 s4;
	_ =	sdelay $0x1  }
0xa1: {  	s23 =	simm.s32 $0x1B8B  }
0xa2: {  	_ =	swait.ge [sflag:s23], $0x1  }
0xa3: {  	[sflag:s23] =	ssyncset.done $0x0  }
0xa4: {  	[sflag:s23] =	ssyncadd.s32 $0xFFFFFFFF  }
0xa5: {  	s4 =	sld [smem:$0x0]  }
0xa6: {  	s5 =	sand.u32 $0xFFFFFFFE, s1  }
0xa7: {  	p0 =	sne.s32 s1, s5  }
0xa8: {  	s5 =	sshll.u32 @p0 s5, $0xE  }
0xa9: {  	s5 =	sadd.s32 @p0 $0x11B8D, s5;
	s6 =	sshll.u32 @p0 s4, $0x11  }
0xaa: {  	s5 =	sor.u32 @p0 s6, s5  }
0xab: {  	[sflag:s5] =	ssyncadd.remote.s32 @p0 $0x1;
	_ =	sdelay $0x1  }
0xac: {  	s5 =	simm.s32 @p0 $0x1B8D  }
0xad: {  	_ =	swait.eq @p0 [sflag:s5], $0x1  }
0xae: {  	[sflag:s5] =	ssyncadd.s32 @p0 $0xFFFFFFFF  }
0xaf: {  	s6 =	sshll.u32 @!p0 s1, $0xE  }
0xb0: {  	s6 =	sor.u32 @!p0 $0x4000, s6;
	s5 =	simm.s32 @!p0 $0x1B8D  }
0xb1: {  	s4 =	sshll.u32 @!p0 s4, $0x11;
	s6 =	sadd.s32 @!p0 $0x11B8D, s6;
	_ =	swait.eq @!p0 [sflag:s5], $0x1  }
0xb2: {  	s4 =	sor.u32 @!p0 s4, s6;
	[sflag:s5] =	ssyncadd.s32 @!p0 $0xFFFFFFFF  }
0xb3: {  	s25 =	simm.s32 $0x1B8E;
	s24 =	sld [smem:$0x3FFE];
	[sflag:s4] =	ssyncadd.remote.s32 @!p0 $0x1  }
0xb4: {  	s26 =	simm.s32 $execute0_lowered;
	[smem:$0x3FD2] =	sst s25  }
0xb5: {  	s5 =	sshll.u32 s26, $0x1;
	_ =	strace $0x80000049;
	[dreg:$0x1] =	wrdreg $0xFFFFFFFF  }
0xb6: {  	s28 =	simm.s32 $_size_execute0_lowered;
	s3 =	sadd.s32 s3, s5;
	[dreg:$0x0] =	wrdreg $0x0  }
0xb7: {  	s5 =	sshll.u32 s28, $0x1;
	[dreg:$0x2] =	wrdreg s3  }
0xb8: {  	[dreg:$0x3] =	wrdreg s5  }
0xb9: {  	[dreg:$0x4] =	wrdreg $0xC0  }
0xba: {  	_ =	task [dreg:s22], $0x5FFFF  }
0xbb: {  	[dreg:$0x1] =	wrdreg $0xFFFFFFFF  }
0xbc: {  	[dreg:$0x0] =	wrdreg $0x60  }
0xbd: {  	[dreg:$0x2] =	wrdreg s24  }
0xbe: {  	[dreg:$0x3] =	wrdreg $0xA  }
0xbf: {  	_ =	task.clear_ibuf [dreg:s22], $0x4FFFF;
	_ =	strace $0x90000049  }
0xc0: {  	s29 =	simm.s32 $0xA;
	_ =	strace $0x8000004B  }
0xc1: {  	_ =	swait.ge [sflag:s29], $0x1  }
0xc2: {  	[sflag:s29] =	ssyncadd.s32 $0xFFFFFFFF  }
0xc3: {  	_ =	strace $0x9000004B  }
0xc4: {  	_ =	sfence  }
0xc5: {  	s30 =	sld [smem:$0x0];
	_ =	sdelay $0x2  }
0xc6: {  	s31 =	sshll.u32 s1, $0xD;
	s1 =	sshrl.u32 s1, $0x2  }
0xc7: {  	s4 =	sand.u32 $0x4000, s31;
	s1 =	sadd.s32 s1, s30  }
0xc8: {  	s0 =	sor.u32 s4, s0;
	s1 =	sshll.u32 s1, $0x11  }
0xc9: {  	s0 =	sor.u32 s1, s0  }
0xca: {  	s0 =	sadd.s32 $0x8F2B, s0  }
0xcb: {  	[sflag:s0] =	ssyncadd.remote.s32 $0x1  }
0xcc: {  	_ =	sfence.sel $0xFFFF  }
0xcd: {  	[dreg:$0x0] =	wrdreg $0xFFFFFFFF;
	(pc) =	sbr.abs _section_cstart, $3  }
0xce: {  	[dreg:$0x1] =	wrdreg $0xFFFFFFFF  }
0xcf: {  	_ =	task.clear_ibuf [dreg:s22], $0x2FFFF;
	_ =	strace $0x9FFFFFFF  }
0xd0: {  	(tm) =	ssettm $0x7FFFFFFF  }
0xd1: {  	_ =	shalt  }
tec
execute0_lowered:
.L_overlay_start_1:
0x0: {  	(tag) =	ssettag $0x1  }
0x1: {  	s1 =	srdreg.scid  }
0x2: {  	s0 =	stileid.u32;
	s17 =	sand.u32 $0x1, s1  }
0x3: {  	s30 =	sshll.u32 s0, $0xA;
	s2 =	sshll.u32 s17, $0x9  }
0x4: {  	s10 =	sor.u32 s2, s30  }
0x5: {  	s9 =	rddreg [dreg:$0x0];
	s2 =	simm.s32 $0x0;
	s3 =	sshrl.u32 s10, $0x3  }
0x6: {  	s4 =	simm.s32 $0x4;
	[smem:$0x7FF] =	sst s2;
	s3 =	sadd.s32 s3, s9  }
0x7: {  	s1 =	rddreg [dreg:$0x1];
	_ =	strace $0x8000004A;
	s3 =	sadd.s32 $0xFB9800, s3  }
0x8: {  	[tilespmem:s2], [sflag:$0x4] =	stream.linear.gather [hbm4b:s3+s2], $0x200, $0x38;
	[tilespmem:$0x8200] =	vst v63  }
0x9: {  	_ =	swait.ge [sflag:s4], $0x200  }
0xa: {  	s6 =	simm.s32 $0x80;
	s7 =	simm.s32 $0x200;
	[sflag:s4] =	ssyncset.done $0x0  }
0xb: {  	s8 =	simm.s32 $0x1;
	s5 =	sadd.s32 $0x818600, s9;
	[sflag:s4] =	ssyncadd.s32 $0xFFFFFE00  }
0xc: {  	[tilespmem:s7], [sflag:$0x1] =	stream.indirect.gather [hbm4b:s5+s6], $0x80, s2, s6, $0xb8;
	[tilespmem:$0x8200] =	vst v63  }
0xd: {  	s10 =	sshll.u32 s10, $0x4;
	_ =	swait.ge [sflag:s8], $0x4000  }
0xe: {  	s18 =	sadd.s32 s10, s9;
	[sflag:s8] =	ssyncset.done $0x0  }
0xf: {  	s9 =	sadd.s32 $0xFBA000, s18;
	[sflag:s8] =	ssyncadd.s32 $0xFFFFC000  }
0x10: {  	[hbm4b:s9+s2] =	stream.linear.scatter [tilespmem:s7], [sflag:$0x2], $0x4000, $0x38;
	[tilespmem:$0x8200] =	vst v63  }
0x11: {  	s10 =	simm.s32 $0x4200  }
0x12: {  	[tilespmem:s10], [sflag:$0x1] =	stream.indirect.gather [hbm4b:s5+s6], $0x80, s6, s6, $0xb8;
	[tilespmem:$0x8200] =	vst v63  }
0x13: {  	_ =	swait.ge [sflag:s8], $0x4000  }
0x14: {  	[sflag:s8] =	ssyncset.done $0x0  }
0x15: {  	s12 =	simm.s32 $0x2;
	s11 =	sadd.s32 $0xFBA800, s18;
	[sflag:s8] =	ssyncadd.s32 $0xFFFFC000  }
0x16: {  	[hbm4b:s11+s2] =	stream.linear.scatter [tilespmem:s10], [sflag:$0x3], $0x4000, $0x38;
	[tilespmem:$0x8200] =	vst v63  }
0x17: {  	_ =	swait.ge [sflag:s12], $0x4000  }
0x18: {  	[sflag:s12] =	ssyncset.done $0x0  }
0x19: {  	s13 =	simm.s32 $0x100;
	[sflag:s12] =	ssyncadd.s32 $0xFFFFC000  }
0x1a: {  	[tilespmem:s7], [sflag:$0x1] =	stream.indirect.gather [hbm4b:s5+s6], $0x80, s13, s6, $0xb8;
	[tilespmem:$0x8200] =	vst v63  }
0x1b: {  	_ =	swait.ge [sflag:s8], $0x4000  }
0x1c: {  	[sflag:s8] =	ssyncset.done $0x0  }
0x1d: {  	s14 =	simm.s32 $0x3;
	s15 =	sadd.s32 $0xFBB000, s18;
	[sflag:s8] =	ssyncadd.s32 $0xFFFFC000  }
0x1e: {  	[hbm4b:s15+s2] =	stream.linear.scatter [tilespmem:s7], [sflag:$0x2], $0x4000, $0x38;
	[tilespmem:$0x8200] =	vst v63  }
0x1f: {  	_ =	swait.ge [sflag:s14], $0x4000  }
0x20: {  	s19 =	ssub.s32 $0x2, s17;
	[sflag:s14] =	ssyncset.done $0x0  }
0x21: {  	s16 =	simm.s32 $0x180;
	s31 =	sshrl.u32 s19, $0x1;
	[sflag:s14] =	ssyncadd.s32 $0xFFFFC000  }
0x22: {  	[tilespmem:s10], [sflag:$0x1] =	stream.indirect.gather [hbm4b:s5+s6], $0x80, s16, s6, $0xb8;
	[tilespmem:$0x8200] =	vst v63  }
0x23: {  	s17 =	sadd.s32 $0xFBB800, s18;
	s18 =	ssub.s32 s19, s31;
	_ =	swait.ge [sflag:s8], $0x4000  }
0x24: {  	s18 =	smax.u32 s18, $0x1;
	[sflag:s8] =	ssyncset.done $0x0  }
0x25: {  	p0 =	sne.s32 s18, $0x1;
	[sflag:s8] =	ssyncadd.s32 $0xFFFFC000  }
0x26: {  	[hbm4b:s17+s2] =	stream.linear.scatter [tilespmem:s10], [sflag:$0x3], $0x4000, $0x38;
	[tilespmem:$0x8200] =	vst v63  }
.Ltmp0:
0x27: {  	_ =	swait.ge [sflag:s12], $0x4000;
	(pc) =	sbr.rel @!p0 .LBB2_2-.Ltmp0, $4  }
0x28: {  	[sflag:s12] =	ssyncset.done $0x0  }
0x29: {  	[sflag:s12] =	ssyncadd.s32 $0xFFFFC000  }
0x2a: {  	_ =	swait.ge [sflag:s14], $0x4000  }
0x2b: {  	s18 =	sadd.s32 $0xFFFFFFFF, s18;
	[sflag:s14] =	ssyncset.done $0x0  }
.LBB2_1:
0x2c: {  	p0 =	sne.s32 s18, $0x1;
	s18 =	sadd.s32 $0xFFFFFFFF, s18;
	[sflag:s14] =	ssyncadd.s32 $0xFFFFC000  }
0x2d: {  	[tilespmem:s2], [sflag:$0x4] =	stream.linear.gather [hbm4b:s3+s2], $0x200, $0x38;
	[tilespmem:$0x8200] =	vst v63  }
0x2e: {  	_ =	swait.ge [sflag:s4], $0x200  }
0x2f: {  	[sflag:s4] =	ssyncset.done $0x0  }
0x30: {  	[sflag:s4] =	ssyncadd.s32 $0xFFFFFE00  }
0x31: {  	[tilespmem:s7], [sflag:$0x1] =	stream.indirect.gather [hbm4b:s5+s6], $0x80, s2, s6, $0xb8;
	[tilespmem:$0x8200] =	vst v63  }
0x32: {  	_ =	swait.ge [sflag:s8], $0x4000  }
0x33: {  	[sflag:s8] =	ssyncset.done $0x0  }
0x34: {  	[sflag:s8] =	ssyncadd.s32 $0xFFFFC000  }
0x35: {  	[hbm4b:s9+s2] =	stream.linear.scatter [tilespmem:s7], [sflag:$0x2], $0x4000, $0x38;
	[tilespmem:$0x8200] =	vst v63  }
0x36: {  	_ = 	snop  }
0x37: {  	[tilespmem:s10], [sflag:$0x1] =	stream.indirect.gather [hbm4b:s5+s6], $0x80, s6, s6, $0xb8;
	[tilespmem:$0x8200] =	vst v63  }
0x38: {  	_ =	swait.ge [sflag:s8], $0x4000  }
0x39: {  	[sflag:s8] =	ssyncset.done $0x0  }
0x3a: {  	[sflag:s8] =	ssyncadd.s32 $0xFFFFC000  }
0x3b: {  	[hbm4b:s11+s2] =	stream.linear.scatter [tilespmem:s10], [sflag:$0x3], $0x4000, $0x38;
	[tilespmem:$0x8200] =	vst v63  }
0x3c: {  	_ =	swait.ge [sflag:s12], $0x4000  }
0x3d: {  	[sflag:s12] =	ssyncset.done $0x0  }
0x3e: {  	[sflag:s12] =	ssyncadd.s32 $0xFFFFC000  }
0x3f: {  	[tilespmem:s7], [sflag:$0x1] =	stream.indirect.gather [hbm4b:s5+s6], $0x80, s13, s6, $0xb8;
	[tilespmem:$0x8200] =	vst v63  }
0x40: {  	_ =	swait.ge [sflag:s8], $0x4000  }
0x41: {  	[sflag:s8] =	ssyncset.done $0x0  }
0x42: {  	[sflag:s8] =	ssyncadd.s32 $0xFFFFC000  }
0x43: {  	[hbm4b:s15+s2] =	stream.linear.scatter [tilespmem:s7], [sflag:$0x2], $0x4000, $0x38;
	[tilespmem:$0x8200] =	vst v63  }
0x44: {  	_ =	swait.ge [sflag:s14], $0x4000  }
0x45: {  	[sflag:s14] =	ssyncset.done $0x0  }
0x46: {  	[sflag:s14] =	ssyncadd.s32 $0xFFFFC000  }
0x47: {  	[tilespmem:s10], [sflag:$0x1] =	stream.indirect.gather [hbm4b:s5+s6], $0x80, s16, s6, $0xb8;
	[tilespmem:$0x8200] =	vst v63  }
0x48: {  	_ =	swait.ge [sflag:s8], $0x4000  }
0x49: {  	[sflag:s8] =	ssyncset.done $0x0  }
0x4a: {  	[sflag:s8] =	ssyncadd.s32 $0xFFFFC000  }
0x4b: {  	[hbm4b:s17+s2] =	stream.linear.scatter [tilespmem:s10], [sflag:$0x3], $0x4000, $0x38;
	[tilespmem:$0x8200] =	vst v63  }
.Ltmp1:
0x4c: {  	_ =	swait.ge [sflag:s12], $0x4000;
	(pc) =	sbr.rel @p0 .LBB2_1-.Ltmp1, $4  }
0x4d: {  	[sflag:s12] =	ssyncset.done $0x0  }
0x4e: {  	[sflag:s12] =	ssyncadd.s32 $0xFFFFC000  }
0x4f: {  	_ =	swait.ge [sflag:s14], $0x4000  }
0x50: {  	[sflag:s14] =	ssyncset.done $0x0  }
.LBB2_2:
0x51: {  	[sflag:s14] =	ssyncadd.s32 $0xFFFFC000  }
0x52: {  	_ =	sfence.sel $0x180000  }
0x53: {  	[bflag:$0x0] =	sbarrier.arrive $0xFFFF  }
0x54: {  	p0 =	sne.s32 s0, $0x0;
	_ =	strace $0x9000004A  }
0x55: {  	s0 =	sadd.s32 @!p0 $0x100000, s1;
	[bflag:$0x2] =	sbarrier.arrive $0xFFFF  }
0x56: {  	[sflag:s0] =	ssyncadd.tile.s32 @!p0 $0x1;
	_ =	shalt  }
.Lfunc_end2:
_tile_overlayer_lowered:
.L_overlay_start_2:
0x57: {  	(tag) =	ssettag $0x2  }
0x58: {  	s0 =	rddreg [dreg:$0x0];
	s2 =	stileid.u32  }
0x59: {  	s1 =	rddreg [dreg:$0x1];
	p0 =	sne.s32 s2, $0x0  }
0x5a: {  	s3 =	rddreg [dreg:$0x2];
	[bflag:$0x3] =	sbarrier.arrive $0xFFFF;
	s2 =	simm.s32 @!p0 $0x1C04  }
0x5b: {  	[timem:s3], [sflag:s2] =	dma.local @!p0 [hbm:s0], s1  }
0x5c: {  	s0 =	simm.s32 @!p0 $0x4  }
0x5d: {  	_ =	swait.ge @!p0 [sflag:s0], s1  }
0x5e: {  	s1 =	ssub.s32 @!p0 $0x0, s1;
	[sflag:s0] =	ssyncset.done @!p0 $0x0  }
0x5f: {  	[sflag:s0] =	ssyncadd.s32 @!p0 s1  }
0x60: {  	[bflag:$0x3] =	sbarrier.arrive $0xFFFF  }
0x61: {  	_ =	shalt  }

// kernel: kernel.7.cloned.1.call-start
scs
__scs_entry_jumppad:
0x0: {  	(pc) =	sbr.rel $0x88, $3  }
0x1: {  	(tag) =	ssettag $0x0;
	lr =	simm.s32 $0x1  }
0x2: {  	[smem:$0x3F9C] =	sst lr;
	_ =	strace $0xD0000000  }
0x3: {  	_ = 	snop  }
0x4: {  	_ = 	snop  }
0x5: {  	_ = 	snop  }
0x6: {  	_ = 	snop  }
0x7: {  	_ = 	snop  }
__scs_overlays_trampoline_lowered:
0x8: {  	[smem:$0x3FAB] =	sst s0  }
0x9: {  	[smem:$0x3FAC] =	sst s1  }
0xa: {  	[smem:$0x3FAD] =	sst s2  }
0xb: {  	[smem:$0x3FAE] =	sst s3  }
0xc: {  	[smem:$0x3FAF] =	sst s4  }
0xd: {  	[smem:$0x3FB0] =	sst s5  }
0xe: {  	[smem:$0x3FB1] =	sst s6  }
0xf: {  	[smem:$0x3FB2] =	sst s7  }
0x10: {  	[smem:$0x3FB3] =	sst s8  }
0x11: {  	[smem:$0x3FB4] =	sst s9;
	s0 =	simm.s32 @!p0 $0x0  }
0x12: {  	s1 =	sld [smem:$0x3F9A];
	s0 =	simm.s32 @p0 $0x1  }
0x13: {  	[smem:$0x3FB5] =	sst s0;
	s0 =	simm.s32 @!p1 $0x0  }
0x14: {  	s2 =	sld [smem:$0x3F99];
	s0 =	simm.s32 @p1 $0x1  }
0x15: {  	[smem:$0x3FB6] =	sst s0;
	s0 =	simm.s32 @!p2 $0x0  }
0x16: {  	s3 =	sld [smem:$0x3FDB];
	s0 =	simm.s32 @p2 $0x1  }
0x17: {  	s4 =	simm.s32 $0x1BF5;
	[smem:$0x3FB8] =	sst s0  }
0x18: {  	s0 =	sld [smem:$0x3F9B];
	_ =	swait.ge [sflag:s4], $0x0  }
0x19: {  	s7 =	sld [smem:$0x3F9C]  }
0x1a: {  	s8 =	sadd.s32 $0xFFFFE003, lr  }
0x1b: {  	s9 =	sadd.s32 $0xFFFFFEF7, lr;
	s5 =	simm.s32 $0xFFFFFFFF;
	p2 =	slt.u32 s8, $0xFFFFF086  }
0x1c: {  	p1 =	slt.u32 s9, $0xF7A;
	s5 =	simm.s32 @!p2 $0x0  }
0x1d: {  	s5 =	simm.s32 @p1 $0x1;
	p0 =	seq.s32 s7, s2  }
0x1e: {  	s7 =	smul.u32 @!p0 $0xF7A, s2;
	p2 =	seq.s32 @!p0 s5, $0x0  }
0x1f: {  	s9 =	smul.u32 $0xF7A, s1;
	s8 =	simm.s32 @!p0 $0x1BF5;
	p2 =	por !p2, p0  }
0x20: {  	[sflag:s8] =	ssyncset.s32 @!p0 $0xFFFFF086;
	s6 =	sadd.s32 @!p0 s3, s7;
	s7 =	simm.s32 @!p0 $0x108  }
0x21: {  	s3 =	sadd.s32 s3, s9;
	s6 =	sadd.s32 @!p0 $0x88, s6;
	s7 =	simm.s32 @p2 $0x1082  }
0x22: {  	[simem:s7], [sflag:s8] =	dma.local @!p0 [hbm:s6], $0xF7A  }
0x23: {  	s9 =	sor.u32 $0xD0000000, s2;
	s6 =	simm.s32 $0x108;
	_ =	swait.ge @!p0 [sflag:s8], $0x0  }
0x24: {  	s3 =	sadd.s32 $0x88, s3;
	s6 =	simm.s32 @!p1 $0x1082;
	[sflag:s4] =	ssyncset.s32 $0xFFFFF086  }
0x25: {  	[simem:s6], [sflag:s4] =	dma.local [hbm:s3], $0xF7A  }
0x26: {  	[smem:$0x3F9C] =	sst s1;
	(tag) =	ssettag s2;
	_ =	strace s9  }
0x27: {  	s1 =	sld [smem:$0x3FAC]  }
0x28: {  	s2 =	sld [smem:$0x3FAD]  }
0x29: {  	s4 =	sld [smem:$0x3FAF]  }
0x2a: {  	p0 =	seq.s32 s5, $0x0;
	s5 =	sld [smem:$0x3FB0]  }
0x2b: {  	s6 =	sld [smem:$0x3FB1]  }
0x2c: {  	s7 =	sld [smem:$0x3FB2]  }
0x2d: {  	s3 =	simm.s32 $0x108;
	s8 =	sld [smem:$0x3FB3]  }
0x2e: {  	s3 =	simm.s32 @!p0 $0x1082;
	s9 =	sld [smem:$0x3FB4]  }
0x2f: {  	lr =	sadd.s32 s0, s3;
	s0 =	sld [smem:$0x3FAB]  }
0x30: {  	s3 =	sld [smem:$0x3FAE]  }
0x31: {  	[smem:$0x3FB7] =	sst s10  }
0x32: {  	s10 =	sld [smem:$0x3FB5];
	_ =	sdelay $0x3  }
0x33: {  	p0 =	seq.s32 s10, $0x1;
	s10 =	sld [smem:$0x3FB7];
	_ =	sdelay $0x3  }
0x34: {  	[smem:$0x3FB7] =	sst s10  }
0x35: {  	s10 =	sld [smem:$0x3FB6];
	_ =	sdelay $0x3  }
0x36: {  	p1 =	seq.s32 s10, $0x1;
	s10 =	sld [smem:$0x3FB7];
	_ =	sdelay $0x3  }
0x37: {  	[smem:$0x3FB7] =	sst s10  }
0x38: {  	s10 =	sld [smem:$0x3FB8]  }
0x39: {  	_ = 	snop;
	(pc) =	sbr.ind lr, $3  }
0x3a: {  	_ = 	snop  }
0x3b: {  	_ = 	snop  }
0x3c: {  	p2 =	seq.s32 s10, $0x1;
	s10 =	sld [smem:$0x3FB7]  }
0x3d: {  	_ =	shalt  }
0x3e: {  	_ =	shalt  }
0x3f: {  	_ =	shalt  }
0x40: {  	_ =	shalt  }
0x41: {  	_ =	shalt  }
0x42: {  	_ =	shalt  }
0x43: {  	_ =	shalt  }
0x44: {  	_ =	shalt  }
0x45: {  	_ =	shalt  }
0x46: {  	_ =	shalt  }
0x47: {  	_ =	shalt  }
0x48: {  	_ =	shalt  }
0x49: {  	_ =	shalt  }
0x4a: {  	_ =	shalt  }
0x4b: {  	_ =	shalt  }
0x4c: {  	_ =	shalt  }
0x4d: {  	_ =	shalt  }
0x4e: {  	_ =	shalt  }
0x4f: {  	_ =	shalt  }
0x50: {  	_ =	shalt  }
0x51: {  	_ =	shalt  }
0x52: {  	_ =	shalt  }
0x53: {  	_ =	shalt  }
0x54: {  	_ =	shalt  }
0x55: {  	_ =	shalt  }
0x56: {  	_ =	shalt  }
0x57: {  	_ =	shalt  }
0x58: {  	_ =	shalt  }
0x59: {  	_ =	shalt  }
0x5a: {  	_ =	shalt  }
0x5b: {  	_ =	shalt  }
0x5c: {  	_ =	shalt  }
0x5d: {  	_ =	shalt  }
0x5e: {  	_ =	shalt  }
0x5f: {  	_ =	shalt  }
0x60: {  	_ =	shalt  }
0x61: {  	_ =	shalt  }
0x62: {  	_ =	shalt  }
0x63: {  	_ =	shalt  }
0x64: {  	_ =	shalt  }
0x65: {  	_ =	shalt  }
0x66: {  	_ =	shalt  }
0x67: {  	_ =	shalt  }
0x68: {  	_ =	shalt  }
0x69: {  	_ =	shalt  }
0x6a: {  	_ =	shalt  }
0x6b: {  	_ =	shalt  }
0x6c: {  	_ =	shalt  }
0x6d: {  	_ =	shalt  }
0x6e: {  	_ =	shalt  }
0x6f: {  	_ =	shalt  }
0x70: {  	_ =	shalt  }
0x71: {  	_ =	shalt  }
0x72: {  	_ =	shalt  }
0x73: {  	_ =	shalt  }
0x74: {  	_ =	shalt  }
0x75: {  	_ =	shalt  }
0x76: {  	_ =	shalt  }
0x77: {  	_ =	shalt  }
0x78: {  	_ =	shalt  }
0x79: {  	_ =	shalt  }
0x7a: {  	_ =	shalt  }
0x7b: {  	_ =	shalt  }
0x7c: {  	_ =	shalt  }
0x7d: {  	_ =	shalt  }
0x7e: {  	_ =	shalt  }
0x7f: {  	_ =	shalt  }
0x80: {  	_ =	shalt  }
0x81: {  	_ =	shalt  }
0x82: {  	_ =	shalt  }
0x83: {  	_ =	shalt  }
0x84: {  	_ =	shalt  }
0x85: {  	_ =	shalt  }
0x86: {  	_ =	shalt  }
0x87: {  	_ =	shalt  }
.Lfunc_end0:
.L_simem_size_0:
called_computation_lowered:
.L_overlay_start_0:
0x88: {  	s2 =	sld [smem:$0x3FD9]  }
0x89: {  	s3 =	sld [smem:$0x3FFE];
	_ =	sdelay $0x1  }
0x8a: {  	s1 =	srdreg.scid  }
0x8b: {  	s0 =	sand.u32 $0x1, s1  }
0x8c: {  	s16 =	sshll.u32 s0, $0xA;
	s2 =	sadd.s32 s3, s2  }
0x8d: {  	s2 =	sadd.s32 s2, s16  }
0x8e: {  	[smem:$0x3FC3] =	sst s2  }
0x8f: {  	_ = 	snop  }
0x90: {  	(tm) =	ssettm $0x1  }
0x91: {  	s17 =	sld [smem:$0x3FFB];
	_ =	sdelay $0x3  }
0x92: {  	_ =	strace s17  }
0x93: {  	s2 =	sld [smem:$0x3FFC];
	_ =	sdelay $0x3  }
0x94: {  	_ =	strace s2  }
0x95: {  	s2 =	sld [smem:$0x3FFD];
	_ =	sdelay $0x3  }
0x96: {  	_ =	strace s2  }
0x97: {  	_ =	strace $0x8FFFFFFF  }
0x98: {  	s18 =	sld [smem:$0x3FDB];
	_ =	sdelay $0x1  }
0x99: {  	s19 =	simm.s32 $_scs_section_size  }
0x9a: {  	s4 =	simm.s32 $_size__tile_overlayer_lowered;
	s5 =	simm.s32 $_tile_overlayer_lowered  }
0x9b: {  	s22 =	simm.s32 $0x1BFF;
	s21 =	sshll.u32 s5, $0x1;
	s2 =	sadd.s32 s19, s18  }
0x9c: {  	s6 =	simm.s32 $0x0;
	s20 =	sshll.u32 s4, $0x1;
	s4 =	sadd.s32 s21, s2  }
0x9d: {  	[timem:s6], [sflag:s22] =	dma.local [hbm:s4], s20  }
0x9e: {  	_ =	swait.ge [sflag:s22], s20  }
0x9f: {  	s3 =	ssub.s32 $0x0, s20;
	[sflag:s22] =	ssyncset.done $0x0  }
0xa0: {  	[sflag:s22] =	ssyncadd.s32 s3;
	_ =	sdelay $0x1  }
0xa1: {  	s23 =	simm.s32 $0x1B8B  }
0xa2: {  	_ =	swait.ge [sflag:s23], $0x1  }
0xa3: {  	[sflag:s23] =	ssyncset.done $0x0  }
0xa4: {  	s25 =	simm.s32 $0x1B8E;
	s24 =	sld [smem:$0x3FFE];
	[sflag:s23] =	ssyncadd.s32 $0xFFFFFFFF  }
0xa5: {  	s26 =	simm.s32 $execute0_lowered;
	[smem:$0x3FD2] =	sst s25  }
0xa6: {  	s4 =	sshll.u32 s26, $0x1;
	_ =	strace $0x80000046;
	[dreg:$0x1] =	wrdreg $0xFFFFFFFF  }
0xa7: {  	s28 =	simm.s32 $_size_execute0_lowered;
	s2 =	sadd.s32 s2, s4;
	[dreg:$0x0] =	wrdreg $0x0  }
0xa8: {  	s4 =	sshll.u32 s28, $0x1;
	[dreg:$0x2] =	wrdreg s2  }
0xa9: {  	[dreg:$0x3] =	wrdreg s4  }
0xaa: {  	[dreg:$0x4] =	wrdreg $0xC0  }
0xab: {  	_ =	task [dreg:s6], $0x5FFFF  }
0xac: {  	[dreg:$0x1] =	wrdreg $0xFFFFFFFF  }
0xad: {  	[dreg:$0x0] =	wrdreg $0x60  }
0xae: {  	[dreg:$0x2] =	wrdreg s24  }
0xaf: {  	[dreg:$0x3] =	wrdreg $0x9  }
0xb0: {  	_ =	task.clear_ibuf [dreg:s6], $0x4FFFF;
	_ =	strace $0x90000046  }
0xb1: {  	s29 =	simm.s32 $0x9;
	_ =	strace $0x80000048  }
0xb2: {  	_ =	swait.ge [sflag:s29], $0x1  }
0xb3: {  	[sflag:s29] =	ssyncadd.s32 $0xFFFFFFFF  }
0xb4: {  	_ =	strace $0x90000048  }
0xb5: {  	_ =	sfence  }
0xb6: {  	s30 =	sld [smem:$0x0];
	_ =	sdelay $0x2  }
0xb7: {  	s31 =	sshll.u32 s1, $0xD;
	s1 =	sshrl.u32 s1, $0x2  }
0xb8: {  	s3 =	sand.u32 $0x4000, s31;
	s1 =	sadd.s32 s1, s30  }
0xb9: {  	s0 =	sor.u32 s3, s0;
	s1 =	sshll.u32 s1, $0x11  }
0xba: {  	s0 =	sor.u32 s1, s0  }
0xbb: {  	s0 =	sadd.s32 $0x8F2B, s0  }
0xbc: {  	[sflag:s0] =	ssyncadd.remote.s32 $0x1  }
0xbd: {  	_ =	sfence.sel $0xFFFF  }
0xbe: {  	[dreg:$0x0] =	wrdreg $0xFFFFFFFF;
	(pc) =	sbr.abs _section_cstart, $3  }
0xbf: {  	[dreg:$0x1] =	wrdreg $0xFFFFFFFF  }
0xc0: {  	_ =	task.clear_ibuf [dreg:s6], $0x2FFFF;
	_ =	strace $0x9FFFFFFF  }
0xc1: {  	(tm) =	ssettm $0x7FFFFFFF  }
tec
execute0_lowered:
.L_overlay_start_1:
0x0: {  	(tag) =	ssettag $0x1  }
0x1: {  	s0 =	rddreg [dreg:$0x0];
	s1 =	srdreg.scid  }
0x2: {  	s3 =	stileid.u32;
	s2 =	simm.s32 $0x0;
	s12 =	simm.s32 $0x5  }
0x3: {  	s13 =	simm.s32 $0x2B00;
	s14 =	simm.s32 $0x80;
	s15 =	simm.s32 $0x5600  }
0x4: {  	s16 =	simm.s32 $0x1;
	s17 =	simm.s32 $0x9600;
	s18 =	simm.s32 $0x2  }
0x5: {  	s19 =	simm.s32 $0x3;
	s21 =	simm.s32 $0x4;
	s31 =	simm.s32 $0x0  }
0x6: {  	s1 =	sand.u32 $0x1, s1;
	s3 =	sshll.u32 s3, $0x1;
	[smem:$0x7FF] =	sst s2  }
0x7: {  	s4 =	sor.u32 s1, s3;
	_ =	strace $0x80000047;
	s3 =	sadd.s32 $0x1C00, s0  }
0x8: {  	s1 =	ssub.s32 $0x2, s1;
	s5 =	smul.u32 $0x560, s4;
	s6 =	sshll.u32 s4, $0xD  }
0x9: {  	s4 =	sshll.u32 s4, $0xC;
	s8 =	sshrl.u32 s1, $0x1;
	s9 =	sadd.s32 s6, s0  }
0xa: {  	s1 =	ssub.s32 s1, s8;
	s5 =	sadd.s32 s5, s0;
	s6 =	sadd.s32 $0x7D8600, s9  }
0xb: {  	v0 =	vlaneseq.u32;
	s0 =	sadd.s32 s4, s0;
	s7 =	sadd.s32 $0x7D8E00, s9;
	s8 =	sadd.s32 $0x7D9600, s9  }
0xc: {  	v1 =	vor.u32 $0x10, v0;
	s9 =	sadd.s32 $0x7D9E00, s9;
	s11 =	smax.u32 s1, $0x1;
	s30 =	sadd.s32 $0x7A2E00, s5  }
0xd: {  	v2 =	vor.u32 $0x20, v0;
	v3 =	vor.u32 $0x30, v0;
	s5 =	sadd.s32 $0x7ADA00, s5;
	s10 =	sadd.s32 $0x7B8600, s0;
	[dreg:$0x2] =	wrdreg s30  }
.LBB2_1:
0xe: {  	s0 =	rddreg [dreg:$0x2]  }
0xf: {  	[tilespmem:s2], [sflag:$0x5] =	stream.linear.gather [hbm4b:s0+s2], $0x2B00, $0x38;
	[tilespmem:$0x15600] =	vst v63  }
0x10: {  	_ =	swait.ge [sflag:s12], $0x2B00  }
0x11: {  	[sflag:s12] =	ssyncset.done $0x0  }
0x12: {  	[sflag:s12] =	ssyncadd.s32 $0xFFFFD500  }
0x13: {  	[tilespmem:s13], [sflag:$0x5] =	stream.linear.gather [hbm4b:s5+s2], $0x2B00, $0x38;
	[tilespmem:$0x15600] =	vst v63  }
0x14: {  	_ =	swait.ge [sflag:s12], $0x2B00  }
0x15: {  	[sflag:s12] =	ssyncset.done $0x0  }
0x16: {  	[sflag:s12] =	ssyncadd.s32 $0xFFFFD500  }
0x17: {  	[tilespmem:s15], [sflag:$0x1] =	stream.indirect.gather [hbm4b:s3+s14], $0x80, s2, s14, $0xb8;
	[tilespmem:$0x15600] =	vst v63  }
0x18: {  	_ =	swait.ge [sflag:s16], $0x4000  }
0x19: {  	[sflag:s16] =	ssyncset.done $0x0  }
0x1a: {  	[sflag:s16] =	ssyncadd.s32 $0xFFFFC000  }
0x1b: {  	[hbm4b:s6+s2] =	stream.linear.scatter [tilespmem:s15], [sflag:$0x3], $0x4000, $0x38;
	[tilespmem:$0x15600] =	vst v63  }
0x1c: {  	_ = 	snop  }
0x1d: {  	[tilespmem:s17], [sflag:$0x2] =	stream.indirect.gather [hbm4b:s3+s14], $0x80, s14, s14, $0xb8;
	[tilespmem:$0x15600] =	vst v63  }
0x1e: {  	_ =	swait.ge [sflag:s18], $0x4000  }
0x1f: {  	[sflag:s18] =	ssyncset.done $0x0  }
0x20: {  	[sflag:s18] =	ssyncadd.s32 $0xFFFFC000  }
0x21: {  	[hbm4b:s7+s2] =	stream.linear.scatter [tilespmem:s17], [sflag:$0x4], $0x4000, $0x38;
	[tilespmem:$0x15600] =	vst v63  }
0x22: {  	_ =	swait.ge [sflag:s19], $0x4000  }
0x23: {  	[sflag:s19] =	ssyncset.done $0x0  }
0x24: {  	s20 =	simm.s32 $0x100;
	[sflag:s19] =	ssyncadd.s32 $0xFFFFC000  }
0x25: {  	[tilespmem:s15], [sflag:$0x1] =	stream.indirect.gather [hbm4b:s3+s14], $0x80, s20, s14, $0xb8;
	[tilespmem:$0x15600] =	vst v63  }
0x26: {  	_ =	swait.ge [sflag:s16], $0x4000  }
0x27: {  	[sflag:s16] =	ssyncset.done $0x0  }
0x28: {  	[sflag:s16] =	ssyncadd.s32 $0xFFFFC000  }
0x29: {  	[hbm4b:s8+s2] =	stream.linear.scatter [tilespmem:s15], [sflag:$0x3], $0x4000, $0x38;
	[tilespmem:$0x15600] =	vst v63  }
0x2a: {  	_ =	swait.ge [sflag:s21], $0x4000  }
0x2b: {  	[sflag:s21] =	ssyncset.done $0x0  }
0x2c: {  	s22 =	simm.s32 $0x180;
	[sflag:s21] =	ssyncadd.s32 $0xFFFFC000  }
0x2d: {  	[tilespmem:s17], [sflag:$0x2] =	stream.indirect.gather [hbm4b:s3+s14], $0x80, s22, s14, $0xb8;
	[tilespmem:$0x15600] =	vst v63  }
0x2e: {  	_ =	swait.ge [sflag:s18], $0x4000  }
0x2f: {  	[sflag:s18] =	ssyncset.done $0x0  }
0x30: {  	[sflag:s18] =	ssyncadd.s32 $0xFFFFC000  }
0x31: {  	[hbm4b:s9+s2] =	stream.linear.scatter [tilespmem:s17], [sflag:$0x4], $0x4000, $0x38;
	[tilespmem:$0x15600] =	vst v63  }
0x32: {  	_ =	swait.ge [sflag:s19], $0x4000  }
0x33: {  	[sflag:s19] =	ssyncset.done $0x0  }
0x34: {  	[sflag:s19] =	ssyncadd.s32 $0xFFFFC000  }
0x35: {  	_ =	swait.ge [sflag:s21], $0x4000  }
0x36: {  	s23 =	simm.s32 $0x200;
	[sflag:s21] =	ssyncset.done $0x0  }
0x37: {  	s24 =	simm.s32 $0x1;
	s20 =	simm.s32 $0x4;
	[sflag:s21] =	ssyncadd.s32 $0xFFFFC000  }
0x38: {  	v5 =	vmov s24;
	[tilespmem:s15], [sflag:$0x1] =	stream.indirect.gather [hbm4b:s3+s14], $0x80, s23, s14, $0xb8;
	[tilespmem:$0x15600] =	vst v63  }
0x39: {  	s25 =	simm.s32 $0x280;
	s1 =	simm.s32 $0x3;
	s29 =	simm.s32 $0x7;
	v4 =	vor.u32 $0x201, v5;
	v8 =	vmov s20  }
0x3a: {  	v10 =	vmov s29;
	v11 =	vor.u32 $0x204, v8;
	[tilespmem:s17], [sflag:$0x2] =	stream.indirect.gather [hbm4b:s3+s14], $0x80, s25, s14, $0xb8;
	[tilespmem:$0x15600] =	vst v63  }
0x3b: {  	s26 =	simm.s32 $0x2;
	v7 =	vmov s1;
	v14 =	vor.u32 $0x207, v10;
	_ =	swait.ge [sflag:s16], $0x4000  }
0x3c: {  	v6 =	vmov s26;
	v13 =	vor.u32 $0x203, v7;
	[sflag:s16] =	ssyncset.done $0x0  }
0x3d: {  	s28 =	simm.s32 $0x5;
	v21 =	vor.u32 $0x202, v6;
	v23 =	vshll.u32 v10, $0x7;
	v10 =	vmov s2;
	[sflag:s16] =	ssyncadd.s32 $0xFFFFC000  }
0x3e: {  	v9 =	vmov s28;
	v22 =	vor.u32 $0x200, v10;
	v4 =	vld.idx.msk [tilespmem:v4+s13+$0x0], $0xffff  }
0x3f: {  	v15 =	vor.u32 $0x205, v9;
	v24 =	vld.idx.msk [tilespmem:v11+s13+$0x0], $0xffff  }
0x40: {  	v28 =	vld.idx.msk [tilespmem:v14+s13+$0x0], $0xffff  }
0x41: {  	s30 =	simm.s32 $0x6;
	v31 =	vld.idx.msk [tilespmem:v13+s13+$0x0], $0xffff  }
0x42: {  	v12 =	vmov s30;
	v27 =	vld.idx.msk [tilespmem:v21+s13+$0x0], $0xffff  }
0x43: {  	v16 =	vor.u32 $0x206, v12;
	v29 =	vld.idx.msk [tilespmem:v22+s13+$0x0], $0xffff  }
0x44: {  	v5 =	vshll.u32 v5, $0x7;
	v17 =	vshll.u32 v6, $0x7;
	v20 =	vshll.u32 v9, $0x7;
	v35 =	vld.idx.msk [tilespmem:v15+s13+$0x0], $0xffff  }
0x45: {  	v19 =	vshll.u32 v7, $0x7;
	v6 =	vshll.u32 v12, $0x7;
	v18 =	vshll.u32 v10, $0x7  }
0x46: {  	v8 =	vshll.u32 v8, $0x7;
	v9 =	vadd.s32 v2, v4;
	v10 =	vadd.s32 v0, v4  }
0x47: {  	v12 =	vadd.s32 v1, v4;
	v25 =	vadd.s32 v1, v24;
	v26 =	vadd.s32 v3, v31  }
0x48: {  	v36 =	vadd.s32 v0, v27;
	v38 =	vadd.s32 v0, v31;
	v40 =	vadd.s32 v0, v29  }
0x49: {  	v41 =	vadd.s32 v1, v29;
	v46 =	vadd.s32 v1, v35;
	v62 =	vadd.s32 v1, v28  }
0x4a: {  	v48 =	vadd.s32 v0, v35;
	v57 =	vadd.s32 v1, v27;
	v7 =	vand.u32 $0xFFFFFFF8, v9  }
0x4b: {  	v14 =	vand.u32 $0xFFFFFFF8, v10;
	v30 =	vand.u32 $0x7, v12;
	v10 =	vand.u32 $0x7, v10  }
0x4c: {  	v13 =	vand.u32 $0xFFFFFFF8, v25;
	v37 =	vand.u32 $0xFFFFFFF8, v36;
	v36 =	vand.u32 $0x7, v36  }
0x4d: {  	v42 =	vand.u32 $0x7, v41;
	v43 =	vand.u32 $0xFFFFFFF8, v38;
	v45 =	vand.u32 $0xFFFFFFF8, v40  }
0x4e: {  	v40 =	vand.u32 $0x7, v40;
	v41 =	vand.u32 $0xFFFFFFF8, v41;
	v63 =	vand.u32 $0xFFFFFFF8, v62  }
0x4f: {  	v54 =	vand.u32 $0xFFFFFFF8, v48;
	v56 =	vand.u32 $0x7, v48;
	v58 =	vand.u32 $0xFFFFFFF8, v57  }
0x50: {  	v50 =	vand.u32 $0xFFFFFFF8, v46;
	v46 =	vand.u32 $0x7, v46;
	v11 =	vadd.s32 v5, v7  }
0x51: {  	v7 =	vld.idx.msk [tilespmem:v16+s13+$0x0], $0xffff;
	v16 =	vand.u32 $0xFFFFFFF8, v12;
	v12 =	vadd.s32 v5, v14;
	v21 =	vadd.s32 v8, v13  }
0x52: {  	v14 =	vadd.s32 v0, v28;
	v13 =	vadd.s32 v3, v28;
	v60 =	vadd.s32 v18, v45  }
0x53: {  	v41 =	vadd.s32 v18, v41;
	v55 =	vadd.s32 v23, v63;
	v59 =	vadd.s32 v20, v50  }
0x54: {  	v28 =	vadd.s32 v2, v28;
	v32 =	vadd.s32 v5, v16;
	v33 =	vor.u32 v10, v12  }
0x55: {  	v12 =	vadd.s32 v2, v24;
	v10 =	vadd.s32 v3, v24;
	v16 =	vand.u32 $0xFFFFFFF8, v14  }
0x56: {  	v22 =	vand.u32 $0xFFFFFFF8, v13;
	v13 =	vand.u32 $0x7, v13;
	v24 =	vadd.s32 v0, v24  }
0x57: {  	v14 =	vand.u32 $0x7, v14;
	v34 =	vand.u32 $0xFFFFFFF8, v12;
	v16 =	vadd.s32 v23, v16  }
0x58: {  	v39 =	vand.u32 $0xFFFFFFF8, v24;
	v24 =	vand.u32 $0x7, v24;
	v30 =	vor.u32 v30, v32  }
0x59: {  	v47 =	vor.u32 v14, v16;
	v14 =	vand.u32 $0x7, v38;
	v39 =	vadd.s32 v8, v39  }
0x5a: {  	v16 =	vadd.s32 v19, v43;
	v38 =	vor.u32 v46, v59;
	v39 =	vor.u32 v24, v39  }
0x5b: {  	v15 =	vadd.s32 v0, v7;
	v53 =	vadd.s32 v1, v7;
	v24 =	vadd.s32 v2, v7  }
0x5c: {  	v44 =	vand.u32 $0xFFFFFFF8, v15;
	v15 =	vand.u32 $0x7, v15;
	v49 =	vand.u32 $0xFFFFFFF8, v53  }
0x5d: {  	v61 =	vadd.s32 v6, v44;
	v44 =	vor.u32 v14, v16;
	v16 =	vadd.s32 v17, v37  }
0x5e: {  	v36 =	vor.u32 v36, v16;
	v16 =	vadd.s32 v23, v22;
	v22 =	vadd.s32 v1, v31  }
0x5f: {  	v45 =	vand.u32 $0x7, v53;
	v63 =	vand.u32 $0xFFFFFFF8, v24;
	v52 =	vand.u32 $0xFFFFFFF8, v22  }
0x60: {  	v14 =	vor.u32 v42, v41;
	v22 =	vand.u32 $0x7, v22;
	v42 =	vadd.s32 v19, v52  }
0x61: {  	v24 =	vand.u32 $0x7, v24;
	v42 =	vor.u32 v22, v42;
	v22 =	vadd.s32 v20, v54  }
0x62: {  	v37 =	vand.u32 $0x7, v62;
	v49 =	vadd.s32 v6, v49;
	v41 =	vor.u32 v56, v22  }
0x63: {  	v62 =	vadd.s32 v17, v58;
	v58 =	vadd.s32 v2, v27;
	v43 =	vor.u32 v15, v61  }
0x64: {  	v15 =	vadd.s32 v8, v34;
	v34 =	vor.u32 v37, v55;
	v31 =	vadd.s32 v2, v31;
	v47 =	vld.idx.msk [tilespmem:v47+s15+$0x0], $0xffff  }
0x65: {  	v37 =	vand.u32 $0x7, v57;
	v45 =	vor.u32 v45, v49;
	v55 =	vld.idx.msk [tilespmem:v33+s15+$0x0], $0xffff;
	v57 =	vand.u32 $0xFFFFFFF8, v28  }
0x66: {  	v28 =	vand.u32 $0x7, v28;
	v59 =	vand.u32 $0xFFFFFFF8, v58;
	v37 =	vor.u32 v37, v62;
	v44 =	vld.idx.msk [tilespmem:v44+s15+$0x0], $0xffff  }
0x67: {  	v53 =	vand.u32 $0xFFFFFFF8, v31;
	v23 =	vadd.s32 v23, v57;
	v54 =	vadd.s32 v6, v63;
	v41 =	vld.idx.msk [tilespmem:v41+s15+$0x0], $0xffff  }
0x68: {  	s0 =	simm.s32 $0xD700;
	v39 =	vld.idx.msk [tilespmem:v39+s15+$0x0], $0xffff;
	v63 =	vand.u32 $0x7, v25;
	v22 =	vor.u32 v40, v60;
	v40 =	vadd.s32 v2, v35  }
0x69: {  	v60 =	vadd.s32 v2, v29;
	v56 =	vadd.s32 v19, v53;
	v51 =	vand.u32 $0xFFFFFFF8, v40;
	v36 =	vld.idx.msk [tilespmem:v36+s15+$0x0], $0xffff;
	[tilespmem:s0+$0xC0] =	vst v47  }
0x6a: {  	v29 =	vadd.s32 v3, v29;
	v61 =	vand.u32 $0xFFFFFFF8, v60;
	v43 =	vld.idx.msk [tilespmem:v43+s15+$0x0], $0xffff;
	[tilespmem:s0+$0xFFFFFF40] =	vst v55;
	v51 =	vadd.s32 v20, v51  }
0x6b: {  	v50 =	vand.u32 $0x7, v60;
	v32 =	vadd.s32 v18, v61;
	v52 =	vld.idx.msk [tilespmem:v34+s15+$0x0], $0xffff;
	v34 =	vadd.s32 v3, v35;
	[tilespmem:s0+$0xFFFFFFC0] =	vst v44  }
0x6c: {  	v35 =	vor.u32 v28, v23;
	v61 =	vadd.s32 v17, v59;
	v23 =	vand.u32 $0x7, v31;
	v42 =	vld.idx.msk [tilespmem:v42+s15+$0x0], $0xffff;
	[tilespmem:s0+$0x40] =	vst v41  }
0x6d: {  	v28 =	vand.u32 $0x7, v40;
	v31 =	vand.u32 $0x7, v58;
	[tilespmem:s0+$0x0] =	vst v39;
	v62 =	vor.u32 v23, v56;
	v60 =	vld.idx.msk [tilespmem:v38+s15+$0x0], $0xffff  }
0x6e: {  	v33 =	vor.u32 v28, v51;
	v23 =	vand.u32 $0xFFFFFFF8, v34;
	v28 =	vadd.s32 v3, v27;
	[tilespmem:s0+$0xFFFFFF80] =	vst v36  }
0x6f: {  	v27 =	vor.u32 v50, v32;
	v20 =	vadd.s32 v20, v23;
	v23 =	vld.idx.msk [tilespmem:v30+s15+$0x0], $0xffff;
	v30 =	vand.u32 $0xFFFFFFF8, v28;
	[tilespmem:s0+$0x80] =	vst v43  }
0x70: {  	v32 =	vor.u32 v31, v61;
	v31 =	vadd.s32 v17, v30;
	v30 =	vand.u32 $0xFFFFFFF8, v29;
	[tilespmem:s0+$0xD0] =	vst v52;
	v36 =	vld.idx.msk [tilespmem:v37+s15+$0x0], $0xffff  }
0x71: {  	v24 =	vor.u32 v24, v54;
	v17 =	vand.u32 $0xFFFFFFF8, v26;
	v25 =	vadd.s32 v18, v30;
	v37 =	vld.idx.msk [tilespmem:v45+s15+$0x0], $0xffff;
	[tilespmem:s0+$0xFFFFFFD0] =	vst v42  }
0x72: {  	s1 =	simm.s32 $0x8;
	s20 =	simm.s32 $0xD900;
	v18 =	vor.u32 v63, v21;
	v38 =	vadd.s32 v19, v17;
	v19 =	vand.u32 $0x7, v26;
	v17 =	vld.idx.msk [tilespmem:v62+s15+$0x0], $0xffff;
	[tilespmem:s0+$0x50] =	vst v60  }
.LBB2_2:
0x73: {  	s23 =	sadd.s32 $0x1, s1  }
0x74: {  	s24 =	sadd.s32 $0x2, s1;
	s25 =	sadd.s32 $0x3, s1;
	v19 =	vor.u32 v19, v38;
	v21 =	vand.u32 $0xFFFFFFF8, v10;
	v26 =	vand.u32 $0x7, v34;
	v30 =	vld.idx.msk [tilespmem:v35+s15+$0x0], $0xffff;
	s22 =	smov.u32 s1  }
0x75: {  	s26 =	sadd.s32 $0x6, s1;
	v13 =	vor.u32 v13, v16;
	v34 =	vmov s23;
	v35 =	vmov s24;
	s23 =	sadd.s32 $0x4, s1;
	s24 =	sadd.s32 $0x5, s1  }
0x76: {  	p0 =	slt.u32 s1, $0x78;
	v16 =	vmov s25;
	s1 =	sadd.s32 $0x8, s1;
	v38 =	vmov s23;
	v39 =	vmov s24;
	s23 =	sadd.s32 $0x7, s22  }
0x77: {  	v41 =	vmov s26;
	v40 =	vor.u32 $0x201, v34;
	v42 =	vmov s23;
	v22 =	vld.idx.msk [tilespmem:v22+s15+$0x0], $0xffff;
	[tilespmem:s0+$0xFFFFFF90] =	vst v36  }
0x78: {  	v44 =	vadd.s32 v8, v21;
	v36 =	vor.u32 $0x203, v16;
	v43 =	vor.u32 $0x207, v42;
	v18 =	vld.idx.msk [tilespmem:v18+s15+$0x0], $0xffff;
	[tilespmem:s0+$0x90] =	vst v37  }
0x79: {  	v7 =	vadd.s32 v3, v7;
	v8 =	vor.u32 $0x206, v41;
	v37 =	vor.u32 $0x205, v39;
	[tilespmem:s0+$0xFFFFFFE0] =	vst v17;
	v17 =	vld.idx.msk [tilespmem:v33+s15+$0x0], $0xffff  }
0x7a: {  	v12 =	vand.u32 $0x7, v12;
	v26 =	vor.u32 v26, v20;
	v20 =	vand.u32 $0xFFFFFFF8, v7;
	v19 =	vld.idx.msk [tilespmem:v19+s15+$0x0], $0xffff;
	[tilespmem:s0+$0xE0] =	vst v30  }
0x7b: {  	v9 =	vand.u32 $0x7, v9;
	v12 =	vor.u32 v12, v15;
	v15 =	vld.idx.msk [tilespmem:v24+s15+$0x0], $0xffff;
	v24 =	vadd.s32 v6, v20  }
0x7c: {  	v6 =	vor.u32 v9, v11;
	v9 =	vadd.s32 v3, v4;
	v11 =	vld.idx.msk [tilespmem:v13+s15+$0x0], $0xffff  }
0x7d: {  	v13 =	vand.u32 $0xFFFFFFF8, v9;
	v4 =	vld.idx.msk [tilespmem:v40+s13+$0x0], $0xffff;
	[tilespmem:s0+$0xFFFFFF00] =	vst v22  }
0x7e: {  	v9 =	vand.u32 $0x7, v9;
	v5 =	vadd.s32 v5, v13;
	v13 =	vand.u32 $0x7, v7;
	v14 =	vld.idx.msk [tilespmem:v14+s15+$0x0], $0xffff;
	[tilespmem:s0+$0x10] =	vst v18  }
0x7f: {  	v30 =	vor.u32 $0x204, v38;
	v22 =	vor.u32 $0x202, v35;
	v33 =	vor.u32 v9, v5;
	v7 =	vld.idx.msk [tilespmem:v8+s13+$0x0], $0xffff;
	[tilespmem:s0+$0x60] =	vst v17  }
0x80: {  	v21 =	vshll.u32 v42, $0x7;
	v5 =	vshll.u32 v34, $0x7;
	v17 =	vshll.u32 v35, $0x7;
	[tilespmem:s0+$0xFFFFFF50] =	vst v23;
	v12 =	vld.idx.msk [tilespmem:v12+s15+$0x0], $0xffff  }
0x81: {  	v20 =	vshll.u32 v39, $0x7;
	v34 =	vmov s22;
	v8 =	vshll.u32 v38, $0x7;
	v35 =	vld.idx.msk [tilespmem:v6+s15+$0x0], $0xffff;
	[tilespmem:s0+$0xFFFFFFF0] =	vst v19  }
0x82: {  	v18 =	vshll.u32 v16, $0x7;
	v38 =	vor.u32 $0x200, v34;
	v6 =	vshll.u32 v41, $0x7;
	v23 =	vld.idx.msk [tilespmem:v37+s13+$0x0], $0xffff;
	[tilespmem:s0+$0xF0] =	vst v11  }
0x83: {  	v10 =	vand.u32 $0x7, v10;
	v9 =	vadd.s32 v2, v4;
	v37 =	vor.u32 v13, v24;
	v16 =	vld.idx.msk [tilespmem:v32+s15+$0x0], $0xffff  }
0x84: {  	v19 =	vshll.u32 v34, $0x7;
	v13 =	vand.u32 $0x7, v28;
	v11 =	vand.u32 $0xFFFFFFF8, v9;
	v34 =	vld.idx.msk [tilespmem:v30+s13+$0x0], $0xffff;
	[tilespmem:s0+$0xFFFFFF10] =	vst v14  }
0x85: {  	v13 =	vor.u32 v13, v31;
	v11 =	vadd.s32 v5, v11;
	v14 =	vld.idx.msk [tilespmem:v27+s15+$0x0], $0xffff;
	v27 =	vand.u32 $0x7, v29  }
0x86: {  	v39 =	vor.u32 v10, v44;
	v24 =	vld.idx.msk [tilespmem:v43+s13+$0x0], $0xffff;
	v30 =	vor.u32 v27, v25;
	[tilespmem:s0+$0xA0] =	vst v15  }
0x87: {  	v10 =	vadd.s32 v0, v4;
	v15 =	vadd.s32 v1, v4;
	[tilespmem:s0+$0xFFFFFF60] =	vst v35;
	v35 =	vld.idx.msk [tilespmem:v26+s15+$0x0], $0xffff  }
0x88: {  	v25 =	vand.u32 $0xFFFFFFF8, v10;
	v26 =	vand.u32 $0xFFFFFFF8, v15;
	v28 =	vand.u32 $0x7, v15;
	v36 =	vld.idx.msk [tilespmem:v36+s13+$0x0], $0xffff;
	[tilespmem:s0+$0x20] =	vst v12  }
0x89: {  	v10 =	vand.u32 $0x7, v10;
	v12 =	vadd.s32 v5, v25;
	v31 =	vadd.s32 v5, v26;
	v27 =	vld.idx.msk [tilespmem:v22+s13+$0x0], $0xffff;
	[tilespmem:s0+$0xFFFFFFA0] =	vst v16  }
0x8a: {  	v32 =	vor.u32 v10, v12;
	v25 =	vadd.s32 v1, v34;
	v12 =	vadd.s32 v2, v34;
	v15 =	vld.idx.msk [tilespmem:v13+s15+$0x0], $0xffff  }
0x8b: {  	v10 =	vadd.s32 v3, v34;
	v13 =	vand.u32 $0xFFFFFFF8, v25;
	v22 =	vand.u32 $0xFFFFFFF8, v12;
	v29 =	vld.idx.msk [tilespmem:v38+s13+$0x0], $0xffff;
	[tilespmem:s0+$0xFFFFFF20] =	vst v14  }
0x8c: {  	v26 =	vadd.s32 v8, v13;
	v14 =	vadd.s32 v0, v24;
	v13 =	vadd.s32 v3, v24;
	v16 =	vld.idx.msk [tilespmem:v39+s15+$0x0], $0xffff  }
0x8d: {  	v38 =	vand.u32 $0xFFFFFFF8, v14;
	v39 =	vand.u32 $0xFFFFFFF8, v13;
	v13 =	vand.u32 $0x7, v13;
	v40 =	vld.idx.msk [tilespmem:v30+s15+$0x0], $0xffff  }
0x8e: {  	v41 =	vadd.s32 v0, v7;
	v30 =	vadd.s32 v3, v36;
	v38 =	vadd.s32 v21, v38;
	[tilespmem:s0+$0x70] =	vst v35  }
0x8f: {  	v34 =	vadd.s32 v0, v34;
	v14 =	vand.u32 $0x7, v14;
	v35 =	vadd.s32 v0, v27;
	v33 =	vld.idx.msk [tilespmem:v33+s15+$0x0], $0xffff  }
0x90: {  	v44 =	vand.u32 $0xFFFFFFF8, v34;
	v43 =	vadd.s32 v0, v36;
	v42 =	vand.u32 $0xFFFFFFF8, v35;
	[tilespmem:s0+$0xFFFFFFB0] =	vst v15;
	v15 =	vld.idx.msk [tilespmem:v37+s15+$0x0], $0xffff  }
0x91: {  	v35 =	vand.u32 $0x7, v35;
	v37 =	vadd.s32 v0, v29;
	v45 =	vadd.s32 v1, v29  }
0x92: {  	v48 =	vand.u32 $0xFFFFFFF8, v41;
	v47 =	vand.u32 $0xFFFFFFF8, v43;
	v46 =	vand.u32 $0x7, v45;
	[tilespmem:s0+$0x30] =	vst v16  }
0x93: {  	v49 =	vadd.s32 v1, v23;
	v38 =	vor.u32 v14, v38;
	v16 =	vand.u32 $0xFFFFFFF8, v37;
	[tilespmem:s0+$0xFFFFFF30] =	vst v40  }
0x94: {  	v14 =	vand.u32 $0x7, v43;
	v37 =	vand.u32 $0x7, v37;
	v40 =	vadd.s32 v18, v47  }
0x95: {  	v43 =	vadd.s32 v19, v16;
	v16 =	vand.u32 $0xFFFFFFF8, v45;
	v45 =	vadd.s32 v6, v48;
	[tilespmem:s0+$0xFFFFFF70] =	vst v33  }
0x96: {  	v16 =	vadd.s32 v19, v16;
	v33 =	vor.u32 v14, v40;
	v40 =	vand.u32 $0x7, v41;
	[tilespmem:s0+$0xB0] =	vst v15;
	s0 =	smov.u32 s20  }
0x97: {  	v14 =	vor.u32 v46, v16;
	v41 =	vadd.s32 v1, v24;
	v15 =	vadd.s32 v17, v42  }
0x98: {  	v16 =	vadd.s32 v21, v39;
	v42 =	vand.u32 $0xFFFFFFF8, v41;
	v35 =	vor.u32 v35, v15;
	v38 =	vld.idx.msk [tilespmem:v38+s15+$0x0], $0xffff  }
0x99: {  	v39 =	vadd.s32 v8, v44;
	v41 =	vand.u32 $0x7, v41;
	v15 =	vadd.s32 v1, v36  }
0x9a: {  	v40 =	vor.u32 v40, v45;
	v45 =	vadd.s32 v1, v7;
	v44 =	vand.u32 $0xFFFFFFF8, v15  }
0x9b: {  	v47 =	vadd.s32 v0, v23;
	v48 =	vand.u32 $0xFFFFFFF8, v45;
	v46 =	vand.u32 $0x7, v15  }
0x9c: {  	v15 =	vadd.s32 v8, v22;
	v22 =	vand.u32 $0xFFFFFFF8, v47;
	v44 =	vadd.s32 v18, v44  }
0x9d: {  	v42 =	vadd.s32 v21, v42;
	v22 =	vadd.s32 v20, v22;
	v44 =	vor.u32 v46, v44;
	v35 =	vld.idx.msk [tilespmem:v35+s15+$0x0], $0xffff  }
0x9e: {  	v34 =	vand.u32 $0x7, v34;
	v46 =	vand.u32 $0x7, v47;
	[tilespmem:s20+$0xC0] =	vst v38;
	v38 =	vor.u32 v41, v42  }
0x9f: {  	v36 =	vadd.s32 v2, v36;
	v41 =	vadd.s32 v1, v27;
	v42 =	vor.u32 v46, v22  }
0xa0: {  	v45 =	vand.u32 $0x7, v45;
	v47 =	vand.u32 $0xFFFFFFF8, v49;
	v46 =	vand.u32 $0xFFFFFFF8, v41  }
0xa1: {  	v22 =	vor.u32 v37, v43;
	v37 =	vadd.s32 v20, v47;
	v43 =	vadd.s32 v2, v23;
	v33 =	vld.idx.msk [tilespmem:v33+s15+$0x0], $0xffff  }
0xa2: {  	v48 =	vadd.s32 v6, v48;
	v47 =	vadd.s32 v2, v29;
	v50 =	vand.u32 $0xFFFFFFF8, v43;
	v40 =	vld.idx.msk [tilespmem:v40+s15+$0x0], $0xffff  }
0xa3: {  	v51 =	vand.u32 $0xFFFFFFF8, v47;
	v47 =	vand.u32 $0x7, v47;
	v50 =	vadd.s32 v20, v50;
	[tilespmem:s20+$0xFFFFFF80] =	vst v35;
	v35 =	vld.idx.msk [tilespmem:v38+s15+$0x0], $0xffff  }
0xa4: {  	v49 =	vand.u32 $0x7, v49;
	v38 =	vadd.s32 v19, v51;
	v51 =	vadd.s32 v2, v24;
	v42 =	vld.idx.msk [tilespmem:v42+s15+$0x0], $0xffff  }
0xa5: {  	v28 =	vor.u32 v28, v31;
	v24 =	vand.u32 $0x7, v41;
	v41 =	vor.u32 v45, v48;
	v32 =	vld.idx.msk [tilespmem:v32+s15+$0x0], $0xffff  }
0xa6: {  	v31 =	vor.u32 v34, v39;
	v34 =	vor.u32 v49, v37;
	v37 =	vadd.s32 v2, v7  }
0xa7: {  	v39 =	vadd.s32 v17, v46;
	v45 =	vand.u32 $0xFFFFFFF8, v37;
	v37 =	vand.u32 $0x7, v37  }
0xa8: {  	v39 =	vor.u32 v24, v39;
	v24 =	vand.u32 $0xFFFFFFF8, v36;
	[tilespmem:s20+$0xFFFFFFC0] =	vst v33;
	v33 =	vadd.s32 v6, v45  }
0xa9: {  	v45 =	vadd.s32 v18, v24;
	v44 =	vld.idx.msk [tilespmem:v44+s15+$0x0], $0xffff;
	v24 =	vor.u32 v37, v33;
	[tilespmem:s20+$0xD0] =	vst v35;
	v33 =	vand.u32 $0xFFFFFFF8, v51  }
0xaa: {  	v37 =	vadd.s32 v2, v27;
	v35 =	vand.u32 $0x7, v51;
	[tilespmem:s20+$0x40] =	vst v42;
	v21 =	vadd.s32 v21, v33  }
0xab: {  	[tilespmem:s20+$0xFFFFFF40] =	vst v32;
	v32 =	vand.u32 $0xFFFFFFF8, v37;
	v42 =	vld.idx.msk [tilespmem:v34+s15+$0x0], $0xffff;
	v34 =	vadd.s32 v3, v23;
	v35 =	vor.u32 v35, v21  }
0xac: {  	v21 =	vadd.s32 v17, v32;
	v32 =	vand.u32 $0x7, v36;
	v46 =	vld.idx.msk [tilespmem:v31+s15+$0x0], $0xffff;
	v31 =	vand.u32 $0x7, v43  }
0xad: {  	v23 =	vld.idx.msk [tilespmem:v28+s15+$0x0], $0xffff;
	v43 =	vor.u32 v32, v45;
	v33 =	vor.u32 v31, v50;
	v31 =	vand.u32 $0xFFFFFFF8, v34  }
.Ltmp0:
0xae: {  	v32 =	vand.u32 $0x7, v37;
	v28 =	vadd.s32 v3, v27;
	v20 =	vadd.s32 v20, v31;
	(pc) =	sbr.rel @p0 .LBB2_2-.Ltmp0, $4  }
0xaf: {  	v27 =	vor.u32 v47, v38;
	v32 =	vor.u32 v32, v21;
	v21 =	vand.u32 $0xFFFFFFF8, v28;
	[tilespmem:s20+$0x80] =	vst v40  }
0xb0: {  	v29 =	vadd.s32 v3, v29;
	v31 =	vadd.s32 v17, v21;
	v17 =	vand.u32 $0xFFFFFFF8, v30;
	v36 =	vld.idx.msk [tilespmem:v39+s15+$0x0], $0xffff;
	[tilespmem:s20+$0xFFFFFFD0] =	vst v44  }
0xb1: {  	v21 =	vand.u32 $0xFFFFFFF8, v29;
	v38 =	vadd.s32 v18, v17;
	v18 =	vand.u32 $0x7, v25;
	[tilespmem:s20+$0x50] =	vst v42;
	v37 =	vld.idx.msk [tilespmem:v41+s15+$0x0], $0xffff  }
0xb2: {  	v25 =	vadd.s32 v19, v21;
	v19 =	vand.u32 $0x7, v30;
	v18 =	vor.u32 v18, v26;
	s20 =	sadd.s32 $0x200, s20;
	v17 =	vld.idx.msk [tilespmem:v43+s15+$0x0], $0xffff;
	[tilespmem:s0+$0x0] =	vst v46  }
0xb3: {  	_ =	sdelay $0x3  }
0xb4: {  	v21 =	vld.idx.msk [tilespmem:v22+s15+$0x0], $0xffff;
	_ =	sdelay $0x2  }
0xb5: {  	v19 =	vor.u32 v19, v38;
	v13 =	vor.u32 v13, v16;
	v16 =	vld.idx.msk [tilespmem:v18+s15+$0x0], $0xffff;
	v12 =	vand.u32 $0x7, v12  }
0xb6: {  	v22 =	vld.idx.msk [tilespmem:v35+s15+$0x0], $0xffff;
	[tilespmem:s0+$0xFFFFFF50] =	vst v23;
	v12 =	vor.u32 v12, v15  }
0xb7: {  	v18 =	vld.idx.msk [tilespmem:v33+s15+$0x0], $0xffff;
	[tilespmem:s0+$0xFFFFFF00] =	vst v21  }
0xb8: {  	[tilespmem:s0+$0xFFFFFF90] =	vst v36;
	v14 =	vld.idx.msk [tilespmem:v14+s15+$0x0], $0xffff  }
0xb9: {  	v9 =	vand.u32 $0x7, v9;
	[tilespmem:s0+$0xFFFFFFE0] =	vst v17  }
0xba: {  	v15 =	vand.u32 $0xFFFFFFF8, v10;
	v9 =	vor.u32 v9, v11;
	v17 =	vld.idx.msk [tilespmem:v19+s15+$0x0], $0xffff;
	[tilespmem:s0+$0x10] =	vst v16  }
0xbb: {  	v7 =	vadd.s32 v3, v7;
	v10 =	vand.u32 $0x7, v10;
	v8 =	vadd.s32 v8, v15;
	[tilespmem:s0+$0xE0] =	vst v22;
	v12 =	vld.idx.msk [tilespmem:v12+s15+$0x0], $0xffff  }
0xbc: {  	v4 =	vadd.s32 v3, v4;
	v11 =	vand.u32 $0x7, v34;
	v8 =	vor.u32 v10, v8;
	[tilespmem:s0+$0x60] =	vst v18;
	v16 =	vld.idx.msk [tilespmem:v32+s15+$0x0], $0xffff  }
0xbd: {  	v11 =	vor.u32 v11, v20;
	v15 =	vand.u32 $0xFFFFFFF8, v7;
	v18 =	vand.u32 $0x7, v28;
	v13 =	vld.idx.msk [tilespmem:v13+s15+$0x0], $0xffff;
	[tilespmem:s0+$0xFFFFFF10] =	vst v14  }
0xbe: {  	v20 =	vand.u32 $0x7, v29;
	[tilespmem:s0+$0x90] =	vst v37;
	v14 =	vor.u32 v18, v31;
	v18 =	vand.u32 $0xFFFFFFF8, v4;
	v19 =	vld.idx.msk [tilespmem:v27+s15+$0x0], $0xffff  }
0xbf: {  	v10 =	vor.u32 v20, v25;
	v9 =	vld.idx.msk [tilespmem:v9+s15+$0x0], $0xffff;
	[tilespmem:s0+$0xFFFFFFF0] =	vst v17;
	v4 =	vand.u32 $0x7, v4;
	v5 =	vadd.s32 v5, v18  }
0xc0: {  	v7 =	vand.u32 $0x7, v7;
	v6 =	vadd.s32 v6, v15;
	v17 =	vld.idx.msk [tilespmem:v24+s15+$0x0], $0xffff;
	[tilespmem:s0+$0x20] =	vst v12;
	v4 =	vor.u32 v4, v5  }
0xc1: {  	[tilespmem:s0+$0xFFFFFFA0] =	vst v16;
	v8 =	vld.idx.msk [tilespmem:v8+s15+$0x0], $0xffff;
	v5 =	vor.u32 v7, v6  }
0xc2: {  	[tilespmem:s0+$0xF0] =	vst v13;
	v6 =	vld.idx.msk [tilespmem:v11+s15+$0x0], $0xffff  }
0xc3: {  	v7 =	vld.idx.msk [tilespmem:v14+s15+$0x0], $0xffff;
	[tilespmem:s0+$0xFFFFFF20] =	vst v19  }
0xc4: {  	[tilespmem:s0+$0xFFFFFF60] =	vst v9;
	v9 =	vld.idx.msk [tilespmem:v10+s15+$0x0], $0xffff  }
0xc5: {  	[tilespmem:s0+$0xA0] =	vst v17;
	v4 =	vld.idx.msk [tilespmem:v4+s15+$0x0], $0xffff  }
0xc6: {  	[tilespmem:s0+$0x30] =	vst v8;
	v5 =	vld.idx.msk [tilespmem:v5+s15+$0x0], $0xffff  }
0xc7: {  	[tilespmem:s0+$0x70] =	vst v6  }
0xc8: {  	[tilespmem:s0+$0xFFFFFFB0] =	vst v7  }
0xc9: {  	s20 =	simm.s32 $0x4;
	[tilespmem:s0+$0xFFFFFF30] =	vst v9  }
0xca: {  	s28 =	simm.s32 $0x7;
	v8 =	vmov s20;
	[tilespmem:s0+$0xFFFFFF70] =	vst v4  }
0xcb: {  	s23 =	simm.s32 $0x300;
	s24 =	simm.s32 $0x2;
	s25 =	simm.s32 $0x3;
	v10 =	vmov s28;
	v11 =	vor.u32 $0x284, v8;
	[tilespmem:s0+$0xB0] =	vst v5  }
0xcc: {  	v14 =	vor.u32 $0x287, v10;
	v7 =	vmov s25;
	[tilespmem:s15], [sflag:$0x1] =	stream.indirect.gather [hbm4b:s3+s14], $0x80, s23, s14, $0xb8;
	[tilespmem:$0x15600] =	vst v63  }
0xcd: {  	s30 =	simm.s32 $0x0;
	v6 =	vmov s24;
	v13 =	vor.u32 $0x283, v7;
	_ =	swait.ge [sflag:s18], $0x4000  }
0xce: {  	s1 =	simm.s32 $0x1;
	v21 =	vor.u32 $0x282, v6;
	v23 =	vshll.u32 v10, $0x7;
	v10 =	vmov s30;
	[sflag:s18] =	ssyncset.done $0x0  }
0xcf: {  	v22 =	vor.u32 $0x280, v10;
	v5 =	vmov s1;
	[sflag:s18] =	ssyncadd.s32 $0xFFFFC000  }
0xd0: {  	v4 =	vor.u32 $0x281, v5;
	v24 =	vld.idx.msk [tilespmem:v11+s13+$0x0], $0xffff  }
0xd1: {  	s26 =	simm.s32 $0x5;
	v28 =	vld.idx.msk [tilespmem:v14+s13+$0x0], $0xffff  }
0xd2: {  	v9 =	vmov s26;
	v31 =	vld.idx.msk [tilespmem:v13+s13+$0x0], $0xffff  }
0xd3: {  	s29 =	simm.s32 $0x6;
	v15 =	vor.u32 $0x285, v9;
	v27 =	vld.idx.msk [tilespmem:v21+s13+$0x0], $0xffff  }
0xd4: {  	v12 =	vmov s29;
	v29 =	vld.idx.msk [tilespmem:v22+s13+$0x0], $0xffff  }
0xd5: {  	v16 =	vor.u32 $0x286, v12;
	v4 =	vld.idx.msk [tilespmem:v4+s13+$0x0], $0xffff  }
0xd6: {  	v8 =	vshll.u32 v8, $0x7;
	v17 =	vshll.u32 v6, $0x7;
	v6 =	vshll.u32 v12, $0x7  }
0xd7: {  	v18 =	vshll.u32 v10, $0x7;
	v19 =	vshll.u32 v7, $0x7;
	v5 =	vshll.u32 v5, $0x7  }
0xd8: {  	v20 =	vshll.u32 v9, $0x7;
	v35 =	vld.idx.msk [tilespmem:v15+s13+$0x0], $0xffff;
	v25 =	vadd.s32 v1, v24;
	v26 =	vadd.s32 v3, v31  }
0xd9: {  	v57 =	vadd.s32 v0, v27;
	v59 =	vadd.s32 v0, v31;
	v40 =	vadd.s32 v0, v29  }
0xda: {  	v41 =	vadd.s32 v1, v29;
	v62 =	vadd.s32 v1, v28;
	v9 =	vadd.s32 v2, v4  }
0xdb: {  	v10 =	vadd.s32 v0, v4;
	v12 =	vadd.s32 v1, v4;
	v13 =	vand.u32 $0xFFFFFFF8, v25  }
0xdc: {  	v58 =	vand.u32 $0xFFFFFFF8, v57;
	v36 =	vand.u32 $0x7, v57;
	v42 =	vand.u32 $0x7, v41  }
0xdd: {  	v43 =	vand.u32 $0xFFFFFFF8, v59;
	v45 =	vand.u32 $0xFFFFFFF8, v40;
	v46 =	vadd.s32 v1, v35  }
0xde: {  	v40 =	vand.u32 $0x7, v40;
	v41 =	vand.u32 $0xFFFFFFF8, v41;
	v63 =	vand.u32 $0xFFFFFFF8, v62  }
0xdf: {  	v37 =	vand.u32 $0x7, v62;
	v48 =	vadd.s32 v0, v35;
	v57 =	vadd.s32 v1, v27  }
0xe0: {  	v7 =	vand.u32 $0xFFFFFFF8, v9;
	v14 =	vand.u32 $0xFFFFFFF8, v10;
	v30 =	vand.u32 $0x7, v12  }
0xe1: {  	v10 =	vand.u32 $0x7, v10;
	v21 =	vadd.s32 v8, v13;
	v13 =	vadd.s32 v3, v28  }
0xe2: {  	v60 =	vadd.s32 v18, v45;
	v41 =	vadd.s32 v18, v41;
	v54 =	vand.u32 $0xFFFFFFF8, v48  }
0xe3: {  	v55 =	vadd.s32 v23, v63;
	v50 =	vand.u32 $0xFFFFFFF8, v46;
	v46 =	vand.u32 $0x7, v46  }
0xe4: {  	v11 =	vadd.s32 v5, v7;
	v7 =	vld.idx.msk [tilespmem:v16+s13+$0x0], $0xffff;
	v16 =	vand.u32 $0xFFFFFFF8, v12;
	v12 =	vadd.s32 v5, v14  }
0xe5: {  	v14 =	vadd.s32 v0, v28;
	v22 =	vand.u32 $0xFFFFFFF8, v13;
	v13 =	vand.u32 $0x7, v13  }
0xe6: {  	v34 =	vor.u32 v37, v55;
	v28 =	vadd.s32 v2, v28;
	v37 =	vand.u32 $0x7, v57  }
0xe7: {  	v32 =	vadd.s32 v5, v16;
	v33 =	vor.u32 v10, v12;
	v12 =	vadd.s32 v2, v24  }
0xe8: {  	v10 =	vadd.s32 v3, v24;
	v16 =	vand.u32 $0xFFFFFFF8, v14;
	v24 =	vadd.s32 v0, v24  }
0xe9: {  	v14 =	vand.u32 $0x7, v14;
	v56 =	vand.u32 $0xFFFFFFF8, v12;
	v16 =	vadd.s32 v23, v16  }
0xea: {  	v39 =	vand.u32 $0xFFFFFFF8, v24;
	v24 =	vand.u32 $0x7, v24;
	v30 =	vor.u32 v30, v32  }
0xeb: {  	v47 =	vor.u32 v14, v16;
	v14 =	vand.u32 $0x7, v59;
	v39 =	vadd.s32 v8, v39  }
0xec: {  	v16 =	vadd.s32 v19, v43;
	v59 =	vadd.s32 v20, v50;
	v39 =	vor.u32 v24, v39  }
0xed: {  	v38 =	vor.u32 v46, v59;
	v15 =	vadd.s32 v0, v7;
	v53 =	vadd.s32 v1, v7  }
0xee: {  	v24 =	vadd.s32 v2, v7;
	v44 =	vand.u32 $0xFFFFFFF8, v15;
	v15 =	vand.u32 $0x7, v15  }
0xef: {  	v61 =	vadd.s32 v6, v44;
	v44 =	vor.u32 v14, v16;
	v16 =	vadd.s32 v17, v58  }
0xf0: {  	v36 =	vor.u32 v36, v16;
	v16 =	vadd.s32 v23, v22;
	v22 =	vadd.s32 v1, v31  }
0xf1: {  	v14 =	vor.u32 v42, v41;
	v43 =	vor.u32 v15, v61;
	v52 =	vand.u32 $0xFFFFFFF8, v22  }
0xf2: {  	v15 =	vadd.s32 v8, v56;
	v22 =	vand.u32 $0x7, v22;
	v42 =	vadd.s32 v19, v52  }
0xf3: {  	v56 =	vand.u32 $0x7, v48;
	v42 =	vor.u32 v22, v42;
	v22 =	vadd.s32 v20, v54  }
0xf4: {  	v49 =	vand.u32 $0xFFFFFFF8, v53;
	v45 =	vand.u32 $0x7, v53;
	v41 =	vor.u32 v56, v22  }
0xf5: {  	v63 =	vand.u32 $0xFFFFFFF8, v24;
	v24 =	vand.u32 $0x7, v24;
	v58 =	vand.u32 $0xFFFFFFF8, v57  }
0xf6: {  	v55 =	vld.idx.msk [tilespmem:v33+s17+$0x0], $0xffff;
	v49 =	vadd.s32 v6, v49;
	v57 =	vand.u32 $0xFFFFFFF8, v28;
	v28 =	vand.u32 $0x7, v28  }
0xf7: {  	v31 =	vadd.s32 v2, v31;
	v47 =	vld.idx.msk [tilespmem:v47+s17+$0x0], $0xffff;
	v45 =	vor.u32 v45, v49;
	v62 =	vadd.s32 v17, v58  }
0xf8: {  	v58 =	vadd.s32 v2, v27;
	v23 =	vadd.s32 v23, v57;
	v37 =	vor.u32 v37, v62;
	v44 =	vld.idx.msk [tilespmem:v44+s17+$0x0], $0xffff  }
0xf9: {  	v53 =	vand.u32 $0xFFFFFFF8, v31;
	v59 =	vand.u32 $0xFFFFFFF8, v58;
	v54 =	vadd.s32 v6, v63;
	v41 =	vld.idx.msk [tilespmem:v41+s17+$0x0], $0xffff  }
0xfa: {  	s0 =	simm.s32 $0xF7F0;
	v39 =	vld.idx.msk [tilespmem:v39+s17+$0x0], $0xffff;
	v63 =	vand.u32 $0x7, v25;
	v22 =	vor.u32 v40, v60;
	v40 =	vadd.s32 v2, v35  }
0xfb: {  	[tilespmem:s0+$0xFFFFFE50] =	vst v55;
	v60 =	vadd.s32 v2, v29;
	v56 =	vadd.s32 v19, v53;
	v51 =	vand.u32 $0xFFFFFFF8, v40;
	v36 =	vld.idx.msk [tilespmem:v36+s17+$0x0], $0xffff  }
0xfc: {  	v29 =	vadd.s32 v3, v29;
	v61 =	vand.u32 $0xFFFFFFF8, v60;
	[tilespmem:s0+$0xFFFFFFD0] =	vst v47;
	v43 =	vld.idx.msk [tilespmem:v43+s17+$0x0], $0xffff;
	v51 =	vadd.s32 v20, v51  }
0xfd: {  	v50 =	vand.u32 $0x7, v60;
	v32 =	vadd.s32 v18, v61;
	v52 =	vld.idx.msk [tilespmem:v34+s17+$0x0], $0xffff;
	v34 =	vadd.s32 v3, v35;
	[tilespmem:s0+$0xFFFFFED0] =	vst v44  }
0xfe: {  	v35 =	vor.u32 v28, v23;
	v61 =	vadd.s32 v17, v59;
	v23 =	vand.u32 $0x7, v31;
	v42 =	vld.idx.msk [tilespmem:v42+s17+$0x0], $0xffff;
	[tilespmem:s0+$0xFFFFFF50] =	vst v41  }
0xff: {  	v28 =	vand.u32 $0x7, v40;
	v31 =	vand.u32 $0x7, v58;
	[tilespmem:s0+$0xFFFFFF10] =	vst v39;
	v62 =	vor.u32 v23, v56;
	v60 =	vld.idx.msk [tilespmem:v38+s17+$0x0], $0xffff  }
0x100: {  	v33 =	vor.u32 v28, v51;
	v23 =	vand.u32 $0xFFFFFFF8, v34;
	v28 =	vadd.s32 v3, v27;
	[tilespmem:s0+$0xFFFFFE90] =	vst v36  }
0x101: {  	v27 =	vor.u32 v50, v32;
	v20 =	vadd.s32 v20, v23;
	v23 =	vld.idx.msk [tilespmem:v30+s17+$0x0], $0xffff;
	v30 =	vand.u32 $0xFFFFFFF8, v28;
	[tilespmem:s0+$0xFFFFFF90] =	vst v43  }
0x102: {  	v32 =	vor.u32 v31, v61;
	v31 =	vadd.s32 v17, v30;
	v30 =	vand.u32 $0xFFFFFFF8, v29;
	[tilespmem:s0+$0xFFFFFFE0] =	vst v52;
	v36 =	vld.idx.msk [tilespmem:v37+s17+$0x0], $0xffff  }
0x103: {  	v24 =	vor.u32 v24, v54;
	v17 =	vand.u32 $0xFFFFFFF8, v26;
	v25 =	vadd.s32 v18, v30;
	v37 =	vld.idx.msk [tilespmem:v45+s17+$0x0], $0xffff;
	[tilespmem:s0+$0xFFFFFEE0] =	vst v42  }
0x104: {  	s20 =	simm.s32 $0xF9F0;
	s1 =	simm.s32 $0x8;
	v18 =	vor.u32 v63, v21;
	v38 =	vadd.s32 v19, v17;
	v19 =	vand.u32 $0x7, v26;
	v17 =	vld.idx.msk [tilespmem:v62+s17+$0x0], $0xffff;
	[tilespmem:s0+$0xFFFFFF60] =	vst v60  }
.LBB2_4:
0x105: {  	s23 =	sadd.s32 $0x1, s1  }
0x106: {  	s24 =	sadd.s32 $0x2, s1;
	s25 =	sadd.s32 $0x3, s1;
	v19 =	vor.u32 v19, v38;
	v21 =	vand.u32 $0xFFFFFFF8, v10;
	v26 =	vand.u32 $0x7, v34;
	v30 =	vld.idx.msk [tilespmem:v35+s17+$0x0], $0xffff;
	s22 =	smov.u32 s1  }
0x107: {  	s26 =	sadd.s32 $0x6, s1;
	v13 =	vor.u32 v13, v16;
	v34 =	vmov s23;
	v35 =	vmov s24;
	s23 =	sadd.s32 $0x4, s1;
	s24 =	sadd.s32 $0x5, s1  }
0x108: {  	p0 =	slt.u32 s1, $0x78;
	v16 =	vmov s25;
	s1 =	sadd.s32 $0x8, s1;
	v38 =	vmov s23;
	v39 =	vmov s24;
	s23 =	sadd.s32 $0x7, s22  }
0x109: {  	v41 =	vmov s26;
	v40 =	vor.u32 $0x281, v34;
	v42 =	vmov s23;
	v22 =	vld.idx.msk [tilespmem:v22+s17+$0x0], $0xffff;
	[tilespmem:s0+$0xFFFFFEA0] =	vst v36  }
0x10a: {  	v44 =	vadd.s32 v8, v21;
	v36 =	vor.u32 $0x283, v16;
	v43 =	vor.u32 $0x287, v42;
	v18 =	vld.idx.msk [tilespmem:v18+s17+$0x0], $0xffff;
	[tilespmem:s0+$0xFFFFFFA0] =	vst v37  }
0x10b: {  	v7 =	vadd.s32 v3, v7;
	v8 =	vor.u32 $0x286, v41;
	v37 =	vor.u32 $0x285, v39;
	[tilespmem:s0+$0xFFFFFEF0] =	vst v17;
	v17 =	vld.idx.msk [tilespmem:v33+s17+$0x0], $0xffff  }
0x10c: {  	v12 =	vand.u32 $0x7, v12;
	v26 =	vor.u32 v26, v20;
	v20 =	vand.u32 $0xFFFFFFF8, v7;
	v19 =	vld.idx.msk [tilespmem:v19+s17+$0x0], $0xffff;
	[tilespmem:s0+$0xFFFFFFF0] =	vst v30  }
0x10d: {  	v9 =	vand.u32 $0x7, v9;
	v12 =	vor.u32 v12, v15;
	v15 =	vld.idx.msk [tilespmem:v24+s17+$0x0], $0xffff;
	v24 =	vadd.s32 v6, v20  }
0x10e: {  	v6 =	vor.u32 v9, v11;
	v9 =	vadd.s32 v3, v4;
	v11 =	vld.idx.msk [tilespmem:v13+s17+$0x0], $0xffff  }
0x10f: {  	v13 =	vand.u32 $0xFFFFFFF8, v9;
	v4 =	vld.idx.msk [tilespmem:v40+s13+$0x0], $0xffff;
	[tilespmem:s0+$0xFFFFFE10] =	vst v22  }
0x110: {  	v9 =	vand.u32 $0x7, v9;
	v5 =	vadd.s32 v5, v13;
	v13 =	vand.u32 $0x7, v7;
	v14 =	vld.idx.msk [tilespmem:v14+s17+$0x0], $0xffff;
	[tilespmem:s0+$0xFFFFFF20] =	vst v18  }
0x111: {  	v30 =	vor.u32 $0x284, v38;
	v22 =	vor.u32 $0x282, v35;
	v33 =	vor.u32 v9, v5;
	v7 =	vld.idx.msk [tilespmem:v8+s13+$0x0], $0xffff;
	[tilespmem:s0+$0xFFFFFF70] =	vst v17  }
0x112: {  	v21 =	vshll.u32 v42, $0x7;
	v5 =	vshll.u32 v34, $0x7;
	v17 =	vshll.u32 v35, $0x7;
	[tilespmem:s0+$0xFFFFFE60] =	vst v23;
	v12 =	vld.idx.msk [tilespmem:v12+s17+$0x0], $0xffff  }
0x113: {  	v20 =	vshll.u32 v39, $0x7;
	v34 =	vmov s22;
	v8 =	vshll.u32 v38, $0x7;
	v35 =	vld.idx.msk [tilespmem:v6+s17+$0x0], $0xffff;
	[tilespmem:s0+$0xFFFFFF00] =	vst v19  }
0x114: {  	v18 =	vshll.u32 v16, $0x7;
	v38 =	vor.u32 $0x280, v34;
	v6 =	vshll.u32 v41, $0x7;
	v23 =	vld.idx.msk [tilespmem:v37+s13+$0x0], $0xffff;
	[tilespmem:s0+$0x0] =	vst v11  }
0x115: {  	v10 =	vand.u32 $0x7, v10;
	v9 =	vadd.s32 v2, v4;
	v37 =	vor.u32 v13, v24;
	v16 =	vld.idx.msk [tilespmem:v32+s17+$0x0], $0xffff  }
0x116: {  	v19 =	vshll.u32 v34, $0x7;
	v13 =	vand.u32 $0x7, v28;
	v11 =	vand.u32 $0xFFFFFFF8, v9;
	v34 =	vld.idx.msk [tilespmem:v30+s13+$0x0], $0xffff;
	[tilespmem:s0+$0xFFFFFE20] =	vst v14  }
0x117: {  	v13 =	vor.u32 v13, v31;
	v11 =	vadd.s32 v5, v11;
	v14 =	vld.idx.msk [tilespmem:v27+s17+$0x0], $0xffff;
	v27 =	vand.u32 $0x7, v29  }
0x118: {  	v39 =	vor.u32 v10, v44;
	v24 =	vld.idx.msk [tilespmem:v43+s13+$0x0], $0xffff;
	v30 =	vor.u32 v27, v25;
	[tilespmem:s0+$0xFFFFFFB0] =	vst v15  }
0x119: {  	v10 =	vadd.s32 v0, v4;
	v15 =	vadd.s32 v1, v4;
	[tilespmem:s0+$0xFFFFFE70] =	vst v35;
	v35 =	vld.idx.msk [tilespmem:v26+s17+$0x0], $0xffff  }
0x11a: {  	v25 =	vand.u32 $0xFFFFFFF8, v10;
	v26 =	vand.u32 $0xFFFFFFF8, v15;
	v28 =	vand.u32 $0x7, v15;
	v36 =	vld.idx.msk [tilespmem:v36+s13+$0x0], $0xffff;
	[tilespmem:s0+$0xFFFFFF30] =	vst v12  }
0x11b: {  	v10 =	vand.u32 $0x7, v10;
	v12 =	vadd.s32 v5, v25;
	v31 =	vadd.s32 v5, v26;
	v27 =	vld.idx.msk [tilespmem:v22+s13+$0x0], $0xffff;
	[tilespmem:s0+$0xFFFFFEB0] =	vst v16  }
0x11c: {  	v32 =	vor.u32 v10, v12;
	v25 =	vadd.s32 v1, v34;
	v12 =	vadd.s32 v2, v34;
	v15 =	vld.idx.msk [tilespmem:v13+s17+$0x0], $0xffff  }
0x11d: {  	v10 =	vadd.s32 v3, v34;
	v13 =	vand.u32 $0xFFFFFFF8, v25;
	v22 =	vand.u32 $0xFFFFFFF8, v12;
	v29 =	vld.idx.msk [tilespmem:v38+s13+$0x0], $0xffff;
	[tilespmem:s0+$0xFFFFFE30] =	vst v14  }
0x11e: {  	v26 =	vadd.s32 v8, v13;
	v14 =	vadd.s32 v0, v24;
	v13 =	vadd.s32 v3, v24;
	v16 =	vld.idx.msk [tilespmem:v39+s17+$0x0], $0xffff  }
0x11f: {  	v38 =	vand.u32 $0xFFFFFFF8, v14;
	v39 =	vand.u32 $0xFFFFFFF8, v13;
	v13 =	vand.u32 $0x7, v13;
	v40 =	vld.idx.msk [tilespmem:v30+s17+$0x0], $0xffff  }
0x120: {  	v41 =	vadd.s32 v0, v7;
	v30 =	vadd.s32 v3, v36;
	v38 =	vadd.s32 v21, v38;
	[tilespmem:s0+$0xFFFFFF80] =	vst v35  }
0x121: {  	v34 =	vadd.s32 v0, v34;
	v14 =	vand.u32 $0x7, v14;
	v35 =	vadd.s32 v0, v27;
	v33 =	vld.idx.msk [tilespmem:v33+s17+$0x0], $0xffff  }
0x122: {  	v44 =	vand.u32 $0xFFFFFFF8, v34;
	v43 =	vadd.s32 v0, v36;
	v42 =	vand.u32 $0xFFFFFFF8, v35;
	[tilespmem:s0+$0xFFFFFEC0] =	vst v15;
	v15 =	vld.idx.msk [tilespmem:v37+s17+$0x0], $0xffff  }
0x123: {  	v35 =	vand.u32 $0x7, v35;
	v37 =	vadd.s32 v0, v29;
	v45 =	vadd.s32 v1, v29  }
0x124: {  	v48 =	vand.u32 $0xFFFFFFF8, v41;
	v47 =	vand.u32 $0xFFFFFFF8, v43;
	v46 =	vand.u32 $0x7, v45;
	[tilespmem:s0+$0xFFFFFF40] =	vst v16  }
0x125: {  	v49 =	vadd.s32 v1, v23;
	v38 =	vor.u32 v14, v38;
	v16 =	vand.u32 $0xFFFFFFF8, v37;
	[tilespmem:s0+$0xFFFFFE40] =	vst v40  }
0x126: {  	v14 =	vand.u32 $0x7, v43;
	v37 =	vand.u32 $0x7, v37;
	v40 =	vadd.s32 v18, v47  }
0x127: {  	v43 =	vadd.s32 v19, v16;
	v16 =	vand.u32 $0xFFFFFFF8, v45;
	v45 =	vadd.s32 v6, v48;
	[tilespmem:s0+$0xFFFFFE80] =	vst v33  }
0x128: {  	v16 =	vadd.s32 v19, v16;
	v33 =	vor.u32 v14, v40;
	v40 =	vand.u32 $0x7, v41;
	[tilespmem:s0+$0xFFFFFFC0] =	vst v15;
	s0 =	smov.u32 s20  }
0x129: {  	v14 =	vor.u32 v46, v16;
	v41 =	vadd.s32 v1, v24;
	v15 =	vadd.s32 v17, v42  }
0x12a: {  	v16 =	vadd.s32 v21, v39;
	v42 =	vand.u32 $0xFFFFFFF8, v41;
	v35 =	vor.u32 v35, v15;
	v38 =	vld.idx.msk [tilespmem:v38+s17+$0x0], $0xffff  }
0x12b: {  	v39 =	vadd.s32 v8, v44;
	v41 =	vand.u32 $0x7, v41;
	v15 =	vadd.s32 v1, v36  }
0x12c: {  	v40 =	vor.u32 v40, v45;
	v45 =	vadd.s32 v1, v7;
	v44 =	vand.u32 $0xFFFFFFF8, v15  }
0x12d: {  	v47 =	vadd.s32 v0, v23;
	v48 =	vand.u32 $0xFFFFFFF8, v45;
	v46 =	vand.u32 $0x7, v15  }
0x12e: {  	v15 =	vadd.s32 v8, v22;
	v22 =	vand.u32 $0xFFFFFFF8, v47;
	v44 =	vadd.s32 v18, v44  }
0x12f: {  	v42 =	vadd.s32 v21, v42;
	v22 =	vadd.s32 v20, v22;
	v44 =	vor.u32 v46, v44;
	v35 =	vld.idx.msk [tilespmem:v35+s17+$0x0], $0xffff  }
0x130: {  	v34 =	vand.u32 $0x7, v34;
	v46 =	vand.u32 $0x7, v47;
	[tilespmem:s20+$0xFFFFFFD0] =	vst v38;
	v38 =	vor.u32 v41, v42  }
0x131: {  	v36 =	vadd.s32 v2, v36;
	v41 =	vadd.s32 v1, v27;
	v42 =	vor.u32 v46, v22  }
0x132: {  	v45 =	vand.u32 $0x7, v45;
	v47 =	vand.u32 $0xFFFFFFF8, v49;
	v46 =	vand.u32 $0xFFFFFFF8, v41  }
0x133: {  	v22 =	vor.u32 v37, v43;
	v37 =	vadd.s32 v20, v47;
	v43 =	vadd.s32 v2, v23;
	v33 =	vld.idx.msk [tilespmem:v33+s17+$0x0], $0xffff  }
0x134: {  	v48 =	vadd.s32 v6, v48;
	v47 =	vadd.s32 v2, v29;
	v50 =	vand.u32 $0xFFFFFFF8, v43;
	v40 =	vld.idx.msk [tilespmem:v40+s17+$0x0], $0xffff  }
0x135: {  	v51 =	vand.u32 $0xFFFFFFF8, v47;
	v47 =	vand.u32 $0x7, v47;
	v50 =	vadd.s32 v20, v50;
	[tilespmem:s20+$0xFFFFFE90] =	vst v35;
	v35 =	vld.idx.msk [tilespmem:v38+s17+$0x0], $0xffff  }
0x136: {  	v49 =	vand.u32 $0x7, v49;
	v38 =	vadd.s32 v19, v51;
	v51 =	vadd.s32 v2, v24;
	v42 =	vld.idx.msk [tilespmem:v42+s17+$0x0], $0xffff  }
0x137: {  	v28 =	vor.u32 v28, v31;
	v24 =	vand.u32 $0x7, v41;
	v41 =	vor.u32 v45, v48;
	v32 =	vld.idx.msk [tilespmem:v32+s17+$0x0], $0xffff  }
0x138: {  	v31 =	vor.u32 v34, v39;
	v34 =	vor.u32 v49, v37;
	v37 =	vadd.s32 v2, v7  }
0x139: {  	v39 =	vadd.s32 v17, v46;
	v45 =	vand.u32 $0xFFFFFFF8, v37;
	v37 =	vand.u32 $0x7, v37  }
0x13a: {  	v39 =	vor.u32 v24, v39;
	v24 =	vand.u32 $0xFFFFFFF8, v36;
	[tilespmem:s20+$0xFFFFFED0] =	vst v33;
	v33 =	vadd.s32 v6, v45  }
0x13b: {  	v45 =	vadd.s32 v18, v24;
	v44 =	vld.idx.msk [tilespmem:v44+s17+$0x0], $0xffff;
	v24 =	vor.u32 v37, v33;
	[tilespmem:s20+$0xFFFFFFE0] =	vst v35;
	v33 =	vand.u32 $0xFFFFFFF8, v51  }
0x13c: {  	v37 =	vadd.s32 v2, v27;
	v35 =	vand.u32 $0x7, v51;
	[tilespmem:s20+$0xFFFFFF50] =	vst v42;
	v21 =	vadd.s32 v21, v33  }
0x13d: {  	[tilespmem:s20+$0xFFFFFE50] =	vst v32;
	v32 =	vand.u32 $0xFFFFFFF8, v37;
	v42 =	vld.idx.msk [tilespmem:v34+s17+$0x0], $0xffff;
	v34 =	vadd.s32 v3, v23;
	v35 =	vor.u32 v35, v21  }
0x13e: {  	v21 =	vadd.s32 v17, v32;
	v32 =	vand.u32 $0x7, v36;
	v46 =	vld.idx.msk [tilespmem:v31+s17+$0x0], $0xffff;
	v31 =	vand.u32 $0x7, v43  }
0x13f: {  	v23 =	vld.idx.msk [tilespmem:v28+s17+$0x0], $0xffff;
	v43 =	vor.u32 v32, v45;
	v33 =	vor.u32 v31, v50;
	v31 =	vand.u32 $0xFFFFFFF8, v34  }
.Ltmp1:
0x140: {  	v32 =	vand.u32 $0x7, v37;
	v28 =	vadd.s32 v3, v27;
	v20 =	vadd.s32 v20, v31;
	(pc) =	sbr.rel @p0 .LBB2_4-.Ltmp1, $4  }
0x141: {  	v27 =	vor.u32 v47, v38;
	v32 =	vor.u32 v32, v21;
	v21 =	vand.u32 $0xFFFFFFF8, v28;
	[tilespmem:s20+$0xFFFFFF90] =	vst v40  }
0x142: {  	v29 =	vadd.s32 v3, v29;
	v31 =	vadd.s32 v17, v21;
	v17 =	vand.u32 $0xFFFFFFF8, v30;
	v36 =	vld.idx.msk [tilespmem:v39+s17+$0x0], $0xffff;
	[tilespmem:s20+$0xFFFFFEE0] =	vst v44  }
0x143: {  	v21 =	vand.u32 $0xFFFFFFF8, v29;
	v38 =	vadd.s32 v18, v17;
	v18 =	vand.u32 $0x7, v25;
	[tilespmem:s20+$0xFFFFFF60] =	vst v42;
	v37 =	vld.idx.msk [tilespmem:v41+s17+$0x0], $0xffff  }
0x144: {  	v25 =	vadd.s32 v19, v21;
	v19 =	vand.u32 $0x7, v30;
	v18 =	vor.u32 v18, v26;
	s20 =	sadd.s32 $0x200, s20;
	v17 =	vld.idx.msk [tilespmem:v43+s17+$0x0], $0xffff;
	[tilespmem:s0+$0xFFFFFF10] =	vst v46  }
0x145: {  	_ =	sdelay $0x3  }
0x146: {  	v21 =	vld.idx.msk [tilespmem:v22+s17+$0x0], $0xffff;
	_ =	sdelay $0x2  }
0x147: {  	v19 =	vor.u32 v19, v38;
	v13 =	vor.u32 v13, v16;
	v16 =	vld.idx.msk [tilespmem:v18+s17+$0x0], $0xffff;
	v12 =	vand.u32 $0x7, v12  }
0x148: {  	v22 =	vld.idx.msk [tilespmem:v35+s17+$0x0], $0xffff;
	[tilespmem:s0+$0xFFFFFE60] =	vst v23;
	v12 =	vor.u32 v12, v15  }
0x149: {  	v18 =	vld.idx.msk [tilespmem:v33+s17+$0x0], $0xffff;
	[tilespmem:s0+$0xFFFFFE10] =	vst v21  }
0x14a: {  	[tilespmem:s0+$0xFFFFFEA0] =	vst v36;
	v14 =	vld.idx.msk [tilespmem:v14+s17+$0x0], $0xffff  }
0x14b: {  	v9 =	vand.u32 $0x7, v9;
	[tilespmem:s0+$0xFFFFFEF0] =	vst v17  }
0x14c: {  	v15 =	vand.u32 $0xFFFFFFF8, v10;
	v9 =	vor.u32 v9, v11;
	v17 =	vld.idx.msk [tilespmem:v19+s17+$0x0], $0xffff;
	[tilespmem:s0+$0xFFFFFF20] =	vst v16  }
0x14d: {  	v7 =	vadd.s32 v3, v7;
	v10 =	vand.u32 $0x7, v10;
	v8 =	vadd.s32 v8, v15;
	[tilespmem:s0+$0xFFFFFFF0] =	vst v22;
	v12 =	vld.idx.msk [tilespmem:v12+s17+$0x0], $0xffff  }
0x14e: {  	v4 =	vadd.s32 v3, v4;
	v11 =	vand.u32 $0x7, v34;
	v8 =	vor.u32 v10, v8;
	[tilespmem:s0+$0xFFFFFF70] =	vst v18;
	v16 =	vld.idx.msk [tilespmem:v32+s17+$0x0], $0xffff  }
0x14f: {  	v11 =	vor.u32 v11, v20;
	v15 =	vand.u32 $0xFFFFFFF8, v7;
	v18 =	vand.u32 $0x7, v28;
	v13 =	vld.idx.msk [tilespmem:v13+s17+$0x0], $0xffff;
	[tilespmem:s0+$0xFFFFFE20] =	vst v14  }
0x150: {  	v20 =	vand.u32 $0x7, v29;
	[tilespmem:s0+$0xFFFFFFA0] =	vst v37;
	v14 =	vor.u32 v18, v31;
	v18 =	vand.u32 $0xFFFFFFF8, v4;
	v19 =	vld.idx.msk [tilespmem:v27+s17+$0x0], $0xffff  }
0x151: {  	v10 =	vor.u32 v20, v25;
	v9 =	vld.idx.msk [tilespmem:v9+s17+$0x0], $0xffff;
	[tilespmem:s0+$0xFFFFFF00] =	vst v17;
	v4 =	vand.u32 $0x7, v4;
	v5 =	vadd.s32 v5, v18  }
0x152: {  	v7 =	vand.u32 $0x7, v7;
	v6 =	vadd.s32 v6, v15;
	v17 =	vld.idx.msk [tilespmem:v24+s17+$0x0], $0xffff;
	[tilespmem:s0+$0xFFFFFF30] =	vst v12;
	v4 =	vor.u32 v4, v5  }
0x153: {  	[tilespmem:s0+$0xFFFFFEB0] =	vst v16;
	v8 =	vld.idx.msk [tilespmem:v8+s17+$0x0], $0xffff;
	v5 =	vor.u32 v7, v6  }
0x154: {  	[tilespmem:s0+$0x0] =	vst v13;
	v6 =	vld.idx.msk [tilespmem:v11+s17+$0x0], $0xffff  }
0x155: {  	v7 =	vld.idx.msk [tilespmem:v14+s17+$0x0], $0xffff;
	[tilespmem:s0+$0xFFFFFE30] =	vst v19  }
0x156: {  	[tilespmem:s0+$0xFFFFFE70] =	vst v9;
	v9 =	vld.idx.msk [tilespmem:v10+s17+$0x0], $0xffff  }
0x157: {  	[tilespmem:s0+$0xFFFFFFB0] =	vst v17;
	v4 =	vld.idx.msk [tilespmem:v4+s17+$0x0], $0xffff  }
0x158: {  	[tilespmem:s0+$0xFFFFFF40] =	vst v8;
	v5 =	vld.idx.msk [tilespmem:v5+s17+$0x0], $0xffff  }
0x159: {  	[tilespmem:s0+$0xFFFFFF80] =	vst v6  }
0x15a: {  	[tilespmem:s0+$0xFFFFFEC0] =	vst v7  }
0x15b: {  	s20 =	simm.s32 $0x4;
	[tilespmem:s0+$0xFFFFFE40] =	vst v9  }
0x15c: {  	s28 =	simm.s32 $0x7;
	v8 =	vmov s20;
	[tilespmem:s0+$0xFFFFFE80] =	vst v4  }
0x15d: {  	s23 =	simm.s32 $0x380;
	s24 =	simm.s32 $0x2;
	s25 =	simm.s32 $0x3;
	v10 =	vmov s28;
	v11 =	vor.u32 $0x304, v8;
	[tilespmem:s0+$0xFFFFFFC0] =	vst v5  }
0x15e: {  	v14 =	vor.u32 $0x307, v10;
	v7 =	vmov s25;
	[tilespmem:s17], [sflag:$0x2] =	stream.indirect.gather [hbm4b:s3+s14], $0x80, s23, s14, $0xb8;
	[tilespmem:$0x15600] =	vst v63  }
0x15f: {  	s30 =	simm.s32 $0x0;
	v6 =	vmov s24;
	v13 =	vor.u32 $0x303, v7;
	_ =	swait.ge [sflag:s16], $0x4000  }
0x160: {  	s1 =	simm.s32 $0x1;
	v21 =	vor.u32 $0x302, v6;
	v23 =	vshll.u32 v10, $0x7;
	v10 =	vmov s30;
	[sflag:s16] =	ssyncset.done $0x0  }
0x161: {  	v22 =	vor.u32 $0x300, v10;
	v5 =	vmov s1;
	[sflag:s16] =	ssyncadd.s32 $0xFFFFC000  }
0x162: {  	v4 =	vor.u32 $0x301, v5;
	v24 =	vld.idx.msk [tilespmem:v11+s13+$0x0], $0xffff  }
0x163: {  	s26 =	simm.s32 $0x5;
	v28 =	vld.idx.msk [tilespmem:v14+s13+$0x0], $0xffff  }
0x164: {  	v9 =	vmov s26;
	v31 =	vld.idx.msk [tilespmem:v13+s13+$0x0], $0xffff  }
0x165: {  	s29 =	simm.s32 $0x6;
	v15 =	vor.u32 $0x305, v9;
	v27 =	vld.idx.msk [tilespmem:v21+s13+$0x0], $0xffff  }
0x166: {  	v12 =	vmov s29;
	v29 =	vld.idx.msk [tilespmem:v22+s13+$0x0], $0xffff  }
0x167: {  	v16 =	vor.u32 $0x306, v12;
	v4 =	vld.idx.msk [tilespmem:v4+s13+$0x0], $0xffff  }
0x168: {  	v8 =	vshll.u32 v8, $0x7;
	v17 =	vshll.u32 v6, $0x7;
	v6 =	vshll.u32 v12, $0x7  }
0x169: {  	v18 =	vshll.u32 v10, $0x7;
	v19 =	vshll.u32 v7, $0x7;
	v5 =	vshll.u32 v5, $0x7  }
0x16a: {  	v20 =	vshll.u32 v9, $0x7;
	v35 =	vld.idx.msk [tilespmem:v15+s13+$0x0], $0xffff;
	v25 =	vadd.s32 v1, v24;
	v26 =	vadd.s32 v3, v31  }
0x16b: {  	v57 =	vadd.s32 v0, v27;
	v59 =	vadd.s32 v0, v31;
	v40 =	vadd.s32 v0, v29  }
0x16c: {  	v41 =	vadd.s32 v1, v29;
	v62 =	vadd.s32 v1, v28;
	v9 =	vadd.s32 v2, v4  }
0x16d: {  	v10 =	vadd.s32 v0, v4;
	v12 =	vadd.s32 v1, v4;
	v13 =	vand.u32 $0xFFFFFFF8, v25  }
0x16e: {  	v58 =	vand.u32 $0xFFFFFFF8, v57;
	v36 =	vand.u32 $0x7, v57;
	v42 =	vand.u32 $0x7, v41  }
0x16f: {  	v43 =	vand.u32 $0xFFFFFFF8, v59;
	v45 =	vand.u32 $0xFFFFFFF8, v40;
	v46 =	vadd.s32 v1, v35  }
0x170: {  	v40 =	vand.u32 $0x7, v40;
	v41 =	vand.u32 $0xFFFFFFF8, v41;
	v63 =	vand.u32 $0xFFFFFFF8, v62  }
0x171: {  	v37 =	vand.u32 $0x7, v62;
	v48 =	vadd.s32 v0, v35;
	v57 =	vadd.s32 v1, v27  }
0x172: {  	v7 =	vand.u32 $0xFFFFFFF8, v9;
	v14 =	vand.u32 $0xFFFFFFF8, v10;
	v30 =	vand.u32 $0x7, v12  }
0x173: {  	v10 =	vand.u32 $0x7, v10;
	v21 =	vadd.s32 v8, v13;
	v13 =	vadd.s32 v3, v28  }
0x174: {  	v60 =	vadd.s32 v18, v45;
	v41 =	vadd.s32 v18, v41;
	v54 =	vand.u32 $0xFFFFFFF8, v48  }
0x175: {  	v55 =	vadd.s32 v23, v63;
	v50 =	vand.u32 $0xFFFFFFF8, v46;
	v46 =	vand.u32 $0x7, v46  }
0x176: {  	v11 =	vadd.s32 v5, v7;
	v7 =	vld.idx.msk [tilespmem:v16+s13+$0x0], $0xffff;
	v16 =	vand.u32 $0xFFFFFFF8, v12;
	v12 =	vadd.s32 v5, v14  }
0x177: {  	v14 =	vadd.s32 v0, v28;
	v22 =	vand.u32 $0xFFFFFFF8, v13;
	v13 =	vand.u32 $0x7, v13  }
0x178: {  	v34 =	vor.u32 v37, v55;
	v28 =	vadd.s32 v2, v28;
	v37 =	vand.u32 $0x7, v57  }
0x179: {  	v32 =	vadd.s32 v5, v16;
	v33 =	vor.u32 v10, v12;
	v12 =	vadd.s32 v2, v24  }
0x17a: {  	v10 =	vadd.s32 v3, v24;
	v16 =	vand.u32 $0xFFFFFFF8, v14;
	v24 =	vadd.s32 v0, v24  }
0x17b: {  	v14 =	vand.u32 $0x7, v14;
	v56 =	vand.u32 $0xFFFFFFF8, v12;
	v16 =	vadd.s32 v23, v16  }
0x17c: {  	v39 =	vand.u32 $0xFFFFFFF8, v24;
	v24 =	vand.u32 $0x7, v24;
	v30 =	vor.u32 v30, v32  }
0x17d: {  	v47 =	vor.u32 v14, v16;
	v14 =	vand.u32 $0x7, v59;
	v39 =	vadd.s32 v8, v39  }
0x17e: {  	v16 =	vadd.s32 v19, v43;
	v59 =	vadd.s32 v20, v50;
	v39 =	vor.u32 v24, v39  }
0x17f: {  	v38 =	vor.u32 v46, v59;
	v15 =	vadd.s32 v0, v7;
	v53 =	vadd.s32 v1, v7  }
0x180: {  	v24 =	vadd.s32 v2, v7;
	v44 =	vand.u32 $0xFFFFFFF8, v15;
	v15 =	vand.u32 $0x7, v15  }
0x181: {  	v61 =	vadd.s32 v6, v44;
	v44 =	vor.u32 v14, v16;
	v16 =	vadd.s32 v17, v58  }
0x182: {  	v36 =	vor.u32 v36, v16;
	v16 =	vadd.s32 v23, v22;
	v22 =	vadd.s32 v1, v31  }
0x183: {  	v14 =	vor.u32 v42, v41;
	v43 =	vor.u32 v15, v61;
	v52 =	vand.u32 $0xFFFFFFF8, v22  }
0x184: {  	v15 =	vadd.s32 v8, v56;
	v22 =	vand.u32 $0x7, v22;
	v42 =	vadd.s32 v19, v52  }
0x185: {  	v56 =	vand.u32 $0x7, v48;
	v42 =	vor.u32 v22, v42;
	v22 =	vadd.s32 v20, v54  }
0x186: {  	v49 =	vand.u32 $0xFFFFFFF8, v53;
	v45 =	vand.u32 $0x7, v53;
	v41 =	vor.u32 v56, v22  }
0x187: {  	v63 =	vand.u32 $0xFFFFFFF8, v24;
	v24 =	vand.u32 $0x7, v24;
	v58 =	vand.u32 $0xFFFFFFF8, v57  }
0x188: {  	v55 =	vld.idx.msk [tilespmem:v33+s15+$0x0], $0xffff;
	v49 =	vadd.s32 v6, v49;
	v57 =	vand.u32 $0xFFFFFFF8, v28;
	v28 =	vand.u32 $0x7, v28  }
0x189: {  	v31 =	vadd.s32 v2, v31;
	v47 =	vld.idx.msk [tilespmem:v47+s15+$0x0], $0xffff;
	v45 =	vor.u32 v45, v49;
	v62 =	vadd.s32 v17, v58  }
0x18a: {  	v58 =	vadd.s32 v2, v27;
	v23 =	vadd.s32 v23, v57;
	v37 =	vor.u32 v37, v62;
	v44 =	vld.idx.msk [tilespmem:v44+s15+$0x0], $0xffff  }
0x18b: {  	v53 =	vand.u32 $0xFFFFFFF8, v31;
	v59 =	vand.u32 $0xFFFFFFF8, v58;
	v54 =	vadd.s32 v6, v63;
	v41 =	vld.idx.msk [tilespmem:v41+s15+$0x0], $0xffff  }
0x18c: {  	s0 =	simm.s32 $0x11600;
	v39 =	vld.idx.msk [tilespmem:v39+s15+$0x0], $0xffff;
	v63 =	vand.u32 $0x7, v25;
	v22 =	vor.u32 v40, v60;
	v40 =	vadd.s32 v2, v35  }
0x18d: {  	[tilespmem:s0+$0x40] =	vst v55;
	v60 =	vadd.s32 v2, v29;
	v56 =	vadd.s32 v19, v53;
	v51 =	vand.u32 $0xFFFFFFF8, v40;
	v36 =	vld.idx.msk [tilespmem:v36+s15+$0x0], $0xffff  }
0x18e: {  	v29 =	vadd.s32 v3, v29;
	v61 =	vand.u32 $0xFFFFFFF8, v60;
	[tilespmem:s0+$0x1C0] =	vst v47;
	v43 =	vld.idx.msk [tilespmem:v43+s15+$0x0], $0xffff;
	v51 =	vadd.s32 v20, v51  }
0x18f: {  	v50 =	vand.u32 $0x7, v60;
	v32 =	vadd.s32 v18, v61;
	v52 =	vld.idx.msk [tilespmem:v34+s15+$0x0], $0xffff;
	v34 =	vadd.s32 v3, v35;
	[tilespmem:s0+$0xC0] =	vst v44  }
0x190: {  	v35 =	vor.u32 v28, v23;
	v61 =	vadd.s32 v17, v59;
	v23 =	vand.u32 $0x7, v31;
	v42 =	vld.idx.msk [tilespmem:v42+s15+$0x0], $0xffff;
	[tilespmem:s0+$0x140] =	vst v41  }
0x191: {  	v28 =	vand.u32 $0x7, v40;
	v31 =	vand.u32 $0x7, v58;
	[tilespmem:s0+$0x100] =	vst v39;
	v62 =	vor.u32 v23, v56;
	v60 =	vld.idx.msk [tilespmem:v38+s15+$0x0], $0xffff  }
0x192: {  	v33 =	vor.u32 v28, v51;
	v23 =	vand.u32 $0xFFFFFFF8, v34;
	v28 =	vadd.s32 v3, v27;
	[tilespmem:s0+$0x80] =	vst v36  }
0x193: {  	v27 =	vor.u32 v50, v32;
	v20 =	vadd.s32 v20, v23;
	v23 =	vld.idx.msk [tilespmem:v30+s15+$0x0], $0xffff;
	v30 =	vand.u32 $0xFFFFFFF8, v28;
	[tilespmem:s0+$0x180] =	vst v43  }
0x194: {  	v32 =	vor.u32 v31, v61;
	v31 =	vadd.s32 v17, v30;
	v30 =	vand.u32 $0xFFFFFFF8, v29;
	[tilespmem:s0+$0x1D0] =	vst v52;
	v36 =	vld.idx.msk [tilespmem:v37+s15+$0x0], $0xffff  }
0x195: {  	v24 =	vor.u32 v24, v54;
	v17 =	vand.u32 $0xFFFFFFF8, v26;
	v25 =	vadd.s32 v18, v30;
	v37 =	vld.idx.msk [tilespmem:v45+s15+$0x0], $0xffff;
	[tilespmem:s0+$0xD0] =	vst v42  }
0x196: {  	s20 =	simm.s32 $0x11800;
	s1 =	simm.s32 $0x8;
	v18 =	vor.u32 v63, v21;
	v38 =	vadd.s32 v19, v17;
	v19 =	vand.u32 $0x7, v26;
	v17 =	vld.idx.msk [tilespmem:v62+s15+$0x0], $0xffff;
	[tilespmem:s0+$0x150] =	vst v60  }
.LBB2_6:
0x197: {  	s23 =	sadd.s32 $0x1, s1  }
0x198: {  	s24 =	sadd.s32 $0x2, s1;
	s25 =	sadd.s32 $0x3, s1;
	v19 =	vor.u32 v19, v38;
	v21 =	vand.u32 $0xFFFFFFF8, v10;
	v26 =	vand.u32 $0x7, v34;
	v30 =	vld.idx.msk [tilespmem:v35+s15+$0x0], $0xffff;
	s22 =	smov.u32 s1  }
0x199: {  	s26 =	sadd.s32 $0x6, s1;
	v13 =	vor.u32 v13, v16;
	v34 =	vmov s23;
	v35 =	vmov s24;
	s23 =	sadd.s32 $0x4, s1;
	s24 =	sadd.s32 $0x5, s1  }
0x19a: {  	p0 =	slt.u32 s1, $0x78;
	v16 =	vmov s25;
	s1 =	sadd.s32 $0x8, s1;
	v38 =	vmov s23;
	v39 =	vmov s24;
	s23 =	sadd.s32 $0x7, s22  }
0x19b: {  	v41 =	vmov s26;
	v40 =	vor.u32 $0x301, v34;
	v42 =	vmov s23;
	v22 =	vld.idx.msk [tilespmem:v22+s15+$0x0], $0xffff;
	[tilespmem:s0+$0x90] =	vst v36  }
0x19c: {  	v44 =	vadd.s32 v8, v21;
	v36 =	vor.u32 $0x303, v16;
	v43 =	vor.u32 $0x307, v42;
	v18 =	vld.idx.msk [tilespmem:v18+s15+$0x0], $0xffff;
	[tilespmem:s0+$0x190] =	vst v37  }
0x19d: {  	v7 =	vadd.s32 v3, v7;
	v8 =	vor.u32 $0x306, v41;
	v37 =	vor.u32 $0x305, v39;
	[tilespmem:s0+$0xE0] =	vst v17;
	v17 =	vld.idx.msk [tilespmem:v33+s15+$0x0], $0xffff  }
0x19e: {  	v12 =	vand.u32 $0x7, v12;
	v26 =	vor.u32 v26, v20;
	v20 =	vand.u32 $0xFFFFFFF8, v7;
	v19 =	vld.idx.msk [tilespmem:v19+s15+$0x0], $0xffff;
	[tilespmem:s0+$0x1E0] =	vst v30  }
0x19f: {  	v9 =	vand.u32 $0x7, v9;
	v12 =	vor.u32 v12, v15;
	v15 =	vld.idx.msk [tilespmem:v24+s15+$0x0], $0xffff;
	v24 =	vadd.s32 v6, v20  }
0x1a0: {  	v6 =	vor.u32 v9, v11;
	v9 =	vadd.s32 v3, v4;
	v11 =	vld.idx.msk [tilespmem:v13+s15+$0x0], $0xffff  }
0x1a1: {  	v13 =	vand.u32 $0xFFFFFFF8, v9;
	v4 =	vld.idx.msk [tilespmem:v40+s13+$0x0], $0xffff;
	[tilespmem:s0+$0x0] =	vst v22  }
0x1a2: {  	v9 =	vand.u32 $0x7, v9;
	v5 =	vadd.s32 v5, v13;
	v13 =	vand.u32 $0x7, v7;
	v14 =	vld.idx.msk [tilespmem:v14+s15+$0x0], $0xffff;
	[tilespmem:s0+$0x110] =	vst v18  }
0x1a3: {  	v30 =	vor.u32 $0x304, v38;
	v22 =	vor.u32 $0x302, v35;
	v33 =	vor.u32 v9, v5;
	v7 =	vld.idx.msk [tilespmem:v8+s13+$0x0], $0xffff;
	[tilespmem:s0+$0x160] =	vst v17  }
0x1a4: {  	v21 =	vshll.u32 v42, $0x7;
	v5 =	vshll.u32 v34, $0x7;
	v17 =	vshll.u32 v35, $0x7;
	[tilespmem:s0+$0x50] =	vst v23;
	v12 =	vld.idx.msk [tilespmem:v12+s15+$0x0], $0xffff  }
0x1a5: {  	v20 =	vshll.u32 v39, $0x7;
	v34 =	vmov s22;
	v8 =	vshll.u32 v38, $0x7;
	v35 =	vld.idx.msk [tilespmem:v6+s15+$0x0], $0xffff;
	[tilespmem:s0+$0xF0] =	vst v19  }
0x1a6: {  	v18 =	vshll.u32 v16, $0x7;
	v38 =	vor.u32 $0x300, v34;
	v6 =	vshll.u32 v41, $0x7;
	v23 =	vld.idx.msk [tilespmem:v37+s13+$0x0], $0xffff;
	[tilespmem:s0+$0x1F0] =	vst v11  }
0x1a7: {  	v10 =	vand.u32 $0x7, v10;
	v9 =	vadd.s32 v2, v4;
	v37 =	vor.u32 v13, v24;
	v16 =	vld.idx.msk [tilespmem:v32+s15+$0x0], $0xffff  }
0x1a8: {  	v19 =	vshll.u32 v34, $0x7;
	v13 =	vand.u32 $0x7, v28;
	v11 =	vand.u32 $0xFFFFFFF8, v9;
	v34 =	vld.idx.msk [tilespmem:v30+s13+$0x0], $0xffff;
	[tilespmem:s0+$0x10] =	vst v14  }
0x1a9: {  	v13 =	vor.u32 v13, v31;
	v11 =	vadd.s32 v5, v11;
	v14 =	vld.idx.msk [tilespmem:v27+s15+$0x0], $0xffff;
	v27 =	vand.u32 $0x7, v29  }
0x1aa: {  	v39 =	vor.u32 v10, v44;
	v24 =	vld.idx.msk [tilespmem:v43+s13+$0x0], $0xffff;
	v30 =	vor.u32 v27, v25;
	[tilespmem:s0+$0x1A0] =	vst v15  }
0x1ab: {  	v10 =	vadd.s32 v0, v4;
	v15 =	vadd.s32 v1, v4;
	[tilespmem:s0+$0x60] =	vst v35;
	v35 =	vld.idx.msk [tilespmem:v26+s15+$0x0], $0xffff  }
0x1ac: {  	v25 =	vand.u32 $0xFFFFFFF8, v10;
	v26 =	vand.u32 $0xFFFFFFF8, v15;
	v28 =	vand.u32 $0x7, v15;
	v36 =	vld.idx.msk [tilespmem:v36+s13+$0x0], $0xffff;
	[tilespmem:s0+$0x120] =	vst v12  }
0x1ad: {  	v10 =	vand.u32 $0x7, v10;
	v12 =	vadd.s32 v5, v25;
	v31 =	vadd.s32 v5, v26;
	v27 =	vld.idx.msk [tilespmem:v22+s13+$0x0], $0xffff;
	[tilespmem:s0+$0xA0] =	vst v16  }
0x1ae: {  	v32 =	vor.u32 v10, v12;
	v25 =	vadd.s32 v1, v34;
	v12 =	vadd.s32 v2, v34;
	v15 =	vld.idx.msk [tilespmem:v13+s15+$0x0], $0xffff  }
0x1af: {  	v10 =	vadd.s32 v3, v34;
	v13 =	vand.u32 $0xFFFFFFF8, v25;
	v22 =	vand.u32 $0xFFFFFFF8, v12;
	v29 =	vld.idx.msk [tilespmem:v38+s13+$0x0], $0xffff;
	[tilespmem:s0+$0x20] =	vst v14  }
0x1b0: {  	v26 =	vadd.s32 v8, v13;
	v14 =	vadd.s32 v0, v24;
	v13 =	vadd.s32 v3, v24;
	v16 =	vld.idx.msk [tilespmem:v39+s15+$0x0], $0xffff  }
0x1b1: {  	v38 =	vand.u32 $0xFFFFFFF8, v14;
	v39 =	vand.u32 $0xFFFFFFF8, v13;
	v13 =	vand.u32 $0x7, v13;
	v40 =	vld.idx.msk [tilespmem:v30+s15+$0x0], $0xffff  }
0x1b2: {  	v41 =	vadd.s32 v0, v7;
	v30 =	vadd.s32 v3, v36;
	v38 =	vadd.s32 v21, v38;
	[tilespmem:s0+$0x170] =	vst v35  }
0x1b3: {  	v34 =	vadd.s32 v0, v34;
	v14 =	vand.u32 $0x7, v14;
	v35 =	vadd.s32 v0, v27;
	v33 =	vld.idx.msk [tilespmem:v33+s15+$0x0], $0xffff  }
0x1b4: {  	v44 =	vand.u32 $0xFFFFFFF8, v34;
	v43 =	vadd.s32 v0, v36;
	v42 =	vand.u32 $0xFFFFFFF8, v35;
	[tilespmem:s0+$0xB0] =	vst v15;
	v15 =	vld.idx.msk [tilespmem:v37+s15+$0x0], $0xffff  }
0x1b5: {  	v35 =	vand.u32 $0x7, v35;
	v37 =	vadd.s32 v0, v29;
	v45 =	vadd.s32 v1, v29  }
0x1b6: {  	v48 =	vand.u32 $0xFFFFFFF8, v41;
	v47 =	vand.u32 $0xFFFFFFF8, v43;
	v46 =	vand.u32 $0x7, v45;
	[tilespmem:s0+$0x130] =	vst v16  }
0x1b7: {  	v49 =	vadd.s32 v1, v23;
	v38 =	vor.u32 v14, v38;
	v16 =	vand.u32 $0xFFFFFFF8, v37;
	[tilespmem:s0+$0x30] =	vst v40  }
0x1b8: {  	v14 =	vand.u32 $0x7, v43;
	v37 =	vand.u32 $0x7, v37;
	v40 =	vadd.s32 v18, v47  }
0x1b9: {  	v43 =	vadd.s32 v19, v16;
	v16 =	vand.u32 $0xFFFFFFF8, v45;
	v45 =	vadd.s32 v6, v48;
	[tilespmem:s0+$0x70] =	vst v33  }
0x1ba: {  	v16 =	vadd.s32 v19, v16;
	v33 =	vor.u32 v14, v40;
	v40 =	vand.u32 $0x7, v41;
	[tilespmem:s0+$0x1B0] =	vst v15;
	s0 =	smov.u32 s20  }
0x1bb: {  	v14 =	vor.u32 v46, v16;
	v41 =	vadd.s32 v1, v24;
	v15 =	vadd.s32 v17, v42  }
0x1bc: {  	v16 =	vadd.s32 v21, v39;
	v42 =	vand.u32 $0xFFFFFFF8, v41;
	v35 =	vor.u32 v35, v15;
	v38 =	vld.idx.msk [tilespmem:v38+s15+$0x0], $0xffff  }
0x1bd: {  	v39 =	vadd.s32 v8, v44;
	v41 =	vand.u32 $0x7, v41;
	v15 =	vadd.s32 v1, v36  }
0x1be: {  	v40 =	vor.u32 v40, v45;
	v45 =	vadd.s32 v1, v7;
	v44 =	vand.u32 $0xFFFFFFF8, v15  }
0x1bf: {  	v47 =	vadd.s32 v0, v23;
	v48 =	vand.u32 $0xFFFFFFF8, v45;
	v46 =	vand.u32 $0x7, v15  }
0x1c0: {  	v15 =	vadd.s32 v8, v22;
	v22 =	vand.u32 $0xFFFFFFF8, v47;
	v44 =	vadd.s32 v18, v44  }
0x1c1: {  	v42 =	vadd.s32 v21, v42;
	v22 =	vadd.s32 v20, v22;
	v44 =	vor.u32 v46, v44;
	v35 =	vld.idx.msk [tilespmem:v35+s15+$0x0], $0xffff  }
0x1c2: {  	v34 =	vand.u32 $0x7, v34;
	v46 =	vand.u32 $0x7, v47;
	[tilespmem:s20+$0x1C0] =	vst v38;
	v38 =	vor.u32 v41, v42  }
0x1c3: {  	v36 =	vadd.s32 v2, v36;
	v41 =	vadd.s32 v1, v27;
	v42 =	vor.u32 v46, v22  }
0x1c4: {  	v45 =	vand.u32 $0x7, v45;
	v47 =	vand.u32 $0xFFFFFFF8, v49;
	v46 =	vand.u32 $0xFFFFFFF8, v41  }
0x1c5: {  	v22 =	vor.u32 v37, v43;
	v37 =	vadd.s32 v20, v47;
	v43 =	vadd.s32 v2, v23;
	v33 =	vld.idx.msk [tilespmem:v33+s15+$0x0], $0xffff  }
0x1c6: {  	v48 =	vadd.s32 v6, v48;
	v47 =	vadd.s32 v2, v29;
	v50 =	vand.u32 $0xFFFFFFF8, v43;
	v40 =	vld.idx.msk [tilespmem:v40+s15+$0x0], $0xffff  }
0x1c7: {  	v51 =	vand.u32 $0xFFFFFFF8, v47;
	v47 =	vand.u32 $0x7, v47;
	v50 =	vadd.s32 v20, v50;
	[tilespmem:s20+$0x80] =	vst v35;
	v35 =	vld.idx.msk [tilespmem:v38+s15+$0x0], $0xffff  }
0x1c8: {  	v49 =	vand.u32 $0x7, v49;
	v38 =	vadd.s32 v19, v51;
	v51 =	vadd.s32 v2, v24;
	v42 =	vld.idx.msk [tilespmem:v42+s15+$0x0], $0xffff  }
0x1c9: {  	v28 =	vor.u32 v28, v31;
	v24 =	vand.u32 $0x7, v41;
	v41 =	vor.u32 v45, v48;
	v32 =	vld.idx.msk [tilespmem:v32+s15+$0x0], $0xffff  }
0x1ca: {  	v31 =	vor.u32 v34, v39;
	v34 =	vor.u32 v49, v37;
	v37 =	vadd.s32 v2, v7  }
0x1cb: {  	v39 =	vadd.s32 v17, v46;
	v45 =	vand.u32 $0xFFFFFFF8, v37;
	v37 =	vand.u32 $0x7, v37  }
0x1cc: {  	v39 =	vor.u32 v24, v39;
	v24 =	vand.u32 $0xFFFFFFF8, v36;
	[tilespmem:s20+$0xC0] =	vst v33;
	v33 =	vadd.s32 v6, v45  }
0x1cd: {  	v45 =	vadd.s32 v18, v24;
	v44 =	vld.idx.msk [tilespmem:v44+s15+$0x0], $0xffff;
	v24 =	vor.u32 v37, v33;
	[tilespmem:s20+$0x1D0] =	vst v35;
	v33 =	vand.u32 $0xFFFFFFF8, v51  }
0x1ce: {  	v37 =	vadd.s32 v2, v27;
	v35 =	vand.u32 $0x7, v51;
	[tilespmem:s20+$0x140] =	vst v42;
	v21 =	vadd.s32 v21, v33  }
0x1cf: {  	[tilespmem:s20+$0x40] =	vst v32;
	v32 =	vand.u32 $0xFFFFFFF8, v37;
	v42 =	vld.idx.msk [tilespmem:v34+s15+$0x0], $0xffff;
	v34 =	vadd.s32 v3, v23;
	v35 =	vor.u32 v35, v21  }
0x1d0: {  	v21 =	vadd.s32 v17, v32;
	v32 =	vand.u32 $0x7, v36;
	v46 =	vld.idx.msk [tilespmem:v31+s15+$0x0], $0xffff;
	v31 =	vand.u32 $0x7, v43  }
0x1d1: {  	v23 =	vld.idx.msk [tilespmem:v28+s15+$0x0], $0xffff;
	v43 =	vor.u32 v32, v45;
	v33 =	vor.u32 v31, v50;
	v31 =	vand.u32 $0xFFFFFFF8, v34  }
.Ltmp2:
0x1d2: {  	v32 =	vand.u32 $0x7, v37;
	v28 =	vadd.s32 v3, v27;
	v20 =	vadd.s32 v20, v31;
	(pc) =	sbr.rel @p0 .LBB2_6-.Ltmp2, $4  }
0x1d3: {  	v27 =	vor.u32 v47, v38;
	v32 =	vor.u32 v32, v21;
	v21 =	vand.u32 $0xFFFFFFF8, v28;
	[tilespmem:s20+$0x180] =	vst v40  }
0x1d4: {  	v29 =	vadd.s32 v3, v29;
	v31 =	vadd.s32 v17, v21;
	v17 =	vand.u32 $0xFFFFFFF8, v30;
	v36 =	vld.idx.msk [tilespmem:v39+s15+$0x0], $0xffff;
	[tilespmem:s20+$0xD0] =	vst v44  }
0x1d5: {  	v21 =	vand.u32 $0xFFFFFFF8, v29;
	v38 =	vadd.s32 v18, v17;
	v18 =	vand.u32 $0x7, v25;
	[tilespmem:s20+$0x150] =	vst v42;
	v37 =	vld.idx.msk [tilespmem:v41+s15+$0x0], $0xffff  }
0x1d6: {  	v25 =	vadd.s32 v19, v21;
	v19 =	vand.u32 $0x7, v30;
	v18 =	vor.u32 v18, v26;
	s20 =	sadd.s32 $0x200, s20;
	v17 =	vld.idx.msk [tilespmem:v43+s15+$0x0], $0xffff;
	[tilespmem:s0+$0x100] =	vst v46  }
0x1d7: {  	_ =	sdelay $0x3  }
0x1d8: {  	v21 =	vld.idx.msk [tilespmem:v22+s15+$0x0], $0xffff;
	_ =	sdelay $0x2  }
0x1d9: {  	v19 =	vor.u32 v19, v38;
	v13 =	vor.u32 v13, v16;
	v16 =	vld.idx.msk [tilespmem:v18+s15+$0x0], $0xffff;
	v12 =	vand.u32 $0x7, v12  }
0x1da: {  	v22 =	vld.idx.msk [tilespmem:v35+s15+$0x0], $0xffff;
	[tilespmem:s0+$0x50] =	vst v23;
	v12 =	vor.u32 v12, v15  }
0x1db: {  	v18 =	vld.idx.msk [tilespmem:v33+s15+$0x0], $0xffff;
	[tilespmem:s0+$0x0] =	vst v21  }
0x1dc: {  	[tilespmem:s0+$0x90] =	vst v36;
	v14 =	vld.idx.msk [tilespmem:v14+s15+$0x0], $0xffff  }
0x1dd: {  	v9 =	vand.u32 $0x7, v9;
	[tilespmem:s0+$0xE0] =	vst v17  }
0x1de: {  	v15 =	vand.u32 $0xFFFFFFF8, v10;
	v9 =	vor.u32 v9, v11;
	v17 =	vld.idx.msk [tilespmem:v19+s15+$0x0], $0xffff;
	[tilespmem:s0+$0x110] =	vst v16  }
0x1df: {  	v7 =	vadd.s32 v3, v7;
	v10 =	vand.u32 $0x7, v10;
	v8 =	vadd.s32 v8, v15;
	[tilespmem:s0+$0x1E0] =	vst v22;
	v12 =	vld.idx.msk [tilespmem:v12+s15+$0x0], $0xffff  }
0x1e0: {  	v4 =	vadd.s32 v3, v4;
	v11 =	vand.u32 $0x7, v34;
	v8 =	vor.u32 v10, v8;
	[tilespmem:s0+$0x160] =	vst v18;
	v16 =	vld.idx.msk [tilespmem:v32+s15+$0x0], $0xffff  }
0x1e1: {  	v11 =	vor.u32 v11, v20;
	v15 =	vand.u32 $0xFFFFFFF8, v7;
	v18 =	vand.u32 $0x7, v28;
	v13 =	vld.idx.msk [tilespmem:v13+s15+$0x0], $0xffff;
	[tilespmem:s0+$0x10] =	vst v14  }
0x1e2: {  	v20 =	vand.u32 $0x7, v29;
	[tilespmem:s0+$0x190] =	vst v37;
	v14 =	vor.u32 v18, v31;
	v18 =	vand.u32 $0xFFFFFFF8, v4;
	v19 =	vld.idx.msk [tilespmem:v27+s15+$0x0], $0xffff  }
0x1e3: {  	v10 =	vor.u32 v20, v25;
	v9 =	vld.idx.msk [tilespmem:v9+s15+$0x0], $0xffff;
	[tilespmem:s0+$0xF0] =	vst v17;
	v4 =	vand.u32 $0x7, v4;
	v5 =	vadd.s32 v5, v18  }
0x1e4: {  	v7 =	vand.u32 $0x7, v7;
	v6 =	vadd.s32 v6, v15;
	v17 =	vld.idx.msk [tilespmem:v24+s15+$0x0], $0xffff;
	[tilespmem:s0+$0x120] =	vst v12;
	v4 =	vor.u32 v4, v5  }
0x1e5: {  	[tilespmem:s0+$0xA0] =	vst v16;
	v8 =	vld.idx.msk [tilespmem:v8+s15+$0x0], $0xffff;
	v5 =	vor.u32 v7, v6  }
0x1e6: {  	[tilespmem:s0+$0x1F0] =	vst v13;
	v6 =	vld.idx.msk [tilespmem:v11+s15+$0x0], $0xffff  }
0x1e7: {  	v7 =	vld.idx.msk [tilespmem:v14+s15+$0x0], $0xffff;
	[tilespmem:s0+$0x20] =	vst v19  }
0x1e8: {  	[tilespmem:s0+$0x60] =	vst v9;
	v9 =	vld.idx.msk [tilespmem:v10+s15+$0x0], $0xffff  }
0x1e9: {  	[tilespmem:s0+$0x1A0] =	vst v17;
	v4 =	vld.idx.msk [tilespmem:v4+s15+$0x0], $0xffff  }
0x1ea: {  	[tilespmem:s0+$0x130] =	vst v8;
	v5 =	vld.idx.msk [tilespmem:v5+s15+$0x0], $0xffff  }
0x1eb: {  	[tilespmem:s0+$0x170] =	vst v6  }
0x1ec: {  	[tilespmem:s0+$0xB0] =	vst v7  }
0x1ed: {  	s20 =	simm.s32 $0x4;
	[tilespmem:s0+$0x30] =	vst v9  }
0x1ee: {  	s28 =	simm.s32 $0x7;
	v8 =	vmov s20;
	[tilespmem:s0+$0x70] =	vst v4  }
0x1ef: {  	s23 =	simm.s32 $0x400;
	s24 =	simm.s32 $0x2;
	s25 =	simm.s32 $0x3;
	v10 =	vmov s28;
	v11 =	vor.u32 $0x384, v8;
	[tilespmem:s0+$0x1B0] =	vst v5  }
0x1f0: {  	v14 =	vor.u32 $0x387, v10;
	v7 =	vmov s25;
	[tilespmem:s15], [sflag:$0x1] =	stream.indirect.gather [hbm4b:s3+s14], $0x80, s23, s14, $0xb8;
	[tilespmem:$0x15600] =	vst v63  }
0x1f1: {  	s30 =	simm.s32 $0x0;
	v6 =	vmov s24;
	v13 =	vor.u32 $0x383, v7;
	_ =	swait.ge [sflag:s18], $0x4000  }
0x1f2: {  	s1 =	simm.s32 $0x1;
	v21 =	vor.u32 $0x382, v6;
	v23 =	vshll.u32 v10, $0x7;
	v10 =	vmov s30;
	[sflag:s18] =	ssyncset.done $0x0  }
0x1f3: {  	v22 =	vor.u32 $0x380, v10;
	v5 =	vmov s1;
	[sflag:s18] =	ssyncadd.s32 $0xFFFFC000  }
0x1f4: {  	v4 =	vor.u32 $0x381, v5;
	v24 =	vld.idx.msk [tilespmem:v11+s13+$0x0], $0xffff  }
0x1f5: {  	s26 =	simm.s32 $0x5;
	v28 =	vld.idx.msk [tilespmem:v14+s13+$0x0], $0xffff  }
0x1f6: {  	v9 =	vmov s26;
	v31 =	vld.idx.msk [tilespmem:v13+s13+$0x0], $0xffff  }
0x1f7: {  	s29 =	simm.s32 $0x6;
	v15 =	vor.u32 $0x385, v9;
	v27 =	vld.idx.msk [tilespmem:v21+s13+$0x0], $0xffff  }
0x1f8: {  	v12 =	vmov s29;
	v29 =	vld.idx.msk [tilespmem:v22+s13+$0x0], $0xffff  }
0x1f9: {  	v16 =	vor.u32 $0x386, v12;
	v4 =	vld.idx.msk [tilespmem:v4+s13+$0x0], $0xffff  }
0x1fa: {  	v8 =	vshll.u32 v8, $0x7;
	v17 =	vshll.u32 v6, $0x7;
	v6 =	vshll.u32 v12, $0x7  }
0x1fb: {  	v18 =	vshll.u32 v10, $0x7;
	v19 =	vshll.u32 v7, $0x7;
	v5 =	vshll.u32 v5, $0x7  }
0x1fc: {  	v20 =	vshll.u32 v9, $0x7;
	v35 =	vld.idx.msk [tilespmem:v15+s13+$0x0], $0xffff;
	v25 =	vadd.s32 v1, v24;
	v26 =	vadd.s32 v3, v31  }
0x1fd: {  	v57 =	vadd.s32 v0, v27;
	v59 =	vadd.s32 v0, v31;
	v40 =	vadd.s32 v0, v29  }
0x1fe: {  	v41 =	vadd.s32 v1, v29;
	v62 =	vadd.s32 v1, v28;
	v9 =	vadd.s32 v2, v4  }
0x1ff: {  	v10 =	vadd.s32 v0, v4;
	v12 =	vadd.s32 v1, v4;
	v13 =	vand.u32 $0xFFFFFFF8, v25  }
0x200: {  	v58 =	vand.u32 $0xFFFFFFF8, v57;
	v36 =	vand.u32 $0x7, v57;
	v42 =	vand.u32 $0x7, v41  }
0x201: {  	v43 =	vand.u32 $0xFFFFFFF8, v59;
	v45 =	vand.u32 $0xFFFFFFF8, v40;
	v46 =	vadd.s32 v1, v35  }
0x202: {  	v40 =	vand.u32 $0x7, v40;
	v41 =	vand.u32 $0xFFFFFFF8, v41;
	v63 =	vand.u32 $0xFFFFFFF8, v62  }
0x203: {  	v37 =	vand.u32 $0x7, v62;
	v48 =	vadd.s32 v0, v35;
	v57 =	vadd.s32 v1, v27  }
0x204: {  	v7 =	vand.u32 $0xFFFFFFF8, v9;
	v14 =	vand.u32 $0xFFFFFFF8, v10;
	v30 =	vand.u32 $0x7, v12  }
0x205: {  	v10 =	vand.u32 $0x7, v10;
	v21 =	vadd.s32 v8, v13;
	v13 =	vadd.s32 v3, v28  }
0x206: {  	v60 =	vadd.s32 v18, v45;
	v41 =	vadd.s32 v18, v41;
	v54 =	vand.u32 $0xFFFFFFF8, v48  }
0x207: {  	v55 =	vadd.s32 v23, v63;
	v50 =	vand.u32 $0xFFFFFFF8, v46;
	v46 =	vand.u32 $0x7, v46  }
0x208: {  	v11 =	vadd.s32 v5, v7;
	v7 =	vld.idx.msk [tilespmem:v16+s13+$0x0], $0xffff;
	v16 =	vand.u32 $0xFFFFFFF8, v12;
	v12 =	vadd.s32 v5, v14  }
0x209: {  	v14 =	vadd.s32 v0, v28;
	v22 =	vand.u32 $0xFFFFFFF8, v13;
	v13 =	vand.u32 $0x7, v13  }
0x20a: {  	v34 =	vor.u32 v37, v55;
	v28 =	vadd.s32 v2, v28;
	v37 =	vand.u32 $0x7, v57  }
0x20b: {  	v32 =	vadd.s32 v5, v16;
	v33 =	vor.u32 v10, v12;
	v12 =	vadd.s32 v2, v24  }
0x20c: {  	v10 =	vadd.s32 v3, v24;
	v16 =	vand.u32 $0xFFFFFFF8, v14;
	v24 =	vadd.s32 v0, v24  }
0x20d: {  	v14 =	vand.u32 $0x7, v14;
	v56 =	vand.u32 $0xFFFFFFF8, v12;
	v16 =	vadd.s32 v23, v16  }
0x20e: {  	v39 =	vand.u32 $0xFFFFFFF8, v24;
	v24 =	vand.u32 $0x7, v24;
	v30 =	vor.u32 v30, v32  }
0x20f: {  	v47 =	vor.u32 v14, v16;
	v14 =	vand.u32 $0x7, v59;
	v39 =	vadd.s32 v8, v39  }
0x210: {  	v16 =	vadd.s32 v19, v43;
	v59 =	vadd.s32 v20, v50;
	v39 =	vor.u32 v24, v39  }
0x211: {  	v38 =	vor.u32 v46, v59;
	v15 =	vadd.s32 v0, v7;
	v53 =	vadd.s32 v1, v7  }
0x212: {  	v24 =	vadd.s32 v2, v7;
	v44 =	vand.u32 $0xFFFFFFF8, v15;
	v15 =	vand.u32 $0x7, v15  }
0x213: {  	v61 =	vadd.s32 v6, v44;
	v44 =	vor.u32 v14, v16;
	v16 =	vadd.s32 v17, v58  }
0x214: {  	v36 =	vor.u32 v36, v16;
	v16 =	vadd.s32 v23, v22;
	v22 =	vadd.s32 v1, v31  }
0x215: {  	v14 =	vor.u32 v42, v41;
	v43 =	vor.u32 v15, v61;
	v52 =	vand.u32 $0xFFFFFFF8, v22  }
0x216: {  	v15 =	vadd.s32 v8, v56;
	v22 =	vand.u32 $0x7, v22;
	v42 =	vadd.s32 v19, v52  }
0x217: {  	v56 =	vand.u32 $0x7, v48;
	v42 =	vor.u32 v22, v42;
	v22 =	vadd.s32 v20, v54  }
0x218: {  	v49 =	vand.u32 $0xFFFFFFF8, v53;
	v45 =	vand.u32 $0x7, v53;
	v41 =	vor.u32 v56, v22  }
0x219: {  	v63 =	vand.u32 $0xFFFFFFF8, v24;
	v24 =	vand.u32 $0x7, v24;
	v58 =	vand.u32 $0xFFFFFFF8, v57  }
0x21a: {  	v55 =	vld.idx.msk [tilespmem:v33+s17+$0x0], $0xffff;
	v49 =	vadd.s32 v6, v49;
	v57 =	vand.u32 $0xFFFFFFF8, v28;
	v28 =	vand.u32 $0x7, v28  }
0x21b: {  	v31 =	vadd.s32 v2, v31;
	v47 =	vld.idx.msk [tilespmem:v47+s17+$0x0], $0xffff;
	v45 =	vor.u32 v45, v49;
	v62 =	vadd.s32 v17, v58  }
0x21c: {  	v58 =	vadd.s32 v2, v27;
	v23 =	vadd.s32 v23, v57;
	v37 =	vor.u32 v37, v62;
	v44 =	vld.idx.msk [tilespmem:v44+s17+$0x0], $0xffff  }
0x21d: {  	v53 =	vand.u32 $0xFFFFFFF8, v31;
	v59 =	vand.u32 $0xFFFFFFF8, v58;
	v54 =	vadd.s32 v6, v63;
	v41 =	vld.idx.msk [tilespmem:v41+s17+$0x0], $0xffff  }
0x21e: {  	s0 =	simm.s32 $0x13600;
	v39 =	vld.idx.msk [tilespmem:v39+s17+$0x0], $0xffff;
	v63 =	vand.u32 $0x7, v25;
	v22 =	vor.u32 v40, v60;
	v40 =	vadd.s32 v2, v35  }
0x21f: {  	[tilespmem:s0+$0x40] =	vst v55;
	v60 =	vadd.s32 v2, v29;
	v56 =	vadd.s32 v19, v53;
	v51 =	vand.u32 $0xFFFFFFF8, v40;
	v36 =	vld.idx.msk [tilespmem:v36+s17+$0x0], $0xffff  }
0x220: {  	v29 =	vadd.s32 v3, v29;
	v61 =	vand.u32 $0xFFFFFFF8, v60;
	[tilespmem:s0+$0x1C0] =	vst v47;
	v43 =	vld.idx.msk [tilespmem:v43+s17+$0x0], $0xffff;
	v51 =	vadd.s32 v20, v51  }
0x221: {  	v50 =	vand.u32 $0x7, v60;
	v32 =	vadd.s32 v18, v61;
	v52 =	vld.idx.msk [tilespmem:v34+s17+$0x0], $0xffff;
	v34 =	vadd.s32 v3, v35;
	[tilespmem:s0+$0xC0] =	vst v44  }
0x222: {  	v35 =	vor.u32 v28, v23;
	v61 =	vadd.s32 v17, v59;
	v23 =	vand.u32 $0x7, v31;
	v42 =	vld.idx.msk [tilespmem:v42+s17+$0x0], $0xffff;
	[tilespmem:s0+$0x140] =	vst v41  }
0x223: {  	v28 =	vand.u32 $0x7, v40;
	v31 =	vand.u32 $0x7, v58;
	[tilespmem:s0+$0x100] =	vst v39;
	v62 =	vor.u32 v23, v56;
	v60 =	vld.idx.msk [tilespmem:v38+s17+$0x0], $0xffff  }
0x224: {  	v33 =	vor.u32 v28, v51;
	v23 =	vand.u32 $0xFFFFFFF8, v34;
	v28 =	vadd.s32 v3, v27;
	[tilespmem:s0+$0x80] =	vst v36  }
0x225: {  	v27 =	vor.u32 v50, v32;
	v20 =	vadd.s32 v20, v23;
	v23 =	vld.idx.msk [tilespmem:v30+s17+$0x0], $0xffff;
	v30 =	vand.u32 $0xFFFFFFF8, v28;
	[tilespmem:s0+$0x180] =	vst v43  }
0x226: {  	v32 =	vor.u32 v31, v61;
	v31 =	vadd.s32 v17, v30;
	v30 =	vand.u32 $0xFFFFFFF8, v29;
	[tilespmem:s0+$0x1D0] =	vst v52;
	v36 =	vld.idx.msk [tilespmem:v37+s17+$0x0], $0xffff  }
0x227: {  	v24 =	vor.u32 v24, v54;
	v17 =	vand.u32 $0xFFFFFFF8, v26;
	v25 =	vadd.s32 v18, v30;
	v37 =	vld.idx.msk [tilespmem:v45+s17+$0x0], $0xffff;
	[tilespmem:s0+$0xD0] =	vst v42  }
0x228: {  	s20 =	simm.s32 $0x13800;
	s1 =	simm.s32 $0x8;
	v18 =	vor.u32 v63, v21;
	v38 =	vadd.s32 v19, v17;
	v19 =	vand.u32 $0x7, v26;
	v17 =	vld.idx.msk [tilespmem:v62+s17+$0x0], $0xffff;
	[tilespmem:s0+$0x150] =	vst v60  }
.LBB2_8:
0x229: {  	s23 =	sadd.s32 $0x1, s1  }
0x22a: {  	s24 =	sadd.s32 $0x2, s1;
	s25 =	sadd.s32 $0x3, s1;
	v19 =	vor.u32 v19, v38;
	v21 =	vand.u32 $0xFFFFFFF8, v10;
	v26 =	vand.u32 $0x7, v34;
	v30 =	vld.idx.msk [tilespmem:v35+s17+$0x0], $0xffff;
	s22 =	smov.u32 s1  }
0x22b: {  	s26 =	sadd.s32 $0x6, s1;
	v13 =	vor.u32 v13, v16;
	v34 =	vmov s23;
	v35 =	vmov s24;
	s23 =	sadd.s32 $0x4, s1;
	s24 =	sadd.s32 $0x5, s1  }
0x22c: {  	p0 =	slt.u32 s1, $0x78;
	v16 =	vmov s25;
	s1 =	sadd.s32 $0x8, s1;
	v38 =	vmov s23;
	v39 =	vmov s24;
	s23 =	sadd.s32 $0x7, s22  }
0x22d: {  	v41 =	vmov s26;
	v40 =	vor.u32 $0x381, v34;
	v42 =	vmov s23;
	v22 =	vld.idx.msk [tilespmem:v22+s17+$0x0], $0xffff;
	[tilespmem:s0+$0x90] =	vst v36  }
0x22e: {  	v44 =	vadd.s32 v8, v21;
	v36 =	vor.u32 $0x383, v16;
	v43 =	vor.u32 $0x387, v42;
	v18 =	vld.idx.msk [tilespmem:v18+s17+$0x0], $0xffff;
	[tilespmem:s0+$0x190] =	vst v37  }
0x22f: {  	v7 =	vadd.s32 v3, v7;
	v8 =	vor.u32 $0x386, v41;
	v37 =	vor.u32 $0x385, v39;
	[tilespmem:s0+$0xE0] =	vst v17;
	v17 =	vld.idx.msk [tilespmem:v33+s17+$0x0], $0xffff  }
0x230: {  	v12 =	vand.u32 $0x7, v12;
	v26 =	vor.u32 v26, v20;
	v20 =	vand.u32 $0xFFFFFFF8, v7;
	v19 =	vld.idx.msk [tilespmem:v19+s17+$0x0], $0xffff;
	[tilespmem:s0+$0x1E0] =	vst v30  }
0x231: {  	v9 =	vand.u32 $0x7, v9;
	v12 =	vor.u32 v12, v15;
	v15 =	vld.idx.msk [tilespmem:v24+s17+$0x0], $0xffff;
	v24 =	vadd.s32 v6, v20  }
0x232: {  	v6 =	vor.u32 v9, v11;
	v9 =	vadd.s32 v3, v4;
	v11 =	vld.idx.msk [tilespmem:v13+s17+$0x0], $0xffff  }
0x233: {  	v13 =	vand.u32 $0xFFFFFFF8, v9;
	v4 =	vld.idx.msk [tilespmem:v40+s13+$0x0], $0xffff;
	[tilespmem:s0+$0x0] =	vst v22  }
0x234: {  	v9 =	vand.u32 $0x7, v9;
	v5 =	vadd.s32 v5, v13;
	v13 =	vand.u32 $0x7, v7;
	v14 =	vld.idx.msk [tilespmem:v14+s17+$0x0], $0xffff;
	[tilespmem:s0+$0x110] =	vst v18  }
0x235: {  	v30 =	vor.u32 $0x384, v38;
	v22 =	vor.u32 $0x382, v35;
	v33 =	vor.u32 v9, v5;
	v7 =	vld.idx.msk [tilespmem:v8+s13+$0x0], $0xffff;
	[tilespmem:s0+$0x160] =	vst v17  }
0x236: {  	v21 =	vshll.u32 v42, $0x7;
	v5 =	vshll.u32 v34, $0x7;
	v17 =	vshll.u32 v35, $0x7;
	[tilespmem:s0+$0x50] =	vst v23;
	v12 =	vld.idx.msk [tilespmem:v12+s17+$0x0], $0xffff  }
0x237: {  	v20 =	vshll.u32 v39, $0x7;
	v34 =	vmov s22;
	v8 =	vshll.u32 v38, $0x7;
	v35 =	vld.idx.msk [tilespmem:v6+s17+$0x0], $0xffff;
	[tilespmem:s0+$0xF0] =	vst v19  }
0x238: {  	v18 =	vshll.u32 v16, $0x7;
	v38 =	vor.u32 $0x380, v34;
	v6 =	vshll.u32 v41, $0x7;
	v23 =	vld.idx.msk [tilespmem:v37+s13+$0x0], $0xffff;
	[tilespmem:s0+$0x1F0] =	vst v11  }
0x239: {  	v10 =	vand.u32 $0x7, v10;
	v9 =	vadd.s32 v2, v4;
	v37 =	vor.u32 v13, v24;
	v16 =	vld.idx.msk [tilespmem:v32+s17+$0x0], $0xffff  }
0x23a: {  	v19 =	vshll.u32 v34, $0x7;
	v13 =	vand.u32 $0x7, v28;
	v11 =	vand.u32 $0xFFFFFFF8, v9;
	v34 =	vld.idx.msk [tilespmem:v30+s13+$0x0], $0xffff;
	[tilespmem:s0+$0x10] =	vst v14  }
0x23b: {  	v13 =	vor.u32 v13, v31;
	v11 =	vadd.s32 v5, v11;
	v14 =	vld.idx.msk [tilespmem:v27+s17+$0x0], $0xffff;
	v27 =	vand.u32 $0x7, v29  }
0x23c: {  	v39 =	vor.u32 v10, v44;
	v24 =	vld.idx.msk [tilespmem:v43+s13+$0x0], $0xffff;
	v30 =	vor.u32 v27, v25;
	[tilespmem:s0+$0x1A0] =	vst v15  }
0x23d: {  	v10 =	vadd.s32 v0, v4;
	v15 =	vadd.s32 v1, v4;
	[tilespmem:s0+$0x60] =	vst v35;
	v35 =	vld.idx.msk [tilespmem:v26+s17+$0x0], $0xffff  }
0x23e: {  	v25 =	vand.u32 $0xFFFFFFF8, v10;
	v26 =	vand.u32 $0xFFFFFFF8, v15;
	v28 =	vand.u32 $0x7, v15;
	v36 =	vld.idx.msk [tilespmem:v36+s13+$0x0], $0xffff;
	[tilespmem:s0+$0x120] =	vst v12  }
0x23f: {  	v10 =	vand.u32 $0x7, v10;
	v12 =	vadd.s32 v5, v25;
	v31 =	vadd.s32 v5, v26;
	v27 =	vld.idx.msk [tilespmem:v22+s13+$0x0], $0xffff;
	[tilespmem:s0+$0xA0] =	vst v16  }
0x240: {  	v32 =	vor.u32 v10, v12;
	v25 =	vadd.s32 v1, v34;
	v12 =	vadd.s32 v2, v34;
	v15 =	vld.idx.msk [tilespmem:v13+s17+$0x0], $0xffff  }
0x241: {  	v10 =	vadd.s32 v3, v34;
	v13 =	vand.u32 $0xFFFFFFF8, v25;
	v22 =	vand.u32 $0xFFFFFFF8, v12;
	v29 =	vld.idx.msk [tilespmem:v38+s13+$0x0], $0xffff;
	[tilespmem:s0+$0x20] =	vst v14  }
0x242: {  	v26 =	vadd.s32 v8, v13;
	v14 =	vadd.s32 v0, v24;
	v13 =	vadd.s32 v3, v24;
	v16 =	vld.idx.msk [tilespmem:v39+s17+$0x0], $0xffff  }
0x243: {  	v38 =	vand.u32 $0xFFFFFFF8, v14;
	v39 =	vand.u32 $0xFFFFFFF8, v13;
	v13 =	vand.u32 $0x7, v13;
	v40 =	vld.idx.msk [tilespmem:v30+s17+$0x0], $0xffff  }
0x244: {  	v41 =	vadd.s32 v0, v7;
	v30 =	vadd.s32 v3, v36;
	v38 =	vadd.s32 v21, v38;
	[tilespmem:s0+$0x170] =	vst v35  }
0x245: {  	v34 =	vadd.s32 v0, v34;
	v14 =	vand.u32 $0x7, v14;
	v35 =	vadd.s32 v0, v27;
	v33 =	vld.idx.msk [tilespmem:v33+s17+$0x0], $0xffff  }
0x246: {  	v44 =	vand.u32 $0xFFFFFFF8, v34;
	v43 =	vadd.s32 v0, v36;
	v42 =	vand.u32 $0xFFFFFFF8, v35;
	[tilespmem:s0+$0xB0] =	vst v15;
	v15 =	vld.idx.msk [tilespmem:v37+s17+$0x0], $0xffff  }
0x247: {  	v35 =	vand.u32 $0x7, v35;
	v37 =	vadd.s32 v0, v29;
	v45 =	vadd.s32 v1, v29  }
0x248: {  	v48 =	vand.u32 $0xFFFFFFF8, v41;
	v47 =	vand.u32 $0xFFFFFFF8, v43;
	v46 =	vand.u32 $0x7, v45;
	[tilespmem:s0+$0x130] =	vst v16  }
0x249: {  	v49 =	vadd.s32 v1, v23;
	v38 =	vor.u32 v14, v38;
	v16 =	vand.u32 $0xFFFFFFF8, v37;
	[tilespmem:s0+$0x30] =	vst v40  }
0x24a: {  	v14 =	vand.u32 $0x7, v43;
	v37 =	vand.u32 $0x7, v37;
	v40 =	vadd.s32 v18, v47  }
0x24b: {  	v43 =	vadd.s32 v19, v16;
	v16 =	vand.u32 $0xFFFFFFF8, v45;
	v45 =	vadd.s32 v6, v48;
	[tilespmem:s0+$0x70] =	vst v33  }
0x24c: {  	v16 =	vadd.s32 v19, v16;
	v33 =	vor.u32 v14, v40;
	v40 =	vand.u32 $0x7, v41;
	[tilespmem:s0+$0x1B0] =	vst v15;
	s0 =	smov.u32 s20  }
0x24d: {  	v14 =	vor.u32 v46, v16;
	v41 =	vadd.s32 v1, v24;
	v15 =	vadd.s32 v17, v42  }
0x24e: {  	v16 =	vadd.s32 v21, v39;
	v42 =	vand.u32 $0xFFFFFFF8, v41;
	v35 =	vor.u32 v35, v15;
	v38 =	vld.idx.msk [tilespmem:v38+s17+$0x0], $0xffff  }
0x24f: {  	v39 =	vadd.s32 v8, v44;
	v41 =	vand.u32 $0x7, v41;
	v15 =	vadd.s32 v1, v36  }
0x250: {  	v40 =	vor.u32 v40, v45;
	v45 =	vadd.s32 v1, v7;
	v44 =	vand.u32 $0xFFFFFFF8, v15  }
0x251: {  	v47 =	vadd.s32 v0, v23;
	v48 =	vand.u32 $0xFFFFFFF8, v45;
	v46 =	vand.u32 $0x7, v15  }
0x252: {  	v15 =	vadd.s32 v8, v22;
	v22 =	vand.u32 $0xFFFFFFF8, v47;
	v44 =	vadd.s32 v18, v44  }
0x253: {  	v42 =	vadd.s32 v21, v42;
	v22 =	vadd.s32 v20, v22;
	v44 =	vor.u32 v46, v44;
	v35 =	vld.idx.msk [tilespmem:v35+s17+$0x0], $0xffff  }
0x254: {  	v34 =	vand.u32 $0x7, v34;
	v46 =	vand.u32 $0x7, v47;
	[tilespmem:s20+$0x1C0] =	vst v38;
	v38 =	vor.u32 v41, v42  }
0x255: {  	v36 =	vadd.s32 v2, v36;
	v41 =	vadd.s32 v1, v27;
	v42 =	vor.u32 v46, v22  }
0x256: {  	v45 =	vand.u32 $0x7, v45;
	v47 =	vand.u32 $0xFFFFFFF8, v49;
	v46 =	vand.u32 $0xFFFFFFF8, v41  }
0x257: {  	v22 =	vor.u32 v37, v43;
	v37 =	vadd.s32 v20, v47;
	v43 =	vadd.s32 v2, v23;
	v33 =	vld.idx.msk [tilespmem:v33+s17+$0x0], $0xffff  }
0x258: {  	v48 =	vadd.s32 v6, v48;
	v47 =	vadd.s32 v2, v29;
	v50 =	vand.u32 $0xFFFFFFF8, v43;
	v40 =	vld.idx.msk [tilespmem:v40+s17+$0x0], $0xffff  }
0x259: {  	v51 =	vand.u32 $0xFFFFFFF8, v47;
	v47 =	vand.u32 $0x7, v47;
	v50 =	vadd.s32 v20, v50;
	[tilespmem:s20+$0x80] =	vst v35;
	v35 =	vld.idx.msk [tilespmem:v38+s17+$0x0], $0xffff  }
0x25a: {  	v49 =	vand.u32 $0x7, v49;
	v38 =	vadd.s32 v19, v51;
	v51 =	vadd.s32 v2, v24;
	v42 =	vld.idx.msk [tilespmem:v42+s17+$0x0], $0xffff  }
0x25b: {  	v28 =	vor.u32 v28, v31;
	v24 =	vand.u32 $0x7, v41;
	v41 =	vor.u32 v45, v48;
	v32 =	vld.idx.msk [tilespmem:v32+s17+$0x0], $0xffff  }
0x25c: {  	v31 =	vor.u32 v34, v39;
	v34 =	vor.u32 v49, v37;
	v37 =	vadd.s32 v2, v7  }
0x25d: {  	v39 =	vadd.s32 v17, v46;
	v45 =	vand.u32 $0xFFFFFFF8, v37;
	v37 =	vand.u32 $0x7, v37  }
0x25e: {  	v39 =	vor.u32 v24, v39;
	v24 =	vand.u32 $0xFFFFFFF8, v36;
	[tilespmem:s20+$0xC0] =	vst v33;
	v33 =	vadd.s32 v6, v45  }
0x25f: {  	v45 =	vadd.s32 v18, v24;
	v44 =	vld.idx.msk [tilespmem:v44+s17+$0x0], $0xffff;
	v24 =	vor.u32 v37, v33;
	[tilespmem:s20+$0x1D0] =	vst v35;
	v33 =	vand.u32 $0xFFFFFFF8, v51  }
0x260: {  	v37 =	vadd.s32 v2, v27;
	v35 =	vand.u32 $0x7, v51;
	[tilespmem:s20+$0x140] =	vst v42;
	v21 =	vadd.s32 v21, v33  }
0x261: {  	[tilespmem:s20+$0x40] =	vst v32;
	v32 =	vand.u32 $0xFFFFFFF8, v37;
	v42 =	vld.idx.msk [tilespmem:v34+s17+$0x0], $0xffff;
	v34 =	vadd.s32 v3, v23;
	v35 =	vor.u32 v35, v21  }
0x262: {  	v21 =	vadd.s32 v17, v32;
	v32 =	vand.u32 $0x7, v36;
	v46 =	vld.idx.msk [tilespmem:v31+s17+$0x0], $0xffff;
	v31 =	vand.u32 $0x7, v43  }
0x263: {  	v23 =	vld.idx.msk [tilespmem:v28+s17+$0x0], $0xffff;
	v43 =	vor.u32 v32, v45;
	v33 =	vor.u32 v31, v50;
	v31 =	vand.u32 $0xFFFFFFF8, v34  }
.Ltmp3:
0x264: {  	v32 =	vand.u32 $0x7, v37;
	v28 =	vadd.s32 v3, v27;
	v20 =	vadd.s32 v20, v31;
	(pc) =	sbr.rel @p0 .LBB2_8-.Ltmp3, $4  }
0x265: {  	v27 =	vor.u32 v47, v38;
	v32 =	vor.u32 v32, v21;
	v21 =	vand.u32 $0xFFFFFFF8, v28;
	[tilespmem:s20+$0x180] =	vst v40  }
0x266: {  	v29 =	vadd.s32 v3, v29;
	v31 =	vadd.s32 v17, v21;
	v17 =	vand.u32 $0xFFFFFFF8, v30;
	v36 =	vld.idx.msk [tilespmem:v39+s17+$0x0], $0xffff;
	[tilespmem:s20+$0xD0] =	vst v44  }
0x267: {  	v21 =	vand.u32 $0xFFFFFFF8, v29;
	v38 =	vadd.s32 v18, v17;
	v18 =	vand.u32 $0x7, v25;
	[tilespmem:s20+$0x150] =	vst v42;
	v37 =	vld.idx.msk [tilespmem:v41+s17+$0x0], $0xffff  }
0x268: {  	v25 =	vadd.s32 v19, v21;
	v19 =	vand.u32 $0x7, v30;
	v18 =	vor.u32 v18, v26;
	s20 =	sadd.s32 $0x200, s20;
	v17 =	vld.idx.msk [tilespmem:v43+s17+$0x0], $0xffff;
	[tilespmem:s0+$0x100] =	vst v46  }
0x269: {  	_ =	sdelay $0x3  }
0x26a: {  	v21 =	vld.idx.msk [tilespmem:v22+s17+$0x0], $0xffff;
	_ =	sdelay $0x1  }
0x26b: {  	v46 =	vld.idx.msk [tilespmem:v35+s17+$0x0], $0xffff;
	[tilespmem:s0+$0x50] =	vst v23  }
0x26c: {  	v19 =	vor.u32 v19, v38;
	v13 =	vor.u32 v13, v16;
	v47 =	vld.idx.msk [tilespmem:v18+s17+$0x0], $0xffff;
	[tilespmem:s0+$0x90] =	vst v36  }
0x26d: {  	v48 =	vld.idx.msk [tilespmem:v33+s17+$0x0], $0xffff;
	v12 =	vand.u32 $0x7, v12;
	v9 =	vand.u32 $0x7, v9;
	v49 =	vand.u32 $0xFFFFFFF8, v10;
	[tilespmem:s0+$0x190] =	vst v37  }
0x26e: {  	v50 =	vand.u32 $0x7, v34;
	v7 =	vadd.s32 v3, v7;
	v12 =	vor.u32 v12, v15;
	v52 =	vld.idx.msk [tilespmem:v32+s17+$0x0], $0xffff;
	[tilespmem:s0+$0x0] =	vst v21  }
0x26f: {  	v53 =	vand.u32 $0x7, v28;
	v4 =	vadd.s32 v3, v4;
	v9 =	vor.u32 v9, v11;
	[tilespmem:s0+$0xE0] =	vst v17;
	v14 =	vld.idx.msk [tilespmem:v14+s17+$0x0], $0xffff  }
0x270: {  	v8 =	vadd.s32 v8, v49;
	v11 =	vor.u32 v50, v20;
	v51 =	vand.u32 $0xFFFFFFF8, v7;
	v60 =	vld.idx.msk [tilespmem:v24+s17+$0x0], $0xffff;
	[tilespmem:s0+$0x1E0] =	vst v46  }
0x271: {  	v55 =	vor.u32 v53, v31;
	v56 =	vand.u32 $0xFFFFFFF8, v4;
	v4 =	vand.u32 $0x7, v4;
	v17 =	vld.idx.msk [tilespmem:v19+s17+$0x0], $0xffff;
	[tilespmem:s0+$0x110] =	vst v47  }
0x272: {  	v7 =	vand.u32 $0x7, v7;
	v5 =	vadd.s32 v5, v56;
	v6 =	vadd.s32 v6, v51;
	[tilespmem:s0+$0x160] =	vst v48;
	v13 =	vld.idx.msk [tilespmem:v13+s17+$0x0], $0xffff  }
0x273: {  	v54 =	vand.u32 $0x7, v10;
	v4 =	vor.u32 v4, v5;
	v5 =	vor.u32 v7, v6;
	v12 =	vld.idx.msk [tilespmem:v12+s17+$0x0], $0xffff;
	[tilespmem:s0+$0xA0] =	vst v52  }
0x274: {  	v8 =	vor.u32 v54, v8;
	v9 =	vld.idx.msk [tilespmem:v9+s17+$0x0], $0xffff;
	[tilespmem:s0+$0x10] =	vst v14  }
0x275: {  	v58 =	vand.u32 $0x7, v29;
	[tilespmem:s0+$0x1A0] =	vst v60;
	v57 =	vld.idx.msk [tilespmem:v27+s17+$0x0], $0xffff  }
0x276: {  	v59 =	vor.u32 v58, v25;
	v61 =	vld.idx.msk [tilespmem:v11+s17+$0x0], $0xffff;
	[tilespmem:s0+$0xF0] =	vst v17  }
0x277: {  	v62 =	vld.idx.msk [tilespmem:v55+s17+$0x0], $0xffff;
	[tilespmem:s0+$0x1F0] =	vst v13  }
0x278: {  	v5 =	vld.idx.msk [tilespmem:v5+s17+$0x0], $0xffff;
	[tilespmem:s0+$0x120] =	vst v12  }
0x279: {  	[tilespmem:s0+$0x60] =	vst v9;
	v8 =	vld.idx.msk [tilespmem:v8+s17+$0x0], $0xffff  }
0x27a: {  	v4 =	vld.idx.msk [tilespmem:v4+s17+$0x0], $0xffff;
	[tilespmem:s0+$0x20] =	vst v57  }
0x27b: {  	[tilespmem:s0+$0x170] =	vst v61;
	v63 =	vld.idx.msk [tilespmem:v59+s17+$0x0], $0xffff  }
0x27c: {  	[tilespmem:s0+$0xB0] =	vst v62  }
0x27d: {  	[tilespmem:s0+$0x1B0] =	vst v5  }
0x27e: {  	[tilespmem:s0+$0x130] =	vst v8  }
0x27f: {  	s30 =	simm.s32 $0x480;
	[tilespmem:s0+$0x70] =	vst v4  }
0x280: {  	p0 =	por $0x0, $0x0;
	s1 =	simm.s32 $0x0;
	[tilespmem:s0+$0x30] =	vst v63;
	s0 =	simm.s32 $0x0  }
0x281: {  	[tilespmem:s17], [sflag:$0x2] =	stream.indirect.gather [hbm4b:s3+s14], $0x80, s30, s14, $0xb8;
	[tilespmem:$0x15600] =	vst v63  }
.LBB2_10:
0x282: {  	s22 =	sshll.u32 s1, $0x8  }
0x283: {  	s20 =	sadd.s32 $0x400, s22  }
0x284: {  	s25 =	simm.s32 $0x1;
	v4 =	vmov s20  }
0x285: {  	v5 =	vor.u32 s25, v4  }
0x286: {  	s24 =	simm.s32 $0x3;
	v6 =	vor.u32 s0, v4  }
0x287: {  	_ =	swait.ge [sflag:s16], $0x4000;
	s23 =	simm.s32 $0x2;
	v10 =	vor.u32 s24, v4  }
0x288: {  	s26 =	simm.s32 $0x4;
	[sflag:s16] =	ssyncset.done $0x0;
	v12 =	vor.u32 s23, v4  }
0x289: {  	[sflag:s16] =	ssyncadd.s32 $0xFFFFC000;
	v15 =	vor.u32 s26, v4  }
0x28a: {  	v9 =	vld.idx.msk [tilespmem:v5+s13+$0x0], $0xffff  }
0x28b: {  	v6 =	vld.idx.msk [tilespmem:v6+s13+$0x0], $0xffff  }
0x28c: {  	v16 =	vmov s0;
	v8 =	vmov s25;
	v13 =	vmov s23;
	v20 =	vld.idx.msk [tilespmem:v10+s13+$0x0], $0xffff  }
0x28d: {  	s28 =	simm.s32 $0x5;
	s30 =	simm.s32 $0x7;
	v14 =	vmov s26;
	v11 =	vshll.u32 v8, $0x7;
	v8 =	vshll.u32 v16, $0x7;
	v16 =	vld.idx.msk [tilespmem:v12+s13+$0x0], $0xffff  }
0x28e: {  	v7 =	vmov s30;
	v21 =	vmov s28;
	v22 =	vmov s24;
	v12 =	vld.idx.msk [tilespmem:v15+s13+$0x0], $0xffff  }
0x28f: {  	s29 =	simm.s32 $0x6;
	v7 =	vshll.u32 v7, $0x7;
	v22 =	vshll.u32 v22, $0x7;
	v21 =	vshll.u32 v21, $0x7  }
0x290: {  	v17 =	vor.u32 s28, v4;
	v18 =	vor.u32 s29, v4;
	v5 =	vmov s29  }
0x291: {  	v19 =	vor.u32 s30, v4;
	v5 =	vshll.u32 v5, $0x7;
	v10 =	vadd.s32 v0, v9  }
0x292: {  	v23 =	vadd.s32 v1, v6;
	v15 =	vadd.s32 v1, v9;
	v27 =	vadd.s32 v3, v20  }
0x293: {  	v28 =	vadd.s32 v0, v20;
	v30 =	vadd.s32 v0, v12;
	v24 =	vand.u32 $0xFFFFFFF8, v10  }
0x294: {  	v33 =	vadd.s32 v0, v6;
	v25 =	vand.u32 $0x7, v10;
	v24 =	vadd.s32 v11, v24  }
0x295: {  	v26 =	vand.u32 $0xFFFFFFF8, v15;
	v24 =	vor.u32 v25, v24;
	v25 =	vand.u32 $0x7, v15  }
0x296: {  	v15 =	vshll.u32 v13, $0x7;
	v13 =	vshll.u32 v14, $0x7;
	v14 =	vadd.s32 v0, v16  }
0x297: {  	v17 =	vld.idx.msk [tilespmem:v17+s13+$0x0], $0xffff;
	v32 =	vand.u32 $0xFFFFFFF8, v30;
	v30 =	vand.u32 $0x7, v30;
	v29 =	vand.u32 $0xFFFFFFF8, v14  }
0x298: {  	v31 =	vand.u32 $0x7, v14;
	v14 =	vand.u32 $0xFFFFFFF8, v28;
	v32 =	vadd.s32 v13, v32  }
0x299: {  	v18 =	vld.idx.msk [tilespmem:v18+s13+$0x0], $0xffff;
	v28 =	vand.u32 $0x7, v28;
	v34 =	vadd.s32 v22, v14;
	v30 =	vor.u32 v30, v32  }
0x29a: {  	v62 =	vadd.s32 v2, v9;
	v29 =	vadd.s32 v15, v29;
	v28 =	vor.u32 v28, v34  }
0x29b: {  	v63 =	vadd.s32 v1, v16;
	v35 =	vadd.s32 v1, v20;
	v14 =	vld.idx.msk [tilespmem:v19+s13+$0x0], $0xffff;
	v29 =	vor.u32 v31, v29  }
0x29c: {  	v44 =	vadd.s32 v1, v17;
	v26 =	vadd.s32 v11, v26;
	v19 =	vand.u32 $0xFFFFFFF8, v33;
	v24 =	vld.idx.msk [tilespmem:v24+s15+$0x0], $0xffff  }
0x29d: {  	s20 =	simm.s32 $0x1;
	v61 =	vand.u32 $0x7, v33;
	v25 =	vor.u32 v25, v26;
	v19 =	vadd.s32 v8, v19  }
0x29e: {  	s20 =	simm.s32 @!p0 $0x0;
	v48 =	vadd.s32 v2, v16;
	v51 =	vadd.s32 v1, v18;
	v19 =	vor.u32 v61, v19;
	v30 =	vld.idx.msk [tilespmem:v30+s15+$0x0], $0xffff  }
0x29f: {  	s20 =	sshll.u32 s20, $0xE;
	v52 =	vadd.s32 v2, v17;
	v56 =	vadd.s32 v3, v17;
	v37 =	vand.u32 $0xFFFFFFF8, v62;
	v28 =	vld.idx.msk [tilespmem:v28+s15+$0x0], $0xffff  }
0x2a0: {  	s23 =	sadd.s32 $0xD7F0, s20;
	v39 =	vand.u32 $0xFFFFFFF8, v63;
	v36 =	vand.u32 $0xFFFFFFF8, v35;
	v26 =	vand.u32 $0xFFFFFFF8, v23;
	v29 =	vld.idx.msk [tilespmem:v29+s15+$0x0], $0xffff  }
0x2a1: {  	v23 =	vand.u32 $0x7, v23;
	v32 =	vadd.s32 v11, v37;
	v37 =	vadd.s32 v0, v18;
	[tilespmem:s23+$0xFFFFFE50] =	vst.add.f32.msk $0xffff, v24  }
0x2a2: {  	v33 =	vand.u32 $0x7, v63;
	v31 =	vand.u32 $0x7, v62;
	v24 =	vadd.s32 v0, v17;
	v25 =	vld.idx.msk [tilespmem:v25+s15+$0x0], $0xffff  }
0x2a3: {  	v31 =	vor.u32 v31, v32;
	v32 =	vadd.s32 v15, v39;
	v19 =	vld.idx.msk [tilespmem:v19+s15+$0x0], $0xffff;
	v38 =	vand.u32 $0xFFFFFFF8, v24  }
0x2a4: {  	v32 =	vor.u32 v33, v32;
	v24 =	vand.u32 $0x7, v24;
	v34 =	vadd.s32 v21, v38;
	[tilespmem:s23+$0xFFFFFF10] =	vst.add.f32.msk $0xffff, v30  }
0x2a5: {  	v26 =	vadd.s32 v8, v26;
	v38 =	vand.u32 $0xFFFFFFF8, v37;
	v24 =	vor.u32 v24, v34;
	[tilespmem:s23+$0xFFFFFED0] =	vst.add.f32.msk $0xffff, v28  }
0x2a6: {  	v17 =	vor.u32 v23, v26;
	v37 =	vand.u32 $0x7, v37;
	v43 =	vadd.s32 v5, v38;
	[tilespmem:s23+$0xFFFFFE90] =	vst.add.f32.msk $0xffff, v29  }
0x2a7: {  	v36 =	vadd.s32 v22, v36;
	v45 =	vor.u32 v37, v43;
	[tilespmem:s23+$0xFFFFFE60] =	vst.add.f32.msk $0xffff, v25;
	v25 =	vand.u32 $0x7, v35  }
0x2a8: {  	v53 =	vadd.s32 v2, v18;
	v40 =	vand.u32 $0xFFFFFFF8, v27;
	[tilespmem:s23+$0xFFFFFE10] =	vst.add.f32.msk $0xffff, v19;
	v25 =	vor.u32 v25, v36  }
0x2a9: {  	v46 =	vand.u32 $0xFFFFFFF8, v44;
	v33 =	vand.u32 $0x7, v44;
	v19 =	vadd.s32 v2, v20;
	v32 =	vld.idx.msk [tilespmem:v32+s15+$0x0], $0xffff  }
0x2aa: {  	v34 =	vadd.s32 v22, v40;
	v20 =	vadd.s32 v21, v46;
	v47 =	vand.u32 $0xFFFFFFF8, v19;
	v24 =	vld.idx.msk [tilespmem:v24+s15+$0x0], $0xffff  }
0x2ab: {  	v20 =	vor.u32 v33, v20;
	v19 =	vand.u32 $0x7, v19;
	v59 =	vld.idx.msk [tilespmem:v17+s15+$0x0], $0xffff;
	v22 =	vadd.s32 v22, v47  }
0x2ac: {  	v60 =	vadd.s32 v3, v9;
	v50 =	vand.u32 $0xFFFFFFF8, v48;
	v19 =	vor.u32 v19, v22;
	v22 =	vld.idx.msk [tilespmem:v45+s15+$0x0], $0xffff  }
0x2ad: {  	v54 =	vand.u32 $0xFFFFFFF8, v51;
	v55 =	vand.u32 $0xFFFFFFF8, v52;
	v41 =	vadd.s32 v0, v14;
	v25 =	vld.idx.msk [tilespmem:v25+s15+$0x0], $0xffff  }
0x2ae: {  	v27 =	vand.u32 $0x7, v27;
	v9 =	vand.u32 $0xFFFFFFF8, v60;
	v35 =	vand.u32 $0xFFFFFFF8, v41;
	v31 =	vld.idx.msk [tilespmem:v31+s15+$0x0], $0xffff  }
0x2af: {  	v16 =	vadd.s32 v3, v16;
	v42 =	vand.u32 $0x7, v41;
	v35 =	vadd.s32 v7, v35;
	[tilespmem:s23+$0xFFFFFF50] =	vst.add.f32.msk $0xffff, v24  }
0x2b0: {  	v58 =	vand.u32 $0x7, v16;
	v18 =	vadd.s32 v3, v18;
	v30 =	vor.u32 v42, v35;
	v20 =	vld.idx.msk [tilespmem:v20+s15+$0x0], $0xffff  }
0x2b1: {  	v49 =	vadd.s32 v1, v14;
	v29 =	vand.u32 $0x7, v48;
	v35 =	vadd.s32 v15, v50;
	[tilespmem:s23+$0xFFFFFF90] =	vst.add.f32.msk $0xffff, v22  }
0x2b2: {  	v39 =	vand.u32 $0xFFFFFFF8, v49;
	v29 =	vor.u32 v29, v35;
	v35 =	vadd.s32 v5, v54;
	[tilespmem:s23+$0xFFFFFEE0] =	vst.add.f32.msk $0xffff, v25  }
0x2b3: {  	v24 =	vand.u32 $0xFFFFFFF8, v53;
	v22 =	vand.u32 $0x7, v51;
	v23 =	vld.idx.msk [tilespmem:v19+s15+$0x0], $0xffff;
	v19 =	vand.u32 $0xFFFFFFF8, v56  }
0x2b4: {  	[tilespmem:s23+$0xFFFFFEA0] =	vst.add.f32.msk $0xffff, v32;
	v25 =	vadd.s32 v21, v55;
	v57 =	vadd.s32 v21, v19;
	v21 =	vor.u32 v27, v34  }
0x2b5: {  	v30 =	vld.idx.msk [tilespmem:v30+s15+$0x0], $0xffff;
	v28 =	vor.u32 v22, v35;
	v27 =	vadd.s32 v5, v24;
	v19 =	vand.u32 $0x7, v52  }
0x2b6: {  	[tilespmem:s23+$0xFFFFFF60] =	vst.add.f32.msk $0xffff, v20;
	v20 =	vor.u32 v19, v25;
	v25 =	vadd.s32 v7, v39;
	v19 =	vand.u32 $0xFFFFFFF8, v18  }
0x2b7: {  	v29 =	vld.idx.msk [tilespmem:v29+s15+$0x0], $0xffff;
	v19 =	vadd.s32 v5, v19;
	v5 =	vand.u32 $0xFFFFFFF8, v16;
	v16 =	vand.u32 $0x7, v49  }
0x2b8: {  	v10 =	vadd.s32 v2, v6;
	v63 =	vadd.s32 v11, v9;
	v16 =	vor.u32 v16, v25;
	[tilespmem:s23+$0xFFFFFEF0] =	vst.add.f32.msk $0xffff, v23  }
0x2b9: {  	v9 =	vadd.s32 v3, v12;
	v24 =	vadd.s32 v2, v14;
	v5 =	vadd.s32 v15, v5;
	v15 =	vld.idx.msk [tilespmem:v21+s15+$0x0], $0xffff  }
0x2ba: {  	v26 =	vand.u32 $0x7, v53;
	v22 =	vand.u32 $0x7, v18;
	[tilespmem:s23+$0xFFFFFFD0] =	vst.add.f32.msk $0xffff, v30;
	v17 =	vand.u32 $0xFFFFFFF8, v24  }
0x2bb: {  	v14 =	vadd.s32 v3, v14;
	v18 =	vadd.s32 v1, v12;
	v28 =	vld.idx.msk [tilespmem:v28+s15+$0x0], $0xffff;
	v23 =	vadd.s32 v7, v17  }
0x2bc: {  	v17 =	vand.u32 $0xFFFFFFF8, v10;
	v21 =	vadd.s32 v2, v12;
	v25 =	vld.idx.msk [tilespmem:v20+s15+$0x0], $0xffff;
	v20 =	vand.u32 $0xFFFFFFF8, v18  }
0x2bd: {  	v61 =	vadd.s32 v8, v17;
	v17 =	vand.u32 $0xFFFFFFF8, v21;
	v62 =	vadd.s32 v13, v20;
	v11 =	vld.idx.msk [tilespmem:v16+s15+$0x0], $0xffff  }
0x2be: {  	v20 =	vadd.s32 v13, v17;
	v16 =	vadd.s32 v3, v6;
	[tilespmem:s23+$0xFFFFFF00] =	vst.add.f32.msk $0xffff, v15;
	v15 =	vand.u32 $0xFFFFFFF8, v14  }
0x2bf: {  	[tilespmem:s23+$0xFFFFFE20] =	vst.add.f32.msk $0xffff, v59;
	v6 =	vor.u32 v26, v27;
	v15 =	vadd.s32 v7, v15;
	v7 =	vand.u32 $0xFFFFFFF8, v9  }
0x2c0: {  	[tilespmem:s23+$0xFFFFFE70] =	vst.add.f32.msk $0xffff, v31;
	v17 =	vand.u32 $0xFFFFFFF8, v16;
	v13 =	vadd.s32 v13, v7;
	v7 =	vand.u32 $0x7, v56  }
0x2c1: {  	[tilespmem:s23+$0xFFFFFEB0] =	vst.add.f32.msk $0xffff, v29;
	v17 =	vadd.s32 v8, v17;
	v8 =	vand.u32 $0x7, v10;
	v12 =	vor.u32 v7, v57  }
0x2c2: {  	[tilespmem:s23+$0xFFFFFFA0] =	vst.add.f32.msk $0xffff, v28;
	v10 =	vor.u32 v8, v61  }
0x2c3: {  	s25 =	sshll.u32 s1, $0x1;
	v18 =	vand.u32 $0x7, v18;
	[tilespmem:s23+$0xFFFFFF70] =	vst.add.f32.msk $0xffff, v25;
	v7 =	vand.u32 $0x7, v60  }
0x2c4: {  	s26 =	simm.s32 $0x8;
	s20 =	sadd.s32 $0xF7F0, s20;
	s24 =	smov.u32 s23;
	v5 =	vor.u32 v58, v5;
	v6 =	vld.idx.msk [tilespmem:v6+s15+$0x0], $0xffff;
	v8 =	vor.u32 v7, v63;
	v7 =	vor.u32 v18, v62  }
.LBB2_11:
0x2c5: {  	s29 =	sadd.s32 $0x1, s26  }
0x2c6: {  	v18 =	vor.u32 s26, v4;
	v25 =	vld.idx.msk [tilespmem:v12+s15+$0x0], $0xffff;
	v12 =	vand.u32 $0x7, v24;
	s23 =	sadd.s32 $0x200, s23;
	s30 =	smov.u32 s26;
	s28 =	sadd.s32 $0x8, s26  }
0x2c7: {  	p1 =	slt.u32 s26, $0x78;
	v24 =	vmov s29;
	v26 =	vor.u32 s29, v4;
	s29 =	sadd.s32 $0x2, s30;
	v27 =	vld.idx.msk [tilespmem:v10+s15+$0x0], $0xffff;
	v10 =	vor.u32 v22, v19  }
0x2c8: {  	s26 =	sadd.s32 $0x3, s30;
	v28 =	vmov s29;
	v22 =	vor.u32 s29, v4;
	[tilespmem:s24+$0xFFFFFFE0] =	vst.add.f32.msk $0xffff, v11;
	v11 =	vor.u32 v12, v23  }
0x2c9: {  	v19 =	vor.u32 s26, v4;
	s29 =	sadd.s32 $0x4, s30;
	v23 =	vld.idx.msk [tilespmem:v8+s15+$0x0], $0xffff  }
0x2ca: {  	v29 =	vmov s29;
	v30 =	vor.u32 s29, v4;
	s29 =	sadd.s32 $0x5, s30;
	v31 =	vld.idx.msk [tilespmem:v7+s15+$0x0], $0xffff  }
0x2cb: {  	s4 =	sadd.s32 $0x6, s30;
	v32 =	vor.u32 s29, v4;
	[tilespmem:s24+$0xFFFFFFB0] =	vst.add.f32.msk $0xffff, v6  }
0x2cc: {  	v33 =	vor.u32 s4, v4;
	v6 =	vmov s4;
	s4 =	sadd.s32 $0x7, s30;
	v34 =	vld.idx.msk [tilespmem:v10+s15+$0x0], $0xffff  }
0x2cd: {  	v7 =	vmov s4;
	v35 =	vor.u32 s4, v4;
	v36 =	vld.idx.msk [tilespmem:v11+s15+$0x0], $0xffff  }
0x2ce: {  	v7 =	vshll.u32 v7, $0x7;
	v8 =	vld.idx.msk [tilespmem:v18+s13+$0x0], $0xffff  }
0x2cf: {  	v9 =	vand.u32 $0x7, v9;
	v12 =	vld.idx.msk [tilespmem:v26+s13+$0x0], $0xffff  }
0x2d0: {  	v10 =	vand.u32 $0x7, v21;
	v11 =	vshll.u32 v24, $0x7;
	v26 =	vor.u32 v9, v13;
	[tilespmem:s24+$0xFFFFFE80] =	vst.add.f32.msk $0xffff, v23  }
0x2d1: {  	v9 =	vmov s30;
	v13 =	vand.u32 $0x7, v16;
	v16 =	vor.u32 v10, v20;
	v37 =	vld.idx.msk [tilespmem:v19+s13+$0x0], $0xffff  }
0x2d2: {  	v18 =	vmov s29;
	v9 =	vshll.u32 v9, $0x7;
	v19 =	vshll.u32 v6, $0x7;
	[tilespmem:s24+$0xFFFFFF20] =	vst.add.f32.msk $0xffff, v31  }
0x2d3: {  	v20 =	vmov s26;
	v23 =	vor.u32 v13, v17;
	v13 =	vand.u32 $0x7, v14;
	v10 =	vld.idx.msk [tilespmem:v30+s13+$0x0], $0xffff  }
0x2d4: {  	v14 =	vadd.s32 v1, v8;
	v6 =	vadd.s32 v2, v8;
	[tilespmem:s24+$0xFFFFFE30] =	vst.add.f32.msk $0xffff, v27;
	v27 =	vor.u32 v13, v15  }
0x2d5: {  	v30 =	vshll.u32 v20, $0x7;
	v13 =	vadd.s32 v0, v12;
	v15 =	vadd.s32 v1, v12;
	v22 =	vld.idx.msk [tilespmem:v22+s13+$0x0], $0xffff  }
0x2d6: {  	v17 =	vand.u32 $0xFFFFFFF8, v13;
	v20 =	vand.u32 $0xFFFFFFF8, v15;
	v24 =	vand.u32 $0x7, v15;
	[tilespmem:s24+$0xFFFFFF80] =	vst.add.f32.msk $0xffff, v25  }
0x2d7: {  	v21 =	vshll.u32 v28, $0x7;
	v20 =	vadd.s32 v11, v20;
	v15 =	vadd.s32 v3, v37;
	v25 =	vld.idx.msk [tilespmem:v16+s15+$0x0], $0xffff  }
0x2d8: {  	v28 =	vand.u32 $0x7, v13;
	v13 =	vshll.u32 v29, $0x7;
	v31 =	vor.u32 v24, v20;
	v16 =	vld.idx.msk [tilespmem:v35+s13+$0x0], $0xffff  }
0x2d9: {  	v29 =	vadd.s32 v11, v17;
	v20 =	vand.u32 $0xFFFFFFF8, v14;
	v17 =	vand.u32 $0xFFFFFFF8, v15;
	v24 =	vld.idx.msk [tilespmem:v33+s13+$0x0], $0xffff  }
0x2da: {  	v20 =	vadd.s32 v9, v20;
	v17 =	vadd.s32 v30, v17;
	v33 =	vadd.s32 v2, v12;
	v32 =	vld.idx.msk [tilespmem:v32+s13+$0x0], $0xffff  }
0x2db: {  	v28 =	vor.u32 v28, v29;
	v29 =	vadd.s32 v0, v22;
	v35 =	vadd.s32 v1, v22;
	v38 =	vld.idx.msk [tilespmem:v23+s15+$0x0], $0xffff  }
0x2dc: {  	v41 =	vshll.u32 v18, $0x7;
	v40 =	vadd.s32 v0, v37;
	v39 =	vand.u32 $0xFFFFFFF8, v35;
	[tilespmem:s24+$0xFFFFFFC0] =	vst.add.f32.msk $0xffff, v34  }
0x2dd: {  	v23 =	vadd.s32 v2, v22;
	v34 =	vand.u32 $0xFFFFFFF8, v29;
	v29 =	vand.u32 $0x7, v29;
	[tilespmem:s24+$0xFFFFFFF0] =	vst.add.f32.msk $0xffff, v36  }
0x2de: {  	v36 =	vadd.s32 v21, v39;
	v39 =	vand.u32 $0xFFFFFFF8, v40;
	v42 =	vadd.s32 v0, v16;
	[tilespmem:s24+$0xFFFFFF30] =	vst.add.f32.msk $0xffff, v25  }
0x2df: {  	v18 =	vadd.s32 v1, v16;
	v25 =	vadd.s32 v0, v10;
	v43 =	vadd.s32 v0, v24;
	v27 =	vld.idx.msk [tilespmem:v27+s15+$0x0], $0xffff  }
0x2e0: {  	v44 =	vadd.s32 v0, v8;
	v46 =	vand.u32 $0x7, v42;
	v45 =	vadd.s32 v0, v32;
	v5 =	vld.idx.msk [tilespmem:v5+s15+$0x0], $0xffff  }
0x2e1: {  	v47 =	vand.u32 $0xFFFFFFF8, v44;
	v49 =	vadd.s32 v1, v24;
	v48 =	vand.u32 $0xFFFFFFF8, v25;
	v26 =	vld.idx.msk [tilespmem:v26+s15+$0x0], $0xffff  }
0x2e2: {  	v39 =	vadd.s32 v30, v39;
	v25 =	vand.u32 $0x7, v25;
	v48 =	vadd.s32 v13, v48;
	v28 =	vld.idx.msk [tilespmem:v28+s15+$0x0], $0xffff  }
0x2e3: {  	v34 =	vadd.s32 v21, v34;
	v48 =	vor.u32 v25, v48;
	v25 =	vadd.s32 v2, v32;
	[tilespmem:s24+$0xFFFFFE40] =	vst.add.f32.msk $0xffff, v38  }
0x2e4: {  	v35 =	vand.u32 $0x7, v35;
	v50 =	vand.u32 $0xFFFFFFF8, v43;
	v38 =	vand.u32 $0x7, v33  }
0x2e5: {  	v51 =	vadd.s32 v1, v37;
	v50 =	vadd.s32 v19, v50;
	v33 =	vand.u32 $0xFFFFFFF8, v33;
	[tilespmem:s24+$0x0] =	vst.add.f32.msk $0xffff, v27  }
0x2e6: {  	v37 =	vadd.s32 v2, v37;
	v27 =	vand.u32 $0x7, v40;
	v40 =	vand.u32 $0x7, v43;
	[tilespmem:s24+$0xFFFFFEC0] =	vst.add.f32.msk $0xffff, v5  }
0x2e7: {  	v5 =	vor.u32 v27, v39;
	v27 =	vand.u32 $0xFFFFFFF8, v51;
	v39 =	vadd.s32 v2, v24;
	[tilespmem:s24+$0xFFFFFF40] =	vst.add.f32.msk $0xffff, v26;
	s24 =	smov.u32 s23  }
0x2e8: {  	v43 =	vadd.s32 v9, v47;
	v26 =	vand.u32 $0x7, v44;
	[tilespmem:s23+$0xFFFFFE50] =	vst.add.f32.msk $0xffff, v28;
	v28 =	vor.u32 v29, v34  }
0x2e9: {  	v26 =	vor.u32 v26, v43;
	v29 =	vand.u32 $0xFFFFFFF8, v45;
	v34 =	vand.u32 $0xFFFFFFF8, v42  }
0x2ea: {  	v42 =	vadd.s32 v1, v32;
	v43 =	vand.u32 $0xFFFFFFF8, v39;
	v29 =	vadd.s32 v41, v29;
	v31 =	vld.idx.msk [tilespmem:v31+s15+$0x0], $0xffff  }
0x2eb: {  	v27 =	vadd.s32 v30, v27;
	v47 =	vand.u32 $0xFFFFFFF8, v42;
	v44 =	vld.idx.msk [tilespmem:v48+s15+$0x0], $0xffff;
	v48 =	vand.u32 $0xFFFFFFF8, v49  }
0x2ec: {  	v52 =	vand.u32 $0xFFFFFFF8, v37;
	v53 =	vand.u32 $0xFFFFFFF8, v25;
	v33 =	vadd.s32 v11, v33;
	v5 =	vld.idx.msk [tilespmem:v5+s15+$0x0], $0xffff  }
0x2ed: {  	v33 =	vor.u32 v38, v33;
	v38 =	vand.u32 $0x7, v45;
	v45 =	vadd.s32 v19, v48;
	v28 =	vld.idx.msk [tilespmem:v28+s15+$0x0], $0xffff  }
0x2ee: {  	v29 =	vor.u32 v38, v29;
	v38 =	vadd.s32 v41, v47;
	v47 =	vand.u32 $0xFFFFFFF8, v18  }
0x2ef: {  	v30 =	vadd.s32 v30, v52;
	v39 =	vand.u32 $0x7, v39;
	v48 =	vadd.s32 v41, v53;
	v26 =	vld.idx.msk [tilespmem:v26+s15+$0x0], $0xffff  }
0x2f0: {  	v32 =	vadd.s32 v3, v32;
	v34 =	vadd.s32 v7, v34;
	[tilespmem:s23+$0xFFFFFE60] =	vst.add.f32.msk $0xffff, v31;
	v31 =	vand.u32 $0x7, v51  }
0x2f1: {  	v34 =	vor.u32 v46, v34;
	v27 =	vor.u32 v31, v27;
	[tilespmem:s23+$0xFFFFFF10] =	vst.add.f32.msk $0xffff, v44;
	v31 =	vand.u32 $0xFFFFFFF8, v32  }
0x2f2: {  	v22 =	vadd.s32 v3, v22;
	v33 =	vld.idx.msk [tilespmem:v33+s15+$0x0], $0xffff;
	v31 =	vadd.s32 v41, v31;
	v41 =	vadd.s32 v19, v43  }
0x2f3: {  	v35 =	vor.u32 v35, v36;
	v36 =	vand.u32 $0x7, v22;
	v43 =	vadd.s32 v7, v47;
	v29 =	vld.idx.msk [tilespmem:v29+s15+$0x0], $0xffff  }
0x2f4: {  	v40 =	vor.u32 v40, v50;
	v24 =	vadd.s32 v3, v24;
	[tilespmem:s23+$0xFFFFFED0] =	vst.add.f32.msk $0xffff, v5;
	v5 =	vand.u32 $0x7, v49  }
0x2f5: {  	[tilespmem:s23+$0xFFFFFE10] =	vst.add.f32.msk $0xffff, v26;
	v26 =	vand.u32 $0xFFFFFFF8, v23;
	v44 =	vor.u32 v5, v45;
	v5 =	vand.u32 $0xFFFFFFF8, v24  }
0x2f6: {  	v42 =	vand.u32 $0x7, v42;
	v26 =	vadd.s32 v21, v26;
	v27 =	vld.idx.msk [tilespmem:v27+s15+$0x0], $0xffff;
	v19 =	vadd.s32 v19, v5  }
0x2f7: {  	v5 =	vand.u32 $0xFFFFFFF8, v22;
	v22 =	vand.u32 $0x7, v24;
	[tilespmem:s23+$0xFFFFFE90] =	vst.add.f32.msk $0xffff, v28;
	v28 =	vor.u32 v42, v38  }
0x2f8: {  	v24 =	vadd.s32 v2, v16;
	v5 =	vadd.s32 v21, v5;
	v21 =	vand.u32 $0x7, v37;
	v35 =	vld.idx.msk [tilespmem:v35+s15+$0x0], $0xffff  }
0x2f9: {  	v5 =	vor.u32 v36, v5;
	v30 =	vor.u32 v21, v30;
	v21 =	vand.u32 $0xFFFFFFF8, v24;
	v36 =	vld.idx.msk [tilespmem:v40+s15+$0x0], $0xffff  }
0x2fa: {  	v37 =	vand.u32 $0x7, v23;
	v38 =	vadd.s32 v1, v10;
	v23 =	vadd.s32 v7, v21;
	v34 =	vld.idx.msk [tilespmem:v34+s15+$0x0], $0xffff  }
0x2fb: {  	v26 =	vor.u32 v37, v26;
	v37 =	vand.u32 $0xFFFFFFF8, v38;
	v21 =	vand.u32 $0xFFFFFFF8, v6;
	[tilespmem:s23+$0xFFFFFF50] =	vst.add.f32.msk $0xffff, v29  }
0x2fc: {  	v40 =	vadd.s32 v3, v12;
	v37 =	vadd.s32 v13, v37;
	v29 =	vadd.s32 v9, v21;
	v12 =	vld.idx.msk [tilespmem:v28+s15+$0x0], $0xffff  }
0x2fd: {  	v14 =	vand.u32 $0x7, v14;
	v21 =	vadd.s32 v2, v10;
	v28 =	vand.u32 $0xFFFFFFF8, v40;
	[tilespmem:s23+$0xFFFFFEE0] =	vst.add.f32.msk $0xffff, v27  }
0x2fe: {  	v27 =	vor.u32 v14, v20;
	v28 =	vadd.s32 v11, v28;
	v14 =	vand.u32 $0xFFFFFFF8, v21;
	v11 =	vld.idx.msk [tilespmem:v30+s15+$0x0], $0xffff  }
0x2ff: {  	v15 =	vand.u32 $0x7, v15;
	v20 =	vadd.s32 v13, v14;
	v14 =	vadd.s32 v3, v16;
	[tilespmem:s23+$0xFFFFFEA0] =	vst.add.f32.msk $0xffff, v35  }
0x300: {  	v16 =	vadd.s32 v3, v8;
	v8 =	vld.idx.msk [tilespmem:v26+s15+$0x0], $0xffff;
	v26 =	vor.u32 v15, v17;
	v15 =	vand.u32 $0xFFFFFFF8, v14  }
0x301: {  	v25 =	vand.u32 $0x7, v25;
	v17 =	vand.u32 $0xFFFFFFF8, v16;
	[tilespmem:s23+$0xFFFFFF90] =	vst.add.f32.msk $0xffff, v36;
	v15 =	vadd.s32 v7, v15  }
0x302: {  	v17 =	vadd.s32 v9, v17;
	v9 =	vadd.s32 v3, v10;
	v7 =	vor.u32 v25, v48;
	[tilespmem:s23+$0xFFFFFF60] =	vst.add.f32.msk $0xffff, v12  }
0x303: {  	v10 =	vand.u32 $0xFFFFFFF8, v9;
	v25 =	vld.idx.msk [tilespmem:v27+s15+$0x0], $0xffff  }
0x304: {  	v13 =	vadd.s32 v13, v10;
	v10 =	vand.u32 $0x7, v18;
	[tilespmem:s23+$0xFFFFFEF0] =	vst.add.f32.msk $0xffff, v11  }
0x305: {  	v10 =	vor.u32 v10, v43;
	v12 =	vld.idx.msk [tilespmem:v26+s15+$0x0], $0xffff  }
0x306: {  	[tilespmem:s23+$0xFFFFFE70] =	vst.add.f32.msk $0xffff, v33  }
0x307: {  	v7 =	vld.idx.msk [tilespmem:v7+s15+$0x0], $0xffff  }
0x308: {  	v18 =	vld.idx.msk [tilespmem:v44+s15+$0x0], $0xffff  }
0x309: {  	[tilespmem:s23+$0xFFFFFFD0] =	vst.add.f32.msk $0xffff, v34  }
0x30a: {  	v11 =	vld.idx.msk [tilespmem:v10+s15+$0x0], $0xffff  }
0x30b: {  	v26 =	vor.u32 v39, v41;
	v10 =	vand.u32 $0x7, v32;
	[tilespmem:s23+$0xFFFFFF00] =	vst.add.f32.msk $0xffff, v12  }
.Ltmp4:
0x30c: {  	v6 =	vand.u32 $0x7, v6;
	v12 =	vor.u32 v10, v31;
	[tilespmem:s23+$0xFFFFFEB0] =	vst.add.f32.msk $0xffff, v8;
	(pc) =	sbr.rel @p1 .LBB2_11-.Ltmp4, $4  }
0x30d: {  	v10 =	vor.u32 v6, v29;
	[tilespmem:s23+$0xFFFFFF70] =	vst.add.f32.msk $0xffff, v7  }
0x30e: {  	v6 =	vand.u32 $0x7, v40;
	[tilespmem:s23+$0xFFFFFE20] =	vst.add.f32.msk $0xffff, v25  }
0x30f: {  	v8 =	vor.u32 v6, v28;
	v6 =	vand.u32 $0x7, v38;
	[tilespmem:s23+$0xFFFFFFA0] =	vst.add.f32.msk $0xffff, v18  }
0x310: {  	s26 =	smov.u32 s28;
	v7 =	vor.u32 v6, v37;
	v6 =	vld.idx.msk [tilespmem:v26+s15+$0x0], $0xffff  }
0x311: {  	_ =	sdelay $0x3  }
0x312: {  	v4 =	vld.idx.msk [tilespmem:v12+s15+$0x0], $0xffff  }
0x313: {  	v10 =	vld.idx.msk [tilespmem:v10+s15+$0x0], $0xffff  }
0x314: {  	v18 =	vor.u32 v22, v19;
	[tilespmem:s24+$0xFFFFFFE0] =	vst.add.f32.msk $0xffff, v11  }
0x315: {  	v8 =	vld.idx.msk [tilespmem:v8+s15+$0x0], $0xffff  }
0x316: {  	v12 =	vand.u32 $0x7, v24;
	v7 =	vld.idx.msk [tilespmem:v7+s15+$0x0], $0xffff  }
0x317: {  	v5 =	vld.idx.msk [tilespmem:v5+s15+$0x0], $0xffff;
	v11 =	vor.u32 v12, v23;
	v12 =	vand.u32 $0x7, v21  }
0x318: {  	[tilespmem:s24+$0xFFFFFFB0] =	vst.add.f32.msk $0xffff, v6;
	v6 =	vor.u32 v12, v20  }
0x319: {  	v12 =	vld.idx.msk [tilespmem:v18+s15+$0x0], $0xffff  }
0x31a: {  	v16 =	vand.u32 $0x7, v16;
	[tilespmem:s24+$0xFFFFFE80] =	vst.add.f32.msk $0xffff, v8  }
0x31b: {  	v8 =	vor.u32 v16, v17;
	[tilespmem:s24+$0xFFFFFF20] =	vst.add.f32.msk $0xffff, v7  }
0x31c: {  	v11 =	vld.idx.msk [tilespmem:v11+s15+$0x0], $0xffff  }
0x31d: {  	v7 =	vand.u32 $0x7, v14;
	v6 =	vld.idx.msk [tilespmem:v6+s15+$0x0], $0xffff  }
0x31e: {  	v9 =	vand.u32 $0x7, v9;
	[tilespmem:s24+$0xFFFFFE30] =	vst.add.f32.msk $0xffff, v10;
	v7 =	vor.u32 v7, v15  }
0x31f: {  	[tilespmem:s24+$0xFFFFFF80] =	vst.add.f32.msk $0xffff, v4;
	v4 =	vor.u32 v9, v13  }
0x320: {  	v8 =	vld.idx.msk [tilespmem:v8+s15+$0x0], $0xffff  }
0x321: {  	[tilespmem:s24+$0xFFFFFFF0] =	vst.add.f32.msk $0xffff, v11  }
0x322: {  	[tilespmem:s24+$0xFFFFFF30] =	vst.add.f32.msk $0xffff, v6  }
0x323: {  	v6 =	vld.idx.msk [tilespmem:v7+s15+$0x0], $0xffff  }
0x324: {  	v7 =	vld.idx.msk [tilespmem:v4+s15+$0x0], $0xffff  }
0x325: {  	[tilespmem:s24+$0xFFFFFEC0] =	vst.add.f32.msk $0xffff, v5  }
0x326: {  	s4 =	sshll.u32 s25, $0x7;
	[tilespmem:s24+$0xFFFFFFC0] =	vst.add.f32.msk $0xffff, v12  }
0x327: {  	s4 =	sadd.s32 $0x480, s4;
	[tilespmem:s24+$0xFFFFFE40] =	vst.add.f32.msk $0xffff, v8  }
0x328: {  	s22 =	sand.u32 $0x3FFFFF00, s22;
	s29 =	simm.s32 $0x1;
	v4 =	vmov s4;
	[tilespmem:s24+$0x0] =	vst.add.f32.msk $0xffff, v6  }
0x329: {  	s30 =	simm.s32 $0x2;
	s25 =	simm.s32 $0x3;
	s23 =	sadd.s32 $0x500, s22;
	v5 =	vor.u32 s29, v4;
	[tilespmem:s24+$0xFFFFFF40] =	vst.add.f32.msk $0xffff, v7  }
0x32a: {  	v10 =	vor.u32 s25, v4;
	[tilespmem:s15], [sflag:$0x1] =	stream.indirect.gather [hbm4b:s3+s14], $0x80, s23, s14, $0xb8;
	[tilespmem:$0x15600] =	vst v63  }
0x32b: {  	s26 =	simm.s32 $0x4;
	v12 =	vor.u32 s30, v4;
	_ =	swait.ge [sflag:s18], $0x4000  }
0x32c: {  	v15 =	vor.u32 s26, v4;
	[sflag:s18] =	ssyncset.done $0x0  }
0x32d: {  	s24 =	simm.s32 $0x0;
	[sflag:s18] =	ssyncadd.s32 $0xFFFFC000  }
0x32e: {  	v8 =	vmov s29;
	v19 =	vmov s24;
	v9 =	vld.idx.msk [tilespmem:v5+s13+$0x0], $0xffff  }
0x32f: {  	s28 =	simm.s32 $0x5;
	v21 =	vmov s25;
	v11 =	vshll.u32 v8, $0x7;
	v8 =	vshll.u32 v19, $0x7;
	v19 =	vld.idx.msk [tilespmem:v10+s13+$0x0], $0xffff  }
0x330: {  	v21 =	vshll.u32 v21, $0x7;
	v20 =	vmov s28;
	v23 =	vld.idx.msk [tilespmem:v12+s13+$0x0], $0xffff  }
0x331: {  	v13 =	vmov s30;
	v14 =	vmov s26;
	v20 =	vshll.u32 v20, $0x7;
	s29 =	simm.s32 $0x6;
	s30 =	simm.s32 $0x7;
	v12 =	vld.idx.msk [tilespmem:v15+s13+$0x0], $0xffff  }
0x332: {  	v16 =	vor.u32 s28, v4;
	v17 =	vor.u32 s29, v4;
	v18 =	vor.u32 s30, v4  }
0x333: {  	v7 =	vmov s30;
	v6 =	vor.u32 s24, v4;
	v5 =	vmov s29  }
0x334: {  	v7 =	vshll.u32 v7, $0x7;
	v5 =	vshll.u32 v5, $0x7;
	v10 =	vadd.s32 v0, v9  }
0x335: {  	v15 =	vadd.s32 v1, v9;
	v27 =	vadd.s32 v3, v19;
	v28 =	vadd.s32 v0, v19  }
0x336: {  	v30 =	vadd.s32 v0, v12;
	v62 =	vadd.s32 v2, v9;
	v24 =	vand.u32 $0xFFFFFFF8, v10  }
0x337: {  	v63 =	vadd.s32 v1, v23;
	v25 =	vand.u32 $0x7, v10;
	v24 =	vadd.s32 v11, v24  }
0x338: {  	v16 =	vld.idx.msk [tilespmem:v16+s13+$0x0], $0xffff;
	v26 =	vand.u32 $0xFFFFFFF8, v15;
	v24 =	vor.u32 v25, v24;
	v25 =	vand.u32 $0x7, v15  }
0x339: {  	v6 =	vld.idx.msk [tilespmem:v6+s13+$0x0], $0xffff;
	v15 =	vshll.u32 v13, $0x7;
	v13 =	vshll.u32 v14, $0x7;
	v14 =	vadd.s32 v0, v23  }
0x33a: {  	v32 =	vand.u32 $0xFFFFFFF8, v30;
	v30 =	vand.u32 $0x7, v30;
	v29 =	vand.u32 $0xFFFFFFF8, v14  }
0x33b: {  	v31 =	vand.u32 $0x7, v14;
	v14 =	vand.u32 $0xFFFFFFF8, v28;
	v32 =	vadd.s32 v13, v32  }
0x33c: {  	v17 =	vld.idx.msk [tilespmem:v17+s13+$0x0], $0xffff;
	v28 =	vand.u32 $0x7, v28;
	v34 =	vadd.s32 v21, v14;
	v30 =	vor.u32 v30, v32  }
0x33d: {  	v35 =	vadd.s32 v1, v19;
	v29 =	vadd.s32 v15, v29;
	v28 =	vor.u32 v28, v34  }
0x33e: {  	v44 =	vadd.s32 v1, v16;
	v33 =	vadd.s32 v0, v6;
	v14 =	vld.idx.msk [tilespmem:v18+s13+$0x0], $0xffff;
	v29 =	vor.u32 v31, v29  }
0x33f: {  	v48 =	vadd.s32 v2, v23;
	v26 =	vadd.s32 v11, v26;
	v18 =	vand.u32 $0xFFFFFFF8, v33;
	v24 =	vld.idx.msk [tilespmem:v24+s17+$0x0], $0xffff  }
0x340: {  	v61 =	vand.u32 $0x7, v33;
	v25 =	vor.u32 v25, v26;
	v18 =	vadd.s32 v8, v18  }
0x341: {  	v51 =	vadd.s32 v1, v17;
	v52 =	vadd.s32 v2, v16;
	v18 =	vor.u32 v61, v18;
	v30 =	vld.idx.msk [tilespmem:v30+s17+$0x0], $0xffff  }
0x342: {  	v53 =	vadd.s32 v2, v17;
	v56 =	vadd.s32 v3, v16;
	v60 =	vadd.s32 v3, v9;
	v28 =	vld.idx.msk [tilespmem:v28+s17+$0x0], $0xffff  }
0x343: {  	v22 =	vadd.s32 v1, v6;
	v10 =	vadd.s32 v2, v6;
	v37 =	vand.u32 $0xFFFFFFF8, v62;
	v29 =	vld.idx.msk [tilespmem:v29+s17+$0x0], $0xffff  }
0x344: {  	v39 =	vand.u32 $0xFFFFFFF8, v63;
	v26 =	vand.u32 $0xFFFFFFF8, v22;
	v22 =	vand.u32 $0x7, v22;
	[tilespmem:s20+$0xFFFFFE50] =	vst.add.f32.msk $0xffff, v24  }
0x345: {  	v32 =	vadd.s32 v11, v37;
	v33 =	vand.u32 $0x7, v63;
	v31 =	vand.u32 $0x7, v62;
	v25 =	vld.idx.msk [tilespmem:v25+s17+$0x0], $0xffff  }
0x346: {  	v31 =	vor.u32 v31, v32;
	v32 =	vadd.s32 v15, v39;
	v18 =	vld.idx.msk [tilespmem:v18+s17+$0x0], $0xffff;
	v24 =	vadd.s32 v0, v16  }
0x347: {  	v26 =	vadd.s32 v8, v26;
	v32 =	vor.u32 v33, v32;
	v38 =	vand.u32 $0xFFFFFFF8, v24;
	[tilespmem:s20+$0xFFFFFF10] =	vst.add.f32.msk $0xffff, v30  }
0x348: {  	v16 =	vor.u32 v22, v26;
	v24 =	vand.u32 $0x7, v24;
	v34 =	vadd.s32 v20, v38;
	[tilespmem:s20+$0xFFFFFED0] =	vst.add.f32.msk $0xffff, v28  }
0x349: {  	v36 =	vand.u32 $0xFFFFFFF8, v35;
	v37 =	vadd.s32 v0, v17;
	v24 =	vor.u32 v24, v34;
	[tilespmem:s20+$0xFFFFFE90] =	vst.add.f32.msk $0xffff, v29  }
0x34a: {  	v36 =	vadd.s32 v21, v36;
	v38 =	vand.u32 $0xFFFFFFF8, v37;
	[tilespmem:s20+$0xFFFFFE60] =	vst.add.f32.msk $0xffff, v25;
	v25 =	vand.u32 $0x7, v35  }
0x34b: {  	v37 =	vand.u32 $0x7, v37;
	v43 =	vadd.s32 v5, v38;
	[tilespmem:s20+$0xFFFFFE10] =	vst.add.f32.msk $0xffff, v18;
	v25 =	vor.u32 v25, v36  }
0x34c: {  	v40 =	vand.u32 $0xFFFFFFF8, v27;
	v46 =	vand.u32 $0xFFFFFFF8, v44;
	v45 =	vor.u32 v37, v43;
	v32 =	vld.idx.msk [tilespmem:v32+s17+$0x0], $0xffff  }
0x34d: {  	v50 =	vand.u32 $0xFFFFFFF8, v48;
	v54 =	vand.u32 $0xFFFFFFF8, v51;
	v33 =	vand.u32 $0x7, v44;
	v59 =	vld.idx.msk [tilespmem:v16+s17+$0x0], $0xffff  }
0x34e: {  	v41 =	vadd.s32 v0, v14;
	v18 =	vadd.s32 v2, v19;
	v19 =	vadd.s32 v20, v46;
	v24 =	vld.idx.msk [tilespmem:v24+s17+$0x0], $0xffff  }
0x34f: {  	v34 =	vadd.s32 v21, v40;
	v47 =	vand.u32 $0xFFFFFFF8, v18;
	v19 =	vor.u32 v33, v19;
	v31 =	vld.idx.msk [tilespmem:v31+s17+$0x0], $0xffff  }
0x350: {  	v18 =	vand.u32 $0x7, v18;
	v35 =	vand.u32 $0xFFFFFFF8, v41;
	v21 =	vadd.s32 v21, v47;
	v25 =	vld.idx.msk [tilespmem:v25+s17+$0x0], $0xffff  }
0x351: {  	v42 =	vand.u32 $0x7, v41;
	v35 =	vadd.s32 v7, v35;
	v18 =	vor.u32 v18, v21;
	v21 =	vld.idx.msk [tilespmem:v45+s17+$0x0], $0xffff  }
0x352: {  	v55 =	vand.u32 $0xFFFFFFF8, v52;
	v27 =	vand.u32 $0x7, v27;
	v30 =	vor.u32 v42, v35;
	[tilespmem:s20+$0xFFFFFEA0] =	vst.add.f32.msk $0xffff, v32  }
0x353: {  	v23 =	vadd.s32 v3, v23;
	v29 =	vand.u32 $0x7, v48;
	v35 =	vadd.s32 v15, v50;
	[tilespmem:s20+$0xFFFFFF50] =	vst.add.f32.msk $0xffff, v24  }
0x354: {  	v9 =	vand.u32 $0xFFFFFFF8, v60;
	v58 =	vand.u32 $0x7, v23;
	v29 =	vor.u32 v29, v35;
	v19 =	vld.idx.msk [tilespmem:v19+s17+$0x0], $0xffff  }
0x355: {  	v17 =	vadd.s32 v3, v17;
	v49 =	vadd.s32 v1, v14;
	v22 =	vand.u32 $0xFFFFFFF8, v56;
	[tilespmem:s20+$0xFFFFFEE0] =	vst.add.f32.msk $0xffff, v25  }
0x356: {  	v63 =	vadd.s32 v11, v9;
	v39 =	vand.u32 $0xFFFFFFF8, v49;
	v57 =	vadd.s32 v20, v22;
	v18 =	vld.idx.msk [tilespmem:v18+s17+$0x0], $0xffff  }
0x357: {  	v22 =	vand.u32 $0x7, v52;
	v30 =	vld.idx.msk [tilespmem:v30+s17+$0x0], $0xffff;
	v25 =	vadd.s32 v20, v55;
	v20 =	vor.u32 v27, v34  }
0x358: {  	v35 =	vadd.s32 v5, v54;
	v24 =	vand.u32 $0xFFFFFFF8, v53;
	[tilespmem:s20+$0xFFFFFF90] =	vst.add.f32.msk $0xffff, v21;
	v21 =	vand.u32 $0x7, v51  }
0x359: {  	v16 =	vand.u32 $0x7, v49;
	v29 =	vld.idx.msk [tilespmem:v29+s17+$0x0], $0xffff;
	v28 =	vor.u32 v21, v35;
	v27 =	vadd.s32 v5, v24  }
0x35a: {  	v25 =	vor.u32 v22, v25;
	v22 =	vadd.s32 v7, v39;
	[tilespmem:s20+$0xFFFFFF60] =	vst.add.f32.msk $0xffff, v19;
	v19 =	vand.u32 $0xFFFFFFF8, v17  }
0x35b: {  	v16 =	vor.u32 v16, v22;
	v19 =	vadd.s32 v5, v19;
	v5 =	vand.u32 $0xFFFFFFF8, v23;
	[tilespmem:s20+$0xFFFFFEF0] =	vst.add.f32.msk $0xffff, v18  }
0x35c: {  	v9 =	vadd.s32 v3, v12;
	v24 =	vadd.s32 v2, v14;
	v5 =	vadd.s32 v15, v5;
	v15 =	vld.idx.msk [tilespmem:v20+s17+$0x0], $0xffff  }
0x35d: {  	v26 =	vand.u32 $0x7, v53;
	[tilespmem:s20+$0xFFFFFFD0] =	vst.add.f32.msk $0xffff, v30;
	v22 =	vand.u32 $0x7, v17;
	v17 =	vand.u32 $0xFFFFFFF8, v24  }
0x35e: {  	v21 =	vadd.s32 v2, v12;
	v23 =	vadd.s32 v7, v17;
	v17 =	vand.u32 $0xFFFFFFF8, v10;
	v28 =	vld.idx.msk [tilespmem:v28+s17+$0x0], $0xffff  }
0x35f: {  	v14 =	vadd.s32 v3, v14;
	v61 =	vadd.s32 v8, v17;
	v18 =	vadd.s32 v1, v12;
	v25 =	vld.idx.msk [tilespmem:v25+s17+$0x0], $0xffff  }
0x360: {  	v17 =	vand.u32 $0xFFFFFFF8, v21;
	v20 =	vand.u32 $0xFFFFFFF8, v18;
	v11 =	vld.idx.msk [tilespmem:v16+s17+$0x0], $0xffff;
	v16 =	vadd.s32 v3, v6  }
0x361: {  	v6 =	vor.u32 v26, v27;
	v62 =	vadd.s32 v13, v20;
	[tilespmem:s20+$0xFFFFFF00] =	vst.add.f32.msk $0xffff, v15;
	v15 =	vand.u32 $0xFFFFFFF8, v14  }
0x362: {  	[tilespmem:s20+$0xFFFFFE20] =	vst.add.f32.msk $0xffff, v59;
	v20 =	vadd.s32 v13, v17;
	v15 =	vadd.s32 v7, v15;
	v7 =	vand.u32 $0xFFFFFFF8, v9  }
0x363: {  	[tilespmem:s20+$0xFFFFFE70] =	vst.add.f32.msk $0xffff, v31;
	v17 =	vand.u32 $0xFFFFFFF8, v16;
	v13 =	vadd.s32 v13, v7;
	v7 =	vand.u32 $0x7, v56  }
0x364: {  	[tilespmem:s20+$0xFFFFFEB0] =	vst.add.f32.msk $0xffff, v29;
	v17 =	vadd.s32 v8, v17;
	v8 =	vand.u32 $0x7, v10;
	v12 =	vor.u32 v7, v57  }
0x365: {  	[tilespmem:s20+$0xFFFFFFA0] =	vst.add.f32.msk $0xffff, v28;
	v10 =	vor.u32 v8, v61  }
0x366: {  	v18 =	vand.u32 $0x7, v18;
	[tilespmem:s20+$0xFFFFFF70] =	vst.add.f32.msk $0xffff, v25;
	v7 =	vand.u32 $0x7, v60  }
0x367: {  	s25 =	simm.s32 $0x8;
	s23 =	smov.u32 s20;
	v5 =	vor.u32 v58, v5;
	v6 =	vld.idx.msk [tilespmem:v6+s17+$0x0], $0xffff;
	v8 =	vor.u32 v7, v63;
	v7 =	vor.u32 v18, v62  }
.LBB2_13:
0x368: {  	s4 =	sadd.s32 $0x1, s25  }
0x369: {  	v18 =	vor.u32 s25, v4;
	v25 =	vld.idx.msk [tilespmem:v12+s17+$0x0], $0xffff;
	v12 =	vand.u32 $0x7, v24;
	s20 =	sadd.s32 $0x200, s20;
	s26 =	smov.u32 s25;
	s24 =	sadd.s32 $0x8, s25  }
0x36a: {  	p1 =	slt.u32 s25, $0x78;
	v24 =	vmov s4;
	v26 =	vor.u32 s4, v4;
	s4 =	sadd.s32 $0x2, s26;
	v27 =	vld.idx.msk [tilespmem:v10+s17+$0x0], $0xffff;
	v10 =	vor.u32 v22, v19  }
0x36b: {  	v28 =	vmov s4;
	v22 =	vor.u32 s4, v4;
	s4 =	sadd.s32 $0x3, s26;
	[tilespmem:s23+$0xFFFFFFE0] =	vst.add.f32.msk $0xffff, v11;
	v11 =	vor.u32 v12, v23  }
0x36c: {  	s25 =	sadd.s32 $0x4, s26;
	v19 =	vor.u32 s4, v4;
	v23 =	vld.idx.msk [tilespmem:v8+s17+$0x0], $0xffff  }
0x36d: {  	v29 =	vmov s25;
	v30 =	vor.u32 s25, v4;
	s25 =	sadd.s32 $0x5, s26;
	v31 =	vld.idx.msk [tilespmem:v7+s17+$0x0], $0xffff  }
0x36e: {  	s28 =	sadd.s32 $0x6, s26;
	v32 =	vor.u32 s25, v4;
	[tilespmem:s23+$0xFFFFFFB0] =	vst.add.f32.msk $0xffff, v6  }
0x36f: {  	v33 =	vor.u32 s28, v4;
	v6 =	vmov s28;
	s28 =	sadd.s32 $0x7, s26;
	v34 =	vld.idx.msk [tilespmem:v10+s17+$0x0], $0xffff  }
0x370: {  	v7 =	vmov s28;
	v35 =	vor.u32 s28, v4;
	v36 =	vld.idx.msk [tilespmem:v11+s17+$0x0], $0xffff  }
0x371: {  	v7 =	vshll.u32 v7, $0x7;
	v8 =	vld.idx.msk [tilespmem:v18+s13+$0x0], $0xffff  }
0x372: {  	v9 =	vand.u32 $0x7, v9;
	v12 =	vld.idx.msk [tilespmem:v26+s13+$0x0], $0xffff  }
0x373: {  	v10 =	vand.u32 $0x7, v21;
	v11 =	vshll.u32 v24, $0x7;
	v26 =	vor.u32 v9, v13;
	[tilespmem:s23+$0xFFFFFE80] =	vst.add.f32.msk $0xffff, v23  }
0x374: {  	v9 =	vmov s26;
	v13 =	vand.u32 $0x7, v16;
	v16 =	vor.u32 v10, v20;
	v37 =	vld.idx.msk [tilespmem:v19+s13+$0x0], $0xffff  }
0x375: {  	v18 =	vmov s25;
	v9 =	vshll.u32 v9, $0x7;
	v19 =	vshll.u32 v6, $0x7;
	[tilespmem:s23+$0xFFFFFF20] =	vst.add.f32.msk $0xffff, v31  }
0x376: {  	v20 =	vmov s4;
	v23 =	vor.u32 v13, v17;
	v13 =	vand.u32 $0x7, v14;
	v10 =	vld.idx.msk [tilespmem:v30+s13+$0x0], $0xffff  }
0x377: {  	v14 =	vadd.s32 v1, v8;
	v6 =	vadd.s32 v2, v8;
	[tilespmem:s23+$0xFFFFFE30] =	vst.add.f32.msk $0xffff, v27;
	v27 =	vor.u32 v13, v15  }
0x378: {  	v30 =	vshll.u32 v20, $0x7;
	v13 =	vadd.s32 v0, v12;
	v15 =	vadd.s32 v1, v12;
	v22 =	vld.idx.msk [tilespmem:v22+s13+$0x0], $0xffff  }
0x379: {  	v17 =	vand.u32 $0xFFFFFFF8, v13;
	v20 =	vand.u32 $0xFFFFFFF8, v15;
	v24 =	vand.u32 $0x7, v15;
	[tilespmem:s23+$0xFFFFFF80] =	vst.add.f32.msk $0xffff, v25  }
0x37a: {  	v21 =	vshll.u32 v28, $0x7;
	v20 =	vadd.s32 v11, v20;
	v15 =	vadd.s32 v3, v37;
	v25 =	vld.idx.msk [tilespmem:v16+s17+$0x0], $0xffff  }
0x37b: {  	v28 =	vand.u32 $0x7, v13;
	v13 =	vshll.u32 v29, $0x7;
	v31 =	vor.u32 v24, v20;
	v16 =	vld.idx.msk [tilespmem:v35+s13+$0x0], $0xffff  }
0x37c: {  	v29 =	vadd.s32 v11, v17;
	v20 =	vand.u32 $0xFFFFFFF8, v14;
	v17 =	vand.u32 $0xFFFFFFF8, v15;
	v24 =	vld.idx.msk [tilespmem:v33+s13+$0x0], $0xffff  }
0x37d: {  	v20 =	vadd.s32 v9, v20;
	v17 =	vadd.s32 v30, v17;
	v33 =	vadd.s32 v2, v12;
	v32 =	vld.idx.msk [tilespmem:v32+s13+$0x0], $0xffff  }
0x37e: {  	v28 =	vor.u32 v28, v29;
	v29 =	vadd.s32 v0, v22;
	v35 =	vadd.s32 v1, v22;
	v38 =	vld.idx.msk [tilespmem:v23+s17+$0x0], $0xffff  }
0x37f: {  	v41 =	vshll.u32 v18, $0x7;
	v40 =	vadd.s32 v0, v37;
	v39 =	vand.u32 $0xFFFFFFF8, v35;
	[tilespmem:s23+$0xFFFFFFC0] =	vst.add.f32.msk $0xffff, v34  }
0x380: {  	v23 =	vadd.s32 v2, v22;
	v34 =	vand.u32 $0xFFFFFFF8, v29;
	v29 =	vand.u32 $0x7, v29;
	[tilespmem:s23+$0xFFFFFFF0] =	vst.add.f32.msk $0xffff, v36  }
0x381: {  	v36 =	vadd.s32 v21, v39;
	v39 =	vand.u32 $0xFFFFFFF8, v40;
	v42 =	vadd.s32 v0, v16;
	[tilespmem:s23+$0xFFFFFF30] =	vst.add.f32.msk $0xffff, v25  }
0x382: {  	v18 =	vadd.s32 v1, v16;
	v25 =	vadd.s32 v0, v10;
	v43 =	vadd.s32 v0, v24;
	v27 =	vld.idx.msk [tilespmem:v27+s17+$0x0], $0xffff  }
0x383: {  	v44 =	vadd.s32 v0, v8;
	v46 =	vand.u32 $0x7, v42;
	v45 =	vadd.s32 v0, v32;
	v5 =	vld.idx.msk [tilespmem:v5+s17+$0x0], $0xffff  }
0x384: {  	v47 =	vand.u32 $0xFFFFFFF8, v44;
	v49 =	vadd.s32 v1, v24;
	v48 =	vand.u32 $0xFFFFFFF8, v25;
	v26 =	vld.idx.msk [tilespmem:v26+s17+$0x0], $0xffff  }
0x385: {  	v39 =	vadd.s32 v30, v39;
	v25 =	vand.u32 $0x7, v25;
	v48 =	vadd.s32 v13, v48;
	v28 =	vld.idx.msk [tilespmem:v28+s17+$0x0], $0xffff  }
0x386: {  	v34 =	vadd.s32 v21, v34;
	v48 =	vor.u32 v25, v48;
	v25 =	vadd.s32 v2, v32;
	[tilespmem:s23+$0xFFFFFE40] =	vst.add.f32.msk $0xffff, v38  }
0x387: {  	v35 =	vand.u32 $0x7, v35;
	v50 =	vand.u32 $0xFFFFFFF8, v43;
	v38 =	vand.u32 $0x7, v33  }
0x388: {  	v51 =	vadd.s32 v1, v37;
	v50 =	vadd.s32 v19, v50;
	v33 =	vand.u32 $0xFFFFFFF8, v33;
	[tilespmem:s23+$0x0] =	vst.add.f32.msk $0xffff, v27  }
0x389: {  	v37 =	vadd.s32 v2, v37;
	v27 =	vand.u32 $0x7, v40;
	v40 =	vand.u32 $0x7, v43;
	[tilespmem:s23+$0xFFFFFEC0] =	vst.add.f32.msk $0xffff, v5  }
0x38a: {  	v5 =	vor.u32 v27, v39;
	v27 =	vand.u32 $0xFFFFFFF8, v51;
	v39 =	vadd.s32 v2, v24;
	[tilespmem:s23+$0xFFFFFF40] =	vst.add.f32.msk $0xffff, v26;
	s23 =	smov.u32 s20  }
0x38b: {  	v43 =	vadd.s32 v9, v47;
	v26 =	vand.u32 $0x7, v44;
	[tilespmem:s20+$0xFFFFFE50] =	vst.add.f32.msk $0xffff, v28;
	v28 =	vor.u32 v29, v34  }
0x38c: {  	v26 =	vor.u32 v26, v43;
	v29 =	vand.u32 $0xFFFFFFF8, v45;
	v34 =	vand.u32 $0xFFFFFFF8, v42  }
0x38d: {  	v42 =	vadd.s32 v1, v32;
	v43 =	vand.u32 $0xFFFFFFF8, v39;
	v29 =	vadd.s32 v41, v29;
	v31 =	vld.idx.msk [tilespmem:v31+s17+$0x0], $0xffff  }
0x38e: {  	v27 =	vadd.s32 v30, v27;
	v47 =	vand.u32 $0xFFFFFFF8, v42;
	v44 =	vld.idx.msk [tilespmem:v48+s17+$0x0], $0xffff;
	v48 =	vand.u32 $0xFFFFFFF8, v49  }
0x38f: {  	v52 =	vand.u32 $0xFFFFFFF8, v37;
	v53 =	vand.u32 $0xFFFFFFF8, v25;
	v33 =	vadd.s32 v11, v33;
	v5 =	vld.idx.msk [tilespmem:v5+s17+$0x0], $0xffff  }
0x390: {  	v33 =	vor.u32 v38, v33;
	v38 =	vand.u32 $0x7, v45;
	v45 =	vadd.s32 v19, v48;
	v28 =	vld.idx.msk [tilespmem:v28+s17+$0x0], $0xffff  }
0x391: {  	v29 =	vor.u32 v38, v29;
	v38 =	vadd.s32 v41, v47;
	v47 =	vand.u32 $0xFFFFFFF8, v18  }
0x392: {  	v30 =	vadd.s32 v30, v52;
	v39 =	vand.u32 $0x7, v39;
	v48 =	vadd.s32 v41, v53;
	v26 =	vld.idx.msk [tilespmem:v26+s17+$0x0], $0xffff  }
0x393: {  	v32 =	vadd.s32 v3, v32;
	v34 =	vadd.s32 v7, v34;
	[tilespmem:s20+$0xFFFFFE60] =	vst.add.f32.msk $0xffff, v31;
	v31 =	vand.u32 $0x7, v51  }
0x394: {  	v34 =	vor.u32 v46, v34;
	v27 =	vor.u32 v31, v27;
	[tilespmem:s20+$0xFFFFFF10] =	vst.add.f32.msk $0xffff, v44;
	v31 =	vand.u32 $0xFFFFFFF8, v32  }
0x395: {  	v22 =	vadd.s32 v3, v22;
	v33 =	vld.idx.msk [tilespmem:v33+s17+$0x0], $0xffff;
	v31 =	vadd.s32 v41, v31;
	v41 =	vadd.s32 v19, v43  }
0x396: {  	v35 =	vor.u32 v35, v36;
	v36 =	vand.u32 $0x7, v22;
	v43 =	vadd.s32 v7, v47;
	v29 =	vld.idx.msk [tilespmem:v29+s17+$0x0], $0xffff  }
0x397: {  	v40 =	vor.u32 v40, v50;
	v24 =	vadd.s32 v3, v24;
	[tilespmem:s20+$0xFFFFFED0] =	vst.add.f32.msk $0xffff, v5;
	v5 =	vand.u32 $0x7, v49  }
0x398: {  	[tilespmem:s20+$0xFFFFFE10] =	vst.add.f32.msk $0xffff, v26;
	v26 =	vand.u32 $0xFFFFFFF8, v23;
	v44 =	vor.u32 v5, v45;
	v5 =	vand.u32 $0xFFFFFFF8, v24  }
0x399: {  	v42 =	vand.u32 $0x7, v42;
	v26 =	vadd.s32 v21, v26;
	v27 =	vld.idx.msk [tilespmem:v27+s17+$0x0], $0xffff;
	v19 =	vadd.s32 v19, v5  }
0x39a: {  	v5 =	vand.u32 $0xFFFFFFF8, v22;
	v22 =	vand.u32 $0x7, v24;
	[tilespmem:s20+$0xFFFFFE90] =	vst.add.f32.msk $0xffff, v28;
	v28 =	vor.u32 v42, v38  }
0x39b: {  	v24 =	vadd.s32 v2, v16;
	v5 =	vadd.s32 v21, v5;
	v21 =	vand.u32 $0x7, v37;
	v35 =	vld.idx.msk [tilespmem:v35+s17+$0x0], $0xffff  }
0x39c: {  	v5 =	vor.u32 v36, v5;
	v30 =	vor.u32 v21, v30;
	v21 =	vand.u32 $0xFFFFFFF8, v24;
	v36 =	vld.idx.msk [tilespmem:v40+s17+$0x0], $0xffff  }
0x39d: {  	v37 =	vand.u32 $0x7, v23;
	v38 =	vadd.s32 v1, v10;
	v23 =	vadd.s32 v7, v21;
	v34 =	vld.idx.msk [tilespmem:v34+s17+$0x0], $0xffff  }
0x39e: {  	v26 =	vor.u32 v37, v26;
	v37 =	vand.u32 $0xFFFFFFF8, v38;
	v21 =	vand.u32 $0xFFFFFFF8, v6;
	[tilespmem:s20+$0xFFFFFF50] =	vst.add.f32.msk $0xffff, v29  }
0x39f: {  	v40 =	vadd.s32 v3, v12;
	v37 =	vadd.s32 v13, v37;
	v29 =	vadd.s32 v9, v21;
	v12 =	vld.idx.msk [tilespmem:v28+s17+$0x0], $0xffff  }
0x3a0: {  	v14 =	vand.u32 $0x7, v14;
	v21 =	vadd.s32 v2, v10;
	v28 =	vand.u32 $0xFFFFFFF8, v40;
	[tilespmem:s20+$0xFFFFFEE0] =	vst.add.f32.msk $0xffff, v27  }
0x3a1: {  	v27 =	vor.u32 v14, v20;
	v28 =	vadd.s32 v11, v28;
	v14 =	vand.u32 $0xFFFFFFF8, v21;
	v11 =	vld.idx.msk [tilespmem:v30+s17+$0x0], $0xffff  }
0x3a2: {  	v15 =	vand.u32 $0x7, v15;
	v20 =	vadd.s32 v13, v14;
	v14 =	vadd.s32 v3, v16;
	[tilespmem:s20+$0xFFFFFEA0] =	vst.add.f32.msk $0xffff, v35  }
0x3a3: {  	v16 =	vadd.s32 v3, v8;
	v8 =	vld.idx.msk [tilespmem:v26+s17+$0x0], $0xffff;
	v26 =	vor.u32 v15, v17;
	v15 =	vand.u32 $0xFFFFFFF8, v14  }
0x3a4: {  	v25 =	vand.u32 $0x7, v25;
	v17 =	vand.u32 $0xFFFFFFF8, v16;
	[tilespmem:s20+$0xFFFFFF90] =	vst.add.f32.msk $0xffff, v36;
	v15 =	vadd.s32 v7, v15  }
0x3a5: {  	v17 =	vadd.s32 v9, v17;
	v9 =	vadd.s32 v3, v10;
	v7 =	vor.u32 v25, v48;
	[tilespmem:s20+$0xFFFFFF60] =	vst.add.f32.msk $0xffff, v12  }
0x3a6: {  	v10 =	vand.u32 $0xFFFFFFF8, v9;
	v25 =	vld.idx.msk [tilespmem:v27+s17+$0x0], $0xffff  }
0x3a7: {  	v13 =	vadd.s32 v13, v10;
	v10 =	vand.u32 $0x7, v18;
	[tilespmem:s20+$0xFFFFFEF0] =	vst.add.f32.msk $0xffff, v11  }
0x3a8: {  	v10 =	vor.u32 v10, v43;
	v12 =	vld.idx.msk [tilespmem:v26+s17+$0x0], $0xffff  }
0x3a9: {  	[tilespmem:s20+$0xFFFFFE70] =	vst.add.f32.msk $0xffff, v33  }
0x3aa: {  	v7 =	vld.idx.msk [tilespmem:v7+s17+$0x0], $0xffff  }
0x3ab: {  	v18 =	vld.idx.msk [tilespmem:v44+s17+$0x0], $0xffff  }
0x3ac: {  	[tilespmem:s20+$0xFFFFFFD0] =	vst.add.f32.msk $0xffff, v34  }
0x3ad: {  	v11 =	vld.idx.msk [tilespmem:v10+s17+$0x0], $0xffff  }
0x3ae: {  	v26 =	vor.u32 v39, v41;
	v10 =	vand.u32 $0x7, v32;
	[tilespmem:s20+$0xFFFFFF00] =	vst.add.f32.msk $0xffff, v12  }
.Ltmp5:
0x3af: {  	v6 =	vand.u32 $0x7, v6;
	v12 =	vor.u32 v10, v31;
	[tilespmem:s20+$0xFFFFFEB0] =	vst.add.f32.msk $0xffff, v8;
	(pc) =	sbr.rel @p1 .LBB2_13-.Ltmp5, $4  }
0x3b0: {  	v10 =	vor.u32 v6, v29;
	[tilespmem:s20+$0xFFFFFF70] =	vst.add.f32.msk $0xffff, v7  }
0x3b1: {  	v6 =	vand.u32 $0x7, v40;
	[tilespmem:s20+$0xFFFFFE20] =	vst.add.f32.msk $0xffff, v25  }
0x3b2: {  	v8 =	vor.u32 v6, v28;
	v6 =	vand.u32 $0x7, v38;
	[tilespmem:s20+$0xFFFFFFA0] =	vst.add.f32.msk $0xffff, v18  }
0x3b3: {  	s25 =	smov.u32 s24;
	v7 =	vor.u32 v6, v37;
	v6 =	vld.idx.msk [tilespmem:v26+s17+$0x0], $0xffff  }
0x3b4: {  	_ =	sdelay $0x3  }
0x3b5: {  	v4 =	vld.idx.msk [tilespmem:v12+s17+$0x0], $0xffff  }
0x3b6: {  	v10 =	vld.idx.msk [tilespmem:v10+s17+$0x0], $0xffff  }
0x3b7: {  	v18 =	vor.u32 v22, v19;
	[tilespmem:s23+$0xFFFFFFE0] =	vst.add.f32.msk $0xffff, v11  }
0x3b8: {  	v8 =	vld.idx.msk [tilespmem:v8+s17+$0x0], $0xffff  }
0x3b9: {  	v56 =	vand.u32 $0x7, v24;
	v7 =	vld.idx.msk [tilespmem:v7+s17+$0x0], $0xffff  }
0x3ba: {  	v58 =	vand.u32 $0x7, v21;
	v5 =	vld.idx.msk [tilespmem:v5+s17+$0x0], $0xffff;
	v57 =	vor.u32 v56, v23  }
0x3bb: {  	v59 =	vor.u32 v58, v20;
	[tilespmem:s23+$0xFFFFFFB0] =	vst.add.f32.msk $0xffff, v6  }
0x3bc: {  	v60 =	vld.idx.msk [tilespmem:v18+s17+$0x0], $0xffff  }
0x3bd: {  	v16 =	vand.u32 $0x7, v16;
	[tilespmem:s23+$0xFFFFFE80] =	vst.add.f32.msk $0xffff, v8  }
0x3be: {  	v61 =	vor.u32 v16, v17;
	[tilespmem:s23+$0xFFFFFF20] =	vst.add.f32.msk $0xffff, v7  }
0x3bf: {  	v11 =	vld.idx.msk [tilespmem:v57+s17+$0x0], $0xffff  }
0x3c0: {  	v62 =	vand.u32 $0x7, v14;
	v6 =	vld.idx.msk [tilespmem:v59+s17+$0x0], $0xffff  }
0x3c1: {  	v9 =	vand.u32 $0x7, v9;
	[tilespmem:s23+$0xFFFFFE30] =	vst.add.f32.msk $0xffff, v10;
	v7 =	vor.u32 v62, v15  }
0x3c2: {  	[tilespmem:s23+$0xFFFFFF80] =	vst.add.f32.msk $0xffff, v4;
	v4 =	vor.u32 v9, v13  }
0x3c3: {  	v8 =	vld.idx.msk [tilespmem:v61+s17+$0x0], $0xffff  }
0x3c4: {  	[tilespmem:s23+$0xFFFFFFF0] =	vst.add.f32.msk $0xffff, v11  }
0x3c5: {  	[tilespmem:s23+$0xFFFFFF30] =	vst.add.f32.msk $0xffff, v6  }
0x3c6: {  	v63 =	vld.idx.msk [tilespmem:v7+s17+$0x0], $0xffff  }
0x3c7: {  	s1 =	sadd.s32 $0x1, s1;
	v4 =	vld.idx.msk [tilespmem:v4+s17+$0x0], $0xffff  }
0x3c8: {  	p1 =	sne.s32 s1, $0x26;
	[tilespmem:s23+$0xFFFFFEC0] =	vst.add.f32.msk $0xffff, v5  }
.Ltmp6:
0x3c9: {  	[tilespmem:s23+$0xFFFFFFC0] =	vst.add.f32.msk $0xffff, v60;
	(pc) =	sbr.rel @p1 .LBB2_10-.Ltmp6, $4  }
0x3ca: {  	[tilespmem:s23+$0xFFFFFE40] =	vst.add.f32.msk $0xffff, v8  }
0x3cb: {  	[tilespmem:s23+$0x0] =	vst.add.f32.msk $0xffff, v63  }
0x3cc: {  	s4 =	sadd.s32 $0x580, s22;
	p0 =	por !p0, !p0;
	[tilespmem:s23+$0xFFFFFF40] =	vst.add.f32.msk $0xffff, v4  }
0x3cd: {  	[tilespmem:s17], [sflag:$0x2] =	stream.indirect.gather [hbm4b:s3+s14], $0x80, s4, s14, $0xb8;
	[tilespmem:$0x15600] =	vst v63  }
0x3ce: {  	_ =	swait.ge [sflag:s16], $0x4000  }
0x3cf: {  	[sflag:s16] =	ssyncset.done $0x0  }
0x3d0: {  	[sflag:s16] =	ssyncadd.s32 $0xFFFFC000  }
0x3d1: {  	s31 =	sadd.s32 $0x1, s31;
	_ =	swait.ge [sflag:s18], $0x4000  }
0x3d2: {  	p0 =	sne.s32 s31, s11;
	[sflag:s18] =	ssyncset.done $0x0  }
.Ltmp7:
0x3d3: {  	s0 =	simm.s32 $0xD600;
	[sflag:s18] =	ssyncadd.s32 $0xFFFFC000;
	(pc) =	sbr.rel @p0 .LBB2_1-.Ltmp7, $4  }
0x3d4: {  	[hbm4b:s10+s2] =	stream.linear.scatter [tilespmem:s0], [sflag:$0x5], $0x8000, $0x38;
	[tilespmem:$0x15600] =	vst v63  }
0x3d5: {  	_ =	swait.ge [sflag:s12], $0x8000  }
0x3d6: {  	[sflag:s12] =	ssyncset.done $0x0  }
0x3d7: {  	[sflag:s12] =	ssyncadd.s32 $0xFFFF8000  }
0x3d8: {  	_ =	sfence.sel $0x180000  }
0x3d9: {  	[bflag:$0x0] =	sbarrier.arrive $0xFFFF  }
0x3da: {  	_ =	strace $0x90000047  }
0x3db: {  	s0 =	stileid.u32;
	[bflag:$0x2] =	sbarrier.arrive $0xFFFF  }
0x3dc: {  	p0 =	sne.s32 s0, $0x0;
	s0 =	rddreg [dreg:$0x1]  }
0x3dd: {  	s0 =	sadd.s32 @!p0 $0x100000, s0  }
0x3de: {  	[sflag:s0] =	ssyncadd.tile.s32 @!p0 $0x1;
	_ =	shalt  }
.Lfunc_end2:
_tile_overlayer_lowered:
.L_overlay_start_2:
0x3df: {  	(tag) =	ssettag $0x2  }
0x3e0: {  	s0 =	rddreg [dreg:$0x0];
	s2 =	stileid.u32  }
0x3e1: {  	s1 =	rddreg [dreg:$0x1];
	p0 =	sne.s32 s2, $0x0  }
0x3e2: {  	s3 =	rddreg [dreg:$0x2];
	[bflag:$0x3] =	sbarrier.arrive $0xFFFF;
	s2 =	simm.s32 @!p0 $0x1C05  }
0x3e3: {  	[timem:s3], [sflag:s2] =	dma.local @!p0 [hbm:s0], s1  }
0x3e4: {  	s0 =	simm.s32 @!p0 $0x5  }
0x3e5: {  	_ =	swait.ge @!p0 [sflag:s0], s1  }
0x3e6: {  	s1 =	ssub.s32 @!p0 $0x0, s1;
	[sflag:s0] =	ssyncset.done @!p0 $0x0  }
0x3e7: {  	[sflag:s0] =	ssyncadd.s32 @!p0 s1  }
0x3e8: {  	[bflag:$0x3] =	sbarrier.arrive $0xFFFF  }
0x3e9: {  	_ =	shalt  }

</sc_bundles>
